<compile_context>
chip_gen: v7x
topology: tpu7x:2x2x1
jax: 0.10.2.dev20260603
libtpu: 0.0.44.dev20260713+nightly
codegen_flags: <defaults>
</compile_context>

<pallas_src>
import functools

import jax
import jax.numpy as jnp
from jax import lax
from jax.experimental import pallas as pl
from jax.experimental.pallas import tpu as pltpu
from jax.experimental.pallas import tpu_sc as plsc

C_IN = 100000
D_MODEL = 64

NC = 2
NS = 16
NW = NC * NS
LANE = 128
DT = D_MODEL // 8


def _make_gather(batch: int, seq: int):
    assert batch == NW * LANE and seq % 4 == 0
    mesh = plsc.VectorSubcoreMesh(core_axis_name="c", subcore_axis_name="s")

    @functools.partial(
        pl.kernel,
        out_type=jax.ShapeDtypeStruct((seq, DT, NW, 8, LANE), jnp.float32),
        mesh=mesh,
        scratch_types=[
            pltpu.VMEM((seq, LANE), jnp.int32),
            pltpu.VMEM((LANE, D_MODEL), jnp.float32),
            pltpu.VMEM((LANE, D_MODEL), jnp.float32),
            pltpu.VMEM((LANE, D_MODEL), jnp.float32),
            pltpu.VMEM((LANE, D_MODEL), jnp.float32),
            pltpu.VMEM((D_MODEL, LANE + 1), jnp.float32),
            pltpu.VMEM((D_MODEL, LANE + 1), jnp.float32),
            pltpu.SemaphoreType.DMA,
            pltpu.SemaphoreType.DMA,
            pltpu.SemaphoreType.DMA,
            pltpu.SemaphoreType.DMA,
            pltpu.SemaphoreType.DMA,
            pltpu.SemaphoreType.DMA,
        ],
        compiler_params=pltpu.CompilerParams(use_tc_tiling_on_sc=False, needs_layout_passes=False),
    )
    def gather_kernel(w_hbm, xt_hbm, out_hbm, idx_v, g0, g1, g2, g3, ta, tb,
                      gsem0, gsem1, gsem2, gsem3, wsem_a, wsem_b):
        wid = lax.axis_index("s") * NC + lax.axis_index("c")
        pltpu.sync_copy(xt_hbm.at[:, pl.ds(wid * LANE, LANE)], idx_v)

        iota16 = lax.iota(jnp.int32, 16)
        ridx = [j * 16 + iota16 for j in range(D_MODEL // 16)]

        def start_gather(s, gbuf, gsem):
            pltpu.async_copy(w_hbm.at[idx_v.at[s]], gbuf, gsem)

        def drain_gather(gbuf, gsem):
            pltpu.make_async_copy(w_hbm.at[idx_v.at[0]], gbuf, gsem).wait()

        def transpose(gbuf, tbuf):
            @plsc.parallel_loop(0, LANE, unroll=8)
            def b_body(b):
                cidx = jnp.full((16,), b, jnp.int32)
                for j in range(D_MODEL // 16):
                    v = gbuf[b, pl.ds(j * 16, 16)]
                    plsc.store_scatter(tbuf, [ridx[j], cidx], v)

        def start_write(s, tbuf, wsem):
            for dt in range(DT):
                pltpu.async_copy(tbuf.at[pl.ds(dt * 8, 8), pl.ds(0, LANE)],
                                 out_hbm.at[s, dt, wid], wsem)

        def drain_write(tbuf, wsem):
            for dt in range(DT):
                pltpu.make_async_copy(tbuf.at[pl.ds(dt * 8, 8), pl.ds(0, LANE)],
                                      out_hbm.at[0, dt, wid], wsem).wait()

        def step(s, gbuf, gsem, pf_gbuf, pf_gsem, tbuf, wsem):
            drain_gather(gbuf, gsem)

            @pl.when(s + 2 < seq)
            def _():
                start_gather(s + 2, pf_gbuf, pf_gsem)

            @pl.when(s >= 2)
            def _():
                drain_write(tbuf, wsem)

            transpose(gbuf, tbuf)
            start_write(s, tbuf, wsem)

        start_gather(0, g0, gsem0)
        start_gather(1, g1, gsem1)

        def quad_body(t, carry):
            s = 4 * t
            step(s, g0, gsem0, g2, gsem2, ta, wsem_a)
            step(s + 1, g1, gsem1, g3, gsem3, tb, wsem_b)
            step(s + 2, g2, gsem2, g0, gsem0, ta, wsem_a)
            step(s + 3, g3, gsem3, g1, gsem1, tb, wsem_b)
            return carry

        lax.fori_loop(0, seq // 4, quad_body, 0)
        drain_write(ta, wsem_a)
        drain_write(tb, wsem_b)

    return gather_kernel


def kernel(x, W):
    b, s = x.shape
    xt = x.astype(jnp.int32).T
    out5 = _make_gather(b, s)(W, xt)
    return out5.transpose(2, 4, 0, 1, 3).reshape(b, s, D_MODEL)

# --- scband reference (transcript-rebuilt; emitter-appended) ---
"""Pipeline reference for scband-fixed-embedding-73418170958122 (READ-ONLY COPY).

The authoritative reference and input builder live on the scoring server;
editing this copy changes nothing except your own understanding.
"""

import jax, jax.numpy as jnp
import numpy as np
import math

C_IN = 100000
D_MODEL = 64

def _build_fixed_table(c_in, d_model):
    div = jnp.exp(jnp.arange(0, d_model, 2, dtype=jnp.float32) / d_model * math.log(10000.0))
    t = jnp.arange(0, c_in, dtype=jnp.float32)[:, None]
    w = jnp.zeros((c_in, d_model), dtype=jnp.float32)
    w = w.at[:, 0::2].set(jnp.sin(t / div))
    w = w.at[:, 1::2].set(jnp.cos(t / div))
    return w

def setup_inputs(seed: int = 0) -> dict:
    key = jax.random.key(seed)
    kx, = jax.random.split(key, 1)
    x = jax.random.randint(kx, (4096, 200), 0, C_IN, dtype=jnp.int64)
    W = _build_fixed_table(C_IN, D_MODEL)
    return {"x": x, "W": W}

def reference(x, W):
    # emb(x).detach() -> gather from fixed table, no gradient flows
    out = jnp.take(jax.lax.stop_gradient(W), x, axis=0)
    return out

if __name__ == "__main__":
    import jax
    _d = setup_inputs()
    print(jax.jit(kernel)(*tuple(_d.values())))

</pallas_src>

<mosaic_0001>
#map = affine_map<(d0, d1) -> (0, 0)>
#map1 = affine_map<(d0, d1) -> (0, 0, 0, 0, 0)>
module attributes {stable_mosaic.version = 14 : i64} {
  func.func @gather_kernel(%arg0: i32, %arg1: i32, %arg2: memref<100000x64xf32, #tpu.memory_space<hbm>>, %arg3: memref<200x4096xi32, #tpu.memory_space<hbm>>, %arg4: memref<200x8x32x8x128xf32, #tpu.memory_space<hbm>>, %arg5: memref<200x128xi32, #tpu.memory_space<vmem>>, %arg6: memref<128x64xf32, #tpu.memory_space<vmem>>, %arg7: memref<128x64xf32, #tpu.memory_space<vmem>>, %arg8: memref<128x64xf32, #tpu.memory_space<vmem>>, %arg9: memref<128x64xf32, #tpu.memory_space<vmem>>, %arg10: memref<64x129xf32, #tpu.memory_space<vmem>>, %arg11: memref<64x129xf32, #tpu.memory_space<vmem>>, %arg12: memref<!tpu.dma_semaphore, #tpu.memory_space<semaphore_mem>>, %arg13: memref<!tpu.dma_semaphore, #tpu.memory_space<semaphore_mem>>, %arg14: memref<!tpu.dma_semaphore, #tpu.memory_space<semaphore_mem>>, %arg15: memref<!tpu.dma_semaphore, #tpu.memory_space<semaphore_mem>>, %arg16: memref<!tpu.dma_semaphore, #tpu.memory_space<semaphore_mem>>, %arg17: memref<!tpu.dma_semaphore, #tpu.memory_space<semaphore_mem>>) attributes {dimension_semantics = [#tpu.dimension_semantics<core_parallel>, #tpu.dimension_semantics<subcore_parallel>], iteration_bounds = array<i64: 2, 16>, scalar_prefetch = 0 : i64, scratch_operands = 13 : i64, tpu.core_type = #tpu.core_type<sc_vector_subcore>, window_params = [{transform_indices = #map}, {transform_indices = #map}, {transform_indices = #map1}]} {
    %mul3A = arith.constant 2 : i32
    %mul3A_0 = arith.muli %arg1, %mul3A : i32
    %add3A = arith.addi %mul3A_0, %arg0 : i32
    %mul3A_1 = arith.constant 128 : i32
    %mul3A_2 = arith.muli %add3A, %mul3A_1 : i32
    "tpu.region"() ({
      %run_scoped3A = tpu.sem_alloc : memref<!tpu.dma_semaphore, #tpu.memory_space<semaphore_mem>>
      %dma_start3A_288 = arith.constant 0 : i32
      %dma_start3A_289 = tpu.memref_slice %arg3[%dma_start3A_288, %mul3A_2] : memref<200x4096xi32, #tpu.memory_space<hbm>> -> memref<200x128xi32, #tpu.memory_space<hbm>>
      %dma_start3A_290 = arith.constant 0 : i32
      %dma_start3A_291 = tpu.memref_slice %arg3[%dma_start3A_290, %mul3A_2] : memref<200x4096xi32, #tpu.memory_space<hbm>> -> memref<200x128xi32, #tpu.memory_space<hbm>>
      tpu.enqueue_dma source(%dma_start3A_291 : memref<200x128xi32, #tpu.memory_space<hbm>>) target(%arg5 : memref<200x128xi32, #tpu.memory_space<vmem>>) target_semaphore(%run_scoped3A : memref<!tpu.dma_semaphore, #tpu.memory_space<semaphore_mem>>)
      %dma_wait3A_292 = arith.constant 0 : i32
      %dma_wait3A_293 = tpu.memref_slice %arg3[%dma_wait3A_292, %mul3A_2] : memref<200x4096xi32, #tpu.memory_space<hbm>> -> memref<200x128xi32, #tpu.memory_space<hbm>>
      %dma_wait3A_294 = arith.constant 0 : i32
      %dma_wait3A_295 = tpu.memref_slice %arg3[%dma_wait3A_294, %mul3A_2] : memref<200x4096xi32, #tpu.memory_space<hbm>> -> memref<200x128xi32, #tpu.memory_space<hbm>>
      tpu.wait_dma2 semaphore(%run_scoped3A : memref<!tpu.dma_semaphore, #tpu.memory_space<semaphore_mem>>) src(%dma_wait3A_295 : memref<200x128xi32, #tpu.memory_space<hbm>>) dst(%arg5 : memref<200x128xi32, #tpu.memory_space<vmem>>)
      tpu.yield
    }) : () -> ()
    %iota3A = tpu.iota {dimensions = array<i32: 0>} : vector<16xi32>
    %add3A_3 = arith.constant 0 : i32
    %add3A_4 = vector.broadcast %add3A_3 : i32 to vector<16xi32>
    %add3A_5 = arith.addi %add3A_4, %iota3A : vector<16xi32>
    %add3A_6 = arith.constant 16 : i32
    %add3A_7 = vector.broadcast %add3A_6 : i32 to vector<16xi32>
    %add3A_8 = arith.addi %add3A_7, %iota3A : vector<16xi32>
    %add3A_9 = arith.constant 32 : i32
    %add3A_10 = vector.broadcast %add3A_9 : i32 to vector<16xi32>
    %add3A_11 = arith.addi %add3A_10, %iota3A : vector<16xi32>
    %add3A_12 = arith.constant 48 : i32
    %add3A_13 = vector.broadcast %add3A_12 : i32 to vector<16xi32>
    %add3A_14 = arith.addi %add3A_13, %iota3A : vector<16xi32>
    %dma_start3A = arith.constant 0 : i32
    %dma_start3A_15 = arith.constant 0 : i32
    %dma_start3A_16 = tpu.memref_slice %arg5[%dma_start3A, %dma_start3A_15] : memref<200x128xi32, #tpu.memory_space<vmem>> -> memref<1x128xi32, #tpu.memory_space<vmem>>
    %dma_start3A_17 = tpu.memref_squeeze %dma_start3A_16 : memref<1x128xi32, #tpu.memory_space<vmem>> -> memref<128xi32, #tpu.memory_space<vmem>>
    %dma_start3A_18 = arith.constant 0 : i32
    %dma_start3A_19 = arith.constant 0 : i32
    %dma_start3A_20 = tpu.memref_slice %arg2[%dma_start3A_18, %dma_start3A_19] : memref<100000x64xf32, #tpu.memory_space<hbm>> -> memref<100000x64xf32, #tpu.memory_space<hbm>>
    tpu.enqueue_indirect_dma source(%dma_start3A_20 : memref<100000x64xf32, #tpu.memory_space<hbm>>) target(%arg6 : memref<128x64xf32, #tpu.memory_space<vmem>>) offsets(%dma_start3A_17 : memref<128xi32, #tpu.memory_space<vmem>>) semaphore(%arg12 : memref<!tpu.dma_semaphore, #tpu.memory_space<semaphore_mem>>)
    %dma_start3A_21 = arith.constant 1 : i32
    %dma_start3A_22 = arith.constant 0 : i32
    %dma_start3A_23 = tpu.memref_slice %arg5[%dma_start3A_21, %dma_start3A_22] : memref<200x128xi32, #tpu.memory_space<vmem>> -> memref<1x128xi32, #tpu.memory_space<vmem>>
    %dma_start3A_24 = tpu.memref_squeeze %dma_start3A_23 : memref<1x128xi32, #tpu.memory_space<vmem>> -> memref<128xi32, #tpu.memory_space<vmem>>
    %dma_start3A_25 = arith.constant 0 : i32
    %dma_start3A_26 = arith.constant 0 : i32
    %dma_start3A_27 = tpu.memref_slice %arg2[%dma_start3A_25, %dma_start3A_26] : memref<100000x64xf32, #tpu.memory_space<hbm>> -> memref<100000x64xf32, #tpu.memory_space<hbm>>
    tpu.enqueue_indirect_dma source(%dma_start3A_27 : memref<100000x64xf32, #tpu.memory_space<hbm>>) target(%arg7 : memref<128x64xf32, #tpu.memory_space<vmem>>) offsets(%dma_start3A_24 : memref<128xi32, #tpu.memory_space<vmem>>) semaphore(%arg13 : memref<!tpu.dma_semaphore, #tpu.memory_space<semaphore_mem>>)
    %scan3A = arith.constant 0 : i32
    %scan3A_28 = arith.constant 0 : i32
    %scan3A_29 = arith.constant 50 : i32
    %scan3A_30 = arith.addi %scan3A_28, %scan3A_29 : i32
    %scan3A_31 = arith.constant 1 : i32
    scf.for %scan3A_288 = %scan3A_28 to %scan3A_30 step %scan3A_31  : i32 {
      %mul3A_289 = arith.constant 4 : i32
      %mul3A_290 = arith.muli %mul3A_289, %scan3A_288 : i32
      %dma_wait3A_291 = arith.constant 0 : i32
      %dma_wait3A_292 = arith.constant 0 : i32
      %dma_wait3A_293 = tpu.memref_slice %arg5[%dma_wait3A_291, %dma_wait3A_292] : memref<200x128xi32, #tpu.memory_space<vmem>> -> memref<1x128xi32, #tpu.memory_space<vmem>>
      %dma_wait3A_294 = tpu.memref_squeeze %dma_wait3A_293 : memref<1x128xi32, #tpu.memory_space<vmem>> -> memref<128xi32, #tpu.memory_space<vmem>>
      %dma_wait3A_295 = arith.constant 0 : i32
      %dma_wait3A_296 = arith.constant 0 : i32
      %dma_wait3A_297 = tpu.memref_slice %arg2[%dma_wait3A_295, %dma_wait3A_296] : memref<100000x64xf32, #tpu.memory_space<hbm>> -> memref<100000x64xf32, #tpu.memory_space<hbm>>
      tpu.wait_indirect_dma semaphore(%arg12 : memref<!tpu.dma_semaphore, #tpu.memory_space<semaphore_mem>>) src(%dma_wait3A_297 : memref<100000x64xf32, #tpu.memory_space<hbm>>) dst(%arg6 : memref<128x64xf32, #tpu.memory_space<vmem>>)
      %add3A_298 = arith.constant 2 : i32
      %add3A_299 = arith.addi %mul3A_290, %add3A_298 : i32
      %lt3A = arith.constant 200 : i32
      %lt3A_300 = arith.cmpi slt, %add3A_299, %lt3A : i32
      %convert_element_type3A = arith.extui %lt3A_300 : i1 to i32
      %cond3A = arith.constant 0 : i32
      %cond3A_301 = arith.cmpi ne, %convert_element_type3A, %cond3A : i32
      scf.if %cond3A_301 {
        %add3A_860 = arith.constant 2 : i32
        %add3A_861 = arith.addi %mul3A_290, %add3A_860 : i32
        %dma_start3A_862 = arith.constant 0 : i32
        %dma_start3A_863 = tpu.memref_slice %arg5[%add3A_861, %dma_start3A_862] : memref<200x128xi32, #tpu.memory_space<vmem>> -> memref<1x128xi32, #tpu.memory_space<vmem>>
        %dma_start3A_864 = tpu.memref_squeeze %dma_start3A_863 : memref<1x128xi32, #tpu.memory_space<vmem>> -> memref<128xi32, #tpu.memory_space<vmem>>
        %dma_start3A_865 = arith.constant 0 : i32
        %dma_start3A_866 = arith.constant 0 : i32
        %dma_start3A_867 = tpu.memref_slice %arg2[%dma_start3A_865, %dma_start3A_866] : memref<100000x64xf32, #tpu.memory_space<hbm>> -> memref<100000x64xf32, #tpu.memory_space<hbm>>
        tpu.enqueue_indirect_dma source(%dma_start3A_867 : memref<100000x64xf32, #tpu.memory_space<hbm>>) target(%arg8 : memref<128x64xf32, #tpu.memory_space<vmem>>) offsets(%dma_start3A_864 : memref<128xi32, #tpu.memory_space<vmem>>) semaphore(%arg14 : memref<!tpu.dma_semaphore, #tpu.memory_space<semaphore_mem>>)
      } else {
      }
      %ge3A = arith.constant 2 : i32
      %ge3A_302 = arith.cmpi sge, %mul3A_290, %ge3A : i32
      %convert_element_type3A_303 = arith.extui %ge3A_302 : i1 to i32
      %cond3A_304 = arith.constant 0 : i32
      %cond3A_305 = arith.cmpi ne, %convert_element_type3A_303, %cond3A_304 : i32
      scf.if %cond3A_305 {
        %dma_wait3A_860 = arith.constant 0 : i32
        %dma_wait3A_861 = arith.constant 0 : i32
        %dma_wait3A_862 = arith.constant 0 : i32
        %dma_wait3A_863 = arith.constant 0 : i32
        %dma_wait3A_864 = tpu.memref_slice %arg10[%dma_wait3A_862, %dma_wait3A_863] : memref<64x129xf32, #tpu.memory_space<vmem>> -> memref<8x128xf32, #tpu.memory_space<vmem>>
        %dma_wait3A_865 = arith.constant 0 : i32
        %dma_wait3A_866 = arith.constant 0 : i32
        %dma_wait3A_867 = tpu.memref_slice %arg4[%dma_wait3A_860, %dma_wait3A_861, %add3A, %dma_wait3A_865, %dma_wait3A_866] : memref<200x8x32x8x128xf32, #tpu.memory_space<hbm>> -> memref<1x1x1x8x128xf32, #tpu.memory_space<hbm>>
        %dma_wait3A_868 = tpu.memref_squeeze %dma_wait3A_867 : memref<1x1x1x8x128xf32, #tpu.memory_space<hbm>> -> memref<8x128xf32, #tpu.memory_space<hbm>>
        %dma_wait3A_869 = arith.constant 0 : i32
        %dma_wait3A_870 = arith.constant 0 : i32
        %dma_wait3A_871 = tpu.memref_slice %arg4[%dma_wait3A_860, %dma_wait3A_861, %add3A, %dma_wait3A_869, %dma_wait3A_870] : memref<200x8x32x8x128xf32, #tpu.memory_space<hbm>> -> memref<1x1x1x8x128xf32, #tpu.memory_space<hbm>>
        %dma_wait3A_872 = tpu.memref_squeeze %dma_wait3A_871 : memref<1x1x1x8x128xf32, #tpu.memory_space<hbm>> -> memref<8x128xf32, #tpu.memory_space<hbm>>
        %dma_wait3A_873 = arith.constant 0 : i32
        %dma_wait3A_874 = arith.constant 0 : i32
        %dma_wait3A_875 = tpu.memref_slice %arg10[%dma_wait3A_873, %dma_wait3A_874] : memref<64x129xf32, #tpu.memory_space<vmem>> -> memref<8x128xf32, #tpu.memory_space<vmem>>
        tpu.wait_dma2 semaphore(%arg16 : memref<!tpu.dma_semaphore, #tpu.memory_space<semaphore_mem>>) src(%dma_wait3A_875 : memref<8x128xf32, #tpu.memory_space<vmem>>) dst(%dma_wait3A_872 : memref<8x128xf32, #tpu.memory_space<hbm>>)
        %dma_wait3A_876 = arith.constant 0 : i32
        %dma_wait3A_877 = arith.constant 1 : i32
        %dma_wait3A_878 = arith.constant 8 : i32
        %dma_wait3A_879 = arith.constant 0 : i32
        %dma_wait3A_880 = tpu.memref_slice %arg10[%dma_wait3A_878, %dma_wait3A_879] : memref<64x129xf32, #tpu.memory_space<vmem>> -> memref<8x128xf32, #tpu.memory_space<vmem>>
        %dma_wait3A_881 = arith.constant 0 : i32
        %dma_wait3A_882 = arith.constant 0 : i32
        %dma_wait3A_883 = tpu.memref_slice %arg4[%dma_wait3A_876, %dma_wait3A_877, %add3A, %dma_wait3A_881, %dma_wait3A_882] : memref<200x8x32x8x128xf32, #tpu.memory_space<hbm>> -> memref<1x1x1x8x128xf32, #tpu.memory_space<hbm>>
        %dma_wait3A_884 = tpu.memref_squeeze %dma_wait3A_883 : memref<1x1x1x8x128xf32, #tpu.memory_space<hbm>> -> memref<8x128xf32, #tpu.memory_space<hbm>>
        %dma_wait3A_885 = arith.constant 0 : i32
        %dma_wait3A_886 = arith.constant 0 : i32
        %dma_wait3A_887 = tpu.memref_slice %arg4[%dma_wait3A_876, %dma_wait3A_877, %add3A, %dma_wait3A_885, %dma_wait3A_886] : memref<200x8x32x8x128xf32, #tpu.memory_space<hbm>> -> memref<1x1x1x8x128xf32, #tpu.memory_space<hbm>>
        %dma_wait3A_888 = tpu.memref_squeeze %dma_wait3A_887 : memref<1x1x1x8x128xf32, #tpu.memory_space<hbm>> -> memref<8x128xf32, #tpu.memory_space<hbm>>
        %dma_wait3A_889 = arith.constant 8 : i32
        %dma_wait3A_890 = arith.constant 0 : i32
        %dma_wait3A_891 = tpu.memref_slice %arg10[%dma_wait3A_889, %dma_wait3A_890] : memref<64x129xf32, #tpu.memory_space<vmem>> -> memref<8x128xf32, #tpu.memory_space<vmem>>
        tpu.wait_dma2 semaphore(%arg16 : memref<!tpu.dma_semaphore, #tpu.memory_space<semaphore_mem>>) src(%dma_wait3A_891 : memref<8x128xf32, #tpu.memory_space<vmem>>) dst(%dma_wait3A_888 : memref<8x128xf32, #tpu.memory_space<hbm>>)
        %dma_wait3A_892 = arith.constant 0 : i32
        %dma_wait3A_893 = arith.constant 2 : i32
        %dma_wait3A_894 = arith.constant 16 : i32
        %dma_wait3A_895 = arith.constant 0 : i32
        %dma_wait3A_896 = tpu.memref_slice %arg10[%dma_wait3A_894, %dma_wait3A_895] : memref<64x129xf32, #tpu.memory_space<vmem>> -> memref<8x128xf32, #tpu.memory_space<vmem>>
        %dma_wait3A_897 = arith.constant 0 : i32
        %dma_wait3A_898 = arith.constant 0 : i32
        %dma_wait3A_899 = tpu.memref_slice %arg4[%dma_wait3A_892, %dma_wait3A_893, %add3A, %dma_wait3A_897, %dma_wait3A_898] : memref<200x8x32x8x128xf32, #tpu.memory_space<hbm>> -> memref<1x1x1x8x128xf32, #tpu.memory_space<hbm>>
        %dma_wait3A_900 = tpu.memref_squeeze %dma_wait3A_899 : memref<1x1x1x8x128xf32, #tpu.memory_space<hbm>> -> memref<8x128xf32, #tpu.memory_space<hbm>>
        %dma_wait3A_901 = arith.constant 0 : i32
        %dma_wait3A_902 = arith.constant 0 : i32
        %dma_wait3A_903 = tpu.memref_slice %arg4[%dma_wait3A_892, %dma_wait3A_893, %add3A, %dma_wait3A_901, %dma_wait3A_902] : memref<200x8x32x8x128xf32, #tpu.memory_space<hbm>> -> memref<1x1x1x8x128xf32, #tpu.memory_space<hbm>>
        %dma_wait3A_904 = tpu.memref_squeeze %dma_wait3A_903 : memref<1x1x1x8x128xf32, #tpu.memory_space<hbm>> -> memref<8x128xf32, #tpu.memory_space<hbm>>
        %dma_wait3A_905 = arith.constant 16 : i32
        %dma_wait3A_906 = arith.constant 0 : i32
        %dma_wait3A_907 = tpu.memref_slice %arg10[%dma_wait3A_905, %dma_wait3A_906] : memref<64x129xf32, #tpu.memory_space<vmem>> -> memref<8x128xf32, #tpu.memory_space<vmem>>
        tpu.wait_dma2 semaphore(%arg16 : memref<!tpu.dma_semaphore, #tpu.memory_space<semaphore_mem>>) src(%dma_wait3A_907 : memref<8x128xf32, #tpu.memory_space<vmem>>) dst(%dma_wait3A_904 : memref<8x128xf32, #tpu.memory_space<hbm>>)
        %dma_wait3A_908 = arith.constant 0 : i32
        %dma_wait3A_909 = arith.constant 3 : i32
        %dma_wait3A_910 = arith.constant 24 : i32
        %dma_wait3A_911 = arith.constant 0 : i32
        %dma_wait3A_912 = tpu.memref_slice %arg10[%dma_wait3A_910, %dma_wait3A_911] : memref<64x129xf32, #tpu.memory_space<vmem>> -> memref<8x128xf32, #tpu.memory_space<vmem>>
        %dma_wait3A_913 = arith.constant 0 : i32
        %dma_wait3A_914 = arith.constant 0 : i32
        %dma_wait3A_915 = tpu.memref_slice %arg4[%dma_wait3A_908, %dma_wait3A_909, %add3A, %dma_wait3A_913, %dma_wait3A_914] : memref<200x8x32x8x128xf32, #tpu.memory_space<hbm>> -> memref<1x1x1x8x128xf32, #tpu.memory_space<hbm>>
        %dma_wait3A_916 = tpu.memref_squeeze %dma_wait3A_915 : memref<1x1x1x8x128xf32, #tpu.memory_space<hbm>> -> memref<8x128xf32, #tpu.memory_space<hbm>>
        %dma_wait3A_917 = arith.constant 0 : i32
        %dma_wait3A_918 = arith.constant 0 : i32
        %dma_wait3A_919 = tpu.memref_slice %arg4[%dma_wait3A_908, %dma_wait3A_909, %add3A, %dma_wait3A_917, %dma_wait3A_918] : memref<200x8x32x8x128xf32, #tpu.memory_space<hbm>> -> memref<1x1x1x8x128xf32, #tpu.memory_space<hbm>>
        %dma_wait3A_920 = tpu.memref_squeeze %dma_wait3A_919 : memref<1x1x1x8x128xf32, #tpu.memory_space<hbm>> -> memref<8x128xf32, #tpu.memory_space<hbm>>
        %dma_wait3A_921 = arith.constant 24 : i32
        %dma_wait3A_922 = arith.constant 0 : i32
        %dma_wait3A_923 = tpu.memref_slice %arg10[%dma_wait3A_921, %dma_wait3A_922] : memref<64x129xf32, #tpu.memory_space<vmem>> -> memref<8x128xf32, #tpu.memory_space<vmem>>
        tpu.wait_dma2 semaphore(%arg16 : memref<!tpu.dma_semaphore, #tpu.memory_space<semaphore_mem>>) src(%dma_wait3A_923 : memref<8x128xf32, #tpu.memory_space<vmem>>) dst(%dma_wait3A_920 : memref<8x128xf32, #tpu.memory_space<hbm>>)
        %dma_wait3A_924 = arith.constant 0 : i32
        %dma_wait3A_925 = arith.constant 4 : i32
        %dma_wait3A_926 = arith.constant 32 : i32
        %dma_wait3A_927 = arith.constant 0 : i32
        %dma_wait3A_928 = tpu.memref_slice %arg10[%dma_wait3A_926, %dma_wait3A_927] : memref<64x129xf32, #tpu.memory_space<vmem>> -> memref<8x128xf32, #tpu.memory_space<vmem>>
        %dma_wait3A_929 = arith.constant 0 : i32
        %dma_wait3A_930 = arith.constant 0 : i32
        %dma_wait3A_931 = tpu.memref_slice %arg4[%dma_wait3A_924, %dma_wait3A_925, %add3A, %dma_wait3A_929, %dma_wait3A_930] : memref<200x8x32x8x128xf32, #tpu.memory_space<hbm>> -> memref<1x1x1x8x128xf32, #tpu.memory_space<hbm>>
        %dma_wait3A_932 = tpu.memref_squeeze %dma_wait3A_931 : memref<1x1x1x8x128xf32, #tpu.memory_space<hbm>> -> memref<8x128xf32, #tpu.memory_space<hbm>>
        %dma_wait3A_933 = arith.constant 0 : i32
        %dma_wait3A_934 = arith.constant 0 : i32
        %dma_wait3A_935 = tpu.memref_slice %arg4[%dma_wait3A_924, %dma_wait3A_925, %add3A, %dma_wait3A_933, %dma_wait3A_934] : memref<200x8x32x8x128xf32, #tpu.memory_space<hbm>> -> memref<1x1x1x8x128xf32, #tpu.memory_space<hbm>>
        %dma_wait3A_936 = tpu.memref_squeeze %dma_wait3A_935 : memref<1x1x1x8x128xf32, #tpu.memory_space<hbm>> -> memref<8x128xf32, #tpu.memory_space<hbm>>
        %dma_wait3A_937 = arith.constant 32 : i32
        %dma_wait3A_938 = arith.constant 0 : i32
        %dma_wait3A_939 = tpu.memref_slice %arg10[%dma_wait3A_937, %dma_wait3A_938] : memref<64x129xf32, #tpu.memory_space<vmem>> -> memref<8x128xf32, #tpu.memory_space<vmem>>
        tpu.wait_dma2 semaphore(%arg16 : memref<!tpu.dma_semaphore, #tpu.memory_space<semaphore_mem>>) src(%dma_wait3A_939 : memref<8x128xf32, #tpu.memory_space<vmem>>) dst(%dma_wait3A_936 : memref<8x128xf32, #tpu.memory_space<hbm>>)
        %dma_wait3A_940 = arith.constant 0 : i32
        %dma_wait3A_941 = arith.constant 5 : i32
        %dma_wait3A_942 = arith.constant 40 : i32
        %dma_wait3A_943 = arith.constant 0 : i32
        %dma_wait3A_944 = tpu.memref_slice %arg10[%dma_wait3A_942, %dma_wait3A_943] : memref<64x129xf32, #tpu.memory_space<vmem>> -> memref<8x128xf32, #tpu.memory_space<vmem>>
        %dma_wait3A_945 = arith.constant 0 : i32
        %dma_wait3A_946 = arith.constant 0 : i32
        %dma_wait3A_947 = tpu.memref_slice %arg4[%dma_wait3A_940, %dma_wait3A_941, %add3A, %dma_wait3A_945, %dma_wait3A_946] : memref<200x8x32x8x128xf32, #tpu.memory_space<hbm>> -> memref<1x1x1x8x128xf32, #tpu.memory_space<hbm>>
        %dma_wait3A_948 = tpu.memref_squeeze %dma_wait3A_947 : memref<1x1x1x8x128xf32, #tpu.memory_space<hbm>> -> memref<8x128xf32, #tpu.memory_space<hbm>>
        %dma_wait3A_949 = arith.constant 0 : i32
        %dma_wait3A_950 = arith.constant 0 : i32
        %dma_wait3A_951 = tpu.memref_slice %arg4[%dma_wait3A_940, %dma_wait3A_941, %add3A, %dma_wait3A_949, %dma_wait3A_950] : memref<200x8x32x8x128xf32, #tpu.memory_space<hbm>> -> memref<1x1x1x8x128xf32, #tpu.memory_space<hbm>>
        %dma_wait3A_952 = tpu.memref_squeeze %dma_wait3A_951 : memref<1x1x1x8x128xf32, #tpu.memory_space<hbm>> -> memref<8x128xf32, #tpu.memory_space<hbm>>
        %dma_wait3A_953 = arith.constant 40 : i32
        %dma_wait3A_954 = arith.constant 0 : i32
        %dma_wait3A_955 = tpu.memref_slice %arg10[%dma_wait3A_953, %dma_wait3A_954] : memref<64x129xf32, #tpu.memory_space<vmem>> -> memref<8x128xf32, #tpu.memory_space<vmem>>
        tpu.wait_dma2 semaphore(%arg16 : memref<!tpu.dma_semaphore, #tpu.memory_space<semaphore_mem>>) src(%dma_wait3A_955 : memref<8x128xf32, #tpu.memory_space<vmem>>) dst(%dma_wait3A_952 : memref<8x128xf32, #tpu.memory_space<hbm>>)
        %dma_wait3A_956 = arith.constant 0 : i32
        %dma_wait3A_957 = arith.constant 6 : i32
        %dma_wait3A_958 = arith.constant 48 : i32
        %dma_wait3A_959 = arith.constant 0 : i32
        %dma_wait3A_960 = tpu.memref_slice %arg10[%dma_wait3A_958, %dma_wait3A_959] : memref<64x129xf32, #tpu.memory_space<vmem>> -> memref<8x128xf32, #tpu.memory_space<vmem>>
        %dma_wait3A_961 = arith.constant 0 : i32
        %dma_wait3A_962 = arith.constant 0 : i32
        %dma_wait3A_963 = tpu.memref_slice %arg4[%dma_wait3A_956, %dma_wait3A_957, %add3A, %dma_wait3A_961, %dma_wait3A_962] : memref<200x8x32x8x128xf32, #tpu.memory_space<hbm>> -> memref<1x1x1x8x128xf32, #tpu.memory_space<hbm>>
        %dma_wait3A_964 = tpu.memref_squeeze %dma_wait3A_963 : memref<1x1x1x8x128xf32, #tpu.memory_space<hbm>> -> memref<8x128xf32, #tpu.memory_space<hbm>>
        %dma_wait3A_965 = arith.constant 0 : i32
        %dma_wait3A_966 = arith.constant 0 : i32
        %dma_wait3A_967 = tpu.memref_slice %arg4[%dma_wait3A_956, %dma_wait3A_957, %add3A, %dma_wait3A_965, %dma_wait3A_966] : memref<200x8x32x8x128xf32, #tpu.memory_space<hbm>> -> memref<1x1x1x8x128xf32, #tpu.memory_space<hbm>>
        %dma_wait3A_968 = tpu.memref_squeeze %dma_wait3A_967 : memref<1x1x1x8x128xf32, #tpu.memory_space<hbm>> -> memref<8x128xf32, #tpu.memory_space<hbm>>
        %dma_wait3A_969 = arith.constant 48 : i32
        %dma_wait3A_970 = arith.constant 0 : i32
        %dma_wait3A_971 = tpu.memref_slice %arg10[%dma_wait3A_969, %dma_wait3A_970] : memref<64x129xf32, #tpu.memory_space<vmem>> -> memref<8x128xf32, #tpu.memory_space<vmem>>
        tpu.wait_dma2 semaphore(%arg16 : memref<!tpu.dma_semaphore, #tpu.memory_space<semaphore_mem>>) src(%dma_wait3A_971 : memref<8x128xf32, #tpu.memory_space<vmem>>) dst(%dma_wait3A_968 : memref<8x128xf32, #tpu.memory_space<hbm>>)
        %dma_wait3A_972 = arith.constant 0 : i32
        %dma_wait3A_973 = arith.constant 7 : i32
        %dma_wait3A_974 = arith.constant 56 : i32
        %dma_wait3A_975 = arith.constant 0 : i32
        %dma_wait3A_976 = tpu.memref_slice %arg10[%dma_wait3A_974, %dma_wait3A_975] : memref<64x129xf32, #tpu.memory_space<vmem>> -> memref<8x128xf32, #tpu.memory_space<vmem>>
        %dma_wait3A_977 = arith.constant 0 : i32
        %dma_wait3A_978 = arith.constant 0 : i32
        %dma_wait3A_979 = tpu.memref_slice %arg4[%dma_wait3A_972, %dma_wait3A_973, %add3A, %dma_wait3A_977, %dma_wait3A_978] : memref<200x8x32x8x128xf32, #tpu.memory_space<hbm>> -> memref<1x1x1x8x128xf32, #tpu.memory_space<hbm>>
        %dma_wait3A_980 = tpu.memref_squeeze %dma_wait3A_979 : memref<1x1x1x8x128xf32, #tpu.memory_space<hbm>> -> memref<8x128xf32, #tpu.memory_space<hbm>>
        %dma_wait3A_981 = arith.constant 0 : i32
        %dma_wait3A_982 = arith.constant 0 : i32
        %dma_wait3A_983 = tpu.memref_slice %arg4[%dma_wait3A_972, %dma_wait3A_973, %add3A, %dma_wait3A_981, %dma_wait3A_982] : memref<200x8x32x8x128xf32, #tpu.memory_space<hbm>> -> memref<1x1x1x8x128xf32, #tpu.memory_space<hbm>>
        %dma_wait3A_984 = tpu.memref_squeeze %dma_wait3A_983 : memref<1x1x1x8x128xf32, #tpu.memory_space<hbm>> -> memref<8x128xf32, #tpu.memory_space<hbm>>
        %dma_wait3A_985 = arith.constant 56 : i32
        %dma_wait3A_986 = arith.constant 0 : i32
        %dma_wait3A_987 = tpu.memref_slice %arg10[%dma_wait3A_985, %dma_wait3A_986] : memref<64x129xf32, #tpu.memory_space<vmem>> -> memref<8x128xf32, #tpu.memory_space<vmem>>
        tpu.wait_dma2 semaphore(%arg16 : memref<!tpu.dma_semaphore, #tpu.memory_space<semaphore_mem>>) src(%dma_wait3A_987 : memref<8x128xf32, #tpu.memory_space<vmem>>) dst(%dma_wait3A_984 : memref<8x128xf32, #tpu.memory_space<hbm>>)
      } else {
      }
      %parallel_loop3A = arith.constant 0 : i32
      %parallel_loop3A_306 = arith.constant 128 : i32
      %parallel_loop3A_307 = arith.constant 1 : i32
      scf.for %parallel_loop3A_860 = %parallel_loop3A to %parallel_loop3A_306 step %parallel_loop3A_307  : i32 {
        %parallel_loop3A_861 = vector.broadcast %parallel_loop3A_860 : i32 to vector<16xi32>
        %parallel_loop3A_862 = arith.index_cast %parallel_loop3A_860 : i32 to index
        %parallel_loop3A_863 = arith.constant 0 : index
        %parallel_loop3A_864 = tpu.vector_load %arg6[%parallel_loop3A_862, %parallel_loop3A_863] {strides = array<i32>} : memref<128x64xf32, #tpu.memory_space<vmem>>, vector<16xf32>,
        tpu.vector_store_idx %arg10[%add3A_5, %parallel_loop3A_861], %parallel_loop3A_864 : memref<64x129xf32, #tpu.memory_space<vmem>>[vector<16xi32>, vector<16xi32>], vector<16xf32>,
        %parallel_loop3A_865 = arith.index_cast %parallel_loop3A_860 : i32 to index
        %parallel_loop3A_866 = arith.constant 16 : index
        %parallel_loop3A_867 = tpu.vector_load %arg6[%parallel_loop3A_865, %parallel_loop3A_866] {strides = array<i32>} : memref<128x64xf32, #tpu.memory_space<vmem>>, vector<16xf32>,
        tpu.vector_store_idx %arg10[%add3A_8, %parallel_loop3A_861], %parallel_loop3A_867 : memref<64x129xf32, #tpu.memory_space<vmem>>[vector<16xi32>, vector<16xi32>], vector<16xf32>,
        %parallel_loop3A_868 = arith.index_cast %parallel_loop3A_860 : i32 to index
        %parallel_loop3A_869 = arith.constant 32 : index
        %parallel_loop3A_870 = tpu.vector_load %arg6[%parallel_loop3A_868, %parallel_loop3A_869] {strides = array<i32>} : memref<128x64xf32, #tpu.memory_space<vmem>>, vector<16xf32>,
        tpu.vector_store_idx %arg10[%add3A_11, %parallel_loop3A_861], %parallel_loop3A_870 : memref<64x129xf32, #tpu.memory_space<vmem>>[vector<16xi32>, vector<16xi32>], vector<16xf32>,
        %parallel_loop3A_871 = arith.index_cast %parallel_loop3A_860 : i32 to index
        %parallel_loop3A_872 = arith.constant 48 : index
        %parallel_loop3A_873 = tpu.vector_load %arg6[%parallel_loop3A_871, %parallel_loop3A_872] {strides = array<i32>} : memref<128x64xf32, #tpu.memory_space<vmem>>, vector<16xf32>,
        tpu.vector_store_idx %arg10[%add3A_14, %parallel_loop3A_861], %parallel_loop3A_873 : memref<64x129xf32, #tpu.memory_space<vmem>>[vector<16xi32>, vector<16xi32>], vector<16xf32>,
      } {sc.loop_unroll_factor = 8 : i64, sc.parallel_access}
      %dma_start3A_308 = arith.constant 0 : i32
      %dma_start3A_309 = arith.constant 0 : i32
      %dma_start3A_310 = arith.constant 0 : i32
      %dma_start3A_311 = tpu.memref_slice %arg10[%dma_start3A_309, %dma_start3A_310] : memref<64x129xf32, #tpu.memory_space<vmem>> -> memref<8x128xf32, #tpu.memory_space<vmem>>
      %dma_start3A_312 = arith.constant 0 : i32
      %dma_start3A_313 = arith.constant 0 : i32
      %dma_start3A_314 = tpu.memref_slice %arg4[%mul3A_290, %dma_start3A_308, %add3A, %dma_start3A_312, %dma_start3A_313] : memref<200x8x32x8x128xf32, #tpu.memory_space<hbm>> -> memref<1x1x1x8x128xf32, #tpu.memory_space<hbm>>
      %dma_start3A_315 = tpu.memref_squeeze %dma_start3A_314 : memref<1x1x1x8x128xf32, #tpu.memory_space<hbm>> -> memref<8x128xf32, #tpu.memory_space<hbm>>
      %dma_start3A_316 = arith.constant 0 : i32
      %dma_start3A_317 = arith.constant 0 : i32
      %dma_start3A_318 = tpu.memref_slice %arg4[%mul3A_290, %dma_start3A_308, %add3A, %dma_start3A_316, %dma_start3A_317] : memref<200x8x32x8x128xf32, #tpu.memory_space<hbm>> -> memref<1x1x1x8x128xf32, #tpu.memory_space<hbm>>
      %dma_start3A_319 = tpu.memref_squeeze %dma_start3A_318 : memref<1x1x1x8x128xf32, #tpu.memory_space<hbm>> -> memref<8x128xf32, #tpu.memory_space<hbm>>
      %dma_start3A_320 = arith.constant 0 : i32
      %dma_start3A_321 = arith.constant 0 : i32
      %dma_start3A_322 = tpu.memref_slice %arg10[%dma_start3A_320, %dma_start3A_321] : memref<64x129xf32, #tpu.memory_space<vmem>> -> memref<8x128xf32, #tpu.memory_space<vmem>>
      tpu.enqueue_dma source(%dma_start3A_322 : memref<8x128xf32, #tpu.memory_space<vmem>>) target(%dma_start3A_319 : memref<8x128xf32, #tpu.memory_space<hbm>>) target_semaphore(%arg16 : memref<!tpu.dma_semaphore, #tpu.memory_space<semaphore_mem>>)
      %dma_start3A_323 = arith.constant 1 : i32
      %dma_start3A_324 = arith.constant 8 : i32
      %dma_start3A_325 = arith.constant 0 : i32
      %dma_start3A_326 = tpu.memref_slice %arg10[%dma_start3A_324, %dma_start3A_325] : memref<64x129xf32, #tpu.memory_space<vmem>> -> memref<8x128xf32, #tpu.memory_space<vmem>>
      %dma_start3A_327 = arith.constant 0 : i32
      %dma_start3A_328 = arith.constant 0 : i32
      %dma_start3A_329 = tpu.memref_slice %arg4[%mul3A_290, %dma_start3A_323, %add3A, %dma_start3A_327, %dma_start3A_328] : memref<200x8x32x8x128xf32, #tpu.memory_space<hbm>> -> memref<1x1x1x8x128xf32, #tpu.memory_space<hbm>>
      %dma_start3A_330 = tpu.memref_squeeze %dma_start3A_329 : memref<1x1x1x8x128xf32, #tpu.memory_space<hbm>> -> memref<8x128xf32, #tpu.memory_space<hbm>>
      %dma_start3A_331 = arith.constant 0 : i32
      %dma_start3A_332 = arith.constant 0 : i32
      %dma_start3A_333 = tpu.memref_slice %arg4[%mul3A_290, %dma_start3A_323, %add3A, %dma_start3A_331, %dma_start3A_332] : memref<200x8x32x8x128xf32, #tpu.memory_space<hbm>> -> memref<1x1x1x8x128xf32, #tpu.memory_space<hbm>>
      %dma_start3A_334 = tpu.memref_squeeze %dma_start3A_333 : memref<1x1x1x8x128xf32, #tpu.memory_space<hbm>> -> memref<8x128xf32, #tpu.memory_space<hbm>>
      %dma_start3A_335 = arith.constant 8 : i32
      %dma_start3A_336 = arith.constant 0 : i32
      %dma_start3A_337 = tpu.memref_slice %arg10[%dma_start3A_335, %dma_start3A_336] : memref<64x129xf32, #tpu.memory_space<vmem>> -> memref<8x128xf32, #tpu.memory_space<vmem>>
      tpu.enqueue_dma source(%dma_start3A_337 : memref<8x128xf32, #tpu.memory_space<vmem>>) target(%dma_start3A_334 : memref<8x128xf32, #tpu.memory_space<hbm>>) target_semaphore(%arg16 : memref<!tpu.dma_semaphore, #tpu.memory_space<semaphore_mem>>)
      %dma_start3A_338 = arith.constant 2 : i32
      %dma_start3A_339 = arith.constant 16 : i32
      %dma_start3A_340 = arith.constant 0 : i32
      %dma_start3A_341 = tpu.memref_slice %arg10[%dma_start3A_339, %dma_start3A_340] : memref<64x129xf32, #tpu.memory_space<vmem>> -> memref<8x128xf32, #tpu.memory_space<vmem>>
      %dma_start3A_342 = arith.constant 0 : i32
      %dma_start3A_343 = arith.constant 0 : i32
      %dma_start3A_344 = tpu.memref_slice %arg4[%mul3A_290, %dma_start3A_338, %add3A, %dma_start3A_342, %dma_start3A_343] : memref<200x8x32x8x128xf32, #tpu.memory_space<hbm>> -> memref<1x1x1x8x128xf32, #tpu.memory_space<hbm>>
      %dma_start3A_345 = tpu.memref_squeeze %dma_start3A_344 : memref<1x1x1x8x128xf32, #tpu.memory_space<hbm>> -> memref<8x128xf32, #tpu.memory_space<hbm>>
      %dma_start3A_346 = arith.constant 0 : i32
      %dma_start3A_347 = arith.constant 0 : i32
      %dma_start3A_348 = tpu.memref_slice %arg4[%mul3A_290, %dma_start3A_338, %add3A, %dma_start3A_346, %dma_start3A_347] : memref<200x8x32x8x128xf32, #tpu.memory_space<hbm>> -> memref<1x1x1x8x128xf32, #tpu.memory_space<hbm>>
      %dma_start3A_349 = tpu.memref_squeeze %dma_start3A_348 : memref<1x1x1x8x128xf32, #tpu.memory_space<hbm>> -> memref<8x128xf32, #tpu.memory_space<hbm>>
      %dma_start3A_350 = arith.constant 16 : i32
      %dma_start3A_351 = arith.constant 0 : i32
      %dma_start3A_352 = tpu.memref_slice %arg10[%dma_start3A_350, %dma_start3A_351] : memref<64x129xf32, #tpu.memory_space<vmem>> -> memref<8x128xf32, #tpu.memory_space<vmem>>
      tpu.enqueue_dma source(%dma_start3A_352 : memref<8x128xf32, #tpu.memory_space<vmem>>) target(%dma_start3A_349 : memref<8x128xf32, #tpu.memory_space<hbm>>) target_semaphore(%arg16 : memref<!tpu.dma_semaphore, #tpu.memory_space<semaphore_mem>>)
      %dma_start3A_353 = arith.constant 3 : i32
      %dma_start3A_354 = arith.constant 24 : i32
      %dma_start3A_355 = arith.constant 0 : i32
      %dma_start3A_356 = tpu.memref_slice %arg10[%dma_start3A_354, %dma_start3A_355] : memref<64x129xf32, #tpu.memory_space<vmem>> -> memref<8x128xf32, #tpu.memory_space<vmem>>
      %dma_start3A_357 = arith.constant 0 : i32
      %dma_start3A_358 = arith.constant 0 : i32
      %dma_start3A_359 = tpu.memref_slice %arg4[%mul3A_290, %dma_start3A_353, %add3A, %dma_start3A_357, %dma_start3A_358] : memref<200x8x32x8x128xf32, #tpu.memory_space<hbm>> -> memref<1x1x1x8x128xf32, #tpu.memory_space<hbm>>
      %dma_start3A_360 = tpu.memref_squeeze %dma_start3A_359 : memref<1x1x1x8x128xf32, #tpu.memory_space<hbm>> -> memref<8x128xf32, #tpu.memory_space<hbm>>
      %dma_start3A_361 = arith.constant 0 : i32
      %dma_start3A_362 = arith.constant 0 : i32
      %dma_start3A_363 = tpu.memref_slice %arg4[%mul3A_290, %dma_start3A_353, %add3A, %dma_start3A_361, %dma_start3A_362] : memref<200x8x32x8x128xf32, #tpu.memory_space<hbm>> -> memref<1x1x1x8x128xf32, #tpu.memory_space<hbm>>
      %dma_start3A_364 = tpu.memref_squeeze %dma_start3A_363 : memref<1x1x1x8x128xf32, #tpu.memory_space<hbm>> -> memref<8x128xf32, #tpu.memory_space<hbm>>
      %dma_start3A_365 = arith.constant 24 : i32
      %dma_start3A_366 = arith.constant 0 : i32
      %dma_start3A_367 = tpu.memref_slice %arg10[%dma_start3A_365, %dma_start3A_366] : memref<64x129xf32, #tpu.memory_space<vmem>> -> memref<8x128xf32, #tpu.memory_space<vmem>>
      tpu.enqueue_dma source(%dma_start3A_367 : memref<8x128xf32, #tpu.memory_space<vmem>>) target(%dma_start3A_364 : memref<8x128xf32, #tpu.memory_space<hbm>>) target_semaphore(%arg16 : memref<!tpu.dma_semaphore, #tpu.memory_space<semaphore_mem>>)
      %dma_start3A_368 = arith.constant 4 : i32
      %dma_start3A_369 = arith.constant 32 : i32
      %dma_start3A_370 = arith.constant 0 : i32
      %dma_start3A_371 = tpu.memref_slice %arg10[%dma_start3A_369, %dma_start3A_370] : memref<64x129xf32, #tpu.memory_space<vmem>> -> memref<8x128xf32, #tpu.memory_space<vmem>>
      %dma_start3A_372 = arith.constant 0 : i32
      %dma_start3A_373 = arith.constant 0 : i32
      %dma_start3A_374 = tpu.memref_slice %arg4[%mul3A_290, %dma_start3A_368, %add3A, %dma_start3A_372, %dma_start3A_373] : memref<200x8x32x8x128xf32, #tpu.memory_space<hbm>> -> memref<1x1x1x8x128xf32, #tpu.memory_space<hbm>>
      %dma_start3A_375 = tpu.memref_squeeze %dma_start3A_374 : memref<1x1x1x8x128xf32, #tpu.memory_space<hbm>> -> memref<8x128xf32, #tpu.memory_space<hbm>>
      %dma_start3A_376 = arith.constant 0 : i32
      %dma_start3A_377 = arith.constant 0 : i32
      %dma_start3A_378 = tpu.memref_slice %arg4[%mul3A_290, %dma_start3A_368, %add3A, %dma_start3A_376, %dma_start3A_377] : memref<200x8x32x8x128xf32, #tpu.memory_space<hbm>> -> memref<1x1x1x8x128xf32, #tpu.memory_space<hbm>>
      %dma_start3A_379 = tpu.memref_squeeze %dma_start3A_378 : memref<1x1x1x8x128xf32, #tpu.memory_space<hbm>> -> memref<8x128xf32, #tpu.memory_space<hbm>>
      %dma_start3A_380 = arith.constant 32 : i32
      %dma_start3A_381 = arith.constant 0 : i32
      %dma_start3A_382 = tpu.memref_slice %arg10[%dma_start3A_380, %dma_start3A_381] : memref<64x129xf32, #tpu.memory_space<vmem>> -> memref<8x128xf32, #tpu.memory_space<vmem>>
      tpu.enqueue_dma source(%dma_start3A_382 : memref<8x128xf32, #tpu.memory_space<vmem>>) target(%dma_start3A_379 : memref<8x128xf32, #tpu.memory_space<hbm>>) target_semaphore(%arg16 : memref<!tpu.dma_semaphore, #tpu.memory_space<semaphore_mem>>)
      %dma_start3A_383 = arith.constant 5 : i32
      %dma_start3A_384 = arith.constant 40 : i32
      %dma_start3A_385 = arith.constant 0 : i32
      %dma_start3A_386 = tpu.memref_slice %arg10[%dma_start3A_384, %dma_start3A_385] : memref<64x129xf32, #tpu.memory_space<vmem>> -> memref<8x128xf32, #tpu.memory_space<vmem>>
      %dma_start3A_387 = arith.constant 0 : i32
      %dma_start3A_388 = arith.constant 0 : i32
      %dma_start3A_389 = tpu.memref_slice %arg4[%mul3A_290, %dma_start3A_383, %add3A, %dma_start3A_387, %dma_start3A_388] : memref<200x8x32x8x128xf32, #tpu.memory_space<hbm>> -> memref<1x1x1x8x128xf32, #tpu.memory_space<hbm>>
      %dma_start3A_390 = tpu.memref_squeeze %dma_start3A_389 : memref<1x1x1x8x128xf32, #tpu.memory_space<hbm>> -> memref<8x128xf32, #tpu.memory_space<hbm>>
      %dma_start3A_391 = arith.constant 0 : i32
      %dma_start3A_392 = arith.constant 0 : i32
      %dma_start3A_393 = tpu.memref_slice %arg4[%mul3A_290, %dma_start3A_383, %add3A, %dma_start3A_391, %dma_start3A_392] : memref<200x8x32x8x128xf32, #tpu.memory_space<hbm>> -> memref<1x1x1x8x128xf32, #tpu.memory_space<hbm>>
      %dma_start3A_394 = tpu.memref_squeeze %dma_start3A_393 : memref<1x1x1x8x128xf32, #tpu.memory_space<hbm>> -> memref<8x128xf32, #tpu.memory_space<hbm>>
      %dma_start3A_395 = arith.constant 40 : i32
      %dma_start3A_396 = arith.constant 0 : i32
      %dma_start3A_397 = tpu.memref_slice %arg10[%dma_start3A_395, %dma_start3A_396] : memref<64x129xf32, #tpu.memory_space<vmem>> -> memref<8x128xf32, #tpu.memory_space<vmem>>
      tpu.enqueue_dma source(%dma_start3A_397 : memref<8x128xf32, #tpu.memory_space<vmem>>) target(%dma_start3A_394 : memref<8x128xf32, #tpu.memory_space<hbm>>) target_semaphore(%arg16 : memref<!tpu.dma_semaphore, #tpu.memory_space<semaphore_mem>>)
      %dma_start3A_398 = arith.constant 6 : i32
      %dma_start3A_399 = arith.constant 48 : i32
      %dma_start3A_400 = arith.constant 0 : i32
      %dma_start3A_401 = tpu.memref_slice %arg10[%dma_start3A_399, %dma_start3A_400] : memref<64x129xf32, #tpu.memory_space<vmem>> -> memref<8x128xf32, #tpu.memory_space<vmem>>
      %dma_start3A_402 = arith.constant 0 : i32
      %dma_start3A_403 = arith.constant 0 : i32
      %dma_start3A_404 = tpu.memref_slice %arg4[%mul3A_290, %dma_start3A_398, %add3A, %dma_start3A_402, %dma_start3A_403] : memref<200x8x32x8x128xf32, #tpu.memory_space<hbm>> -> memref<1x1x1x8x128xf32, #tpu.memory_space<hbm>>
      %dma_start3A_405 = tpu.memref_squeeze %dma_start3A_404 : memref<1x1x1x8x128xf32, #tpu.memory_space<hbm>> -> memref<8x128xf32, #tpu.memory_space<hbm>>
      %dma_start3A_406 = arith.constant 0 : i32
      %dma_start3A_407 = arith.constant 0 : i32
      %dma_start3A_408 = tpu.memref_slice %arg4[%mul3A_290, %dma_start3A_398, %add3A, %dma_start3A_406, %dma_start3A_407] : memref<200x8x32x8x128xf32, #tpu.memory_space<hbm>> -> memref<1x1x1x8x128xf32, #tpu.memory_space<hbm>>
      %dma_start3A_409 = tpu.memref_squeeze %dma_start3A_408 : memref<1x1x1x8x128xf32, #tpu.memory_space<hbm>> -> memref<8x128xf32, #tpu.memory_space<hbm>>
      %dma_start3A_410 = arith.constant 48 : i32
      %dma_start3A_411 = arith.constant 0 : i32
      %dma_start3A_412 = tpu.memref_slice %arg10[%dma_start3A_410, %dma_start3A_411] : memref<64x129xf32, #tpu.memory_space<vmem>> -> memref<8x128xf32, #tpu.memory_space<vmem>>
      tpu.enqueue_dma source(%dma_start3A_412 : memref<8x128xf32, #tpu.memory_space<vmem>>) target(%dma_start3A_409 : memref<8x128xf32, #tpu.memory_space<hbm>>) target_semaphore(%arg16 : memref<!tpu.dma_semaphore, #tpu.memory_space<semaphore_mem>>)
      %dma_start3A_413 = arith.constant 7 : i32
      %dma_start3A_414 = arith.constant 56 : i32
      %dma_start3A_415 = arith.constant 0 : i32
      %dma_start3A_416 = tpu.memref_slice %arg10[%dma_start3A_414, %dma_start3A_415] : memref<64x129xf32, #tpu.memory_space<vmem>> -> memref<8x128xf32, #tpu.memory_space<vmem>>
      %dma_start3A_417 = arith.constant 0 : i32
      %dma_start3A_418 = arith.constant 0 : i32
      %dma_start3A_419 = tpu.memref_slice %arg4[%mul3A_290, %dma_start3A_413, %add3A, %dma_start3A_417, %dma_start3A_418] : memref<200x8x32x8x128xf32, #tpu.memory_space<hbm>> -> memref<1x1x1x8x128xf32, #tpu.memory_space<hbm>>
      %dma_start3A_420 = tpu.memref_squeeze %dma_start3A_419 : memref<1x1x1x8x128xf32, #tpu.memory_space<hbm>> -> memref<8x128xf32, #tpu.memory_space<hbm>>
      %dma_start3A_421 = arith.constant 0 : i32
      %dma_start3A_422 = arith.constant 0 : i32
      %dma_start3A_423 = tpu.memref_slice %arg4[%mul3A_290, %dma_start3A_413, %add3A, %dma_start3A_421, %dma_start3A_422] : memref<200x8x32x8x128xf32, #tpu.memory_space<hbm>> -> memref<1x1x1x8x128xf32, #tpu.memory_space<hbm>>
      %dma_start3A_424 = tpu.memref_squeeze %dma_start3A_423 : memref<1x1x1x8x128xf32, #tpu.memory_space<hbm>> -> memref<8x128xf32, #tpu.memory_space<hbm>>
      %dma_start3A_425 = arith.constant 56 : i32
      %dma_start3A_426 = arith.constant 0 : i32
      %dma_start3A_427 = tpu.memref_slice %arg10[%dma_start3A_425, %dma_start3A_426] : memref<64x129xf32, #tpu.memory_space<vmem>> -> memref<8x128xf32, #tpu.memory_space<vmem>>
      tpu.enqueue_dma source(%dma_start3A_427 : memref<8x128xf32, #tpu.memory_space<vmem>>) target(%dma_start3A_424 : memref<8x128xf32, #tpu.memory_space<hbm>>) target_semaphore(%arg16 : memref<!tpu.dma_semaphore, #tpu.memory_space<semaphore_mem>>)
      %add3A_428 = arith.constant 1 : i32
      %add3A_429 = arith.addi %mul3A_290, %add3A_428 : i32
      %dma_wait3A_430 = arith.constant 0 : i32
      %dma_wait3A_431 = arith.constant 0 : i32
      %dma_wait3A_432 = tpu.memref_slice %arg5[%dma_wait3A_430, %dma_wait3A_431] : memref<200x128xi32, #tpu.memory_space<vmem>> -> memref<1x128xi32, #tpu.memory_space<vmem>>
      %dma_wait3A_433 = tpu.memref_squeeze %dma_wait3A_432 : memref<1x128xi32, #tpu.memory_space<vmem>> -> memref<128xi32, #tpu.memory_space<vmem>>
      %dma_wait3A_434 = arith.constant 0 : i32
      %dma_wait3A_435 = arith.constant 0 : i32
      %dma_wait3A_436 = tpu.memref_slice %arg2[%dma_wait3A_434, %dma_wait3A_435] : memref<100000x64xf32, #tpu.memory_space<hbm>> -> memref<100000x64xf32, #tpu.memory_space<hbm>>
      tpu.wait_indirect_dma semaphore(%arg13 : memref<!tpu.dma_semaphore, #tpu.memory_space<semaphore_mem>>) src(%dma_wait3A_436 : memref<100000x64xf32, #tpu.memory_space<hbm>>) dst(%arg7 : memref<128x64xf32, #tpu.memory_space<vmem>>)
      %add3A_437 = arith.constant 2 : i32
      %add3A_438 = arith.addi %add3A_429, %add3A_437 : i32
      %lt3A_439 = arith.constant 200 : i32
      %lt3A_440 = arith.cmpi slt, %add3A_438, %lt3A_439 : i32
      %convert_element_type3A_441 = arith.extui %lt3A_440 : i1 to i32
      %cond3A_442 = arith.constant 0 : i32
      %cond3A_443 = arith.cmpi ne, %convert_element_type3A_441, %cond3A_442 : i32
      scf.if %cond3A_443 {
        %add3A_860 = arith.constant 2 : i32
        %add3A_861 = arith.addi %add3A_429, %add3A_860 : i32
        %dma_start3A_862 = arith.constant 0 : i32
        %dma_start3A_863 = tpu.memref_slice %arg5[%add3A_861, %dma_start3A_862] : memref<200x128xi32, #tpu.memory_space<vmem>> -> memref<1x128xi32, #tpu.memory_space<vmem>>
        %dma_start3A_864 = tpu.memref_squeeze %dma_start3A_863 : memref<1x128xi32, #tpu.memory_space<vmem>> -> memref<128xi32, #tpu.memory_space<vmem>>
        %dma_start3A_865 = arith.constant 0 : i32
        %dma_start3A_866 = arith.constant 0 : i32
        %dma_start3A_867 = tpu.memref_slice %arg2[%dma_start3A_865, %dma_start3A_866] : memref<100000x64xf32, #tpu.memory_space<hbm>> -> memref<100000x64xf32, #tpu.memory_space<hbm>>
        tpu.enqueue_indirect_dma source(%dma_start3A_867 : memref<100000x64xf32, #tpu.memory_space<hbm>>) target(%arg9 : memref<128x64xf32, #tpu.memory_space<vmem>>) offsets(%dma_start3A_864 : memref<128xi32, #tpu.memory_space<vmem>>) semaphore(%arg15 : memref<!tpu.dma_semaphore, #tpu.memory_space<semaphore_mem>>)
      } else {
      }
      %ge3A_444 = arith.constant 2 : i32
      %ge3A_445 = arith.cmpi sge, %add3A_429, %ge3A_444 : i32
      %convert_element_type3A_446 = arith.extui %ge3A_445 : i1 to i32
      %cond3A_447 = arith.constant 0 : i32
      %cond3A_448 = arith.cmpi ne, %convert_element_type3A_446, %cond3A_447 : i32
      scf.if %cond3A_448 {
        %dma_wait3A_860 = arith.constant 0 : i32
        %dma_wait3A_861 = arith.constant 0 : i32
        %dma_wait3A_862 = arith.constant 0 : i32
        %dma_wait3A_863 = arith.constant 0 : i32
        %dma_wait3A_864 = tpu.memref_slice %arg11[%dma_wait3A_862, %dma_wait3A_863] : memref<64x129xf32, #tpu.memory_space<vmem>> -> memref<8x128xf32, #tpu.memory_space<vmem>>
        %dma_wait3A_865 = arith.constant 0 : i32
        %dma_wait3A_866 = arith.constant 0 : i32
        %dma_wait3A_867 = tpu.memref_slice %arg4[%dma_wait3A_860, %dma_wait3A_861, %add3A, %dma_wait3A_865, %dma_wait3A_866] : memref<200x8x32x8x128xf32, #tpu.memory_space<hbm>> -> memref<1x1x1x8x128xf32, #tpu.memory_space<hbm>>
        %dma_wait3A_868 = tpu.memref_squeeze %dma_wait3A_867 : memref<1x1x1x8x128xf32, #tpu.memory_space<hbm>> -> memref<8x128xf32, #tpu.memory_space<hbm>>
        %dma_wait3A_869 = arith.constant 0 : i32
        %dma_wait3A_870 = arith.constant 0 : i32
        %dma_wait3A_871 = tpu.memref_slice %arg4[%dma_wait3A_860, %dma_wait3A_861, %add3A, %dma_wait3A_869, %dma_wait3A_870] : memref<200x8x32x8x128xf32, #tpu.memory_space<hbm>> -> memref<1x1x1x8x128xf32, #tpu.memory_space<hbm>>
        %dma_wait3A_872 = tpu.memref_squeeze %dma_wait3A_871 : memref<1x1x1x8x128xf32, #tpu.memory_space<hbm>> -> memref<8x128xf32, #tpu.memory_space<hbm>>
        %dma_wait3A_873 = arith.constant 0 : i32
        %dma_wait3A_874 = arith.constant 0 : i32
        %dma_wait3A_875 = tpu.memref_slice %arg11[%dma_wait3A_873, %dma_wait3A_874] : memref<64x129xf32, #tpu.memory_space<vmem>> -> memref<8x128xf32, #tpu.memory_space<vmem>>
        tpu.wait_dma2 semaphore(%arg17 : memref<!tpu.dma_semaphore, #tpu.memory_space<semaphore_mem>>) src(%dma_wait3A_875 : memref<8x128xf32, #tpu.memory_space<vmem>>) dst(%dma_wait3A_872 : memref<8x128xf32, #tpu.memory_space<hbm>>)
        %dma_wait3A_876 = arith.constant 0 : i32
        %dma_wait3A_877 = arith.constant 1 : i32
        %dma_wait3A_878 = arith.constant 8 : i32
        %dma_wait3A_879 = arith.constant 0 : i32
        %dma_wait3A_880 = tpu.memref_slice %arg11[%dma_wait3A_878, %dma_wait3A_879] : memref<64x129xf32, #tpu.memory_space<vmem>> -> memref<8x128xf32, #tpu.memory_space<vmem>>
        %dma_wait3A_881 = arith.constant 0 : i32
        %dma_wait3A_882 = arith.constant 0 : i32
        %dma_wait3A_883 = tpu.memref_slice %arg4[%dma_wait3A_876, %dma_wait3A_877, %add3A, %dma_wait3A_881, %dma_wait3A_882] : memref<200x8x32x8x128xf32, #tpu.memory_space<hbm>> -> memref<1x1x1x8x128xf32, #tpu.memory_space<hbm>>
        %dma_wait3A_884 = tpu.memref_squeeze %dma_wait3A_883 : memref<1x1x1x8x128xf32, #tpu.memory_space<hbm>> -> memref<8x128xf32, #tpu.memory_space<hbm>>
        %dma_wait3A_885 = arith.constant 0 : i32
        %dma_wait3A_886 = arith.constant 0 : i32
        %dma_wait3A_887 = tpu.memref_slice %arg4[%dma_wait3A_876, %dma_wait3A_877, %add3A, %dma_wait3A_885, %dma_wait3A_886] : memref<200x8x32x8x128xf32, #tpu.memory_space<hbm>> -> memref<1x1x1x8x128xf32, #tpu.memory_space<hbm>>
        %dma_wait3A_888 = tpu.memref_squeeze %dma_wait3A_887 : memref<1x1x1x8x128xf32, #tpu.memory_space<hbm>> -> memref<8x128xf32, #tpu.memory_space<hbm>>
        %dma_wait3A_889 = arith.constant 8 : i32
        %dma_wait3A_890 = arith.constant 0 : i32
        %dma_wait3A_891 = tpu.memref_slice %arg11[%dma_wait3A_889, %dma_wait3A_890] : memref<64x129xf32, #tpu.memory_space<vmem>> -> memref<8x128xf32, #tpu.memory_space<vmem>>
        tpu.wait_dma2 semaphore(%arg17 : memref<!tpu.dma_semaphore, #tpu.memory_space<semaphore_mem>>) src(%dma_wait3A_891 : memref<8x128xf32, #tpu.memory_space<vmem>>) dst(%dma_wait3A_888 : memref<8x128xf32, #tpu.memory_space<hbm>>)
        %dma_wait3A_892 = arith.constant 0 : i32
        %dma_wait3A_893 = arith.constant 2 : i32
        %dma_wait3A_894 = arith.constant 16 : i32
        %dma_wait3A_895 = arith.constant 0 : i32
        %dma_wait3A_896 = tpu.memref_slice %arg11[%dma_wait3A_894, %dma_wait3A_895] : memref<64x129xf32, #tpu.memory_space<vmem>> -> memref<8x128xf32, #tpu.memory_space<vmem>>
        %dma_wait3A_897 = arith.constant 0 : i32
        %dma_wait3A_898 = arith.constant 0 : i32
        %dma_wait3A_899 = tpu.memref_slice %arg4[%dma_wait3A_892, %dma_wait3A_893, %add3A, %dma_wait3A_897, %dma_wait3A_898] : memref<200x8x32x8x128xf32, #tpu.memory_space<hbm>> -> memref<1x1x1x8x128xf32, #tpu.memory_space<hbm>>
        %dma_wait3A_900 = tpu.memref_squeeze %dma_wait3A_899 : memref<1x1x1x8x128xf32, #tpu.memory_space<hbm>> -> memref<8x128xf32, #tpu.memory_space<hbm>>
        %dma_wait3A_901 = arith.constant 0 : i32
        %dma_wait3A_902 = arith.constant 0 : i32
        %dma_wait3A_903 = tpu.memref_slice %arg4[%dma_wait3A_892, %dma_wait3A_893, %add3A, %dma_wait3A_901, %dma_wait3A_902] : memref<200x8x32x8x128xf32, #tpu.memory_space<hbm>> -> memref<1x1x1x8x128xf32, #tpu.memory_space<hbm>>
        %dma_wait3A_904 = tpu.memref_squeeze %dma_wait3A_903 : memref<1x1x1x8x128xf32, #tpu.memory_space<hbm>> -> memref<8x128xf32, #tpu.memory_space<hbm>>
        %dma_wait3A_905 = arith.constant 16 : i32
        %dma_wait3A_906 = arith.constant 0 : i32
        %dma_wait3A_907 = tpu.memref_slice %arg11[%dma_wait3A_905, %dma_wait3A_906] : memref<64x129xf32, #tpu.memory_space<vmem>> -> memref<8x128xf32, #tpu.memory_space<vmem>>
        tpu.wait_dma2 semaphore(%arg17 : memref<!tpu.dma_semaphore, #tpu.memory_space<semaphore_mem>>) src(%dma_wait3A_907 : memref<8x128xf32, #tpu.memory_space<vmem>>) dst(%dma_wait3A_904 : memref<8x128xf32, #tpu.memory_space<hbm>>)
        %dma_wait3A_908 = arith.constant 0 : i32
        %dma_wait3A_909 = arith.constant 3 : i32
        %dma_wait3A_910 = arith.constant 24 : i32
        %dma_wait3A_911 = arith.constant 0 : i32
        %dma_wait3A_912 = tpu.memref_slice %arg11[%dma_wait3A_910, %dma_wait3A_911] : memref<64x129xf32, #tpu.memory_space<vmem>> -> memref<8x128xf32, #tpu.memory_space<vmem>>
        %dma_wait3A_913 = arith.constant 0 : i32
        %dma_wait3A_914 = arith.constant 0 : i32
        %dma_wait3A_915 = tpu.memref_slice %arg4[%dma_wait3A_908, %dma_wait3A_909, %add3A, %dma_wait3A_913, %dma_wait3A_914] : memref<200x8x32x8x128xf32, #tpu.memory_space<hbm>> -> memref<1x1x1x8x128xf32, #tpu.memory_space<hbm>>
        %dma_wait3A_916 = tpu.memref_squeeze %dma_wait3A_915 : memref<1x1x1x8x128xf32, #tpu.memory_space<hbm>> -> memref<8x128xf32, #tpu.memory_space<hbm>>
        %dma_wait3A_917 = arith.constant 0 : i32
        %dma_wait3A_918 = arith.constant 0 : i32
        %dma_wait3A_919 = tpu.memref_slice %arg4[%dma_wait3A_908, %dma_wait3A_909, %add3A, %dma_wait3A_917, %dma_wait3A_918] : memref<200x8x32x8x128xf32, #tpu.memory_space<hbm>> -> memref<1x1x1x8x128xf32, #tpu.memory_space<hbm>>
        %dma_wait3A_920 = tpu.memref_squeeze %dma_wait3A_919 : memref<1x1x1x8x128xf32, #tpu.memory_space<hbm>> -> memref<8x128xf32, #tpu.memory_space<hbm>>
        %dma_wait3A_921 = arith.constant 24 : i32
        %dma_wait3A_922 = arith.constant 0 : i32
        %dma_wait3A_923 = tpu.memref_slice %arg11[%dma_wait3A_921, %dma_wait3A_922] : memref<64x129xf32, #tpu.memory_space<vmem>> -> memref<8x128xf32, #tpu.memory_space<vmem>>
        tpu.wait_dma2 semaphore(%arg17 : memref<!tpu.dma_semaphore, #tpu.memory_space<semaphore_mem>>) src(%dma_wait3A_923 : memref<8x128xf32, #tpu.memory_space<vmem>>) dst(%dma_wait3A_920 : memref<8x128xf32, #tpu.memory_space<hbm>>)
        %dma_wait3A_924 = arith.constant 0 : i32
        %dma_wait3A_925 = arith.constant 4 : i32
        %dma_wait3A_926 = arith.constant 32 : i32
        %dma_wait3A_927 = arith.constant 0 : i32
        %dma_wait3A_928 = tpu.memref_slice %arg11[%dma_wait3A_926, %dma_wait3A_927] : memref<64x129xf32, #tpu.memory_space<vmem>> -> memref<8x128xf32, #tpu.memory_space<vmem>>
        %dma_wait3A_929 = arith.constant 0 : i32
        %dma_wait3A_930 = arith.constant 0 : i32
        %dma_wait3A_931 = tpu.memref_slice %arg4[%dma_wait3A_924, %dma_wait3A_925, %add3A, %dma_wait3A_929, %dma_wait3A_930] : memref<200x8x32x8x128xf32, #tpu.memory_space<hbm>> -> memref<1x1x1x8x128xf32, #tpu.memory_space<hbm>>
        %dma_wait3A_932 = tpu.memref_squeeze %dma_wait3A_931 : memref<1x1x1x8x128xf32, #tpu.memory_space<hbm>> -> memref<8x128xf32, #tpu.memory_space<hbm>>
        %dma_wait3A_933 = arith.constant 0 : i32
        %dma_wait3A_934 = arith.constant 0 : i32
        %dma_wait3A_935 = tpu.memref_slice %arg4[%dma_wait3A_924, %dma_wait3A_925, %add3A, %dma_wait3A_933, %dma_wait3A_934] : memref<200x8x32x8x128xf32, #tpu.memory_space<hbm>> -> memref<1x1x1x8x128xf32, #tpu.memory_space<hbm>>
        %dma_wait3A_936 = tpu.memref_squeeze %dma_wait3A_935 : memref<1x1x1x8x128xf32, #tpu.memory_space<hbm>> -> memref<8x128xf32, #tpu.memory_space<hbm>>
        %dma_wait3A_937 = arith.constant 32 : i32
        %dma_wait3A_938 = arith.constant 0 : i32
        %dma_wait3A_939 = tpu.memref_slice %arg11[%dma_wait3A_937, %dma_wait3A_938] : memref<64x129xf32, #tpu.memory_space<vmem>> -> memref<8x128xf32, #tpu.memory_space<vmem>>
        tpu.wait_dma2 semaphore(%arg17 : memref<!tpu.dma_semaphore, #tpu.memory_space<semaphore_mem>>) src(%dma_wait3A_939 : memref<8x128xf32, #tpu.memory_space<vmem>>) dst(%dma_wait3A_936 : memref<8x128xf32, #tpu.memory_space<hbm>>)
        %dma_wait3A_940 = arith.constant 0 : i32
        %dma_wait3A_941 = arith.constant 5 : i32
        %dma_wait3A_942 = arith.constant 40 : i32
        %dma_wait3A_943 = arith.constant 0 : i32
        %dma_wait3A_944 = tpu.memref_slice %arg11[%dma_wait3A_942, %dma_wait3A_943] : memref<64x129xf32, #tpu.memory_space<vmem>> -> memref<8x128xf32, #tpu.memory_space<vmem>>
        %dma_wait3A_945 = arith.constant 0 : i32
        %dma_wait3A_946 = arith.constant 0 : i32
        %dma_wait3A_947 = tpu.memref_slice %arg4[%dma_wait3A_940, %dma_wait3A_941, %add3A, %dma_wait3A_945, %dma_wait3A_946] : memref<200x8x32x8x128xf32, #tpu.memory_space<hbm>> -> memref<1x1x1x8x128xf32, #tpu.memory_space<hbm>>
        %dma_wait3A_948 = tpu.memref_squeeze %dma_wait3A_947 : memref<1x1x1x8x128xf32, #tpu.memory_space<hbm>> -> memref<8x128xf32, #tpu.memory_space<hbm>>
        %dma_wait3A_949 = arith.constant 0 : i32
        %dma_wait3A_950 = arith.constant 0 : i32
        %dma_wait3A_951 = tpu.memref_slice %arg4[%dma_wait3A_940, %dma_wait3A_941, %add3A, %dma_wait3A_949, %dma_wait3A_950] : memref<200x8x32x8x128xf32, #tpu.memory_space<hbm>> -> memref<1x1x1x8x128xf32, #tpu.memory_space<hbm>>
        %dma_wait3A_952 = tpu.memref_squeeze %dma_wait3A_951 : memref<1x1x1x8x128xf32, #tpu.memory_space<hbm>> -> memref<8x128xf32, #tpu.memory_space<hbm>>
        %dma_wait3A_953 = arith.constant 40 : i32
        %dma_wait3A_954 = arith.constant 0 : i32
        %dma_wait3A_955 = tpu.memref_slice %arg11[%dma_wait3A_953, %dma_wait3A_954] : memref<64x129xf32, #tpu.memory_space<vmem>> -> memref<8x128xf32, #tpu.memory_space<vmem>>
        tpu.wait_dma2 semaphore(%arg17 : memref<!tpu.dma_semaphore, #tpu.memory_space<semaphore_mem>>) src(%dma_wait3A_955 : memref<8x128xf32, #tpu.memory_space<vmem>>) dst(%dma_wait3A_952 : memref<8x128xf32, #tpu.memory_space<hbm>>)
        %dma_wait3A_956 = arith.constant 0 : i32
        %dma_wait3A_957 = arith.constant 6 : i32
        %dma_wait3A_958 = arith.constant 48 : i32
        %dma_wait3A_959 = arith.constant 0 : i32
        %dma_wait3A_960 = tpu.memref_slice %arg11[%dma_wait3A_958, %dma_wait3A_959] : memref<64x129xf32, #tpu.memory_space<vmem>> -> memref<8x128xf32, #tpu.memory_space<vmem>>
        %dma_wait3A_961 = arith.constant 0 : i32
        %dma_wait3A_962 = arith.constant 0 : i32
        %dma_wait3A_963 = tpu.memref_slice %arg4[%dma_wait3A_956, %dma_wait3A_957, %add3A, %dma_wait3A_961, %dma_wait3A_962] : memref<200x8x32x8x128xf32, #tpu.memory_space<hbm>> -> memref<1x1x1x8x128xf32, #tpu.memory_space<hbm>>
        %dma_wait3A_964 = tpu.memref_squeeze %dma_wait3A_963 : memref<1x1x1x8x128xf32, #tpu.memory_space<hbm>> -> memref<8x128xf32, #tpu.memory_space<hbm>>
        %dma_wait3A_965 = arith.constant 0 : i32
        %dma_wait3A_966 = arith.constant 0 : i32
        %dma_wait3A_967 = tpu.memref_slice %arg4[%dma_wait3A_956, %dma_wait3A_957, %add3A, %dma_wait3A_965, %dma_wait3A_966] : memref<200x8x32x8x128xf32, #tpu.memory_space<hbm>> -> memref<1x1x1x8x128xf32, #tpu.memory_space<hbm>>
        %dma_wait3A_968 = tpu.memref_squeeze %dma_wait3A_967 : memref<1x1x1x8x128xf32, #tpu.memory_space<hbm>> -> memref<8x128xf32, #tpu.memory_space<hbm>>
        %dma_wait3A_969 = arith.constant 48 : i32
        %dma_wait3A_970 = arith.constant 0 : i32
        %dma_wait3A_971 = tpu.memref_slice %arg11[%dma_wait3A_969, %dma_wait3A_970] : memref<64x129xf32, #tpu.memory_space<vmem>> -> memref<8x128xf32, #tpu.memory_space<vmem>>
        tpu.wait_dma2 semaphore(%arg17 : memref<!tpu.dma_semaphore, #tpu.memory_space<semaphore_mem>>) src(%dma_wait3A_971 : memref<8x128xf32, #tpu.memory_space<vmem>>) dst(%dma_wait3A_968 : memref<8x128xf32, #tpu.memory_space<hbm>>)
        %dma_wait3A_972 = arith.constant 0 : i32
        %dma_wait3A_973 = arith.constant 7 : i32
        %dma_wait3A_974 = arith.constant 56 : i32
        %dma_wait3A_975 = arith.constant 0 : i32
        %dma_wait3A_976 = tpu.memref_slice %arg11[%dma_wait3A_974, %dma_wait3A_975] : memref<64x129xf32, #tpu.memory_space<vmem>> -> memref<8x128xf32, #tpu.memory_space<vmem>>
        %dma_wait3A_977 = arith.constant 0 : i32
        %dma_wait3A_978 = arith.constant 0 : i32
        %dma_wait3A_979 = tpu.memref_slice %arg4[%dma_wait3A_972, %dma_wait3A_973, %add3A, %dma_wait3A_977, %dma_wait3A_978] : memref<200x8x32x8x128xf32, #tpu.memory_space<hbm>> -> memref<1x1x1x8x128xf32, #tpu.memory_space<hbm>>
        %dma_wait3A_980 = tpu.memref_squeeze %dma_wait3A_979 : memref<1x1x1x8x128xf32, #tpu.memory_space<hbm>> -> memref<8x128xf32, #tpu.memory_space<hbm>>
        %dma_wait3A_981 = arith.constant 0 : i32
        %dma_wait3A_982 = arith.constant 0 : i32
        %dma_wait3A_983 = tpu.memref_slice %arg4[%dma_wait3A_972, %dma_wait3A_973, %add3A, %dma_wait3A_981, %dma_wait3A_982] : memref<200x8x32x8x128xf32, #tpu.memory_space<hbm>> -> memref<1x1x1x8x128xf32, #tpu.memory_space<hbm>>
        %dma_wait3A_984 = tpu.memref_squeeze %dma_wait3A_983 : memref<1x1x1x8x128xf32, #tpu.memory_space<hbm>> -> memref<8x128xf32, #tpu.memory_space<hbm>>
        %dma_wait3A_985 = arith.constant 56 : i32
        %dma_wait3A_986 = arith.constant 0 : i32
        %dma_wait3A_987 = tpu.memref_slice %arg11[%dma_wait3A_985, %dma_wait3A_986] : memref<64x129xf32, #tpu.memory_space<vmem>> -> memref<8x128xf32, #tpu.memory_space<vmem>>
        tpu.wait_dma2 semaphore(%arg17 : memref<!tpu.dma_semaphore, #tpu.memory_space<semaphore_mem>>) src(%dma_wait3A_987 : memref<8x128xf32, #tpu.memory_space<vmem>>) dst(%dma_wait3A_984 : memref<8x128xf32, #tpu.memory_space<hbm>>)
      } else {
      }
      %parallel_loop3A_449 = arith.constant 0 : i32
      %parallel_loop3A_450 = arith.constant 128 : i32
      %parallel_loop3A_451 = arith.constant 1 : i32
      scf.for %parallel_loop3A_860 = %parallel_loop3A_449 to %parallel_loop3A_450 step %parallel_loop3A_451  : i32 {
        %parallel_loop3A_861 = vector.broadcast %parallel_loop3A_860 : i32 to vector<16xi32>
        %parallel_loop3A_862 = arith.index_cast %parallel_loop3A_860 : i32 to index
        %parallel_loop3A_863 = arith.constant 0 : index
        %parallel_loop3A_864 = tpu.vector_load %arg7[%parallel_loop3A_862, %parallel_loop3A_863] {strides = array<i32>} : memref<128x64xf32, #tpu.memory_space<vmem>>, vector<16xf32>,
        tpu.vector_store_idx %arg11[%add3A_5, %parallel_loop3A_861], %parallel_loop3A_864 : memref<64x129xf32, #tpu.memory_space<vmem>>[vector<16xi32>, vector<16xi32>], vector<16xf32>,
        %parallel_loop3A_865 = arith.index_cast %parallel_loop3A_860 : i32 to index
        %parallel_loop3A_866 = arith.constant 16 : index
        %parallel_loop3A_867 = tpu.vector_load %arg7[%parallel_loop3A_865, %parallel_loop3A_866] {strides = array<i32>} : memref<128x64xf32, #tpu.memory_space<vmem>>, vector<16xf32>,
        tpu.vector_store_idx %arg11[%add3A_8, %parallel_loop3A_861], %parallel_loop3A_867 : memref<64x129xf32, #tpu.memory_space<vmem>>[vector<16xi32>, vector<16xi32>], vector<16xf32>,
        %parallel_loop3A_868 = arith.index_cast %parallel_loop3A_860 : i32 to index
        %parallel_loop3A_869 = arith.constant 32 : index
        %parallel_loop3A_870 = tpu.vector_load %arg7[%parallel_loop3A_868, %parallel_loop3A_869] {strides = array<i32>} : memref<128x64xf32, #tpu.memory_space<vmem>>, vector<16xf32>,
        tpu.vector_store_idx %arg11[%add3A_11, %parallel_loop3A_861], %parallel_loop3A_870 : memref<64x129xf32, #tpu.memory_space<vmem>>[vector<16xi32>, vector<16xi32>], vector<16xf32>,
        %parallel_loop3A_871 = arith.index_cast %parallel_loop3A_860 : i32 to index
        %parallel_loop3A_872 = arith.constant 48 : index
        %parallel_loop3A_873 = tpu.vector_load %arg7[%parallel_loop3A_871, %parallel_loop3A_872] {strides = array<i32>} : memref<128x64xf32, #tpu.memory_space<vmem>>, vector<16xf32>,
        tpu.vector_store_idx %arg11[%add3A_14, %parallel_loop3A_861], %parallel_loop3A_873 : memref<64x129xf32, #tpu.memory_space<vmem>>[vector<16xi32>, vector<16xi32>], vector<16xf32>,
      } {sc.loop_unroll_factor = 8 : i64, sc.parallel_access}
      %dma_start3A_452 = arith.constant 0 : i32
      %dma_start3A_453 = arith.constant 0 : i32
      %dma_start3A_454 = arith.constant 0 : i32
      %dma_start3A_455 = tpu.memref_slice %arg11[%dma_start3A_453, %dma_start3A_454] : memref<64x129xf32, #tpu.memory_space<vmem>> -> memref<8x128xf32, #tpu.memory_space<vmem>>
      %dma_start3A_456 = arith.constant 0 : i32
      %dma_start3A_457 = arith.constant 0 : i32
      %dma_start3A_458 = tpu.memref_slice %arg4[%add3A_429, %dma_start3A_452, %add3A, %dma_start3A_456, %dma_start3A_457] : memref<200x8x32x8x128xf32, #tpu.memory_space<hbm>> -> memref<1x1x1x8x128xf32, #tpu.memory_space<hbm>>
      %dma_start3A_459 = tpu.memref_squeeze %dma_start3A_458 : memref<1x1x1x8x128xf32, #tpu.memory_space<hbm>> -> memref<8x128xf32, #tpu.memory_space<hbm>>
      %dma_start3A_460 = arith.constant 0 : i32
      %dma_start3A_461 = arith.constant 0 : i32
      %dma_start3A_462 = tpu.memref_slice %arg4[%add3A_429, %dma_start3A_452, %add3A, %dma_start3A_460, %dma_start3A_461] : memref<200x8x32x8x128xf32, #tpu.memory_space<hbm>> -> memref<1x1x1x8x128xf32, #tpu.memory_space<hbm>>
      %dma_start3A_463 = tpu.memref_squeeze %dma_start3A_462 : memref<1x1x1x8x128xf32, #tpu.memory_space<hbm>> -> memref<8x128xf32, #tpu.memory_space<hbm>>
      %dma_start3A_464 = arith.constant 0 : i32
      %dma_start3A_465 = arith.constant 0 : i32
      %dma_start3A_466 = tpu.memref_slice %arg11[%dma_start3A_464, %dma_start3A_465] : memref<64x129xf32, #tpu.memory_space<vmem>> -> memref<8x128xf32, #tpu.memory_space<vmem>>
      tpu.enqueue_dma source(%dma_start3A_466 : memref<8x128xf32, #tpu.memory_space<vmem>>) target(%dma_start3A_463 : memref<8x128xf32, #tpu.memory_space<hbm>>) target_semaphore(%arg17 : memref<!tpu.dma_semaphore, #tpu.memory_space<semaphore_mem>>)
      %dma_start3A_467 = arith.constant 1 : i32
      %dma_start3A_468 = arith.constant 8 : i32
      %dma_start3A_469 = arith.constant 0 : i32
      %dma_start3A_470 = tpu.memref_slice %arg11[%dma_start3A_468, %dma_start3A_469] : memref<64x129xf32, #tpu.memory_space<vmem>> -> memref<8x128xf32, #tpu.memory_space<vmem>>
      %dma_start3A_471 = arith.constant 0 : i32
      %dma_start3A_472 = arith.constant 0 : i32
      %dma_start3A_473 = tpu.memref_slice %arg4[%add3A_429, %dma_start3A_467, %add3A, %dma_start3A_471, %dma_start3A_472] : memref<200x8x32x8x128xf32, #tpu.memory_space<hbm>> -> memref<1x1x1x8x128xf32, #tpu.memory_space<hbm>>
      %dma_start3A_474 = tpu.memref_squeeze %dma_start3A_473 : memref<1x1x1x8x128xf32, #tpu.memory_space<hbm>> -> memref<8x128xf32, #tpu.memory_space<hbm>>
      %dma_start3A_475 = arith.constant 0 : i32
      %dma_start3A_476 = arith.constant 0 : i32
      %dma_start3A_477 = tpu.memref_slice %arg4[%add3A_429, %dma_start3A_467, %add3A, %dma_start3A_475, %dma_start3A_476] : memref<200x8x32x8x128xf32, #tpu.memory_space<hbm>> -> memref<1x1x1x8x128xf32, #tpu.memory_space<hbm>>
      %dma_start3A_478 = tpu.memref_squeeze %dma_start3A_477 : memref<1x1x1x8x128xf32, #tpu.memory_space<hbm>> -> memref<8x128xf32, #tpu.memory_space<hbm>>
      %dma_start3A_479 = arith.constant 8 : i32
      %dma_start3A_480 = arith.constant 0 : i32
      %dma_start3A_481 = tpu.memref_slice %arg11[%dma_start3A_479, %dma_start3A_480] : memref<64x129xf32, #tpu.memory_space<vmem>> -> memref<8x128xf32, #tpu.memory_space<vmem>>
      tpu.enqueue_dma source(%dma_start3A_481 : memref<8x128xf32, #tpu.memory_space<vmem>>) target(%dma_start3A_478 : memref<8x128xf32, #tpu.memory_space<hbm>>) target_semaphore(%arg17 : memref<!tpu.dma_semaphore, #tpu.memory_space<semaphore_mem>>)
      %dma_start3A_482 = arith.constant 2 : i32
      %dma_start3A_483 = arith.constant 16 : i32
      %dma_start3A_484 = arith.constant 0 : i32
      %dma_start3A_485 = tpu.memref_slice %arg11[%dma_start3A_483, %dma_start3A_484] : memref<64x129xf32, #tpu.memory_space<vmem>> -> memref<8x128xf32, #tpu.memory_space<vmem>>
      %dma_start3A_486 = arith.constant 0 : i32
      %dma_start3A_487 = arith.constant 0 : i32
      %dma_start3A_488 = tpu.memref_slice %arg4[%add3A_429, %dma_start3A_482, %add3A, %dma_start3A_486, %dma_start3A_487] : memref<200x8x32x8x128xf32, #tpu.memory_space<hbm>> -> memref<1x1x1x8x128xf32, #tpu.memory_space<hbm>>
      %dma_start3A_489 = tpu.memref_squeeze %dma_start3A_488 : memref<1x1x1x8x128xf32, #tpu.memory_space<hbm>> -> memref<8x128xf32, #tpu.memory_space<hbm>>
      %dma_start3A_490 = arith.constant 0 : i32
      %dma_start3A_491 = arith.constant 0 : i32
      %dma_start3A_492 = tpu.memref_slice %arg4[%add3A_429, %dma_start3A_482, %add3A, %dma_start3A_490, %dma_start3A_491] : memref<200x8x32x8x128xf32, #tpu.memory_space<hbm>> -> memref<1x1x1x8x128xf32, #tpu.memory_space<hbm>>
      %dma_start3A_493 = tpu.memref_squeeze %dma_start3A_492 : memref<1x1x1x8x128xf32, #tpu.memory_space<hbm>> -> memref<8x128xf32, #tpu.memory_space<hbm>>
      %dma_start3A_494 = arith.constant 16 : i32
      %dma_start3A_495 = arith.constant 0 : i32
      %dma_start3A_496 = tpu.memref_slice %arg11[%dma_start3A_494, %dma_start3A_495] : memref<64x129xf32, #tpu.memory_space<vmem>> -> memref<8x128xf32, #tpu.memory_space<vmem>>
      tpu.enqueue_dma source(%dma_start3A_496 : memref<8x128xf32, #tpu.memory_space<vmem>>) target(%dma_start3A_493 : memref<8x128xf32, #tpu.memory_space<hbm>>) target_semaphore(%arg17 : memref<!tpu.dma_semaphore, #tpu.memory_space<semaphore_mem>>)
      %dma_start3A_497 = arith.constant 3 : i32
      %dma_start3A_498 = arith.constant 24 : i32
      %dma_start3A_499 = arith.constant 0 : i32
      %dma_start3A_500 = tpu.memref_slice %arg11[%dma_start3A_498, %dma_start3A_499] : memref<64x129xf32, #tpu.memory_space<vmem>> -> memref<8x128xf32, #tpu.memory_space<vmem>>
      %dma_start3A_501 = arith.constant 0 : i32
      %dma_start3A_502 = arith.constant 0 : i32
      %dma_start3A_503 = tpu.memref_slice %arg4[%add3A_429, %dma_start3A_497, %add3A, %dma_start3A_501, %dma_start3A_502] : memref<200x8x32x8x128xf32, #tpu.memory_space<hbm>> -> memref<1x1x1x8x128xf32, #tpu.memory_space<hbm>>
      %dma_start3A_504 = tpu.memref_squeeze %dma_start3A_503 : memref<1x1x1x8x128xf32, #tpu.memory_space<hbm>> -> memref<8x128xf32, #tpu.memory_space<hbm>>
      %dma_start3A_505 = arith.constant 0 : i32
      %dma_start3A_506 = arith.constant 0 : i32
      %dma_start3A_507 = tpu.memref_slice %arg4[%add3A_429, %dma_start3A_497, %add3A, %dma_start3A_505, %dma_start3A_506] : memref<200x8x32x8x128xf32, #tpu.memory_space<hbm>> -> memref<1x1x1x8x128xf32, #tpu.memory_space<hbm>>
      %dma_start3A_508 = tpu.memref_squeeze %dma_start3A_507 : memref<1x1x1x8x128xf32, #tpu.memory_space<hbm>> -> memref<8x128xf32, #tpu.memory_space<hbm>>
      %dma_start3A_509 = arith.constant 24 : i32
      %dma_start3A_510 = arith.constant 0 : i32
      %dma_start3A_511 = tpu.memref_slice %arg11[%dma_start3A_509, %dma_start3A_510] : memref<64x129xf32, #tpu.memory_space<vmem>> -> memref<8x128xf32, #tpu.memory_space<vmem>>
      tpu.enqueue_dma source(%dma_start3A_511 : memref<8x128xf32, #tpu.memory_space<vmem>>) target(%dma_start3A_508 : memref<8x128xf32, #tpu.memory_space<hbm>>) target_semaphore(%arg17 : memref<!tpu.dma_semaphore, #tpu.memory_space<semaphore_mem>>)
      %dma_start3A_512 = arith.constant 4 : i32
      %dma_start3A_513 = arith.constant 32 : i32
      %dma_start3A_514 = arith.constant 0 : i32
      %dma_start3A_515 = tpu.memref_slice %arg11[%dma_start3A_513, %dma_start3A_514] : memref<64x129xf32, #tpu.memory_space<vmem>> -> memref<8x128xf32, #tpu.memory_space<vmem>>
      %dma_start3A_516 = arith.constant 0 : i32
      %dma_start3A_517 = arith.constant 0 : i32
      %dma_start3A_518 = tpu.memref_slice %arg4[%add3A_429, %dma_start3A_512, %add3A, %dma_start3A_516, %dma_start3A_517] : memref<200x8x32x8x128xf32, #tpu.memory_space<hbm>> -> memref<1x1x1x8x128xf32, #tpu.memory_space<hbm>>
      %dma_start3A_519 = tpu.memref_squeeze %dma_start3A_518 : memref<1x1x1x8x128xf32, #tpu.memory_space<hbm>> -> memref<8x128xf32, #tpu.memory_space<hbm>>
      %dma_start3A_520 = arith.constant 0 : i32
      %dma_start3A_521 = arith.constant 0 : i32
      %dma_start3A_522 = tpu.memref_slice %arg4[%add3A_429, %dma_start3A_512, %add3A, %dma_start3A_520, %dma_start3A_521] : memref<200x8x32x8x128xf32, #tpu.memory_space<hbm>> -> memref<1x1x1x8x128xf32, #tpu.memory_space<hbm>>
      %dma_start3A_523 = tpu.memref_squeeze %dma_start3A_522 : memref<1x1x1x8x128xf32, #tpu.memory_space<hbm>> -> memref<8x128xf32, #tpu.memory_space<hbm>>
      %dma_start3A_524 = arith.constant 32 : i32
      %dma_start3A_525 = arith.constant 0 : i32
      %dma_start3A_526 = tpu.memref_slice %arg11[%dma_start3A_524, %dma_start3A_525] : memref<64x129xf32, #tpu.memory_space<vmem>> -> memref<8x128xf32, #tpu.memory_space<vmem>>
      tpu.enqueue_dma source(%dma_start3A_526 : memref<8x128xf32, #tpu.memory_space<vmem>>) target(%dma_start3A_523 : memref<8x128xf32, #tpu.memory_space<hbm>>) target_semaphore(%arg17 : memref<!tpu.dma_semaphore, #tpu.memory_space<semaphore_mem>>)
      %dma_start3A_527 = arith.constant 5 : i32
      %dma_start3A_528 = arith.constant 40 : i32
      %dma_start3A_529 = arith.constant 0 : i32
      %dma_start3A_530 = tpu.memref_slice %arg11[%dma_start3A_528, %dma_start3A_529] : memref<64x129xf32, #tpu.memory_space<vmem>> -> memref<8x128xf32, #tpu.memory_space<vmem>>
      %dma_start3A_531 = arith.constant 0 : i32
      %dma_start3A_532 = arith.constant 0 : i32
      %dma_start3A_533 = tpu.memref_slice %arg4[%add3A_429, %dma_start3A_527, %add3A, %dma_start3A_531, %dma_start3A_532] : memref<200x8x32x8x128xf32, #tpu.memory_space<hbm>> -> memref<1x1x1x8x128xf32, #tpu.memory_space<hbm>>
      %dma_start3A_534 = tpu.memref_squeeze %dma_start3A_533 : memref<1x1x1x8x128xf32, #tpu.memory_space<hbm>> -> memref<8x128xf32, #tpu.memory_space<hbm>>
      %dma_start3A_535 = arith.constant 0 : i32
      %dma_start3A_536 = arith.constant 0 : i32
      %dma_start3A_537 = tpu.memref_slice %arg4[%add3A_429, %dma_start3A_527, %add3A, %dma_start3A_535, %dma_start3A_536] : memref<200x8x32x8x128xf32, #tpu.memory_space<hbm>> -> memref<1x1x1x8x128xf32, #tpu.memory_space<hbm>>
      %dma_start3A_538 = tpu.memref_squeeze %dma_start3A_537 : memref<1x1x1x8x128xf32, #tpu.memory_space<hbm>> -> memref<8x128xf32, #tpu.memory_space<hbm>>
      %dma_start3A_539 = arith.constant 40 : i32
      %dma_start3A_540 = arith.constant 0 : i32
      %dma_start3A_541 = tpu.memref_slice %arg11[%dma_start3A_539, %dma_start3A_540] : memref<64x129xf32, #tpu.memory_space<vmem>> -> memref<8x128xf32, #tpu.memory_space<vmem>>
      tpu.enqueue_dma source(%dma_start3A_541 : memref<8x128xf32, #tpu.memory_space<vmem>>) target(%dma_start3A_538 : memref<8x128xf32, #tpu.memory_space<hbm>>) target_semaphore(%arg17 : memref<!tpu.dma_semaphore, #tpu.memory_space<semaphore_mem>>)
      %dma_start3A_542 = arith.constant 6 : i32
      %dma_start3A_543 = arith.constant 48 : i32
      %dma_start3A_544 = arith.constant 0 : i32
      %dma_start3A_545 = tpu.memref_slice %arg11[%dma_start3A_543, %dma_start3A_544] : memref<64x129xf32, #tpu.memory_space<vmem>> -> memref<8x128xf32, #tpu.memory_space<vmem>>
      %dma_start3A_546 = arith.constant 0 : i32
      %dma_start3A_547 = arith.constant 0 : i32
      %dma_start3A_548 = tpu.memref_slice %arg4[%add3A_429, %dma_start3A_542, %add3A, %dma_start3A_546, %dma_start3A_547] : memref<200x8x32x8x128xf32, #tpu.memory_space<hbm>> -> memref<1x1x1x8x128xf32, #tpu.memory_space<hbm>>
      %dma_start3A_549 = tpu.memref_squeeze %dma_start3A_548 : memref<1x1x1x8x128xf32, #tpu.memory_space<hbm>> -> memref<8x128xf32, #tpu.memory_space<hbm>>
      %dma_start3A_550 = arith.constant 0 : i32
      %dma_start3A_551 = arith.constant 0 : i32
      %dma_start3A_552 = tpu.memref_slice %arg4[%add3A_429, %dma_start3A_542, %add3A, %dma_start3A_550, %dma_start3A_551] : memref<200x8x32x8x128xf32, #tpu.memory_space<hbm>> -> memref<1x1x1x8x128xf32, #tpu.memory_space<hbm>>
      %dma_start3A_553 = tpu.memref_squeeze %dma_start3A_552 : memref<1x1x1x8x128xf32, #tpu.memory_space<hbm>> -> memref<8x128xf32, #tpu.memory_space<hbm>>
      %dma_start3A_554 = arith.constant 48 : i32
      %dma_start3A_555 = arith.constant 0 : i32
      %dma_start3A_556 = tpu.memref_slice %arg11[%dma_start3A_554, %dma_start3A_555] : memref<64x129xf32, #tpu.memory_space<vmem>> -> memref<8x128xf32, #tpu.memory_space<vmem>>
      tpu.enqueue_dma source(%dma_start3A_556 : memref<8x128xf32, #tpu.memory_space<vmem>>) target(%dma_start3A_553 : memref<8x128xf32, #tpu.memory_space<hbm>>) target_semaphore(%arg17 : memref<!tpu.dma_semaphore, #tpu.memory_space<semaphore_mem>>)
      %dma_start3A_557 = arith.constant 7 : i32
      %dma_start3A_558 = arith.constant 56 : i32
      %dma_start3A_559 = arith.constant 0 : i32
      %dma_start3A_560 = tpu.memref_slice %arg11[%dma_start3A_558, %dma_start3A_559] : memref<64x129xf32, #tpu.memory_space<vmem>> -> memref<8x128xf32, #tpu.memory_space<vmem>>
      %dma_start3A_561 = arith.constant 0 : i32
      %dma_start3A_562 = arith.constant 0 : i32
      %dma_start3A_563 = tpu.memref_slice %arg4[%add3A_429, %dma_start3A_557, %add3A, %dma_start3A_561, %dma_start3A_562] : memref<200x8x32x8x128xf32, #tpu.memory_space<hbm>> -> memref<1x1x1x8x128xf32, #tpu.memory_space<hbm>>
      %dma_start3A_564 = tpu.memref_squeeze %dma_start3A_563 : memref<1x1x1x8x128xf32, #tpu.memory_space<hbm>> -> memref<8x128xf32, #tpu.memory_space<hbm>>
      %dma_start3A_565 = arith.constant 0 : i32
      %dma_start3A_566 = arith.constant 0 : i32
      %dma_start3A_567 = tpu.memref_slice %arg4[%add3A_429, %dma_start3A_557, %add3A, %dma_start3A_565, %dma_start3A_566] : memref<200x8x32x8x128xf32, #tpu.memory_space<hbm>> -> memref<1x1x1x8x128xf32, #tpu.memory_space<hbm>>
      %dma_start3A_568 = tpu.memref_squeeze %dma_start3A_567 : memref<1x1x1x8x128xf32, #tpu.memory_space<hbm>> -> memref<8x128xf32, #tpu.memory_space<hbm>>
      %dma_start3A_569 = arith.constant 56 : i32
      %dma_start3A_570 = arith.constant 0 : i32
      %dma_start3A_571 = tpu.memref_slice %arg11[%dma_start3A_569, %dma_start3A_570] : memref<64x129xf32, #tpu.memory_space<vmem>> -> memref<8x128xf32, #tpu.memory_space<vmem>>
      tpu.enqueue_dma source(%dma_start3A_571 : memref<8x128xf32, #tpu.memory_space<vmem>>) target(%dma_start3A_568 : memref<8x128xf32, #tpu.memory_space<hbm>>) target_semaphore(%arg17 : memref<!tpu.dma_semaphore, #tpu.memory_space<semaphore_mem>>)
      %add3A_572 = arith.constant 2 : i32
      %add3A_573 = arith.addi %mul3A_290, %add3A_572 : i32
      %dma_wait3A_574 = arith.constant 0 : i32
      %dma_wait3A_575 = arith.constant 0 : i32
      %dma_wait3A_576 = tpu.memref_slice %arg5[%dma_wait3A_574, %dma_wait3A_575] : memref<200x128xi32, #tpu.memory_space<vmem>> -> memref<1x128xi32, #tpu.memory_space<vmem>>
      %dma_wait3A_577 = tpu.memref_squeeze %dma_wait3A_576 : memref<1x128xi32, #tpu.memory_space<vmem>> -> memref<128xi32, #tpu.memory_space<vmem>>
      %dma_wait3A_578 = arith.constant 0 : i32
      %dma_wait3A_579 = arith.constant 0 : i32
      %dma_wait3A_580 = tpu.memref_slice %arg2[%dma_wait3A_578, %dma_wait3A_579] : memref<100000x64xf32, #tpu.memory_space<hbm>> -> memref<100000x64xf32, #tpu.memory_space<hbm>>
      tpu.wait_indirect_dma semaphore(%arg14 : memref<!tpu.dma_semaphore, #tpu.memory_space<semaphore_mem>>) src(%dma_wait3A_580 : memref<100000x64xf32, #tpu.memory_space<hbm>>) dst(%arg8 : memref<128x64xf32, #tpu.memory_space<vmem>>)
      %add3A_581 = arith.constant 2 : i32
      %add3A_582 = arith.addi %add3A_573, %add3A_581 : i32
      %lt3A_583 = arith.constant 200 : i32
      %lt3A_584 = arith.cmpi slt, %add3A_582, %lt3A_583 : i32
      %convert_element_type3A_585 = arith.extui %lt3A_584 : i1 to i32
      %cond3A_586 = arith.constant 0 : i32
      %cond3A_587 = arith.cmpi ne, %convert_element_type3A_585, %cond3A_586 : i32
      scf.if %cond3A_587 {
        %add3A_860 = arith.constant 2 : i32
        %add3A_861 = arith.addi %add3A_573, %add3A_860 : i32
        %dma_start3A_862 = arith.constant 0 : i32
        %dma_start3A_863 = tpu.memref_slice %arg5[%add3A_861, %dma_start3A_862] : memref<200x128xi32, #tpu.memory_space<vmem>> -> memref<1x128xi32, #tpu.memory_space<vmem>>
        %dma_start3A_864 = tpu.memref_squeeze %dma_start3A_863 : memref<1x128xi32, #tpu.memory_space<vmem>> -> memref<128xi32, #tpu.memory_space<vmem>>
        %dma_start3A_865 = arith.constant 0 : i32
        %dma_start3A_866 = arith.constant 0 : i32
        %dma_start3A_867 = tpu.memref_slice %arg2[%dma_start3A_865, %dma_start3A_866] : memref<100000x64xf32, #tpu.memory_space<hbm>> -> memref<100000x64xf32, #tpu.memory_space<hbm>>
        tpu.enqueue_indirect_dma source(%dma_start3A_867 : memref<100000x64xf32, #tpu.memory_space<hbm>>) target(%arg6 : memref<128x64xf32, #tpu.memory_space<vmem>>) offsets(%dma_start3A_864 : memref<128xi32, #tpu.memory_space<vmem>>) semaphore(%arg12 : memref<!tpu.dma_semaphore, #tpu.memory_space<semaphore_mem>>)
      } else {
      }
      %ge3A_588 = arith.constant 2 : i32
      %ge3A_589 = arith.cmpi sge, %add3A_573, %ge3A_588 : i32
      %convert_element_type3A_590 = arith.extui %ge3A_589 : i1 to i32
      %cond3A_591 = arith.constant 0 : i32
      %cond3A_592 = arith.cmpi ne, %convert_element_type3A_590, %cond3A_591 : i32
      scf.if %cond3A_592 {
        %dma_wait3A_860 = arith.constant 0 : i32
        %dma_wait3A_861 = arith.constant 0 : i32
        %dma_wait3A_862 = arith.constant 0 : i32
        %dma_wait3A_863 = arith.constant 0 : i32
        %dma_wait3A_864 = tpu.memref_slice %arg10[%dma_wait3A_862, %dma_wait3A_863] : memref<64x129xf32, #tpu.memory_space<vmem>> -> memref<8x128xf32, #tpu.memory_space<vmem>>
        %dma_wait3A_865 = arith.constant 0 : i32
        %dma_wait3A_866 = arith.constant 0 : i32
        %dma_wait3A_867 = tpu.memref_slice %arg4[%dma_wait3A_860, %dma_wait3A_861, %add3A, %dma_wait3A_865, %dma_wait3A_866] : memref<200x8x32x8x128xf32, #tpu.memory_space<hbm>> -> memref<1x1x1x8x128xf32, #tpu.memory_space<hbm>>
        %dma_wait3A_868 = tpu.memref_squeeze %dma_wait3A_867 : memref<1x1x1x8x128xf32, #tpu.memory_space<hbm>> -> memref<8x128xf32, #tpu.memory_space<hbm>>
        %dma_wait3A_869 = arith.constant 0 : i32
        %dma_wait3A_870 = arith.constant 0 : i32
        %dma_wait3A_871 = tpu.memref_slice %arg4[%dma_wait3A_860, %dma_wait3A_861, %add3A, %dma_wait3A_869, %dma_wait3A_870] : memref<200x8x32x8x128xf32, #tpu.memory_space<hbm>> -> memref<1x1x1x8x128xf32, #tpu.memory_space<hbm>>
        %dma_wait3A_872 = tpu.memref_squeeze %dma_wait3A_871 : memref<1x1x1x8x128xf32, #tpu.memory_space<hbm>> -> memref<8x128xf32, #tpu.memory_space<hbm>>
        %dma_wait3A_873 = arith.constant 0 : i32
        %dma_wait3A_874 = arith.constant 0 : i32
        %dma_wait3A_875 = tpu.memref_slice %arg10[%dma_wait3A_873, %dma_wait3A_874] : memref<64x129xf32, #tpu.memory_space<vmem>> -> memref<8x128xf32, #tpu.memory_space<vmem>>
        tpu.wait_dma2 semaphore(%arg16 : memref<!tpu.dma_semaphore, #tpu.memory_space<semaphore_mem>>) src(%dma_wait3A_875 : memref<8x128xf32, #tpu.memory_space<vmem>>) dst(%dma_wait3A_872 : memref<8x128xf32, #tpu.memory_space<hbm>>)
        %dma_wait3A_876 = arith.constant 0 : i32
        %dma_wait3A_877 = arith.constant 1 : i32
        %dma_wait3A_878 = arith.constant 8 : i32
        %dma_wait3A_879 = arith.constant 0 : i32
        %dma_wait3A_880 = tpu.memref_slice %arg10[%dma_wait3A_878, %dma_wait3A_879] : memref<64x129xf32, #tpu.memory_space<vmem>> -> memref<8x128xf32, #tpu.memory_space<vmem>>
        %dma_wait3A_881 = arith.constant 0 : i32
        %dma_wait3A_882 = arith.constant 0 : i32
        %dma_wait3A_883 = tpu.memref_slice %arg4[%dma_wait3A_876, %dma_wait3A_877, %add3A, %dma_wait3A_881, %dma_wait3A_882] : memref<200x8x32x8x128xf32, #tpu.memory_space<hbm>> -> memref<1x1x1x8x128xf32, #tpu.memory_space<hbm>>
        %dma_wait3A_884 = tpu.memref_squeeze %dma_wait3A_883 : memref<1x1x1x8x128xf32, #tpu.memory_space<hbm>> -> memref<8x128xf32, #tpu.memory_space<hbm>>
        %dma_wait3A_885 = arith.constant 0 : i32
        %dma_wait3A_886 = arith.constant 0 : i32
        %dma_wait3A_887 = tpu.memref_slice %arg4[%dma_wait3A_876, %dma_wait3A_877, %add3A, %dma_wait3A_885, %dma_wait3A_886] : memref<200x8x32x8x128xf32, #tpu.memory_space<hbm>> -> memref<1x1x1x8x128xf32, #tpu.memory_space<hbm>>
        %dma_wait3A_888 = tpu.memref_squeeze %dma_wait3A_887 : memref<1x1x1x8x128xf32, #tpu.memory_space<hbm>> -> memref<8x128xf32, #tpu.memory_space<hbm>>
        %dma_wait3A_889 = arith.constant 8 : i32
        %dma_wait3A_890 = arith.constant 0 : i32
        %dma_wait3A_891 = tpu.memref_slice %arg10[%dma_wait3A_889, %dma_wait3A_890] : memref<64x129xf32, #tpu.memory_space<vmem>> -> memref<8x128xf32, #tpu.memory_space<vmem>>
        tpu.wait_dma2 semaphore(%arg16 : memref<!tpu.dma_semaphore, #tpu.memory_space<semaphore_mem>>) src(%dma_wait3A_891 : memref<8x128xf32, #tpu.memory_space<vmem>>) dst(%dma_wait3A_888 : memref<8x128xf32, #tpu.memory_space<hbm>>)
        %dma_wait3A_892 = arith.constant 0 : i32
        %dma_wait3A_893 = arith.constant 2 : i32
        %dma_wait3A_894 = arith.constant 16 : i32
        %dma_wait3A_895 = arith.constant 0 : i32
        %dma_wait3A_896 = tpu.memref_slice %arg10[%dma_wait3A_894, %dma_wait3A_895] : memref<64x129xf32, #tpu.memory_space<vmem>> -> memref<8x128xf32, #tpu.memory_space<vmem>>
        %dma_wait3A_897 = arith.constant 0 : i32
        %dma_wait3A_898 = arith.constant 0 : i32
        %dma_wait3A_899 = tpu.memref_slice %arg4[%dma_wait3A_892, %dma_wait3A_893, %add3A, %dma_wait3A_897, %dma_wait3A_898] : memref<200x8x32x8x128xf32, #tpu.memory_space<hbm>> -> memref<1x1x1x8x128xf32, #tpu.memory_space<hbm>>
        %dma_wait3A_900 = tpu.memref_squeeze %dma_wait3A_899 : memref<1x1x1x8x128xf32, #tpu.memory_space<hbm>> -> memref<8x128xf32, #tpu.memory_space<hbm>>
        %dma_wait3A_901 = arith.constant 0 : i32
        %dma_wait3A_902 = arith.constant 0 : i32
        %dma_wait3A_903 = tpu.memref_slice %arg4[%dma_wait3A_892, %dma_wait3A_893, %add3A, %dma_wait3A_901, %dma_wait3A_902] : memref<200x8x32x8x128xf32, #tpu.memory_space<hbm>> -> memref<1x1x1x8x128xf32, #tpu.memory_space<hbm>>
        %dma_wait3A_904 = tpu.memref_squeeze %dma_wait3A_903 : memref<1x1x1x8x128xf32, #tpu.memory_space<hbm>> -> memref<8x128xf32, #tpu.memory_space<hbm>>
        %dma_wait3A_905 = arith.constant 16 : i32
        %dma_wait3A_906 = arith.constant 0 : i32
        %dma_wait3A_907 = tpu.memref_slice %arg10[%dma_wait3A_905, %dma_wait3A_906] : memref<64x129xf32, #tpu.memory_space<vmem>> -> memref<8x128xf32, #tpu.memory_space<vmem>>
        tpu.wait_dma2 semaphore(%arg16 : memref<!tpu.dma_semaphore, #tpu.memory_space<semaphore_mem>>) src(%dma_wait3A_907 : memref<8x128xf32, #tpu.memory_space<vmem>>) dst(%dma_wait3A_904 : memref<8x128xf32, #tpu.memory_space<hbm>>)
        %dma_wait3A_908 = arith.constant 0 : i32
        %dma_wait3A_909 = arith.constant 3 : i32
        %dma_wait3A_910 = arith.constant 24 : i32
        %dma_wait3A_911 = arith.constant 0 : i32
        %dma_wait3A_912 = tpu.memref_slice %arg10[%dma_wait3A_910, %dma_wait3A_911] : memref<64x129xf32, #tpu.memory_space<vmem>> -> memref<8x128xf32, #tpu.memory_space<vmem>>
        %dma_wait3A_913 = arith.constant 0 : i32
        %dma_wait3A_914 = arith.constant 0 : i32
        %dma_wait3A_915 = tpu.memref_slice %arg4[%dma_wait3A_908, %dma_wait3A_909, %add3A, %dma_wait3A_913, %dma_wait3A_914] : memref<200x8x32x8x128xf32, #tpu.memory_space<hbm>> -> memref<1x1x1x8x128xf32, #tpu.memory_space<hbm>>
        %dma_wait3A_916 = tpu.memref_squeeze %dma_wait3A_915 : memref<1x1x1x8x128xf32, #tpu.memory_space<hbm>> -> memref<8x128xf32, #tpu.memory_space<hbm>>
        %dma_wait3A_917 = arith.constant 0 : i32
        %dma_wait3A_918 = arith.constant 0 : i32
        %dma_wait3A_919 = tpu.memref_slice %arg4[%dma_wait3A_908, %dma_wait3A_909, %add3A, %dma_wait3A_917, %dma_wait3A_918] : memref<200x8x32x8x128xf32, #tpu.memory_space<hbm>> -> memref<1x1x1x8x128xf32, #tpu.memory_space<hbm>>
        %dma_wait3A_920 = tpu.memref_squeeze %dma_wait3A_919 : memref<1x1x1x8x128xf32, #tpu.memory_space<hbm>> -> memref<8x128xf32, #tpu.memory_space<hbm>>
        %dma_wait3A_921 = arith.constant 24 : i32
        %dma_wait3A_922 = arith.constant 0 : i32
        %dma_wait3A_923 = tpu.memref_slice %arg10[%dma_wait3A_921, %dma_wait3A_922] : memref<64x129xf32, #tpu.memory_space<vmem>> -> memref<8x128xf32, #tpu.memory_space<vmem>>
        tpu.wait_dma2 semaphore(%arg16 : memref<!tpu.dma_semaphore, #tpu.memory_space<semaphore_mem>>) src(%dma_wait3A_923 : memref<8x128xf32, #tpu.memory_space<vmem>>) dst(%dma_wait3A_920 : memref<8x128xf32, #tpu.memory_space<hbm>>)
        %dma_wait3A_924 = arith.constant 0 : i32
        %dma_wait3A_925 = arith.constant 4 : i32
        %dma_wait3A_926 = arith.constant 32 : i32
        %dma_wait3A_927 = arith.constant 0 : i32
        %dma_wait3A_928 = tpu.memref_slice %arg10[%dma_wait3A_926, %dma_wait3A_927] : memref<64x129xf32, #tpu.memory_space<vmem>> -> memref<8x128xf32, #tpu.memory_space<vmem>>
        %dma_wait3A_929 = arith.constant 0 : i32
        %dma_wait3A_930 = arith.constant 0 : i32
        %dma_wait3A_931 = tpu.memref_slice %arg4[%dma_wait3A_924, %dma_wait3A_925, %add3A, %dma_wait3A_929, %dma_wait3A_930] : memref<200x8x32x8x128xf32, #tpu.memory_space<hbm>> -> memref<1x1x1x8x128xf32, #tpu.memory_space<hbm>>
        %dma_wait3A_932 = tpu.memref_squeeze %dma_wait3A_931 : memref<1x1x1x8x128xf32, #tpu.memory_space<hbm>> -> memref<8x128xf32, #tpu.memory_space<hbm>>
        %dma_wait3A_933 = arith.constant 0 : i32
        %dma_wait3A_934 = arith.constant 0 : i32
        %dma_wait3A_935 = tpu.memref_slice %arg4[%dma_wait3A_924, %dma_wait3A_925, %add3A, %dma_wait3A_933, %dma_wait3A_934] : memref<200x8x32x8x128xf32, #tpu.memory_space<hbm>> -> memref<1x1x1x8x128xf32, #tpu.memory_space<hbm>>
        %dma_wait3A_936 = tpu.memref_squeeze %dma_wait3A_935 : memref<1x1x1x8x128xf32, #tpu.memory_space<hbm>> -> memref<8x128xf32, #tpu.memory_space<hbm>>
        %dma_wait3A_937 = arith.constant 32 : i32
        %dma_wait3A_938 = arith.constant 0 : i32
        %dma_wait3A_939 = tpu.memref_slice %arg10[%dma_wait3A_937, %dma_wait3A_938] : memref<64x129xf32, #tpu.memory_space<vmem>> -> memref<8x128xf32, #tpu.memory_space<vmem>>
        tpu.wait_dma2 semaphore(%arg16 : memref<!tpu.dma_semaphore, #tpu.memory_space<semaphore_mem>>) src(%dma_wait3A_939 : memref<8x128xf32, #tpu.memory_space<vmem>>) dst(%dma_wait3A_936 : memref<8x128xf32, #tpu.memory_space<hbm>>)
        %dma_wait3A_940 = arith.constant 0 : i32
        %dma_wait3A_941 = arith.constant 5 : i32
        %dma_wait3A_942 = arith.constant 40 : i32
        %dma_wait3A_943 = arith.constant 0 : i32
        %dma_wait3A_944 = tpu.memref_slice %arg10[%dma_wait3A_942, %dma_wait3A_943] : memref<64x129xf32, #tpu.memory_space<vmem>> -> memref<8x128xf32, #tpu.memory_space<vmem>>
        %dma_wait3A_945 = arith.constant 0 : i32
        %dma_wait3A_946 = arith.constant 0 : i32
        %dma_wait3A_947 = tpu.memref_slice %arg4[%dma_wait3A_940, %dma_wait3A_941, %add3A, %dma_wait3A_945, %dma_wait3A_946] : memref<200x8x32x8x128xf32, #tpu.memory_space<hbm>> -> memref<1x1x1x8x128xf32, #tpu.memory_space<hbm>>
        %dma_wait3A_948 = tpu.memref_squeeze %dma_wait3A_947 : memref<1x1x1x8x128xf32, #tpu.memory_space<hbm>> -> memref<8x128xf32, #tpu.memory_space<hbm>>
        %dma_wait3A_949 = arith.constant 0 : i32
        %dma_wait3A_950 = arith.constant 0 : i32
        %dma_wait3A_951 = tpu.memref_slice %arg4[%dma_wait3A_940, %dma_wait3A_941, %add3A, %dma_wait3A_949, %dma_wait3A_950] : memref<200x8x32x8x128xf32, #tpu.memory_space<hbm>> -> memref<1x1x1x8x128xf32, #tpu.memory_space<hbm>>
        %dma_wait3A_952 = tpu.memref_squeeze %dma_wait3A_951 : memref<1x1x1x8x128xf32, #tpu.memory_space<hbm>> -> memref<8x128xf32, #tpu.memory_space<hbm>>
        %dma_wait3A_953 = arith.constant 40 : i32
        %dma_wait3A_954 = arith.constant 0 : i32
        %dma_wait3A_955 = tpu.memref_slice %arg10[%dma_wait3A_953, %dma_wait3A_954] : memref<64x129xf32, #tpu.memory_space<vmem>> -> memref<8x128xf32, #tpu.memory_space<vmem>>
        tpu.wait_dma2 semaphore(%arg16 : memref<!tpu.dma_semaphore, #tpu.memory_space<semaphore_mem>>) src(%dma_wait3A_955 : memref<8x128xf32, #tpu.memory_space<vmem>>) dst(%dma_wait3A_952 : memref<8x128xf32, #tpu.memory_space<hbm>>)
        %dma_wait3A_956 = arith.constant 0 : i32
        %dma_wait3A_957 = arith.constant 6 : i32
        %dma_wait3A_958 = arith.constant 48 : i32
        %dma_wait3A_959 = arith.constant 0 : i32
        %dma_wait3A_960 = tpu.memref_slice %arg10[%dma_wait3A_958, %dma_wait3A_959] : memref<64x129xf32, #tpu.memory_space<vmem>> -> memref<8x128xf32, #tpu.memory_space<vmem>>
        %dma_wait3A_961 = arith.constant 0 : i32
        %dma_wait3A_962 = arith.constant 0 : i32
        %dma_wait3A_963 = tpu.memref_slice %arg4[%dma_wait3A_956, %dma_wait3A_957, %add3A, %dma_wait3A_961, %dma_wait3A_962] : memref<200x8x32x8x128xf32, #tpu.memory_space<hbm>> -> memref<1x1x1x8x128xf32, #tpu.memory_space<hbm>>
        %dma_wait3A_964 = tpu.memref_squeeze %dma_wait3A_963 : memref<1x1x1x8x128xf32, #tpu.memory_space<hbm>> -> memref<8x128xf32, #tpu.memory_space<hbm>>
        %dma_wait3A_965 = arith.constant 0 : i32
        %dma_wait3A_966 = arith.constant 0 : i32
        %dma_wait3A_967 = tpu.memref_slice %arg4[%dma_wait3A_956, %dma_wait3A_957, %add3A, %dma_wait3A_965, %dma_wait3A_966] : memref<200x8x32x8x128xf32, #tpu.memory_space<hbm>> -> memref<1x1x1x8x128xf32, #tpu.memory_space<hbm>>
        %dma_wait3A_968 = tpu.memref_squeeze %dma_wait3A_967 : memref<1x1x1x8x128xf32, #tpu.memory_space<hbm>> -> memref<8x128xf32, #tpu.memory_space<hbm>>
        %dma_wait3A_969 = arith.constant 48 : i32
        %dma_wait3A_970 = arith.constant 0 : i32
        %dma_wait3A_971 = tpu.memref_slice %arg10[%dma_wait3A_969, %dma_wait3A_970] : memref<64x129xf32, #tpu.memory_space<vmem>> -> memref<8x128xf32, #tpu.memory_space<vmem>>
        tpu.wait_dma2 semaphore(%arg16 : memref<!tpu.dma_semaphore, #tpu.memory_space<semaphore_mem>>) src(%dma_wait3A_971 : memref<8x128xf32, #tpu.memory_space<vmem>>) dst(%dma_wait3A_968 : memref<8x128xf32, #tpu.memory_space<hbm>>)
        %dma_wait3A_972 = arith.constant 0 : i32
        %dma_wait3A_973 = arith.constant 7 : i32
        %dma_wait3A_974 = arith.constant 56 : i32
        %dma_wait3A_975 = arith.constant 0 : i32
        %dma_wait3A_976 = tpu.memref_slice %arg10[%dma_wait3A_974, %dma_wait3A_975] : memref<64x129xf32, #tpu.memory_space<vmem>> -> memref<8x128xf32, #tpu.memory_space<vmem>>
        %dma_wait3A_977 = arith.constant 0 : i32
        %dma_wait3A_978 = arith.constant 0 : i32
        %dma_wait3A_979 = tpu.memref_slice %arg4[%dma_wait3A_972, %dma_wait3A_973, %add3A, %dma_wait3A_977, %dma_wait3A_978] : memref<200x8x32x8x128xf32, #tpu.memory_space<hbm>> -> memref<1x1x1x8x128xf32, #tpu.memory_space<hbm>>
        %dma_wait3A_980 = tpu.memref_squeeze %dma_wait3A_979 : memref<1x1x1x8x128xf32, #tpu.memory_space<hbm>> -> memref<8x128xf32, #tpu.memory_space<hbm>>
        %dma_wait3A_981 = arith.constant 0 : i32
        %dma_wait3A_982 = arith.constant 0 : i32
        %dma_wait3A_983 = tpu.memref_slice %arg4[%dma_wait3A_972, %dma_wait3A_973, %add3A, %dma_wait3A_981, %dma_wait3A_982] : memref<200x8x32x8x128xf32, #tpu.memory_space<hbm>> -> memref<1x1x1x8x128xf32, #tpu.memory_space<hbm>>
        %dma_wait3A_984 = tpu.memref_squeeze %dma_wait3A_983 : memref<1x1x1x8x128xf32, #tpu.memory_space<hbm>> -> memref<8x128xf32, #tpu.memory_space<hbm>>
        %dma_wait3A_985 = arith.constant 56 : i32
        %dma_wait3A_986 = arith.constant 0 : i32
        %dma_wait3A_987 = tpu.memref_slice %arg10[%dma_wait3A_985, %dma_wait3A_986] : memref<64x129xf32, #tpu.memory_space<vmem>> -> memref<8x128xf32, #tpu.memory_space<vmem>>
        tpu.wait_dma2 semaphore(%arg16 : memref<!tpu.dma_semaphore, #tpu.memory_space<semaphore_mem>>) src(%dma_wait3A_987 : memref<8x128xf32, #tpu.memory_space<vmem>>) dst(%dma_wait3A_984 : memref<8x128xf32, #tpu.memory_space<hbm>>)
      } else {
      }
      %parallel_loop3A_593 = arith.constant 0 : i32
      %parallel_loop3A_594 = arith.constant 128 : i32
      %parallel_loop3A_595 = arith.constant 1 : i32
      scf.for %parallel_loop3A_860 = %parallel_loop3A_593 to %parallel_loop3A_594 step %parallel_loop3A_595  : i32 {
        %parallel_loop3A_861 = vector.broadcast %parallel_loop3A_860 : i32 to vector<16xi32>
        %parallel_loop3A_862 = arith.index_cast %parallel_loop3A_860 : i32 to index
        %parallel_loop3A_863 = arith.constant 0 : index
        %parallel_loop3A_864 = tpu.vector_load %arg8[%parallel_loop3A_862, %parallel_loop3A_863] {strides = array<i32>} : memref<128x64xf32, #tpu.memory_space<vmem>>, vector<16xf32>,
        tpu.vector_store_idx %arg10[%add3A_5, %parallel_loop3A_861], %parallel_loop3A_864 : memref<64x129xf32, #tpu.memory_space<vmem>>[vector<16xi32>, vector<16xi32>], vector<16xf32>,
        %parallel_loop3A_865 = arith.index_cast %parallel_loop3A_860 : i32 to index
        %parallel_loop3A_866 = arith.constant 16 : index
        %parallel_loop3A_867 = tpu.vector_load %arg8[%parallel_loop3A_865, %parallel_loop3A_866] {strides = array<i32>} : memref<128x64xf32, #tpu.memory_space<vmem>>, vector<16xf32>,
        tpu.vector_store_idx %arg10[%add3A_8, %parallel_loop3A_861], %parallel_loop3A_867 : memref<64x129xf32, #tpu.memory_space<vmem>>[vector<16xi32>, vector<16xi32>], vector<16xf32>,
        %parallel_loop3A_868 = arith.index_cast %parallel_loop3A_860 : i32 to index
        %parallel_loop3A_869 = arith.constant 32 : index
        %parallel_loop3A_870 = tpu.vector_load %arg8[%parallel_loop3A_868, %parallel_loop3A_869] {strides = array<i32>} : memref<128x64xf32, #tpu.memory_space<vmem>>, vector<16xf32>,
        tpu.vector_store_idx %arg10[%add3A_11, %parallel_loop3A_861], %parallel_loop3A_870 : memref<64x129xf32, #tpu.memory_space<vmem>>[vector<16xi32>, vector<16xi32>], vector<16xf32>,
        %parallel_loop3A_871 = arith.index_cast %parallel_loop3A_860 : i32 to index
        %parallel_loop3A_872 = arith.constant 48 : index
        %parallel_loop3A_873 = tpu.vector_load %arg8[%parallel_loop3A_871, %parallel_loop3A_872] {strides = array<i32>} : memref<128x64xf32, #tpu.memory_space<vmem>>, vector<16xf32>,
        tpu.vector_store_idx %arg10[%add3A_14, %parallel_loop3A_861], %parallel_loop3A_873 : memref<64x129xf32, #tpu.memory_space<vmem>>[vector<16xi32>, vector<16xi32>], vector<16xf32>,
      } {sc.loop_unroll_factor = 8 : i64, sc.parallel_access}
      %dma_start3A_596 = arith.constant 0 : i32
      %dma_start3A_597 = arith.constant 0 : i32
      %dma_start3A_598 = arith.constant 0 : i32
      %dma_start3A_599 = tpu.memref_slice %arg10[%dma_start3A_597, %dma_start3A_598] : memref<64x129xf32, #tpu.memory_space<vmem>> -> memref<8x128xf32, #tpu.memory_space<vmem>>
      %dma_start3A_600 = arith.constant 0 : i32
      %dma_start3A_601 = arith.constant 0 : i32
      %dma_start3A_602 = tpu.memref_slice %arg4[%add3A_573, %dma_start3A_596, %add3A, %dma_start3A_600, %dma_start3A_601] : memref<200x8x32x8x128xf32, #tpu.memory_space<hbm>> -> memref<1x1x1x8x128xf32, #tpu.memory_space<hbm>>
      %dma_start3A_603 = tpu.memref_squeeze %dma_start3A_602 : memref<1x1x1x8x128xf32, #tpu.memory_space<hbm>> -> memref<8x128xf32, #tpu.memory_space<hbm>>
      %dma_start3A_604 = arith.constant 0 : i32
      %dma_start3A_605 = arith.constant 0 : i32
      %dma_start3A_606 = tpu.memref_slice %arg4[%add3A_573, %dma_start3A_596, %add3A, %dma_start3A_604, %dma_start3A_605] : memref<200x8x32x8x128xf32, #tpu.memory_space<hbm>> -> memref<1x1x1x8x128xf32, #tpu.memory_space<hbm>>
      %dma_start3A_607 = tpu.memref_squeeze %dma_start3A_606 : memref<1x1x1x8x128xf32, #tpu.memory_space<hbm>> -> memref<8x128xf32, #tpu.memory_space<hbm>>
      %dma_start3A_608 = arith.constant 0 : i32
      %dma_start3A_609 = arith.constant 0 : i32
      %dma_start3A_610 = tpu.memref_slice %arg10[%dma_start3A_608, %dma_start3A_609] : memref<64x129xf32, #tpu.memory_space<vmem>> -> memref<8x128xf32, #tpu.memory_space<vmem>>
      tpu.enqueue_dma source(%dma_start3A_610 : memref<8x128xf32, #tpu.memory_space<vmem>>) target(%dma_start3A_607 : memref<8x128xf32, #tpu.memory_space<hbm>>) target_semaphore(%arg16 : memref<!tpu.dma_semaphore, #tpu.memory_space<semaphore_mem>>)
      %dma_start3A_611 = arith.constant 1 : i32
      %dma_start3A_612 = arith.constant 8 : i32
      %dma_start3A_613 = arith.constant 0 : i32
      %dma_start3A_614 = tpu.memref_slice %arg10[%dma_start3A_612, %dma_start3A_613] : memref<64x129xf32, #tpu.memory_space<vmem>> -> memref<8x128xf32, #tpu.memory_space<vmem>>
      %dma_start3A_615 = arith.constant 0 : i32
      %dma_start3A_616 = arith.constant 0 : i32
      %dma_start3A_617 = tpu.memref_slice %arg4[%add3A_573, %dma_start3A_611, %add3A, %dma_start3A_615, %dma_start3A_616] : memref<200x8x32x8x128xf32, #tpu.memory_space<hbm>> -> memref<1x1x1x8x128xf32, #tpu.memory_space<hbm>>
      %dma_start3A_618 = tpu.memref_squeeze %dma_start3A_617 : memref<1x1x1x8x128xf32, #tpu.memory_space<hbm>> -> memref<8x128xf32, #tpu.memory_space<hbm>>
      %dma_start3A_619 = arith.constant 0 : i32
      %dma_start3A_620 = arith.constant 0 : i32
      %dma_start3A_621 = tpu.memref_slice %arg4[%add3A_573, %dma_start3A_611, %add3A, %dma_start3A_619, %dma_start3A_620] : memref<200x8x32x8x128xf32, #tpu.memory_space<hbm>> -> memref<1x1x1x8x128xf32, #tpu.memory_space<hbm>>
      %dma_start3A_622 = tpu.memref_squeeze %dma_start3A_621 : memref<1x1x1x8x128xf32, #tpu.memory_space<hbm>> -> memref<8x128xf32, #tpu.memory_space<hbm>>
      %dma_start3A_623 = arith.constant 8 : i32
      %dma_start3A_624 = arith.constant 0 : i32
      %dma_start3A_625 = tpu.memref_slice %arg10[%dma_start3A_623, %dma_start3A_624] : memref<64x129xf32, #tpu.memory_space<vmem>> -> memref<8x128xf32, #tpu.memory_space<vmem>>
      tpu.enqueue_dma source(%dma_start3A_625 : memref<8x128xf32, #tpu.memory_space<vmem>>) target(%dma_start3A_622 : memref<8x128xf32, #tpu.memory_space<hbm>>) target_semaphore(%arg16 : memref<!tpu.dma_semaphore, #tpu.memory_space<semaphore_mem>>)
      %dma_start3A_626 = arith.constant 2 : i32
      %dma_start3A_627 = arith.constant 16 : i32
      %dma_start3A_628 = arith.constant 0 : i32
      %dma_start3A_629 = tpu.memref_slice %arg10[%dma_start3A_627, %dma_start3A_628] : memref<64x129xf32, #tpu.memory_space<vmem>> -> memref<8x128xf32, #tpu.memory_space<vmem>>
      %dma_start3A_630 = arith.constant 0 : i32
      %dma_start3A_631 = arith.constant 0 : i32
      %dma_start3A_632 = tpu.memref_slice %arg4[%add3A_573, %dma_start3A_626, %add3A, %dma_start3A_630, %dma_start3A_631] : memref<200x8x32x8x128xf32, #tpu.memory_space<hbm>> -> memref<1x1x1x8x128xf32, #tpu.memory_space<hbm>>
      %dma_start3A_633 = tpu.memref_squeeze %dma_start3A_632 : memref<1x1x1x8x128xf32, #tpu.memory_space<hbm>> -> memref<8x128xf32, #tpu.memory_space<hbm>>
      %dma_start3A_634 = arith.constant 0 : i32
      %dma_start3A_635 = arith.constant 0 : i32
      %dma_start3A_636 = tpu.memref_slice %arg4[%add3A_573, %dma_start3A_626, %add3A, %dma_start3A_634, %dma_start3A_635] : memref<200x8x32x8x128xf32, #tpu.memory_space<hbm>> -> memref<1x1x1x8x128xf32, #tpu.memory_space<hbm>>
      %dma_start3A_637 = tpu.memref_squeeze %dma_start3A_636 : memref<1x1x1x8x128xf32, #tpu.memory_space<hbm>> -> memref<8x128xf32, #tpu.memory_space<hbm>>
      %dma_start3A_638 = arith.constant 16 : i32
      %dma_start3A_639 = arith.constant 0 : i32
      %dma_start3A_640 = tpu.memref_slice %arg10[%dma_start3A_638, %dma_start3A_639] : memref<64x129xf32, #tpu.memory_space<vmem>> -> memref<8x128xf32, #tpu.memory_space<vmem>>
      tpu.enqueue_dma source(%dma_start3A_640 : memref<8x128xf32, #tpu.memory_space<vmem>>) target(%dma_start3A_637 : memref<8x128xf32, #tpu.memory_space<hbm>>) target_semaphore(%arg16 : memref<!tpu.dma_semaphore, #tpu.memory_space<semaphore_mem>>)
      %dma_start3A_641 = arith.constant 3 : i32
      %dma_start3A_642 = arith.constant 24 : i32
      %dma_start3A_643 = arith.constant 0 : i32
      %dma_start3A_644 = tpu.memref_slice %arg10[%dma_start3A_642, %dma_start3A_643] : memref<64x129xf32, #tpu.memory_space<vmem>> -> memref<8x128xf32, #tpu.memory_space<vmem>>
      %dma_start3A_645 = arith.constant 0 : i32
      %dma_start3A_646 = arith.constant 0 : i32
      %dma_start3A_647 = tpu.memref_slice %arg4[%add3A_573, %dma_start3A_641, %add3A, %dma_start3A_645, %dma_start3A_646] : memref<200x8x32x8x128xf32, #tpu.memory_space<hbm>> -> memref<1x1x1x8x128xf32, #tpu.memory_space<hbm>>
      %dma_start3A_648 = tpu.memref_squeeze %dma_start3A_647 : memref<1x1x1x8x128xf32, #tpu.memory_space<hbm>> -> memref<8x128xf32, #tpu.memory_space<hbm>>
      %dma_start3A_649 = arith.constant 0 : i32
      %dma_start3A_650 = arith.constant 0 : i32
      %dma_start3A_651 = tpu.memref_slice %arg4[%add3A_573, %dma_start3A_641, %add3A, %dma_start3A_649, %dma_start3A_650] : memref<200x8x32x8x128xf32, #tpu.memory_space<hbm>> -> memref<1x1x1x8x128xf32, #tpu.memory_space<hbm>>
      %dma_start3A_652 = tpu.memref_squeeze %dma_start3A_651 : memref<1x1x1x8x128xf32, #tpu.memory_space<hbm>> -> memref<8x128xf32, #tpu.memory_space<hbm>>
      %dma_start3A_653 = arith.constant 24 : i32
      %dma_start3A_654 = arith.constant 0 : i32
      %dma_start3A_655 = tpu.memref_slice %arg10[%dma_start3A_653, %dma_start3A_654] : memref<64x129xf32, #tpu.memory_space<vmem>> -> memref<8x128xf32, #tpu.memory_space<vmem>>
      tpu.enqueue_dma source(%dma_start3A_655 : memref<8x128xf32, #tpu.memory_space<vmem>>) target(%dma_start3A_652 : memref<8x128xf32, #tpu.memory_space<hbm>>) target_semaphore(%arg16 : memref<!tpu.dma_semaphore, #tpu.memory_space<semaphore_mem>>)
      %dma_start3A_656 = arith.constant 4 : i32
      %dma_start3A_657 = arith.constant 32 : i32
      %dma_start3A_658 = arith.constant 0 : i32
      %dma_start3A_659 = tpu.memref_slice %arg10[%dma_start3A_657, %dma_start3A_658] : memref<64x129xf32, #tpu.memory_space<vmem>> -> memref<8x128xf32, #tpu.memory_space<vmem>>
      %dma_start3A_660 = arith.constant 0 : i32
      %dma_start3A_661 = arith.constant 0 : i32
      %dma_start3A_662 = tpu.memref_slice %arg4[%add3A_573, %dma_start3A_656, %add3A, %dma_start3A_660, %dma_start3A_661] : memref<200x8x32x8x128xf32, #tpu.memory_space<hbm>> -> memref<1x1x1x8x128xf32, #tpu.memory_space<hbm>>
      %dma_start3A_663 = tpu.memref_squeeze %dma_start3A_662 : memref<1x1x1x8x128xf32, #tpu.memory_space<hbm>> -> memref<8x128xf32, #tpu.memory_space<hbm>>
      %dma_start3A_664 = arith.constant 0 : i32
      %dma_start3A_665 = arith.constant 0 : i32
      %dma_start3A_666 = tpu.memref_slice %arg4[%add3A_573, %dma_start3A_656, %add3A, %dma_start3A_664, %dma_start3A_665] : memref<200x8x32x8x128xf32, #tpu.memory_space<hbm>> -> memref<1x1x1x8x128xf32, #tpu.memory_space<hbm>>
      %dma_start3A_667 = tpu.memref_squeeze %dma_start3A_666 : memref<1x1x1x8x128xf32, #tpu.memory_space<hbm>> -> memref<8x128xf32, #tpu.memory_space<hbm>>
      %dma_start3A_668 = arith.constant 32 : i32
      %dma_start3A_669 = arith.constant 0 : i32
      %dma_start3A_670 = tpu.memref_slice %arg10[%dma_start3A_668, %dma_start3A_669] : memref<64x129xf32, #tpu.memory_space<vmem>> -> memref<8x128xf32, #tpu.memory_space<vmem>>
      tpu.enqueue_dma source(%dma_start3A_670 : memref<8x128xf32, #tpu.memory_space<vmem>>) target(%dma_start3A_667 : memref<8x128xf32, #tpu.memory_space<hbm>>) target_semaphore(%arg16 : memref<!tpu.dma_semaphore, #tpu.memory_space<semaphore_mem>>)
      %dma_start3A_671 = arith.constant 5 : i32
      %dma_start3A_672 = arith.constant 40 : i32
      %dma_start3A_673 = arith.constant 0 : i32
      %dma_start3A_674 = tpu.memref_slice %arg10[%dma_start3A_672, %dma_start3A_673] : memref<64x129xf32, #tpu.memory_space<vmem>> -> memref<8x128xf32, #tpu.memory_space<vmem>>
      %dma_start3A_675 = arith.constant 0 : i32
      %dma_start3A_676 = arith.constant 0 : i32
      %dma_start3A_677 = tpu.memref_slice %arg4[%add3A_573, %dma_start3A_671, %add3A, %dma_start3A_675, %dma_start3A_676] : memref<200x8x32x8x128xf32, #tpu.memory_space<hbm>> -> memref<1x1x1x8x128xf32, #tpu.memory_space<hbm>>
      %dma_start3A_678 = tpu.memref_squeeze %dma_start3A_677 : memref<1x1x1x8x128xf32, #tpu.memory_space<hbm>> -> memref<8x128xf32, #tpu.memory_space<hbm>>
      %dma_start3A_679 = arith.constant 0 : i32
      %dma_start3A_680 = arith.constant 0 : i32
      %dma_start3A_681 = tpu.memref_slice %arg4[%add3A_573, %dma_start3A_671, %add3A, %dma_start3A_679, %dma_start3A_680] : memref<200x8x32x8x128xf32, #tpu.memory_space<hbm>> -> memref<1x1x1x8x128xf32, #tpu.memory_space<hbm>>
      %dma_start3A_682 = tpu.memref_squeeze %dma_start3A_681 : memref<1x1x1x8x128xf32, #tpu.memory_space<hbm>> -> memref<8x128xf32, #tpu.memory_space<hbm>>
      %dma_start3A_683 = arith.constant 40 : i32
      %dma_start3A_684 = arith.constant 0 : i32
      %dma_start3A_685 = tpu.memref_slice %arg10[%dma_start3A_683, %dma_start3A_684] : memref<64x129xf32, #tpu.memory_space<vmem>> -> memref<8x128xf32, #tpu.memory_space<vmem>>
      tpu.enqueue_dma source(%dma_start3A_685 : memref<8x128xf32, #tpu.memory_space<vmem>>) target(%dma_start3A_682 : memref<8x128xf32, #tpu.memory_space<hbm>>) target_semaphore(%arg16 : memref<!tpu.dma_semaphore, #tpu.memory_space<semaphore_mem>>)
      %dma_start3A_686 = arith.constant 6 : i32
      %dma_start3A_687 = arith.constant 48 : i32
      %dma_start3A_688 = arith.constant 0 : i32
      %dma_start3A_689 = tpu.memref_slice %arg10[%dma_start3A_687, %dma_start3A_688] : memref<64x129xf32, #tpu.memory_space<vmem>> -> memref<8x128xf32, #tpu.memory_space<vmem>>
      %dma_start3A_690 = arith.constant 0 : i32
      %dma_start3A_691 = arith.constant 0 : i32
      %dma_start3A_692 = tpu.memref_slice %arg4[%add3A_573, %dma_start3A_686, %add3A, %dma_start3A_690, %dma_start3A_691] : memref<200x8x32x8x128xf32, #tpu.memory_space<hbm>> -> memref<1x1x1x8x128xf32, #tpu.memory_space<hbm>>
      %dma_start3A_693 = tpu.memref_squeeze %dma_start3A_692 : memref<1x1x1x8x128xf32, #tpu.memory_space<hbm>> -> memref<8x128xf32, #tpu.memory_space<hbm>>
      %dma_start3A_694 = arith.constant 0 : i32
      %dma_start3A_695 = arith.constant 0 : i32
      %dma_start3A_696 = tpu.memref_slice %arg4[%add3A_573, %dma_start3A_686, %add3A, %dma_start3A_694, %dma_start3A_695] : memref<200x8x32x8x128xf32, #tpu.memory_space<hbm>> -> memref<1x1x1x8x128xf32, #tpu.memory_space<hbm>>
      %dma_start3A_697 = tpu.memref_squeeze %dma_start3A_696 : memref<1x1x1x8x128xf32, #tpu.memory_space<hbm>> -> memref<8x128xf32, #tpu.memory_space<hbm>>
      %dma_start3A_698 = arith.constant 48 : i32
      %dma_start3A_699 = arith.constant 0 : i32
      %dma_start3A_700 = tpu.memref_slice %arg10[%dma_start3A_698, %dma_start3A_699] : memref<64x129xf32, #tpu.memory_space<vmem>> -> memref<8x128xf32, #tpu.memory_space<vmem>>
      tpu.enqueue_dma source(%dma_start3A_700 : memref<8x128xf32, #tpu.memory_space<vmem>>) target(%dma_start3A_697 : memref<8x128xf32, #tpu.memory_space<hbm>>) target_semaphore(%arg16 : memref<!tpu.dma_semaphore, #tpu.memory_space<semaphore_mem>>)
      %dma_start3A_701 = arith.constant 7 : i32
      %dma_start3A_702 = arith.constant 56 : i32
      %dma_start3A_703 = arith.constant 0 : i32
      %dma_start3A_704 = tpu.memref_slice %arg10[%dma_start3A_702, %dma_start3A_703] : memref<64x129xf32, #tpu.memory_space<vmem>> -> memref<8x128xf32, #tpu.memory_space<vmem>>
      %dma_start3A_705 = arith.constant 0 : i32
      %dma_start3A_706 = arith.constant 0 : i32
      %dma_start3A_707 = tpu.memref_slice %arg4[%add3A_573, %dma_start3A_701, %add3A, %dma_start3A_705, %dma_start3A_706] : memref<200x8x32x8x128xf32, #tpu.memory_space<hbm>> -> memref<1x1x1x8x128xf32, #tpu.memory_space<hbm>>
      %dma_start3A_708 = tpu.memref_squeeze %dma_start3A_707 : memref<1x1x1x8x128xf32, #tpu.memory_space<hbm>> -> memref<8x128xf32, #tpu.memory_space<hbm>>
      %dma_start3A_709 = arith.constant 0 : i32
      %dma_start3A_710 = arith.constant 0 : i32
      %dma_start3A_711 = tpu.memref_slice %arg4[%add3A_573, %dma_start3A_701, %add3A, %dma_start3A_709, %dma_start3A_710] : memref<200x8x32x8x128xf32, #tpu.memory_space<hbm>> -> memref<1x1x1x8x128xf32, #tpu.memory_space<hbm>>
      %dma_start3A_712 = tpu.memref_squeeze %dma_start3A_711 : memref<1x1x1x8x128xf32, #tpu.memory_space<hbm>> -> memref<8x128xf32, #tpu.memory_space<hbm>>
      %dma_start3A_713 = arith.constant 56 : i32
      %dma_start3A_714 = arith.constant 0 : i32
      %dma_start3A_715 = tpu.memref_slice %arg10[%dma_start3A_713, %dma_start3A_714] : memref<64x129xf32, #tpu.memory_space<vmem>> -> memref<8x128xf32, #tpu.memory_space<vmem>>
      tpu.enqueue_dma source(%dma_start3A_715 : memref<8x128xf32, #tpu.memory_space<vmem>>) target(%dma_start3A_712 : memref<8x128xf32, #tpu.memory_space<hbm>>) target_semaphore(%arg16 : memref<!tpu.dma_semaphore, #tpu.memory_space<semaphore_mem>>)
      %add3A_716 = arith.constant 3 : i32
      %add3A_717 = arith.addi %mul3A_290, %add3A_716 : i32
      %dma_wait3A_718 = arith.constant 0 : i32
      %dma_wait3A_719 = arith.constant 0 : i32
      %dma_wait3A_720 = tpu.memref_slice %arg5[%dma_wait3A_718, %dma_wait3A_719] : memref<200x128xi32, #tpu.memory_space<vmem>> -> memref<1x128xi32, #tpu.memory_space<vmem>>
      %dma_wait3A_721 = tpu.memref_squeeze %dma_wait3A_720 : memref<1x128xi32, #tpu.memory_space<vmem>> -> memref<128xi32, #tpu.memory_space<vmem>>
      %dma_wait3A_722 = arith.constant 0 : i32
      %dma_wait3A_723 = arith.constant 0 : i32
      %dma_wait3A_724 = tpu.memref_slice %arg2[%dma_wait3A_722, %dma_wait3A_723] : memref<100000x64xf32, #tpu.memory_space<hbm>> -> memref<100000x64xf32, #tpu.memory_space<hbm>>
      tpu.wait_indirect_dma semaphore(%arg15 : memref<!tpu.dma_semaphore, #tpu.memory_space<semaphore_mem>>) src(%dma_wait3A_724 : memref<100000x64xf32, #tpu.memory_space<hbm>>) dst(%arg9 : memref<128x64xf32, #tpu.memory_space<vmem>>)
      %add3A_725 = arith.constant 2 : i32
      %add3A_726 = arith.addi %add3A_717, %add3A_725 : i32
      %lt3A_727 = arith.constant 200 : i32
      %lt3A_728 = arith.cmpi slt, %add3A_726, %lt3A_727 : i32
      %convert_element_type3A_729 = arith.extui %lt3A_728 : i1 to i32
      %cond3A_730 = arith.constant 0 : i32
      %cond3A_731 = arith.cmpi ne, %convert_element_type3A_729, %cond3A_730 : i32
      scf.if %cond3A_731 {
        %add3A_860 = arith.constant 2 : i32
        %add3A_861 = arith.addi %add3A_717, %add3A_860 : i32
        %dma_start3A_862 = arith.constant 0 : i32
        %dma_start3A_863 = tpu.memref_slice %arg5[%add3A_861, %dma_start3A_862] : memref<200x128xi32, #tpu.memory_space<vmem>> -> memref<1x128xi32, #tpu.memory_space<vmem>>
        %dma_start3A_864 = tpu.memref_squeeze %dma_start3A_863 : memref<1x128xi32, #tpu.memory_space<vmem>> -> memref<128xi32, #tpu.memory_space<vmem>>
        %dma_start3A_865 = arith.constant 0 : i32
        %dma_start3A_866 = arith.constant 0 : i32
        %dma_start3A_867 = tpu.memref_slice %arg2[%dma_start3A_865, %dma_start3A_866] : memref<100000x64xf32, #tpu.memory_space<hbm>> -> memref<100000x64xf32, #tpu.memory_space<hbm>>
        tpu.enqueue_indirect_dma source(%dma_start3A_867 : memref<100000x64xf32, #tpu.memory_space<hbm>>) target(%arg7 : memref<128x64xf32, #tpu.memory_space<vmem>>) offsets(%dma_start3A_864 : memref<128xi32, #tpu.memory_space<vmem>>) semaphore(%arg13 : memref<!tpu.dma_semaphore, #tpu.memory_space<semaphore_mem>>)
      } else {
      }
      %ge3A_732 = arith.constant 2 : i32
      %ge3A_733 = arith.cmpi sge, %add3A_717, %ge3A_732 : i32
      %convert_element_type3A_734 = arith.extui %ge3A_733 : i1 to i32
      %cond3A_735 = arith.constant 0 : i32
      %cond3A_736 = arith.cmpi ne, %convert_element_type3A_734, %cond3A_735 : i32
      scf.if %cond3A_736 {
        %dma_wait3A_860 = arith.constant 0 : i32
        %dma_wait3A_861 = arith.constant 0 : i32
        %dma_wait3A_862 = arith.constant 0 : i32
        %dma_wait3A_863 = arith.constant 0 : i32
        %dma_wait3A_864 = tpu.memref_slice %arg11[%dma_wait3A_862, %dma_wait3A_863] : memref<64x129xf32, #tpu.memory_space<vmem>> -> memref<8x128xf32, #tpu.memory_space<vmem>>
        %dma_wait3A_865 = arith.constant 0 : i32
        %dma_wait3A_866 = arith.constant 0 : i32
        %dma_wait3A_867 = tpu.memref_slice %arg4[%dma_wait3A_860, %dma_wait3A_861, %add3A, %dma_wait3A_865, %dma_wait3A_866] : memref<200x8x32x8x128xf32, #tpu.memory_space<hbm>> -> memref<1x1x1x8x128xf32, #tpu.memory_space<hbm>>
        %dma_wait3A_868 = tpu.memref_squeeze %dma_wait3A_867 : memref<1x1x1x8x128xf32, #tpu.memory_space<hbm>> -> memref<8x128xf32, #tpu.memory_space<hbm>>
        %dma_wait3A_869 = arith.constant 0 : i32
        %dma_wait3A_870 = arith.constant 0 : i32
        %dma_wait3A_871 = tpu.memref_slice %arg4[%dma_wait3A_860, %dma_wait3A_861, %add3A, %dma_wait3A_869, %dma_wait3A_870] : memref<200x8x32x8x128xf32, #tpu.memory_space<hbm>> -> memref<1x1x1x8x128xf32, #tpu.memory_space<hbm>>
        %dma_wait3A_872 = tpu.memref_squeeze %dma_wait3A_871 : memref<1x1x1x8x128xf32, #tpu.memory_space<hbm>> -> memref<8x128xf32, #tpu.memory_space<hbm>>
        %dma_wait3A_873 = arith.constant 0 : i32
        %dma_wait3A_874 = arith.constant 0 : i32
        %dma_wait3A_875 = tpu.memref_slice %arg11[%dma_wait3A_873, %dma_wait3A_874] : memref<64x129xf32, #tpu.memory_space<vmem>> -> memref<8x128xf32, #tpu.memory_space<vmem>>
        tpu.wait_dma2 semaphore(%arg17 : memref<!tpu.dma_semaphore, #tpu.memory_space<semaphore_mem>>) src(%dma_wait3A_875 : memref<8x128xf32, #tpu.memory_space<vmem>>) dst(%dma_wait3A_872 : memref<8x128xf32, #tpu.memory_space<hbm>>)
        %dma_wait3A_876 = arith.constant 0 : i32
        %dma_wait3A_877 = arith.constant 1 : i32
        %dma_wait3A_878 = arith.constant 8 : i32
        %dma_wait3A_879 = arith.constant 0 : i32
        %dma_wait3A_880 = tpu.memref_slice %arg11[%dma_wait3A_878, %dma_wait3A_879] : memref<64x129xf32, #tpu.memory_space<vmem>> -> memref<8x128xf32, #tpu.memory_space<vmem>>
        %dma_wait3A_881 = arith.constant 0 : i32
        %dma_wait3A_882 = arith.constant 0 : i32
        %dma_wait3A_883 = tpu.memref_slice %arg4[%dma_wait3A_876, %dma_wait3A_877, %add3A, %dma_wait3A_881, %dma_wait3A_882] : memref<200x8x32x8x128xf32, #tpu.memory_space<hbm>> -> memref<1x1x1x8x128xf32, #tpu.memory_space<hbm>>
        %dma_wait3A_884 = tpu.memref_squeeze %dma_wait3A_883 : memref<1x1x1x8x128xf32, #tpu.memory_space<hbm>> -> memref<8x128xf32, #tpu.memory_space<hbm>>
        %dma_wait3A_885 = arith.constant 0 : i32
        %dma_wait3A_886 = arith.constant 0 : i32
        %dma_wait3A_887 = tpu.memref_slice %arg4[%dma_wait3A_876, %dma_wait3A_877, %add3A, %dma_wait3A_885, %dma_wait3A_886] : memref<200x8x32x8x128xf32, #tpu.memory_space<hbm>> -> memref<1x1x1x8x128xf32, #tpu.memory_space<hbm>>
        %dma_wait3A_888 = tpu.memref_squeeze %dma_wait3A_887 : memref<1x1x1x8x128xf32, #tpu.memory_space<hbm>> -> memref<8x128xf32, #tpu.memory_space<hbm>>
        %dma_wait3A_889 = arith.constant 8 : i32
        %dma_wait3A_890 = arith.constant 0 : i32
        %dma_wait3A_891 = tpu.memref_slice %arg11[%dma_wait3A_889, %dma_wait3A_890] : memref<64x129xf32, #tpu.memory_space<vmem>> -> memref<8x128xf32, #tpu.memory_space<vmem>>
        tpu.wait_dma2 semaphore(%arg17 : memref<!tpu.dma_semaphore, #tpu.memory_space<semaphore_mem>>) src(%dma_wait3A_891 : memref<8x128xf32, #tpu.memory_space<vmem>>) dst(%dma_wait3A_888 : memref<8x128xf32, #tpu.memory_space<hbm>>)
        %dma_wait3A_892 = arith.constant 0 : i32
        %dma_wait3A_893 = arith.constant 2 : i32
        %dma_wait3A_894 = arith.constant 16 : i32
        %dma_wait3A_895 = arith.constant 0 : i32
        %dma_wait3A_896 = tpu.memref_slice %arg11[%dma_wait3A_894, %dma_wait3A_895] : memref<64x129xf32, #tpu.memory_space<vmem>> -> memref<8x128xf32, #tpu.memory_space<vmem>>
        %dma_wait3A_897 = arith.constant 0 : i32
        %dma_wait3A_898 = arith.constant 0 : i32
        %dma_wait3A_899 = tpu.memref_slice %arg4[%dma_wait3A_892, %dma_wait3A_893, %add3A, %dma_wait3A_897, %dma_wait3A_898] : memref<200x8x32x8x128xf32, #tpu.memory_space<hbm>> -> memref<1x1x1x8x128xf32, #tpu.memory_space<hbm>>
        %dma_wait3A_900 = tpu.memref_squeeze %dma_wait3A_899 : memref<1x1x1x8x128xf32, #tpu.memory_space<hbm>> -> memref<8x128xf32, #tpu.memory_space<hbm>>
        %dma_wait3A_901 = arith.constant 0 : i32
        %dma_wait3A_902 = arith.constant 0 : i32
        %dma_wait3A_903 = tpu.memref_slice %arg4[%dma_wait3A_892, %dma_wait3A_893, %add3A, %dma_wait3A_901, %dma_wait3A_902] : memref<200x8x32x8x128xf32, #tpu.memory_space<hbm>> -> memref<1x1x1x8x128xf32, #tpu.memory_space<hbm>>
        %dma_wait3A_904 = tpu.memref_squeeze %dma_wait3A_903 : memref<1x1x1x8x128xf32, #tpu.memory_space<hbm>> -> memref<8x128xf32, #tpu.memory_space<hbm>>
        %dma_wait3A_905 = arith.constant 16 : i32
        %dma_wait3A_906 = arith.constant 0 : i32
        %dma_wait3A_907 = tpu.memref_slice %arg11[%dma_wait3A_905, %dma_wait3A_906] : memref<64x129xf32, #tpu.memory_space<vmem>> -> memref<8x128xf32, #tpu.memory_space<vmem>>
        tpu.wait_dma2 semaphore(%arg17 : memref<!tpu.dma_semaphore, #tpu.memory_space<semaphore_mem>>) src(%dma_wait3A_907 : memref<8x128xf32, #tpu.memory_space<vmem>>) dst(%dma_wait3A_904 : memref<8x128xf32, #tpu.memory_space<hbm>>)
        %dma_wait3A_908 = arith.constant 0 : i32
        %dma_wait3A_909 = arith.constant 3 : i32
        %dma_wait3A_910 = arith.constant 24 : i32
        %dma_wait3A_911 = arith.constant 0 : i32
        %dma_wait3A_912 = tpu.memref_slice %arg11[%dma_wait3A_910, %dma_wait3A_911] : memref<64x129xf32, #tpu.memory_space<vmem>> -> memref<8x128xf32, #tpu.memory_space<vmem>>
        %dma_wait3A_913 = arith.constant 0 : i32
        %dma_wait3A_914 = arith.constant 0 : i32
        %dma_wait3A_915 = tpu.memref_slice %arg4[%dma_wait3A_908, %dma_wait3A_909, %add3A, %dma_wait3A_913, %dma_wait3A_914] : memref<200x8x32x8x128xf32, #tpu.memory_space<hbm>> -> memref<1x1x1x8x128xf32, #tpu.memory_space<hbm>>
        %dma_wait3A_916 = tpu.memref_squeeze %dma_wait3A_915 : memref<1x1x1x8x128xf32, #tpu.memory_space<hbm>> -> memref<8x128xf32, #tpu.memory_space<hbm>>
        %dma_wait3A_917 = arith.constant 0 : i32
        %dma_wait3A_918 = arith.constant 0 : i32
        %dma_wait3A_919 = tpu.memref_slice %arg4[%dma_wait3A_908, %dma_wait3A_909, %add3A, %dma_wait3A_917, %dma_wait3A_918] : memref<200x8x32x8x128xf32, #tpu.memory_space<hbm>> -> memref<1x1x1x8x128xf32, #tpu.memory_space<hbm>>
        %dma_wait3A_920 = tpu.memref_squeeze %dma_wait3A_919 : memref<1x1x1x8x128xf32, #tpu.memory_space<hbm>> -> memref<8x128xf32, #tpu.memory_space<hbm>>
        %dma_wait3A_921 = arith.constant 24 : i32
        %dma_wait3A_922 = arith.constant 0 : i32
        %dma_wait3A_923 = tpu.memref_slice %arg11[%dma_wait3A_921, %dma_wait3A_922] : memref<64x129xf32, #tpu.memory_space<vmem>> -> memref<8x128xf32, #tpu.memory_space<vmem>>
        tpu.wait_dma2 semaphore(%arg17 : memref<!tpu.dma_semaphore, #tpu.memory_space<semaphore_mem>>) src(%dma_wait3A_923 : memref<8x128xf32, #tpu.memory_space<vmem>>) dst(%dma_wait3A_920 : memref<8x128xf32, #tpu.memory_space<hbm>>)
        %dma_wait3A_924 = arith.constant 0 : i32
        %dma_wait3A_925 = arith.constant 4 : i32
        %dma_wait3A_926 = arith.constant 32 : i32
        %dma_wait3A_927 = arith.constant 0 : i32
        %dma_wait3A_928 = tpu.memref_slice %arg11[%dma_wait3A_926, %dma_wait3A_927] : memref<64x129xf32, #tpu.memory_space<vmem>> -> memref<8x128xf32, #tpu.memory_space<vmem>>
        %dma_wait3A_929 = arith.constant 0 : i32
        %dma_wait3A_930 = arith.constant 0 : i32
        %dma_wait3A_931 = tpu.memref_slice %arg4[%dma_wait3A_924, %dma_wait3A_925, %add3A, %dma_wait3A_929, %dma_wait3A_930] : memref<200x8x32x8x128xf32, #tpu.memory_space<hbm>> -> memref<1x1x1x8x128xf32, #tpu.memory_space<hbm>>
        %dma_wait3A_932 = tpu.memref_squeeze %dma_wait3A_931 : memref<1x1x1x8x128xf32, #tpu.memory_space<hbm>> -> memref<8x128xf32, #tpu.memory_space<hbm>>
        %dma_wait3A_933 = arith.constant 0 : i32
        %dma_wait3A_934 = arith.constant 0 : i32
        %dma_wait3A_935 = tpu.memref_slice %arg4[%dma_wait3A_924, %dma_wait3A_925, %add3A, %dma_wait3A_933, %dma_wait3A_934] : memref<200x8x32x8x128xf32, #tpu.memory_space<hbm>> -> memref<1x1x1x8x128xf32, #tpu.memory_space<hbm>>
        %dma_wait3A_936 = tpu.memref_squeeze %dma_wait3A_935 : memref<1x1x1x8x128xf32, #tpu.memory_space<hbm>> -> memref<8x128xf32, #tpu.memory_space<hbm>>
        %dma_wait3A_937 = arith.constant 32 : i32
        %dma_wait3A_938 = arith.constant 0 : i32
        %dma_wait3A_939 = tpu.memref_slice %arg11[%dma_wait3A_937, %dma_wait3A_938] : memref<64x129xf32, #tpu.memory_space<vmem>> -> memref<8x128xf32, #tpu.memory_space<vmem>>
        tpu.wait_dma2 semaphore(%arg17 : memref<!tpu.dma_semaphore, #tpu.memory_space<semaphore_mem>>) src(%dma_wait3A_939 : memref<8x128xf32, #tpu.memory_space<vmem>>) dst(%dma_wait3A_936 : memref<8x128xf32, #tpu.memory_space<hbm>>)
        %dma_wait3A_940 = arith.constant 0 : i32
        %dma_wait3A_941 = arith.constant 5 : i32
        %dma_wait3A_942 = arith.constant 40 : i32
        %dma_wait3A_943 = arith.constant 0 : i32
        %dma_wait3A_944 = tpu.memref_slice %arg11[%dma_wait3A_942, %dma_wait3A_943] : memref<64x129xf32, #tpu.memory_space<vmem>> -> memref<8x128xf32, #tpu.memory_space<vmem>>
        %dma_wait3A_945 = arith.constant 0 : i32
        %dma_wait3A_946 = arith.constant 0 : i32
        %dma_wait3A_947 = tpu.memref_slice %arg4[%dma_wait3A_940, %dma_wait3A_941, %add3A, %dma_wait3A_945, %dma_wait3A_946] : memref<200x8x32x8x128xf32, #tpu.memory_space<hbm>> -> memref<1x1x1x8x128xf32, #tpu.memory_space<hbm>>
        %dma_wait3A_948 = tpu.memref_squeeze %dma_wait3A_947 : memref<1x1x1x8x128xf32, #tpu.memory_space<hbm>> -> memref<8x128xf32, #tpu.memory_space<hbm>>
        %dma_wait3A_949 = arith.constant 0 : i32
        %dma_wait3A_950 = arith.constant 0 : i32
        %dma_wait3A_951 = tpu.memref_slice %arg4[%dma_wait3A_940, %dma_wait3A_941, %add3A, %dma_wait3A_949, %dma_wait3A_950] : memref<200x8x32x8x128xf32, #tpu.memory_space<hbm>> -> memref<1x1x1x8x128xf32, #tpu.memory_space<hbm>>
        %dma_wait3A_952 = tpu.memref_squeeze %dma_wait3A_951 : memref<1x1x1x8x128xf32, #tpu.memory_space<hbm>> -> memref<8x128xf32, #tpu.memory_space<hbm>>
        %dma_wait3A_953 = arith.constant 40 : i32
        %dma_wait3A_954 = arith.constant 0 : i32
        %dma_wait3A_955 = tpu.memref_slice %arg11[%dma_wait3A_953, %dma_wait3A_954] : memref<64x129xf32, #tpu.memory_space<vmem>> -> memref<8x128xf32, #tpu.memory_space<vmem>>
        tpu.wait_dma2 semaphore(%arg17 : memref<!tpu.dma_semaphore, #tpu.memory_space<semaphore_mem>>) src(%dma_wait3A_955 : memref<8x128xf32, #tpu.memory_space<vmem>>) dst(%dma_wait3A_952 : memref<8x128xf32, #tpu.memory_space<hbm>>)
        %dma_wait3A_956 = arith.constant 0 : i32
        %dma_wait3A_957 = arith.constant 6 : i32
        %dma_wait3A_958 = arith.constant 48 : i32
        %dma_wait3A_959 = arith.constant 0 : i32
        %dma_wait3A_960 = tpu.memref_slice %arg11[%dma_wait3A_958, %dma_wait3A_959] : memref<64x129xf32, #tpu.memory_space<vmem>> -> memref<8x128xf32, #tpu.memory_space<vmem>>
        %dma_wait3A_961 = arith.constant 0 : i32
        %dma_wait3A_962 = arith.constant 0 : i32
        %dma_wait3A_963 = tpu.memref_slice %arg4[%dma_wait3A_956, %dma_wait3A_957, %add3A, %dma_wait3A_961, %dma_wait3A_962] : memref<200x8x32x8x128xf32, #tpu.memory_space<hbm>> -> memref<1x1x1x8x128xf32, #tpu.memory_space<hbm>>
        %dma_wait3A_964 = tpu.memref_squeeze %dma_wait3A_963 : memref<1x1x1x8x128xf32, #tpu.memory_space<hbm>> -> memref<8x128xf32, #tpu.memory_space<hbm>>
        %dma_wait3A_965 = arith.constant 0 : i32
        %dma_wait3A_966 = arith.constant 0 : i32
        %dma_wait3A_967 = tpu.memref_slice %arg4[%dma_wait3A_956, %dma_wait3A_957, %add3A, %dma_wait3A_965, %dma_wait3A_966] : memref<200x8x32x8x128xf32, #tpu.memory_space<hbm>> -> memref<1x1x1x8x128xf32, #tpu.memory_space<hbm>>
        %dma_wait3A_968 = tpu.memref_squeeze %dma_wait3A_967 : memref<1x1x1x8x128xf32, #tpu.memory_space<hbm>> -> memref<8x128xf32, #tpu.memory_space<hbm>>
        %dma_wait3A_969 = arith.constant 48 : i32
        %dma_wait3A_970 = arith.constant 0 : i32
        %dma_wait3A_971 = tpu.memref_slice %arg11[%dma_wait3A_969, %dma_wait3A_970] : memref<64x129xf32, #tpu.memory_space<vmem>> -> memref<8x128xf32, #tpu.memory_space<vmem>>
        tpu.wait_dma2 semaphore(%arg17 : memref<!tpu.dma_semaphore, #tpu.memory_space<semaphore_mem>>) src(%dma_wait3A_971 : memref<8x128xf32, #tpu.memory_space<vmem>>) dst(%dma_wait3A_968 : memref<8x128xf32, #tpu.memory_space<hbm>>)
        %dma_wait3A_972 = arith.constant 0 : i32
        %dma_wait3A_973 = arith.constant 7 : i32
        %dma_wait3A_974 = arith.constant 56 : i32
        %dma_wait3A_975 = arith.constant 0 : i32
        %dma_wait3A_976 = tpu.memref_slice %arg11[%dma_wait3A_974, %dma_wait3A_975] : memref<64x129xf32, #tpu.memory_space<vmem>> -> memref<8x128xf32, #tpu.memory_space<vmem>>
        %dma_wait3A_977 = arith.constant 0 : i32
        %dma_wait3A_978 = arith.constant 0 : i32
        %dma_wait3A_979 = tpu.memref_slice %arg4[%dma_wait3A_972, %dma_wait3A_973, %add3A, %dma_wait3A_977, %dma_wait3A_978] : memref<200x8x32x8x128xf32, #tpu.memory_space<hbm>> -> memref<1x1x1x8x128xf32, #tpu.memory_space<hbm>>
        %dma_wait3A_980 = tpu.memref_squeeze %dma_wait3A_979 : memref<1x1x1x8x128xf32, #tpu.memory_space<hbm>> -> memref<8x128xf32, #tpu.memory_space<hbm>>
        %dma_wait3A_981 = arith.constant 0 : i32
        %dma_wait3A_982 = arith.constant 0 : i32
        %dma_wait3A_983 = tpu.memref_slice %arg4[%dma_wait3A_972, %dma_wait3A_973, %add3A, %dma_wait3A_981, %dma_wait3A_982] : memref<200x8x32x8x128xf32, #tpu.memory_space<hbm>> -> memref<1x1x1x8x128xf32, #tpu.memory_space<hbm>>
        %dma_wait3A_984 = tpu.memref_squeeze %dma_wait3A_983 : memref<1x1x1x8x128xf32, #tpu.memory_space<hbm>> -> memref<8x128xf32, #tpu.memory_space<hbm>>
        %dma_wait3A_985 = arith.constant 56 : i32
        %dma_wait3A_986 = arith.constant 0 : i32
        %dma_wait3A_987 = tpu.memref_slice %arg11[%dma_wait3A_985, %dma_wait3A_986] : memref<64x129xf32, #tpu.memory_space<vmem>> -> memref<8x128xf32, #tpu.memory_space<vmem>>
        tpu.wait_dma2 semaphore(%arg17 : memref<!tpu.dma_semaphore, #tpu.memory_space<semaphore_mem>>) src(%dma_wait3A_987 : memref<8x128xf32, #tpu.memory_space<vmem>>) dst(%dma_wait3A_984 : memref<8x128xf32, #tpu.memory_space<hbm>>)
      } else {
      }
      %parallel_loop3A_737 = arith.constant 0 : i32
      %parallel_loop3A_738 = arith.constant 128 : i32
      %parallel_loop3A_739 = arith.constant 1 : i32
      scf.for %parallel_loop3A_860 = %parallel_loop3A_737 to %parallel_loop3A_738 step %parallel_loop3A_739  : i32 {
        %parallel_loop3A_861 = vector.broadcast %parallel_loop3A_860 : i32 to vector<16xi32>
        %parallel_loop3A_862 = arith.index_cast %parallel_loop3A_860 : i32 to index
        %parallel_loop3A_863 = arith.constant 0 : index
        %parallel_loop3A_864 = tpu.vector_load %arg9[%parallel_loop3A_862, %parallel_loop3A_863] {strides = array<i32>} : memref<128x64xf32, #tpu.memory_space<vmem>>, vector<16xf32>,
        tpu.vector_store_idx %arg11[%add3A_5, %parallel_loop3A_861], %parallel_loop3A_864 : memref<64x129xf32, #tpu.memory_space<vmem>>[vector<16xi32>, vector<16xi32>], vector<16xf32>,
        %parallel_loop3A_865 = arith.index_cast %parallel_loop3A_860 : i32 to index
        %parallel_loop3A_866 = arith.constant 16 : index
        %parallel_loop3A_867 = tpu.vector_load %arg9[%parallel_loop3A_865, %parallel_loop3A_866] {strides = array<i32>} : memref<128x64xf32, #tpu.memory_space<vmem>>, vector<16xf32>,
        tpu.vector_store_idx %arg11[%add3A_8, %parallel_loop3A_861], %parallel_loop3A_867 : memref<64x129xf32, #tpu.memory_space<vmem>>[vector<16xi32>, vector<16xi32>], vector<16xf32>,
        %parallel_loop3A_868 = arith.index_cast %parallel_loop3A_860 : i32 to index
        %parallel_loop3A_869 = arith.constant 32 : index
        %parallel_loop3A_870 = tpu.vector_load %arg9[%parallel_loop3A_868, %parallel_loop3A_869] {strides = array<i32>} : memref<128x64xf32, #tpu.memory_space<vmem>>, vector<16xf32>,
        tpu.vector_store_idx %arg11[%add3A_11, %parallel_loop3A_861], %parallel_loop3A_870 : memref<64x129xf32, #tpu.memory_space<vmem>>[vector<16xi32>, vector<16xi32>], vector<16xf32>,
        %parallel_loop3A_871 = arith.index_cast %parallel_loop3A_860 : i32 to index
        %parallel_loop3A_872 = arith.constant 48 : index
        %parallel_loop3A_873 = tpu.vector_load %arg9[%parallel_loop3A_871, %parallel_loop3A_872] {strides = array<i32>} : memref<128x64xf32, #tpu.memory_space<vmem>>, vector<16xf32>,
        tpu.vector_store_idx %arg11[%add3A_14, %parallel_loop3A_861], %parallel_loop3A_873 : memref<64x129xf32, #tpu.memory_space<vmem>>[vector<16xi32>, vector<16xi32>], vector<16xf32>,
      } {sc.loop_unroll_factor = 8 : i64, sc.parallel_access}
      %dma_start3A_740 = arith.constant 0 : i32
      %dma_start3A_741 = arith.constant 0 : i32
      %dma_start3A_742 = arith.constant 0 : i32
      %dma_start3A_743 = tpu.memref_slice %arg11[%dma_start3A_741, %dma_start3A_742] : memref<64x129xf32, #tpu.memory_space<vmem>> -> memref<8x128xf32, #tpu.memory_space<vmem>>
      %dma_start3A_744 = arith.constant 0 : i32
      %dma_start3A_745 = arith.constant 0 : i32
      %dma_start3A_746 = tpu.memref_slice %arg4[%add3A_717, %dma_start3A_740, %add3A, %dma_start3A_744, %dma_start3A_745] : memref<200x8x32x8x128xf32, #tpu.memory_space<hbm>> -> memref<1x1x1x8x128xf32, #tpu.memory_space<hbm>>
      %dma_start3A_747 = tpu.memref_squeeze %dma_start3A_746 : memref<1x1x1x8x128xf32, #tpu.memory_space<hbm>> -> memref<8x128xf32, #tpu.memory_space<hbm>>
      %dma_start3A_748 = arith.constant 0 : i32
      %dma_start3A_749 = arith.constant 0 : i32
      %dma_start3A_750 = tpu.memref_slice %arg4[%add3A_717, %dma_start3A_740, %add3A, %dma_start3A_748, %dma_start3A_749] : memref<200x8x32x8x128xf32, #tpu.memory_space<hbm>> -> memref<1x1x1x8x128xf32, #tpu.memory_space<hbm>>
      %dma_start3A_751 = tpu.memref_squeeze %dma_start3A_750 : memref<1x1x1x8x128xf32, #tpu.memory_space<hbm>> -> memref<8x128xf32, #tpu.memory_space<hbm>>
      %dma_start3A_752 = arith.constant 0 : i32
      %dma_start3A_753 = arith.constant 0 : i32
      %dma_start3A_754 = tpu.memref_slice %arg11[%dma_start3A_752, %dma_start3A_753] : memref<64x129xf32, #tpu.memory_space<vmem>> -> memref<8x128xf32, #tpu.memory_space<vmem>>
      tpu.enqueue_dma source(%dma_start3A_754 : memref<8x128xf32, #tpu.memory_space<vmem>>) target(%dma_start3A_751 : memref<8x128xf32, #tpu.memory_space<hbm>>) target_semaphore(%arg17 : memref<!tpu.dma_semaphore, #tpu.memory_space<semaphore_mem>>)
      %dma_start3A_755 = arith.constant 1 : i32
      %dma_start3A_756 = arith.constant 8 : i32
      %dma_start3A_757 = arith.constant 0 : i32
      %dma_start3A_758 = tpu.memref_slice %arg11[%dma_start3A_756, %dma_start3A_757] : memref<64x129xf32, #tpu.memory_space<vmem>> -> memref<8x128xf32, #tpu.memory_space<vmem>>
      %dma_start3A_759 = arith.constant 0 : i32
      %dma_start3A_760 = arith.constant 0 : i32
      %dma_start3A_761 = tpu.memref_slice %arg4[%add3A_717, %dma_start3A_755, %add3A, %dma_start3A_759, %dma_start3A_760] : memref<200x8x32x8x128xf32, #tpu.memory_space<hbm>> -> memref<1x1x1x8x128xf32, #tpu.memory_space<hbm>>
      %dma_start3A_762 = tpu.memref_squeeze %dma_start3A_761 : memref<1x1x1x8x128xf32, #tpu.memory_space<hbm>> -> memref<8x128xf32, #tpu.memory_space<hbm>>
      %dma_start3A_763 = arith.constant 0 : i32
      %dma_start3A_764 = arith.constant 0 : i32
      %dma_start3A_765 = tpu.memref_slice %arg4[%add3A_717, %dma_start3A_755, %add3A, %dma_start3A_763, %dma_start3A_764] : memref<200x8x32x8x128xf32, #tpu.memory_space<hbm>> -> memref<1x1x1x8x128xf32, #tpu.memory_space<hbm>>
      %dma_start3A_766 = tpu.memref_squeeze %dma_start3A_765 : memref<1x1x1x8x128xf32, #tpu.memory_space<hbm>> -> memref<8x128xf32, #tpu.memory_space<hbm>>
      %dma_start3A_767 = arith.constant 8 : i32
      %dma_start3A_768 = arith.constant 0 : i32
      %dma_start3A_769 = tpu.memref_slice %arg11[%dma_start3A_767, %dma_start3A_768] : memref<64x129xf32, #tpu.memory_space<vmem>> -> memref<8x128xf32, #tpu.memory_space<vmem>>
      tpu.enqueue_dma source(%dma_start3A_769 : memref<8x128xf32, #tpu.memory_space<vmem>>) target(%dma_start3A_766 : memref<8x128xf32, #tpu.memory_space<hbm>>) target_semaphore(%arg17 : memref<!tpu.dma_semaphore, #tpu.memory_space<semaphore_mem>>)
      %dma_start3A_770 = arith.constant 2 : i32
      %dma_start3A_771 = arith.constant 16 : i32
      %dma_start3A_772 = arith.constant 0 : i32
      %dma_start3A_773 = tpu.memref_slice %arg11[%dma_start3A_771, %dma_start3A_772] : memref<64x129xf32, #tpu.memory_space<vmem>> -> memref<8x128xf32, #tpu.memory_space<vmem>>
      %dma_start3A_774 = arith.constant 0 : i32
      %dma_start3A_775 = arith.constant 0 : i32
      %dma_start3A_776 = tpu.memref_slice %arg4[%add3A_717, %dma_start3A_770, %add3A, %dma_start3A_774, %dma_start3A_775] : memref<200x8x32x8x128xf32, #tpu.memory_space<hbm>> -> memref<1x1x1x8x128xf32, #tpu.memory_space<hbm>>
      %dma_start3A_777 = tpu.memref_squeeze %dma_start3A_776 : memref<1x1x1x8x128xf32, #tpu.memory_space<hbm>> -> memref<8x128xf32, #tpu.memory_space<hbm>>
      %dma_start3A_778 = arith.constant 0 : i32
      %dma_start3A_779 = arith.constant 0 : i32
      %dma_start3A_780 = tpu.memref_slice %arg4[%add3A_717, %dma_start3A_770, %add3A, %dma_start3A_778, %dma_start3A_779] : memref<200x8x32x8x128xf32, #tpu.memory_space<hbm>> -> memref<1x1x1x8x128xf32, #tpu.memory_space<hbm>>
      %dma_start3A_781 = tpu.memref_squeeze %dma_start3A_780 : memref<1x1x1x8x128xf32, #tpu.memory_space<hbm>> -> memref<8x128xf32, #tpu.memory_space<hbm>>
      %dma_start3A_782 = arith.constant 16 : i32
      %dma_start3A_783 = arith.constant 0 : i32
      %dma_start3A_784 = tpu.memref_slice %arg11[%dma_start3A_782, %dma_start3A_783] : memref<64x129xf32, #tpu.memory_space<vmem>> -> memref<8x128xf32, #tpu.memory_space<vmem>>
      tpu.enqueue_dma source(%dma_start3A_784 : memref<8x128xf32, #tpu.memory_space<vmem>>) target(%dma_start3A_781 : memref<8x128xf32, #tpu.memory_space<hbm>>) target_semaphore(%arg17 : memref<!tpu.dma_semaphore, #tpu.memory_space<semaphore_mem>>)
      %dma_start3A_785 = arith.constant 3 : i32
      %dma_start3A_786 = arith.constant 24 : i32
      %dma_start3A_787 = arith.constant 0 : i32
      %dma_start3A_788 = tpu.memref_slice %arg11[%dma_start3A_786, %dma_start3A_787] : memref<64x129xf32, #tpu.memory_space<vmem>> -> memref<8x128xf32, #tpu.memory_space<vmem>>
      %dma_start3A_789 = arith.constant 0 : i32
      %dma_start3A_790 = arith.constant 0 : i32
      %dma_start3A_791 = tpu.memref_slice %arg4[%add3A_717, %dma_start3A_785, %add3A, %dma_start3A_789, %dma_start3A_790] : memref<200x8x32x8x128xf32, #tpu.memory_space<hbm>> -> memref<1x1x1x8x128xf32, #tpu.memory_space<hbm>>
      %dma_start3A_792 = tpu.memref_squeeze %dma_start3A_791 : memref<1x1x1x8x128xf32, #tpu.memory_space<hbm>> -> memref<8x128xf32, #tpu.memory_space<hbm>>
      %dma_start3A_793 = arith.constant 0 : i32
      %dma_start3A_794 = arith.constant 0 : i32
      %dma_start3A_795 = tpu.memref_slice %arg4[%add3A_717, %dma_start3A_785, %add3A, %dma_start3A_793, %dma_start3A_794] : memref<200x8x32x8x128xf32, #tpu.memory_space<hbm>> -> memref<1x1x1x8x128xf32, #tpu.memory_space<hbm>>
      %dma_start3A_796 = tpu.memref_squeeze %dma_start3A_795 : memref<1x1x1x8x128xf32, #tpu.memory_space<hbm>> -> memref<8x128xf32, #tpu.memory_space<hbm>>
      %dma_start3A_797 = arith.constant 24 : i32
      %dma_start3A_798 = arith.constant 0 : i32
      %dma_start3A_799 = tpu.memref_slice %arg11[%dma_start3A_797, %dma_start3A_798] : memref<64x129xf32, #tpu.memory_space<vmem>> -> memref<8x128xf32, #tpu.memory_space<vmem>>
      tpu.enqueue_dma source(%dma_start3A_799 : memref<8x128xf32, #tpu.memory_space<vmem>>) target(%dma_start3A_796 : memref<8x128xf32, #tpu.memory_space<hbm>>) target_semaphore(%arg17 : memref<!tpu.dma_semaphore, #tpu.memory_space<semaphore_mem>>)
      %dma_start3A_800 = arith.constant 4 : i32
      %dma_start3A_801 = arith.constant 32 : i32
      %dma_start3A_802 = arith.constant 0 : i32
      %dma_start3A_803 = tpu.memref_slice %arg11[%dma_start3A_801, %dma_start3A_802] : memref<64x129xf32, #tpu.memory_space<vmem>> -> memref<8x128xf32, #tpu.memory_space<vmem>>
      %dma_start3A_804 = arith.constant 0 : i32
      %dma_start3A_805 = arith.constant 0 : i32
      %dma_start3A_806 = tpu.memref_slice %arg4[%add3A_717, %dma_start3A_800, %add3A, %dma_start3A_804, %dma_start3A_805] : memref<200x8x32x8x128xf32, #tpu.memory_space<hbm>> -> memref<1x1x1x8x128xf32, #tpu.memory_space<hbm>>
      %dma_start3A_807 = tpu.memref_squeeze %dma_start3A_806 : memref<1x1x1x8x128xf32, #tpu.memory_space<hbm>> -> memref<8x128xf32, #tpu.memory_space<hbm>>
      %dma_start3A_808 = arith.constant 0 : i32
      %dma_start3A_809 = arith.constant 0 : i32
      %dma_start3A_810 = tpu.memref_slice %arg4[%add3A_717, %dma_start3A_800, %add3A, %dma_start3A_808, %dma_start3A_809] : memref<200x8x32x8x128xf32, #tpu.memory_space<hbm>> -> memref<1x1x1x8x128xf32, #tpu.memory_space<hbm>>
      %dma_start3A_811 = tpu.memref_squeeze %dma_start3A_810 : memref<1x1x1x8x128xf32, #tpu.memory_space<hbm>> -> memref<8x128xf32, #tpu.memory_space<hbm>>
      %dma_start3A_812 = arith.constant 32 : i32
      %dma_start3A_813 = arith.constant 0 : i32
      %dma_start3A_814 = tpu.memref_slice %arg11[%dma_start3A_812, %dma_start3A_813] : memref<64x129xf32, #tpu.memory_space<vmem>> -> memref<8x128xf32, #tpu.memory_space<vmem>>
      tpu.enqueue_dma source(%dma_start3A_814 : memref<8x128xf32, #tpu.memory_space<vmem>>) target(%dma_start3A_811 : memref<8x128xf32, #tpu.memory_space<hbm>>) target_semaphore(%arg17 : memref<!tpu.dma_semaphore, #tpu.memory_space<semaphore_mem>>)
      %dma_start3A_815 = arith.constant 5 : i32
      %dma_start3A_816 = arith.constant 40 : i32
      %dma_start3A_817 = arith.constant 0 : i32
      %dma_start3A_818 = tpu.memref_slice %arg11[%dma_start3A_816, %dma_start3A_817] : memref<64x129xf32, #tpu.memory_space<vmem>> -> memref<8x128xf32, #tpu.memory_space<vmem>>
      %dma_start3A_819 = arith.constant 0 : i32
      %dma_start3A_820 = arith.constant 0 : i32
      %dma_start3A_821 = tpu.memref_slice %arg4[%add3A_717, %dma_start3A_815, %add3A, %dma_start3A_819, %dma_start3A_820] : memref<200x8x32x8x128xf32, #tpu.memory_space<hbm>> -> memref<1x1x1x8x128xf32, #tpu.memory_space<hbm>>
      %dma_start3A_822 = tpu.memref_squeeze %dma_start3A_821 : memref<1x1x1x8x128xf32, #tpu.memory_space<hbm>> -> memref<8x128xf32, #tpu.memory_space<hbm>>
      %dma_start3A_823 = arith.constant 0 : i32
      %dma_start3A_824 = arith.constant 0 : i32
      %dma_start3A_825 = tpu.memref_slice %arg4[%add3A_717, %dma_start3A_815, %add3A, %dma_start3A_823, %dma_start3A_824] : memref<200x8x32x8x128xf32, #tpu.memory_space<hbm>> -> memref<1x1x1x8x128xf32, #tpu.memory_space<hbm>>
      %dma_start3A_826 = tpu.memref_squeeze %dma_start3A_825 : memref<1x1x1x8x128xf32, #tpu.memory_space<hbm>> -> memref<8x128xf32, #tpu.memory_space<hbm>>
      %dma_start3A_827 = arith.constant 40 : i32
      %dma_start3A_828 = arith.constant 0 : i32
      %dma_start3A_829 = tpu.memref_slice %arg11[%dma_start3A_827, %dma_start3A_828] : memref<64x129xf32, #tpu.memory_space<vmem>> -> memref<8x128xf32, #tpu.memory_space<vmem>>
      tpu.enqueue_dma source(%dma_start3A_829 : memref<8x128xf32, #tpu.memory_space<vmem>>) target(%dma_start3A_826 : memref<8x128xf32, #tpu.memory_space<hbm>>) target_semaphore(%arg17 : memref<!tpu.dma_semaphore, #tpu.memory_space<semaphore_mem>>)
      %dma_start3A_830 = arith.constant 6 : i32
      %dma_start3A_831 = arith.constant 48 : i32
      %dma_start3A_832 = arith.constant 0 : i32
      %dma_start3A_833 = tpu.memref_slice %arg11[%dma_start3A_831, %dma_start3A_832] : memref<64x129xf32, #tpu.memory_space<vmem>> -> memref<8x128xf32, #tpu.memory_space<vmem>>
      %dma_start3A_834 = arith.constant 0 : i32
      %dma_start3A_835 = arith.constant 0 : i32
      %dma_start3A_836 = tpu.memref_slice %arg4[%add3A_717, %dma_start3A_830, %add3A, %dma_start3A_834, %dma_start3A_835] : memref<200x8x32x8x128xf32, #tpu.memory_space<hbm>> -> memref<1x1x1x8x128xf32, #tpu.memory_space<hbm>>
      %dma_start3A_837 = tpu.memref_squeeze %dma_start3A_836 : memref<1x1x1x8x128xf32, #tpu.memory_space<hbm>> -> memref<8x128xf32, #tpu.memory_space<hbm>>
      %dma_start3A_838 = arith.constant 0 : i32
      %dma_start3A_839 = arith.constant 0 : i32
      %dma_start3A_840 = tpu.memref_slice %arg4[%add3A_717, %dma_start3A_830, %add3A, %dma_start3A_838, %dma_start3A_839] : memref<200x8x32x8x128xf32, #tpu.memory_space<hbm>> -> memref<1x1x1x8x128xf32, #tpu.memory_space<hbm>>
      %dma_start3A_841 = tpu.memref_squeeze %dma_start3A_840 : memref<1x1x1x8x128xf32, #tpu.memory_space<hbm>> -> memref<8x128xf32, #tpu.memory_space<hbm>>
      %dma_start3A_842 = arith.constant 48 : i32
      %dma_start3A_843 = arith.constant 0 : i32
      %dma_start3A_844 = tpu.memref_slice %arg11[%dma_start3A_842, %dma_start3A_843] : memref<64x129xf32, #tpu.memory_space<vmem>> -> memref<8x128xf32, #tpu.memory_space<vmem>>
      tpu.enqueue_dma source(%dma_start3A_844 : memref<8x128xf32, #tpu.memory_space<vmem>>) target(%dma_start3A_841 : memref<8x128xf32, #tpu.memory_space<hbm>>) target_semaphore(%arg17 : memref<!tpu.dma_semaphore, #tpu.memory_space<semaphore_mem>>)
      %dma_start3A_845 = arith.constant 7 : i32
      %dma_start3A_846 = arith.constant 56 : i32
      %dma_start3A_847 = arith.constant 0 : i32
      %dma_start3A_848 = tpu.memref_slice %arg11[%dma_start3A_846, %dma_start3A_847] : memref<64x129xf32, #tpu.memory_space<vmem>> -> memref<8x128xf32, #tpu.memory_space<vmem>>
      %dma_start3A_849 = arith.constant 0 : i32
      %dma_start3A_850 = arith.constant 0 : i32
      %dma_start3A_851 = tpu.memref_slice %arg4[%add3A_717, %dma_start3A_845, %add3A, %dma_start3A_849, %dma_start3A_850] : memref<200x8x32x8x128xf32, #tpu.memory_space<hbm>> -> memref<1x1x1x8x128xf32, #tpu.memory_space<hbm>>
      %dma_start3A_852 = tpu.memref_squeeze %dma_start3A_851 : memref<1x1x1x8x128xf32, #tpu.memory_space<hbm>> -> memref<8x128xf32, #tpu.memory_space<hbm>>
      %dma_start3A_853 = arith.constant 0 : i32
      %dma_start3A_854 = arith.constant 0 : i32
      %dma_start3A_855 = tpu.memref_slice %arg4[%add3A_717, %dma_start3A_845, %add3A, %dma_start3A_853, %dma_start3A_854] : memref<200x8x32x8x128xf32, #tpu.memory_space<hbm>> -> memref<1x1x1x8x128xf32, #tpu.memory_space<hbm>>
      %dma_start3A_856 = tpu.memref_squeeze %dma_start3A_855 : memref<1x1x1x8x128xf32, #tpu.memory_space<hbm>> -> memref<8x128xf32, #tpu.memory_space<hbm>>
      %dma_start3A_857 = arith.constant 56 : i32
      %dma_start3A_858 = arith.constant 0 : i32
      %dma_start3A_859 = tpu.memref_slice %arg11[%dma_start3A_857, %dma_start3A_858] : memref<64x129xf32, #tpu.memory_space<vmem>> -> memref<8x128xf32, #tpu.memory_space<vmem>>
      tpu.enqueue_dma source(%dma_start3A_859 : memref<8x128xf32, #tpu.memory_space<vmem>>) target(%dma_start3A_856 : memref<8x128xf32, #tpu.memory_space<hbm>>) target_semaphore(%arg17 : memref<!tpu.dma_semaphore, #tpu.memory_space<semaphore_mem>>)
    }
    %scan3A_32 = arith.constant 50 : i32
    %dma_wait3A = arith.constant 0 : i32
    %dma_wait3A_33 = arith.constant 0 : i32
    %dma_wait3A_34 = arith.constant 0 : i32
    %dma_wait3A_35 = arith.constant 0 : i32
    %dma_wait3A_36 = tpu.memref_slice %arg10[%dma_wait3A_34, %dma_wait3A_35] : memref<64x129xf32, #tpu.memory_space<vmem>> -> memref<8x128xf32, #tpu.memory_space<vmem>>
    %dma_wait3A_37 = arith.constant 0 : i32
    %dma_wait3A_38 = arith.constant 0 : i32
    %dma_wait3A_39 = tpu.memref_slice %arg4[%dma_wait3A, %dma_wait3A_33, %add3A, %dma_wait3A_37, %dma_wait3A_38] : memref<200x8x32x8x128xf32, #tpu.memory_space<hbm>> -> memref<1x1x1x8x128xf32, #tpu.memory_space<hbm>>
    %dma_wait3A_40 = tpu.memref_squeeze %dma_wait3A_39 : memref<1x1x1x8x128xf32, #tpu.memory_space<hbm>> -> memref<8x128xf32, #tpu.memory_space<hbm>>
    %dma_wait3A_41 = arith.constant 0 : i32
    %dma_wait3A_42 = arith.constant 0 : i32
    %dma_wait3A_43 = tpu.memref_slice %arg4[%dma_wait3A, %dma_wait3A_33, %add3A, %dma_wait3A_41, %dma_wait3A_42] : memref<200x8x32x8x128xf32, #tpu.memory_space<hbm>> -> memref<1x1x1x8x128xf32, #tpu.memory_space<hbm>>
    %dma_wait3A_44 = tpu.memref_squeeze %dma_wait3A_43 : memref<1x1x1x8x128xf32, #tpu.memory_space<hbm>> -> memref<8x128xf32, #tpu.memory_space<hbm>>
    %dma_wait3A_45 = arith.constant 0 : i32
    %dma_wait3A_46 = arith.constant 0 : i32
    %dma_wait3A_47 = tpu.memref_slice %arg10[%dma_wait3A_45, %dma_wait3A_46] : memref<64x129xf32, #tpu.memory_space<vmem>> -> memref<8x128xf32, #tpu.memory_space<vmem>>
    tpu.wait_dma2 semaphore(%arg16 : memref<!tpu.dma_semaphore, #tpu.memory_space<semaphore_mem>>) src(%dma_wait3A_47 : memref<8x128xf32, #tpu.memory_space<vmem>>) dst(%dma_wait3A_44 : memref<8x128xf32, #tpu.memory_space<hbm>>)
    %dma_wait3A_48 = arith.constant 0 : i32
    %dma_wait3A_49 = arith.constant 1 : i32
    %dma_wait3A_50 = arith.constant 8 : i32
    %dma_wait3A_51 = arith.constant 0 : i32
    %dma_wait3A_52 = tpu.memref_slice %arg10[%dma_wait3A_50, %dma_wait3A_51] : memref<64x129xf32, #tpu.memory_space<vmem>> -> memref<8x128xf32, #tpu.memory_space<vmem>>
    %dma_wait3A_53 = arith.constant 0 : i32
    %dma_wait3A_54 = arith.constant 0 : i32
    %dma_wait3A_55 = tpu.memref_slice %arg4[%dma_wait3A_48, %dma_wait3A_49, %add3A, %dma_wait3A_53, %dma_wait3A_54] : memref<200x8x32x8x128xf32, #tpu.memory_space<hbm>> -> memref<1x1x1x8x128xf32, #tpu.memory_space<hbm>>
    %dma_wait3A_56 = tpu.memref_squeeze %dma_wait3A_55 : memref<1x1x1x8x128xf32, #tpu.memory_space<hbm>> -> memref<8x128xf32, #tpu.memory_space<hbm>>
    %dma_wait3A_57 = arith.constant 0 : i32
    %dma_wait3A_58 = arith.constant 0 : i32
    %dma_wait3A_59 = tpu.memref_slice %arg4[%dma_wait3A_48, %dma_wait3A_49, %add3A, %dma_wait3A_57, %dma_wait3A_58] : memref<200x8x32x8x128xf32, #tpu.memory_space<hbm>> -> memref<1x1x1x8x128xf32, #tpu.memory_space<hbm>>
    %dma_wait3A_60 = tpu.memref_squeeze %dma_wait3A_59 : memref<1x1x1x8x128xf32, #tpu.memory_space<hbm>> -> memref<8x128xf32, #tpu.memory_space<hbm>>
    %dma_wait3A_61 = arith.constant 8 : i32
    %dma_wait3A_62 = arith.constant 0 : i32
    %dma_wait3A_63 = tpu.memref_slice %arg10[%dma_wait3A_61, %dma_wait3A_62] : memref<64x129xf32, #tpu.memory_space<vmem>> -> memref<8x128xf32, #tpu.memory_space<vmem>>
    tpu.wait_dma2 semaphore(%arg16 : memref<!tpu.dma_semaphore, #tpu.memory_space<semaphore_mem>>) src(%dma_wait3A_63 : memref<8x128xf32, #tpu.memory_space<vmem>>) dst(%dma_wait3A_60 : memref<8x128xf32, #tpu.memory_space<hbm>>)
    %dma_wait3A_64 = arith.constant 0 : i32
    %dma_wait3A_65 = arith.constant 2 : i32
    %dma_wait3A_66 = arith.constant 16 : i32
    %dma_wait3A_67 = arith.constant 0 : i32
    %dma_wait3A_68 = tpu.memref_slice %arg10[%dma_wait3A_66, %dma_wait3A_67] : memref<64x129xf32, #tpu.memory_space<vmem>> -> memref<8x128xf32, #tpu.memory_space<vmem>>
    %dma_wait3A_69 = arith.constant 0 : i32
    %dma_wait3A_70 = arith.constant 0 : i32
    %dma_wait3A_71 = tpu.memref_slice %arg4[%dma_wait3A_64, %dma_wait3A_65, %add3A, %dma_wait3A_69, %dma_wait3A_70] : memref<200x8x32x8x128xf32, #tpu.memory_space<hbm>> -> memref<1x1x1x8x128xf32, #tpu.memory_space<hbm>>
    %dma_wait3A_72 = tpu.memref_squeeze %dma_wait3A_71 : memref<1x1x1x8x128xf32, #tpu.memory_space<hbm>> -> memref<8x128xf32, #tpu.memory_space<hbm>>
    %dma_wait3A_73 = arith.constant 0 : i32
    %dma_wait3A_74 = arith.constant 0 : i32
    %dma_wait3A_75 = tpu.memref_slice %arg4[%dma_wait3A_64, %dma_wait3A_65, %add3A, %dma_wait3A_73, %dma_wait3A_74] : memref<200x8x32x8x128xf32, #tpu.memory_space<hbm>> -> memref<1x1x1x8x128xf32, #tpu.memory_space<hbm>>
    %dma_wait3A_76 = tpu.memref_squeeze %dma_wait3A_75 : memref<1x1x1x8x128xf32, #tpu.memory_space<hbm>> -> memref<8x128xf32, #tpu.memory_space<hbm>>
    %dma_wait3A_77 = arith.constant 16 : i32
    %dma_wait3A_78 = arith.constant 0 : i32
    %dma_wait3A_79 = tpu.memref_slice %arg10[%dma_wait3A_77, %dma_wait3A_78] : memref<64x129xf32, #tpu.memory_space<vmem>> -> memref<8x128xf32, #tpu.memory_space<vmem>>
    tpu.wait_dma2 semaphore(%arg16 : memref<!tpu.dma_semaphore, #tpu.memory_space<semaphore_mem>>) src(%dma_wait3A_79 : memref<8x128xf32, #tpu.memory_space<vmem>>) dst(%dma_wait3A_76 : memref<8x128xf32, #tpu.memory_space<hbm>>)
    %dma_wait3A_80 = arith.constant 0 : i32
    %dma_wait3A_81 = arith.constant 3 : i32
    %dma_wait3A_82 = arith.constant 24 : i32
    %dma_wait3A_83 = arith.constant 0 : i32
    %dma_wait3A_84 = tpu.memref_slice %arg10[%dma_wait3A_82, %dma_wait3A_83] : memref<64x129xf32, #tpu.memory_space<vmem>> -> memref<8x128xf32, #tpu.memory_space<vmem>>
    %dma_wait3A_85 = arith.constant 0 : i32
    %dma_wait3A_86 = arith.constant 0 : i32
    %dma_wait3A_87 = tpu.memref_slice %arg4[%dma_wait3A_80, %dma_wait3A_81, %add3A, %dma_wait3A_85, %dma_wait3A_86] : memref<200x8x32x8x128xf32, #tpu.memory_space<hbm>> -> memref<1x1x1x8x128xf32, #tpu.memory_space<hbm>>
    %dma_wait3A_88 = tpu.memref_squeeze %dma_wait3A_87 : memref<1x1x1x8x128xf32, #tpu.memory_space<hbm>> -> memref<8x128xf32, #tpu.memory_space<hbm>>
    %dma_wait3A_89 = arith.constant 0 : i32
    %dma_wait3A_90 = arith.constant 0 : i32
    %dma_wait3A_91 = tpu.memref_slice %arg4[%dma_wait3A_80, %dma_wait3A_81, %add3A, %dma_wait3A_89, %dma_wait3A_90] : memref<200x8x32x8x128xf32, #tpu.memory_space<hbm>> -> memref<1x1x1x8x128xf32, #tpu.memory_space<hbm>>
    %dma_wait3A_92 = tpu.memref_squeeze %dma_wait3A_91 : memref<1x1x1x8x128xf32, #tpu.memory_space<hbm>> -> memref<8x128xf32, #tpu.memory_space<hbm>>
    %dma_wait3A_93 = arith.constant 24 : i32
    %dma_wait3A_94 = arith.constant 0 : i32
    %dma_wait3A_95 = tpu.memref_slice %arg10[%dma_wait3A_93, %dma_wait3A_94] : memref<64x129xf32, #tpu.memory_space<vmem>> -> memref<8x128xf32, #tpu.memory_space<vmem>>
    tpu.wait_dma2 semaphore(%arg16 : memref<!tpu.dma_semaphore, #tpu.memory_space<semaphore_mem>>) src(%dma_wait3A_95 : memref<8x128xf32, #tpu.memory_space<vmem>>) dst(%dma_wait3A_92 : memref<8x128xf32, #tpu.memory_space<hbm>>)
    %dma_wait3A_96 = arith.constant 0 : i32
    %dma_wait3A_97 = arith.constant 4 : i32
    %dma_wait3A_98 = arith.constant 32 : i32
    %dma_wait3A_99 = arith.constant 0 : i32
    %dma_wait3A_100 = tpu.memref_slice %arg10[%dma_wait3A_98, %dma_wait3A_99] : memref<64x129xf32, #tpu.memory_space<vmem>> -> memref<8x128xf32, #tpu.memory_space<vmem>>
    %dma_wait3A_101 = arith.constant 0 : i32
    %dma_wait3A_102 = arith.constant 0 : i32
    %dma_wait3A_103 = tpu.memref_slice %arg4[%dma_wait3A_96, %dma_wait3A_97, %add3A, %dma_wait3A_101, %dma_wait3A_102] : memref<200x8x32x8x128xf32, #tpu.memory_space<hbm>> -> memref<1x1x1x8x128xf32, #tpu.memory_space<hbm>>
    %dma_wait3A_104 = tpu.memref_squeeze %dma_wait3A_103 : memref<1x1x1x8x128xf32, #tpu.memory_space<hbm>> -> memref<8x128xf32, #tpu.memory_space<hbm>>
    %dma_wait3A_105 = arith.constant 0 : i32
    %dma_wait3A_106 = arith.constant 0 : i32
    %dma_wait3A_107 = tpu.memref_slice %arg4[%dma_wait3A_96, %dma_wait3A_97, %add3A, %dma_wait3A_105, %dma_wait3A_106] : memref<200x8x32x8x128xf32, #tpu.memory_space<hbm>> -> memref<1x1x1x8x128xf32, #tpu.memory_space<hbm>>
    %dma_wait3A_108 = tpu.memref_squeeze %dma_wait3A_107 : memref<1x1x1x8x128xf32, #tpu.memory_space<hbm>> -> memref<8x128xf32, #tpu.memory_space<hbm>>
    %dma_wait3A_109 = arith.constant 32 : i32
    %dma_wait3A_110 = arith.constant 0 : i32
    %dma_wait3A_111 = tpu.memref_slice %arg10[%dma_wait3A_109, %dma_wait3A_110] : memref<64x129xf32, #tpu.memory_space<vmem>> -> memref<8x128xf32, #tpu.memory_space<vmem>>
    tpu.wait_dma2 semaphore(%arg16 : memref<!tpu.dma_semaphore, #tpu.memory_space<semaphore_mem>>) src(%dma_wait3A_111 : memref<8x128xf32, #tpu.memory_space<vmem>>) dst(%dma_wait3A_108 : memref<8x128xf32, #tpu.memory_space<hbm>>)
    %dma_wait3A_112 = arith.constant 0 : i32
    %dma_wait3A_113 = arith.constant 5 : i32
    %dma_wait3A_114 = arith.constant 40 : i32
    %dma_wait3A_115 = arith.constant 0 : i32
    %dma_wait3A_116 = tpu.memref_slice %arg10[%dma_wait3A_114, %dma_wait3A_115] : memref<64x129xf32, #tpu.memory_space<vmem>> -> memref<8x128xf32, #tpu.memory_space<vmem>>
    %dma_wait3A_117 = arith.constant 0 : i32
    %dma_wait3A_118 = arith.constant 0 : i32
    %dma_wait3A_119 = tpu.memref_slice %arg4[%dma_wait3A_112, %dma_wait3A_113, %add3A, %dma_wait3A_117, %dma_wait3A_118] : memref<200x8x32x8x128xf32, #tpu.memory_space<hbm>> -> memref<1x1x1x8x128xf32, #tpu.memory_space<hbm>>
    %dma_wait3A_120 = tpu.memref_squeeze %dma_wait3A_119 : memref<1x1x1x8x128xf32, #tpu.memory_space<hbm>> -> memref<8x128xf32, #tpu.memory_space<hbm>>
    %dma_wait3A_121 = arith.constant 0 : i32
    %dma_wait3A_122 = arith.constant 0 : i32
    %dma_wait3A_123 = tpu.memref_slice %arg4[%dma_wait3A_112, %dma_wait3A_113, %add3A, %dma_wait3A_121, %dma_wait3A_122] : memref<200x8x32x8x128xf32, #tpu.memory_space<hbm>> -> memref<1x1x1x8x128xf32, #tpu.memory_space<hbm>>
    %dma_wait3A_124 = tpu.memref_squeeze %dma_wait3A_123 : memref<1x1x1x8x128xf32, #tpu.memory_space<hbm>> -> memref<8x128xf32, #tpu.memory_space<hbm>>
    %dma_wait3A_125 = arith.constant 40 : i32
    %dma_wait3A_126 = arith.constant 0 : i32
    %dma_wait3A_127 = tpu.memref_slice %arg10[%dma_wait3A_125, %dma_wait3A_126] : memref<64x129xf32, #tpu.memory_space<vmem>> -> memref<8x128xf32, #tpu.memory_space<vmem>>
    tpu.wait_dma2 semaphore(%arg16 : memref<!tpu.dma_semaphore, #tpu.memory_space<semaphore_mem>>) src(%dma_wait3A_127 : memref<8x128xf32, #tpu.memory_space<vmem>>) dst(%dma_wait3A_124 : memref<8x128xf32, #tpu.memory_space<hbm>>)
    %dma_wait3A_128 = arith.constant 0 : i32
    %dma_wait3A_129 = arith.constant 6 : i32
    %dma_wait3A_130 = arith.constant 48 : i32
    %dma_wait3A_131 = arith.constant 0 : i32
    %dma_wait3A_132 = tpu.memref_slice %arg10[%dma_wait3A_130, %dma_wait3A_131] : memref<64x129xf32, #tpu.memory_space<vmem>> -> memref<8x128xf32, #tpu.memory_space<vmem>>
    %dma_wait3A_133 = arith.constant 0 : i32
    %dma_wait3A_134 = arith.constant 0 : i32
    %dma_wait3A_135 = tpu.memref_slice %arg4[%dma_wait3A_128, %dma_wait3A_129, %add3A, %dma_wait3A_133, %dma_wait3A_134] : memref<200x8x32x8x128xf32, #tpu.memory_space<hbm>> -> memref<1x1x1x8x128xf32, #tpu.memory_space<hbm>>
    %dma_wait3A_136 = tpu.memref_squeeze %dma_wait3A_135 : memref<1x1x1x8x128xf32, #tpu.memory_space<hbm>> -> memref<8x128xf32, #tpu.memory_space<hbm>>
    %dma_wait3A_137 = arith.constant 0 : i32
    %dma_wait3A_138 = arith.constant 0 : i32
    %dma_wait3A_139 = tpu.memref_slice %arg4[%dma_wait3A_128, %dma_wait3A_129, %add3A, %dma_wait3A_137, %dma_wait3A_138] : memref<200x8x32x8x128xf32, #tpu.memory_space<hbm>> -> memref<1x1x1x8x128xf32, #tpu.memory_space<hbm>>
    %dma_wait3A_140 = tpu.memref_squeeze %dma_wait3A_139 : memref<1x1x1x8x128xf32, #tpu.memory_space<hbm>> -> memref<8x128xf32, #tpu.memory_space<hbm>>
    %dma_wait3A_141 = arith.constant 48 : i32
    %dma_wait3A_142 = arith.constant 0 : i32
    %dma_wait3A_143 = tpu.memref_slice %arg10[%dma_wait3A_141, %dma_wait3A_142] : memref<64x129xf32, #tpu.memory_space<vmem>> -> memref<8x128xf32, #tpu.memory_space<vmem>>
    tpu.wait_dma2 semaphore(%arg16 : memref<!tpu.dma_semaphore, #tpu.memory_space<semaphore_mem>>) src(%dma_wait3A_143 : memref<8x128xf32, #tpu.memory_space<vmem>>) dst(%dma_wait3A_140 : memref<8x128xf32, #tpu.memory_space<hbm>>)
    %dma_wait3A_144 = arith.constant 0 : i32
    %dma_wait3A_145 = arith.constant 7 : i32
    %dma_wait3A_146 = arith.constant 56 : i32
    %dma_wait3A_147 = arith.constant 0 : i32
    %dma_wait3A_148 = tpu.memref_slice %arg10[%dma_wait3A_146, %dma_wait3A_147] : memref<64x129xf32, #tpu.memory_space<vmem>> -> memref<8x128xf32, #tpu.memory_space<vmem>>
    %dma_wait3A_149 = arith.constant 0 : i32
    %dma_wait3A_150 = arith.constant 0 : i32
    %dma_wait3A_151 = tpu.memref_slice %arg4[%dma_wait3A_144, %dma_wait3A_145, %add3A, %dma_wait3A_149, %dma_wait3A_150] : memref<200x8x32x8x128xf32, #tpu.memory_space<hbm>> -> memref<1x1x1x8x128xf32, #tpu.memory_space<hbm>>
    %dma_wait3A_152 = tpu.memref_squeeze %dma_wait3A_151 : memref<1x1x1x8x128xf32, #tpu.memory_space<hbm>> -> memref<8x128xf32, #tpu.memory_space<hbm>>
    %dma_wait3A_153 = arith.constant 0 : i32
    %dma_wait3A_154 = arith.constant 0 : i32
    %dma_wait3A_155 = tpu.memref_slice %arg4[%dma_wait3A_144, %dma_wait3A_145, %add3A, %dma_wait3A_153, %dma_wait3A_154] : memref<200x8x32x8x128xf32, #tpu.memory_space<hbm>> -> memref<1x1x1x8x128xf32, #tpu.memory_space<hbm>>
    %dma_wait3A_156 = tpu.memref_squeeze %dma_wait3A_155 : memref<1x1x1x8x128xf32, #tpu.memory_space<hbm>> -> memref<8x128xf32, #tpu.memory_space<hbm>>
    %dma_wait3A_157 = arith.constant 56 : i32
    %dma_wait3A_158 = arith.constant 0 : i32
    %dma_wait3A_159 = tpu.memref_slice %arg10[%dma_wait3A_157, %dma_wait3A_158] : memref<64x129xf32, #tpu.memory_space<vmem>> -> memref<8x128xf32, #tpu.memory_space<vmem>>
    tpu.wait_dma2 semaphore(%arg16 : memref<!tpu.dma_semaphore, #tpu.memory_space<semaphore_mem>>) src(%dma_wait3A_159 : memref<8x128xf32, #tpu.memory_space<vmem>>) dst(%dma_wait3A_156 : memref<8x128xf32, #tpu.memory_space<hbm>>)
    %dma_wait3A_160 = arith.constant 0 : i32
    %dma_wait3A_161 = arith.constant 0 : i32
    %dma_wait3A_162 = arith.constant 0 : i32
    %dma_wait3A_163 = arith.constant 0 : i32
    %dma_wait3A_164 = tpu.memref_slice %arg11[%dma_wait3A_162, %dma_wait3A_163] : memref<64x129xf32, #tpu.memory_space<vmem>> -> memref<8x128xf32, #tpu.memory_space<vmem>>
    %dma_wait3A_165 = arith.constant 0 : i32
    %dma_wait3A_166 = arith.constant 0 : i32
    %dma_wait3A_167 = tpu.memref_slice %arg4[%dma_wait3A_160, %dma_wait3A_161, %add3A, %dma_wait3A_165, %dma_wait3A_166] : memref<200x8x32x8x128xf32, #tpu.memory_space<hbm>> -> memref<1x1x1x8x128xf32, #tpu.memory_space<hbm>>
    %dma_wait3A_168 = tpu.memref_squeeze %dma_wait3A_167 : memref<1x1x1x8x128xf32, #tpu.memory_space<hbm>> -> memref<8x128xf32, #tpu.memory_space<hbm>>
    %dma_wait3A_169 = arith.constant 0 : i32
    %dma_wait3A_170 = arith.constant 0 : i32
    %dma_wait3A_171 = tpu.memref_slice %arg4[%dma_wait3A_160, %dma_wait3A_161, %add3A, %dma_wait3A_169, %dma_wait3A_170] : memref<200x8x32x8x128xf32, #tpu.memory_space<hbm>> -> memref<1x1x1x8x128xf32, #tpu.memory_space<hbm>>
    %dma_wait3A_172 = tpu.memref_squeeze %dma_wait3A_171 : memref<1x1x1x8x128xf32, #tpu.memory_space<hbm>> -> memref<8x128xf32, #tpu.memory_space<hbm>>
    %dma_wait3A_173 = arith.constant 0 : i32
    %dma_wait3A_174 = arith.constant 0 : i32
    %dma_wait3A_175 = tpu.memref_slice %arg11[%dma_wait3A_173, %dma_wait3A_174] : memref<64x129xf32, #tpu.memory_space<vmem>> -> memref<8x128xf32, #tpu.memory_space<vmem>>
    tpu.wait_dma2 semaphore(%arg17 : memref<!tpu.dma_semaphore, #tpu.memory_space<semaphore_mem>>) src(%dma_wait3A_175 : memref<8x128xf32, #tpu.memory_space<vmem>>) dst(%dma_wait3A_172 : memref<8x128xf32, #tpu.memory_space<hbm>>)
    %dma_wait3A_176 = arith.constant 0 : i32
    %dma_wait3A_177 = arith.constant 1 : i32
    %dma_wait3A_178 = arith.constant 8 : i32
    %dma_wait3A_179 = arith.constant 0 : i32
    %dma_wait3A_180 = tpu.memref_slice %arg11[%dma_wait3A_178, %dma_wait3A_179] : memref<64x129xf32, #tpu.memory_space<vmem>> -> memref<8x128xf32, #tpu.memory_space<vmem>>
    %dma_wait3A_181 = arith.constant 0 : i32
    %dma_wait3A_182 = arith.constant 0 : i32
    %dma_wait3A_183 = tpu.memref_slice %arg4[%dma_wait3A_176, %dma_wait3A_177, %add3A, %dma_wait3A_181, %dma_wait3A_182] : memref<200x8x32x8x128xf32, #tpu.memory_space<hbm>> -> memref<1x1x1x8x128xf32, #tpu.memory_space<hbm>>
    %dma_wait3A_184 = tpu.memref_squeeze %dma_wait3A_183 : memref<1x1x1x8x128xf32, #tpu.memory_space<hbm>> -> memref<8x128xf32, #tpu.memory_space<hbm>>
    %dma_wait3A_185 = arith.constant 0 : i32
    %dma_wait3A_186 = arith.constant 0 : i32
    %dma_wait3A_187 = tpu.memref_slice %arg4[%dma_wait3A_176, %dma_wait3A_177, %add3A, %dma_wait3A_185, %dma_wait3A_186] : memref<200x8x32x8x128xf32, #tpu.memory_space<hbm>> -> memref<1x1x1x8x128xf32, #tpu.memory_space<hbm>>
    %dma_wait3A_188 = tpu.memref_squeeze %dma_wait3A_187 : memref<1x1x1x8x128xf32, #tpu.memory_space<hbm>> -> memref<8x128xf32, #tpu.memory_space<hbm>>
    %dma_wait3A_189 = arith.constant 8 : i32
    %dma_wait3A_190 = arith.constant 0 : i32
    %dma_wait3A_191 = tpu.memref_slice %arg11[%dma_wait3A_189, %dma_wait3A_190] : memref<64x129xf32, #tpu.memory_space<vmem>> -> memref<8x128xf32, #tpu.memory_space<vmem>>
    tpu.wait_dma2 semaphore(%arg17 : memref<!tpu.dma_semaphore, #tpu.memory_space<semaphore_mem>>) src(%dma_wait3A_191 : memref<8x128xf32, #tpu.memory_space<vmem>>) dst(%dma_wait3A_188 : memref<8x128xf32, #tpu.memory_space<hbm>>)
    %dma_wait3A_192 = arith.constant 0 : i32
    %dma_wait3A_193 = arith.constant 2 : i32
    %dma_wait3A_194 = arith.constant 16 : i32
    %dma_wait3A_195 = arith.constant 0 : i32
    %dma_wait3A_196 = tpu.memref_slice %arg11[%dma_wait3A_194, %dma_wait3A_195] : memref<64x129xf32, #tpu.memory_space<vmem>> -> memref<8x128xf32, #tpu.memory_space<vmem>>
    %dma_wait3A_197 = arith.constant 0 : i32
    %dma_wait3A_198 = arith.constant 0 : i32
    %dma_wait3A_199 = tpu.memref_slice %arg4[%dma_wait3A_192, %dma_wait3A_193, %add3A, %dma_wait3A_197, %dma_wait3A_198] : memref<200x8x32x8x128xf32, #tpu.memory_space<hbm>> -> memref<1x1x1x8x128xf32, #tpu.memory_space<hbm>>
    %dma_wait3A_200 = tpu.memref_squeeze %dma_wait3A_199 : memref<1x1x1x8x128xf32, #tpu.memory_space<hbm>> -> memref<8x128xf32, #tpu.memory_space<hbm>>
    %dma_wait3A_201 = arith.constant 0 : i32
    %dma_wait3A_202 = arith.constant 0 : i32
    %dma_wait3A_203 = tpu.memref_slice %arg4[%dma_wait3A_192, %dma_wait3A_193, %add3A, %dma_wait3A_201, %dma_wait3A_202] : memref<200x8x32x8x128xf32, #tpu.memory_space<hbm>> -> memref<1x1x1x8x128xf32, #tpu.memory_space<hbm>>
    %dma_wait3A_204 = tpu.memref_squeeze %dma_wait3A_203 : memref<1x1x1x8x128xf32, #tpu.memory_space<hbm>> -> memref<8x128xf32, #tpu.memory_space<hbm>>
    %dma_wait3A_205 = arith.constant 16 : i32
    %dma_wait3A_206 = arith.constant 0 : i32
    %dma_wait3A_207 = tpu.memref_slice %arg11[%dma_wait3A_205, %dma_wait3A_206] : memref<64x129xf32, #tpu.memory_space<vmem>> -> memref<8x128xf32, #tpu.memory_space<vmem>>
    tpu.wait_dma2 semaphore(%arg17 : memref<!tpu.dma_semaphore, #tpu.memory_space<semaphore_mem>>) src(%dma_wait3A_207 : memref<8x128xf32, #tpu.memory_space<vmem>>) dst(%dma_wait3A_204 : memref<8x128xf32, #tpu.memory_space<hbm>>)
    %dma_wait3A_208 = arith.constant 0 : i32
    %dma_wait3A_209 = arith.constant 3 : i32
    %dma_wait3A_210 = arith.constant 24 : i32
    %dma_wait3A_211 = arith.constant 0 : i32
    %dma_wait3A_212 = tpu.memref_slice %arg11[%dma_wait3A_210, %dma_wait3A_211] : memref<64x129xf32, #tpu.memory_space<vmem>> -> memref<8x128xf32, #tpu.memory_space<vmem>>
    %dma_wait3A_213 = arith.constant 0 : i32
    %dma_wait3A_214 = arith.constant 0 : i32
    %dma_wait3A_215 = tpu.memref_slice %arg4[%dma_wait3A_208, %dma_wait3A_209, %add3A, %dma_wait3A_213, %dma_wait3A_214] : memref<200x8x32x8x128xf32, #tpu.memory_space<hbm>> -> memref<1x1x1x8x128xf32, #tpu.memory_space<hbm>>
    %dma_wait3A_216 = tpu.memref_squeeze %dma_wait3A_215 : memref<1x1x1x8x128xf32, #tpu.memory_space<hbm>> -> memref<8x128xf32, #tpu.memory_space<hbm>>
    %dma_wait3A_217 = arith.constant 0 : i32
    %dma_wait3A_218 = arith.constant 0 : i32
    %dma_wait3A_219 = tpu.memref_slice %arg4[%dma_wait3A_208, %dma_wait3A_209, %add3A, %dma_wait3A_217, %dma_wait3A_218] : memref<200x8x32x8x128xf32, #tpu.memory_space<hbm>> -> memref<1x1x1x8x128xf32, #tpu.memory_space<hbm>>
    %dma_wait3A_220 = tpu.memref_squeeze %dma_wait3A_219 : memref<1x1x1x8x128xf32, #tpu.memory_space<hbm>> -> memref<8x128xf32, #tpu.memory_space<hbm>>
    %dma_wait3A_221 = arith.constant 24 : i32
    %dma_wait3A_222 = arith.constant 0 : i32
    %dma_wait3A_223 = tpu.memref_slice %arg11[%dma_wait3A_221, %dma_wait3A_222] : memref<64x129xf32, #tpu.memory_space<vmem>> -> memref<8x128xf32, #tpu.memory_space<vmem>>
    tpu.wait_dma2 semaphore(%arg17 : memref<!tpu.dma_semaphore, #tpu.memory_space<semaphore_mem>>) src(%dma_wait3A_223 : memref<8x128xf32, #tpu.memory_space<vmem>>) dst(%dma_wait3A_220 : memref<8x128xf32, #tpu.memory_space<hbm>>)
    %dma_wait3A_224 = arith.constant 0 : i32
    %dma_wait3A_225 = arith.constant 4 : i32
    %dma_wait3A_226 = arith.constant 32 : i32
    %dma_wait3A_227 = arith.constant 0 : i32
    %dma_wait3A_228 = tpu.memref_slice %arg11[%dma_wait3A_226, %dma_wait3A_227] : memref<64x129xf32, #tpu.memory_space<vmem>> -> memref<8x128xf32, #tpu.memory_space<vmem>>
    %dma_wait3A_229 = arith.constant 0 : i32
    %dma_wait3A_230 = arith.constant 0 : i32
    %dma_wait3A_231 = tpu.memref_slice %arg4[%dma_wait3A_224, %dma_wait3A_225, %add3A, %dma_wait3A_229, %dma_wait3A_230] : memref<200x8x32x8x128xf32, #tpu.memory_space<hbm>> -> memref<1x1x1x8x128xf32, #tpu.memory_space<hbm>>
    %dma_wait3A_232 = tpu.memref_squeeze %dma_wait3A_231 : memref<1x1x1x8x128xf32, #tpu.memory_space<hbm>> -> memref<8x128xf32, #tpu.memory_space<hbm>>
    %dma_wait3A_233 = arith.constant 0 : i32
    %dma_wait3A_234 = arith.constant 0 : i32
    %dma_wait3A_235 = tpu.memref_slice %arg4[%dma_wait3A_224, %dma_wait3A_225, %add3A, %dma_wait3A_233, %dma_wait3A_234] : memref<200x8x32x8x128xf32, #tpu.memory_space<hbm>> -> memref<1x1x1x8x128xf32, #tpu.memory_space<hbm>>
    %dma_wait3A_236 = tpu.memref_squeeze %dma_wait3A_235 : memref<1x1x1x8x128xf32, #tpu.memory_space<hbm>> -> memref<8x128xf32, #tpu.memory_space<hbm>>
    %dma_wait3A_237 = arith.constant 32 : i32
    %dma_wait3A_238 = arith.constant 0 : i32
    %dma_wait3A_239 = tpu.memref_slice %arg11[%dma_wait3A_237, %dma_wait3A_238] : memref<64x129xf32, #tpu.memory_space<vmem>> -> memref<8x128xf32, #tpu.memory_space<vmem>>
    tpu.wait_dma2 semaphore(%arg17 : memref<!tpu.dma_semaphore, #tpu.memory_space<semaphore_mem>>) src(%dma_wait3A_239 : memref<8x128xf32, #tpu.memory_space<vmem>>) dst(%dma_wait3A_236 : memref<8x128xf32, #tpu.memory_space<hbm>>)
    %dma_wait3A_240 = arith.constant 0 : i32
    %dma_wait3A_241 = arith.constant 5 : i32
    %dma_wait3A_242 = arith.constant 40 : i32
    %dma_wait3A_243 = arith.constant 0 : i32
    %dma_wait3A_244 = tpu.memref_slice %arg11[%dma_wait3A_242, %dma_wait3A_243] : memref<64x129xf32, #tpu.memory_space<vmem>> -> memref<8x128xf32, #tpu.memory_space<vmem>>
    %dma_wait3A_245 = arith.constant 0 : i32
    %dma_wait3A_246 = arith.constant 0 : i32
    %dma_wait3A_247 = tpu.memref_slice %arg4[%dma_wait3A_240, %dma_wait3A_241, %add3A, %dma_wait3A_245, %dma_wait3A_246] : memref<200x8x32x8x128xf32, #tpu.memory_space<hbm>> -> memref<1x1x1x8x128xf32, #tpu.memory_space<hbm>>
    %dma_wait3A_248 = tpu.memref_squeeze %dma_wait3A_247 : memref<1x1x1x8x128xf32, #tpu.memory_space<hbm>> -> memref<8x128xf32, #tpu.memory_space<hbm>>
    %dma_wait3A_249 = arith.constant 0 : i32
    %dma_wait3A_250 = arith.constant 0 : i32
    %dma_wait3A_251 = tpu.memref_slice %arg4[%dma_wait3A_240, %dma_wait3A_241, %add3A, %dma_wait3A_249, %dma_wait3A_250] : memref<200x8x32x8x128xf32, #tpu.memory_space<hbm>> -> memref<1x1x1x8x128xf32, #tpu.memory_space<hbm>>
    %dma_wait3A_252 = tpu.memref_squeeze %dma_wait3A_251 : memref<1x1x1x8x128xf32, #tpu.memory_space<hbm>> -> memref<8x128xf32, #tpu.memory_space<hbm>>
    %dma_wait3A_253 = arith.constant 40 : i32
    %dma_wait3A_254 = arith.constant 0 : i32
    %dma_wait3A_255 = tpu.memref_slice %arg11[%dma_wait3A_253, %dma_wait3A_254] : memref<64x129xf32, #tpu.memory_space<vmem>> -> memref<8x128xf32, #tpu.memory_space<vmem>>
    tpu.wait_dma2 semaphore(%arg17 : memref<!tpu.dma_semaphore, #tpu.memory_space<semaphore_mem>>) src(%dma_wait3A_255 : memref<8x128xf32, #tpu.memory_space<vmem>>) dst(%dma_wait3A_252 : memref<8x128xf32, #tpu.memory_space<hbm>>)
    %dma_wait3A_256 = arith.constant 0 : i32
    %dma_wait3A_257 = arith.constant 6 : i32
    %dma_wait3A_258 = arith.constant 48 : i32
    %dma_wait3A_259 = arith.constant 0 : i32
    %dma_wait3A_260 = tpu.memref_slice %arg11[%dma_wait3A_258, %dma_wait3A_259] : memref<64x129xf32, #tpu.memory_space<vmem>> -> memref<8x128xf32, #tpu.memory_space<vmem>>
    %dma_wait3A_261 = arith.constant 0 : i32
    %dma_wait3A_262 = arith.constant 0 : i32
    %dma_wait3A_263 = tpu.memref_slice %arg4[%dma_wait3A_256, %dma_wait3A_257, %add3A, %dma_wait3A_261, %dma_wait3A_262] : memref<200x8x32x8x128xf32, #tpu.memory_space<hbm>> -> memref<1x1x1x8x128xf32, #tpu.memory_space<hbm>>
    %dma_wait3A_264 = tpu.memref_squeeze %dma_wait3A_263 : memref<1x1x1x8x128xf32, #tpu.memory_space<hbm>> -> memref<8x128xf32, #tpu.memory_space<hbm>>
    %dma_wait3A_265 = arith.constant 0 : i32
    %dma_wait3A_266 = arith.constant 0 : i32
    %dma_wait3A_267 = tpu.memref_slice %arg4[%dma_wait3A_256, %dma_wait3A_257, %add3A, %dma_wait3A_265, %dma_wait3A_266] : memref<200x8x32x8x128xf32, #tpu.memory_space<hbm>> -> memref<1x1x1x8x128xf32, #tpu.memory_space<hbm>>
    %dma_wait3A_268 = tpu.memref_squeeze %dma_wait3A_267 : memref<1x1x1x8x128xf32, #tpu.memory_space<hbm>> -> memref<8x128xf32, #tpu.memory_space<hbm>>
    %dma_wait3A_269 = arith.constant 48 : i32
    %dma_wait3A_270 = arith.constant 0 : i32
    %dma_wait3A_271 = tpu.memref_slice %arg11[%dma_wait3A_269, %dma_wait3A_270] : memref<64x129xf32, #tpu.memory_space<vmem>> -> memref<8x128xf32, #tpu.memory_space<vmem>>
    tpu.wait_dma2 semaphore(%arg17 : memref<!tpu.dma_semaphore, #tpu.memory_space<semaphore_mem>>) src(%dma_wait3A_271 : memref<8x128xf32, #tpu.memory_space<vmem>>) dst(%dma_wait3A_268 : memref<8x128xf32, #tpu.memory_space<hbm>>)
    %dma_wait3A_272 = arith.constant 0 : i32
    %dma_wait3A_273 = arith.constant 7 : i32
    %dma_wait3A_274 = arith.constant 56 : i32
    %dma_wait3A_275 = arith.constant 0 : i32
    %dma_wait3A_276 = tpu.memref_slice %arg11[%dma_wait3A_274, %dma_wait3A_275] : memref<64x129xf32, #tpu.memory_space<vmem>> -> memref<8x128xf32, #tpu.memory_space<vmem>>
    %dma_wait3A_277 = arith.constant 0 : i32
    %dma_wait3A_278 = arith.constant 0 : i32
    %dma_wait3A_279 = tpu.memref_slice %arg4[%dma_wait3A_272, %dma_wait3A_273, %add3A, %dma_wait3A_277, %dma_wait3A_278] : memref<200x8x32x8x128xf32, #tpu.memory_space<hbm>> -> memref<1x1x1x8x128xf32, #tpu.memory_space<hbm>>
    %dma_wait3A_280 = tpu.memref_squeeze %dma_wait3A_279 : memref<1x1x1x8x128xf32, #tpu.memory_space<hbm>> -> memref<8x128xf32, #tpu.memory_space<hbm>>
    %dma_wait3A_281 = arith.constant 0 : i32
    %dma_wait3A_282 = arith.constant 0 : i32
    %dma_wait3A_283 = tpu.memref_slice %arg4[%dma_wait3A_272, %dma_wait3A_273, %add3A, %dma_wait3A_281, %dma_wait3A_282] : memref<200x8x32x8x128xf32, #tpu.memory_space<hbm>> -> memref<1x1x1x8x128xf32, #tpu.memory_space<hbm>>
    %dma_wait3A_284 = tpu.memref_squeeze %dma_wait3A_283 : memref<1x1x1x8x128xf32, #tpu.memory_space<hbm>> -> memref<8x128xf32, #tpu.memory_space<hbm>>
    %dma_wait3A_285 = arith.constant 56 : i32
    %dma_wait3A_286 = arith.constant 0 : i32
    %dma_wait3A_287 = tpu.memref_slice %arg11[%dma_wait3A_285, %dma_wait3A_286] : memref<64x129xf32, #tpu.memory_space<vmem>> -> memref<8x128xf32, #tpu.memory_space<vmem>>
    tpu.wait_dma2 semaphore(%arg17 : memref<!tpu.dma_semaphore, #tpu.memory_space<semaphore_mem>>) src(%dma_wait3A_287 : memref<8x128xf32, #tpu.memory_space<vmem>>) dst(%dma_wait3A_284 : memref<8x128xf32, #tpu.memory_space<hbm>>)
    return
  }
}

</mosaic_0001>

<sc_bundles>
// kernel: kernel.3.cloned.1.call-start
scs
__scs_entry_jumppad:
0x0: {  	(pc) =	sbr.rel $0x88, $3  }
0x1: {  	(tag) =	ssettag $0x0;
	lr =	simm.s32 $0x1  }
0x2: {  	[smem:$0x3F9F] =	sst lr;
	_ =	strace $0xD0000000  }
0x3: {  	_ = 	snop  }
0x4: {  	_ = 	snop  }
0x5: {  	_ = 	snop  }
0x6: {  	_ = 	snop  }
0x7: {  	_ = 	snop  }
__scs_overlays_trampoline_lowered:
0x8: {  	[smem:$0x3FAE] =	sst s0  }
0x9: {  	[smem:$0x3FAF] =	sst s1  }
0xa: {  	[smem:$0x3FB0] =	sst s2  }
0xb: {  	[smem:$0x3FB1] =	sst s3  }
0xc: {  	[smem:$0x3FB2] =	sst s4  }
0xd: {  	[smem:$0x3FB3] =	sst s5  }
0xe: {  	[smem:$0x3FB4] =	sst s6  }
0xf: {  	[smem:$0x3FB5] =	sst s7  }
0x10: {  	[smem:$0x3FB6] =	sst s8  }
0x11: {  	[smem:$0x3FB7] =	sst s9;
	s0 =	simm.s32 @!p0 $0x0  }
0x12: {  	s1 =	sld [smem:$0x3F9D];
	s0 =	simm.s32 @p0 $0x1  }
0x13: {  	[smem:$0x3FB8] =	sst s0;
	s0 =	simm.s32 @!p1 $0x0  }
0x14: {  	s2 =	sld [smem:$0x3F9C];
	s0 =	simm.s32 @p1 $0x1  }
0x15: {  	[smem:$0x3FB9] =	sst s0;
	s0 =	simm.s32 @!p2 $0x0  }
0x16: {  	s3 =	sld [smem:$0x3FDB];
	s0 =	simm.s32 @p2 $0x1  }
0x17: {  	s4 =	simm.s32 $0x1BF5;
	[smem:$0x3FBB] =	sst s0  }
0x18: {  	s0 =	sld [smem:$0x3F9E];
	_ =	swait.ge [sflag:s4], $0x0  }
0x19: {  	s7 =	sld [smem:$0x3F9F]  }
0x1a: {  	s8 =	sadd.s32 $0xFFFFE003, lr  }
0x1b: {  	s9 =	sadd.s32 $0xFFFFFEF7, lr;
	s5 =	simm.s32 $0xFFFFFFFF;
	p2 =	slt.u32 s8, $0xFFFFF086  }
0x1c: {  	p1 =	slt.u32 s9, $0xF7A;
	s5 =	simm.s32 @!p2 $0x0  }
0x1d: {  	s5 =	simm.s32 @p1 $0x1;
	p0 =	seq.s32 s7, s2  }
0x1e: {  	s7 =	smul.u32 @!p0 $0xF7A, s2;
	p2 =	seq.s32 @!p0 s5, $0x0  }
0x1f: {  	s9 =	smul.u32 $0xF7A, s1;
	s8 =	simm.s32 @!p0 $0x1BF5;
	p2 =	por !p2, p0  }
0x20: {  	[sflag:s8] =	ssyncset.s32 @!p0 $0xFFFFF086;
	s6 =	sadd.s32 @!p0 s3, s7;
	s7 =	simm.s32 @!p0 $0x108  }
0x21: {  	s3 =	sadd.s32 s3, s9;
	s6 =	sadd.s32 @!p0 $0x88, s6;
	s7 =	simm.s32 @p2 $0x1082  }
0x22: {  	[simem:s7], [sflag:s8] =	dma.local @!p0 [hbm:s6], $0xF7A  }
0x23: {  	s9 =	sor.u32 $0xD0000000, s2;
	s6 =	simm.s32 $0x108;
	_ =	swait.ge @!p0 [sflag:s8], $0x0  }
0x24: {  	s3 =	sadd.s32 $0x88, s3;
	s6 =	simm.s32 @!p1 $0x1082;
	[sflag:s4] =	ssyncset.s32 $0xFFFFF086  }
0x25: {  	[simem:s6], [sflag:s4] =	dma.local [hbm:s3], $0xF7A  }
0x26: {  	[smem:$0x3F9F] =	sst s1;
	(tag) =	ssettag s2;
	_ =	strace s9  }
0x27: {  	s1 =	sld [smem:$0x3FAF]  }
0x28: {  	s2 =	sld [smem:$0x3FB0]  }
0x29: {  	s4 =	sld [smem:$0x3FB2]  }
0x2a: {  	p0 =	seq.s32 s5, $0x0;
	s5 =	sld [smem:$0x3FB3]  }
0x2b: {  	s6 =	sld [smem:$0x3FB4]  }
0x2c: {  	s7 =	sld [smem:$0x3FB5]  }
0x2d: {  	s3 =	simm.s32 $0x108;
	s8 =	sld [smem:$0x3FB6]  }
0x2e: {  	s3 =	simm.s32 @!p0 $0x1082;
	s9 =	sld [smem:$0x3FB7]  }
0x2f: {  	lr =	sadd.s32 s0, s3;
	s0 =	sld [smem:$0x3FAE]  }
0x30: {  	s3 =	sld [smem:$0x3FB1]  }
0x31: {  	[smem:$0x3FBA] =	sst s10  }
0x32: {  	s10 =	sld [smem:$0x3FB8];
	_ =	sdelay $0x3  }
0x33: {  	p0 =	seq.s32 s10, $0x1;
	s10 =	sld [smem:$0x3FBA];
	_ =	sdelay $0x3  }
0x34: {  	[smem:$0x3FBA] =	sst s10  }
0x35: {  	s10 =	sld [smem:$0x3FB9];
	_ =	sdelay $0x3  }
0x36: {  	p1 =	seq.s32 s10, $0x1;
	s10 =	sld [smem:$0x3FBA];
	_ =	sdelay $0x3  }
0x37: {  	[smem:$0x3FBA] =	sst s10  }
0x38: {  	s10 =	sld [smem:$0x3FBB]  }
0x39: {  	_ = 	snop;
	(pc) =	sbr.ind lr, $3  }
0x3a: {  	_ = 	snop  }
0x3b: {  	_ = 	snop  }
0x3c: {  	p2 =	seq.s32 s10, $0x1;
	s10 =	sld [smem:$0x3FBA]  }
0x3d: {  	_ =	shalt  }
0x3e: {  	_ =	shalt  }
0x3f: {  	_ =	shalt  }
0x40: {  	_ =	shalt  }
0x41: {  	_ =	shalt  }
0x42: {  	_ =	shalt  }
0x43: {  	_ =	shalt  }
0x44: {  	_ =	shalt  }
0x45: {  	_ =	shalt  }
0x46: {  	_ =	shalt  }
0x47: {  	_ =	shalt  }
0x48: {  	_ =	shalt  }
0x49: {  	_ =	shalt  }
0x4a: {  	_ =	shalt  }
0x4b: {  	_ =	shalt  }
0x4c: {  	_ =	shalt  }
0x4d: {  	_ =	shalt  }
0x4e: {  	_ =	shalt  }
0x4f: {  	_ =	shalt  }
0x50: {  	_ =	shalt  }
0x51: {  	_ =	shalt  }
0x52: {  	_ =	shalt  }
0x53: {  	_ =	shalt  }
0x54: {  	_ =	shalt  }
0x55: {  	_ =	shalt  }
0x56: {  	_ =	shalt  }
0x57: {  	_ =	shalt  }
0x58: {  	_ =	shalt  }
0x59: {  	_ =	shalt  }
0x5a: {  	_ =	shalt  }
0x5b: {  	_ =	shalt  }
0x5c: {  	_ =	shalt  }
0x5d: {  	_ =	shalt  }
0x5e: {  	_ =	shalt  }
0x5f: {  	_ =	shalt  }
0x60: {  	_ =	shalt  }
0x61: {  	_ =	shalt  }
0x62: {  	_ =	shalt  }
0x63: {  	_ =	shalt  }
0x64: {  	_ =	shalt  }
0x65: {  	_ =	shalt  }
0x66: {  	_ =	shalt  }
0x67: {  	_ =	shalt  }
0x68: {  	_ =	shalt  }
0x69: {  	_ =	shalt  }
0x6a: {  	_ =	shalt  }
0x6b: {  	_ =	shalt  }
0x6c: {  	_ =	shalt  }
0x6d: {  	_ =	shalt  }
0x6e: {  	_ =	shalt  }
0x6f: {  	_ =	shalt  }
0x70: {  	_ =	shalt  }
0x71: {  	_ =	shalt  }
0x72: {  	_ =	shalt  }
0x73: {  	_ =	shalt  }
0x74: {  	_ =	shalt  }
0x75: {  	_ =	shalt  }
0x76: {  	_ =	shalt  }
0x77: {  	_ =	shalt  }
0x78: {  	_ =	shalt  }
0x79: {  	_ =	shalt  }
0x7a: {  	_ =	shalt  }
0x7b: {  	_ =	shalt  }
0x7c: {  	_ =	shalt  }
0x7d: {  	_ =	shalt  }
0x7e: {  	_ =	shalt  }
0x7f: {  	_ =	shalt  }
0x80: {  	_ =	shalt  }
0x81: {  	_ =	shalt  }
0x82: {  	_ =	shalt  }
0x83: {  	_ =	shalt  }
0x84: {  	_ =	shalt  }
0x85: {  	_ =	shalt  }
0x86: {  	_ =	shalt  }
0x87: {  	_ =	shalt  }
.Lfunc_end0:
.L_simem_size_0:
called_computation_lowered:
.L_overlay_start_0:
0x88: {  	s2 =	sld [smem:$0x3FD9]  }
0x89: {  	s3 =	sld [smem:$0x3FFE];
	_ =	sdelay $0x1  }
0x8a: {  	s1 =	srdreg.scid  }
0x8b: {  	s0 =	sand.u32 $0x1, s1  }
0x8c: {  	s17 =	sshll.u32 s0, $0xA;
	s2 =	sadd.s32 s3, s2  }
0x8d: {  	s2 =	sadd.s32 s2, s17  }
0x8e: {  	[smem:$0x3FC6] =	sst s2  }
0x8f: {  	_ = 	snop  }
0x90: {  	s2 =	sld [smem:$0x3FD0];
	(tm) =	ssettm $0x1  }
0x91: {  	s18 =	sld [smem:$0x3FFB];
	_ =	sdelay $0x3  }
0x92: {  	_ =	strace s18  }
0x93: {  	s3 =	sld [smem:$0x3FFC];
	_ =	sdelay $0x3  }
0x94: {  	_ =	strace s3  }
0x95: {  	s3 =	sld [smem:$0x3FFD];
	_ =	sdelay $0x3  }
0x96: {  	_ =	strace s3  }
0x97: {  	_ =	strace $0x8FFFFFFF  }
0x98: {  	s19 =	sld [smem:$0x3FDB];
	_ =	sdelay $0x1  }
0x99: {  	s4 =	simm.s32 $_scs_section_size  }
0x9a: {  	s5 =	simm.s32 $_size__tile_overlayer_lowered;
	s6 =	simm.s32 $_tile_overlayer_lowered  }
0x9b: {  	s22 =	simm.s32 $0x1BFF;
	s21 =	sshll.u32 s6, $0x1;
	s3 =	sadd.s32 s4, s19  }
0x9c: {  	s7 =	simm.s32 $0x0;
	s20 =	sshll.u32 s5, $0x1;
	s5 =	sadd.s32 s21, s3  }
0x9d: {  	[timem:s7], [sflag:s22] =	dma.local [hbm:s5], s20  }
0x9e: {  	_ =	swait.ge [sflag:s22], s20  }
0x9f: {  	s4 =	ssub.s32 $0x0, s20;
	[sflag:s22] =	ssyncset.done $0x0  }
0xa0: {  	[sflag:s22] =	ssyncadd.s32 s4;
	_ =	sdelay $0x1  }
0xa1: {  	s23 =	simm.s32 $0x1B8B  }
0xa2: {  	_ =	swait.ge [sflag:s23], $0x1  }
0xa3: {  	[sflag:s23] =	ssyncset.done $0x0  }
0xa4: {  	s25 =	simm.s32 $0x1B8E;
	s24 =	sld [smem:$0x3FFE];
	[sflag:s23] =	ssyncadd.s32 $0xFFFFFFFF  }
0xa5: {  	s26 =	simm.s32 $execute0_lowered;
	[smem:$0x3FD2] =	sst s25  }
0xa6: {  	s5 =	sshll.u32 s26, $0x1;
	_ =	strace $0x80000046;
	[dreg:$0x1] =	wrdreg $0xFFFFFFFF  }
0xa7: {  	s28 =	simm.s32 $_size_execute0_lowered;
	s3 =	sadd.s32 s3, s5;
	[dreg:$0x0] =	wrdreg $0x0  }
0xa8: {  	s5 =	sshll.u32 s28, $0x1;
	[dreg:$0x2] =	wrdreg s3  }
0xa9: {  	[dreg:$0x3] =	wrdreg s5  }
0xaa: {  	[dreg:$0x4] =	wrdreg $0xC0  }
0xab: {  	_ =	task [dreg:s7], $0x5FFFF  }
0xac: {  	[dreg:$0x1] =	wrdreg $0xFFFFFFFF  }
0xad: {  	[dreg:$0x0] =	wrdreg $0x60  }
0xae: {  	[dreg:$0x2] =	wrdreg s24  }
0xaf: {  	[dreg:$0x3] =	wrdreg s2  }
0xb0: {  	[dreg:$0x4] =	wrdreg $0x9  }
0xb1: {  	_ =	task.clear_ibuf [dreg:s7], $0x5FFFF;
	_ =	strace $0x90000046  }
0xb2: {  	s29 =	simm.s32 $0x9;
	_ =	strace $0x80000048  }
0xb3: {  	_ =	swait.ge [sflag:s29], $0x1  }
0xb4: {  	[sflag:s29] =	ssyncadd.s32 $0xFFFFFFFF  }
0xb5: {  	_ =	strace $0x90000048  }
0xb6: {  	_ =	sfence  }
0xb7: {  	s30 =	sld [smem:$0x0];
	_ =	sdelay $0x2  }
0xb8: {  	s31 =	sshll.u32 s1, $0xD;
	s1 =	sshrl.u32 s1, $0x2  }
0xb9: {  	s3 =	sand.u32 $0x4000, s31;
	s1 =	sadd.s32 s1, s30  }
0xba: {  	s0 =	sor.u32 s3, s0;
	s1 =	sshll.u32 s1, $0x11  }
0xbb: {  	s0 =	sor.u32 s1, s0  }
0xbc: {  	s0 =	sadd.s32 $0x8F2B, s0  }
0xbd: {  	[sflag:s0] =	ssyncadd.remote.s32 $0x1  }
0xbe: {  	_ =	sfence.sel $0xFFFF  }
0xbf: {  	[dreg:$0x0] =	wrdreg $0xFFFFFFFF;
	(pc) =	sbr.abs _section_cstart, $3  }
0xc0: {  	[dreg:$0x1] =	wrdreg $0xFFFFFFFF  }
0xc1: {  	_ =	task.clear_ibuf [dreg:s7], $0x2FFFF;
	_ =	strace $0x9FFFFFFF  }
0xc2: {  	(tm) =	ssettm $0x7FFFFFFF  }
0xc3: {  	_ =	shalt  }
tec
execute0_lowered:
.L_overlay_start_1:
0x0: {  	(tag) =	ssettag $0x1  }
0x1: {  	s0 =	rddreg [dreg:$0x0];
	s1 =	srdreg.scid  }
0x2: {  	s3 =	stileid.u32;
	s2 =	rddreg [dreg:$0x1]  }
0x3: {  	s14 =	simm.s32 $0x80;
	s29 =	simm.s32 $0x1;
	s31 =	simm.s32 $0xE400  }
0x4: {  	s17 =	simm.s32 $0x2;
	s18 =	simm.s32 $0x10600;
	s15 =	simm.s32 $0x125E0  }
0x5: {  	s16 =	simm.s32 $0x12668;
	s1 =	sand.u32 $0x1, s1;
	s4 =	sshll.u32 s3, $0x1  }
0x6: {  	s3 =	simm.s32 $0x0;
	s8 =	sadd.s32 $0x2000, s2;
	s9 =	sadd.s32 $0x3000, s2  }
0x7: {  	v0 =	vlaneseq.u32;
	s10 =	sadd.s32 $0x4000, s2;
	s21 =	sadd.s32 $0x8000, s2;
	[smem:$0x7FF] =	sst s3  }
0x8: {  	s22 =	sadd.s32 $0x9000, s2;
	v0 =	vmul.u32 $0x88, v0;
	_ =	strace $0x80000047;
	[dreg:$0x4] =	wrdreg s21  }
0x9: {  	v1 =	vimm.s32 $0x0;
	vm0 =	vcmask $0x300;
	s11 =	sadd.s32 $0x5000, s2;
	s23 =	sadd.s32 $0xA000, s2;
	[dreg:$0x5] =	wrdreg s22  }
0xa: {  	s12 =	sadd.s32 $0x6000, s2;
	s24 =	sadd.s32 $0xB000, s2;
	v1 =	vsel vm0, $0x3, v1;
	[dreg:$0x6] =	wrdreg s23;
	v2 =	vadd.s32 $0x880, v0  }
0xb: {  	s13 =	sadd.s32 $0x7000, s2;
	s25 =	sadd.s32 $0xC000, s2;
	[dreg:$0x7] =	wrdreg s24;
	v3 =	vadd.s32 $0x1100, v0;
	v4 =	vadd.s32 $0x1980, v0;
	v5 =	vor.u32 $0x1, v0  }
0xc: {  	s26 =	sadd.s32 $0xD000, s2;
	s28 =	sadd.s32 $0xE000, s2;
	[dreg:$0x8] =	wrdreg s25;
	v6 =	vadd.s32 $0x881, v0;
	v7 =	vadd.s32 $0x1101, v0;
	v8 =	vadd.s32 $0x1981, v0  }
0xd: {  	s30 =	sadd.s32 $0xF000, s2;
	s5 =	sor.u32 s1, s4;
	[dreg:$0x9] =	wrdreg s26;
	v9 =	vor.u32 $0x2, v0;
	v10 =	vadd.s32 $0x882, v0;
	v11 =	vadd.s32 $0x1102, v0  }
0xe: {  	s1 =	ssub.s32 $0x2, s1;
	s4 =	sshll.u32 s5, $0x4;
	[dreg:$0xa] =	wrdreg s28;
	v12 =	vadd.s32 $0x1982, v0;
	v13 =	vor.u32 $0x3, v0;
	v14 =	vadd.s32 $0x883, v0  }
0xf: {  	s7 =	sshrl.u32 s1, $0x1;
	[dreg:$0xb] =	wrdreg s30;
	v15 =	vadd.s32 $0x1103, v0;
	v16 =	vadd.s32 $0x1983, v0;
	v17 =	vor.u32 $0x4, v0;
	s21 =	simm.s32 $0x3  }
0x10: {  	v18 =	vadd.s32 $0x884, v0;
	v19 =	vadd.s32 $0x1104, v0;
	v20 =	vadd.s32 $0x1984, v0;
	s24 =	simm.s32 $0x6;
	s22 =	simm.s32 $0x0;
	s6 =	sadd.s32 s4, s0  }
0x11: {  	v21 =	vor.u32 $0x5, v0;
	v22 =	vadd.s32 $0x885, v0;
	v23 =	vadd.s32 $0x1105, v0;
	s4 =	sadd.s32 $0x19400, s0;
	s19 =	ssub.s32 s1, s7;
	s7 =	sadd.s32 $0x1000, s2  }
0x12: {  	v24 =	vadd.s32 $0x1985, v0;
	v25 =	vor.u32 $0x6, v0;
	v26 =	vadd.s32 $0x886, v0;
	s1 =	simm.s32 $0x5;
	s20 =	sadd.s32 $0x400, s6;
	s6 =	sshll.u32 s5, $0xA  }
0x13: {  	v27 =	vadd.s32 $0x1106, v0;
	v28 =	vadd.s32 $0x1986, v0;
	v29 =	vor.u32 $0x7, v0;
	s0 =	smax.u32 s19, $0x1;
	s19 =	simm.s32 $0x126F0;
	[dreg:$0x3] =	wrdreg s20  }
0x14: {  	v30 =	vadd.s32 $0x887, v0;
	v31 =	vadd.s32 $0x1107, v0;
	v32 =	vadd.s32 $0x1987, v0;
	[dreg:$0xc] =	wrdreg s0;
	s20 =	simm.s32 $0x12778;
	s0 =	simm.s32 $0x4  }
.LBB2_1:
0x15: {  	[dreg:$0xd] =	wrdreg s22  }
0x16: {  	s5 =	rddreg [dreg:$0x3];
	s25 =	simm.s32 $0x1000;
	s26 =	simm.s32 $0x7  }
0x17: {  	[tilespmem:s3], [sflag:$0x7] =	stream.strided.gather [hbm4b:s5+s14], $0x6400, s25, s14, $0x38;
	[tilespmem:$0x12800] =	vst v63  }
0x18: {  	_ =	swait.ge [sflag:s26], $0x6400  }
0x19: {  	[sflag:s26] =	ssyncset.done $0x0  }
0x1a: {  	s28 =	simm.s32 $0x6400;
	[sflag:s26] =	ssyncadd.s32 $0xFFFF9C00  }
0x1b: {  	[tilespmem:s28], [sflag:$0x1] =	stream.indirect.gather [hbm4b:s4+s14], $0x40, s3, s14, $0xb8;
	[tilespmem:$0x12800] =	vst v63  }
0x1c: {  	s30 =	simm.s32 $0x8400;
	s26 =	simm.s32 $0x0  }
0x1d: {  	[tilespmem:s30], [sflag:$0x2] =	stream.indirect.gather [hbm4b:s4+s14], $0x40, s14, s14, $0xb8;
	[tilespmem:$0x12800] =	vst v63  }
.LBB2_2:
0x1e: {  	s5 =	sshll.u32 s26, $0x2  }
0x1f: {  	_ =	swait.ge [sflag:s29], $0x2000;
	s28 =	sor.u32 $0x2, s5  }
0x20: {  	s23 =	simm.s32 $0xA400;
	[sflag:s29] =	ssyncset.done $0x0;
	s22 =	sshll.u32 s28, $0x7  }
0x21: {  	p0 =	seq.s32 s26, $0x0;
	[sflag:s29] =	ssyncadd.s32 $0xFFFFE000;
	s22 =	sand.u32 $0x3FFFFF00, s22  }
0x22: {  	[tilespmem:s23], [sflag:$0x3] =	stream.indirect.gather [hbm4b:s4+s14], $0x40, s22, s14, $0xb8;
	[tilespmem:$0x12800] =	vst v63  }
0x23: {  	s22 =	simm.s32 @!p0 $0x5  }
0x24: {  	_ =	swait.ge @!p0 [sflag:s22], $0x400  }
0x25: {  	[sflag:s22] =	ssyncset.done @!p0 $0x0  }
0x26: {  	[sflag:s22] =	ssyncadd.s32 @!p0 $0xFFFFFC00  }
0x27: {  	_ =	swait.ge @!p0 [sflag:s22], $0x400  }
0x28: {  	[sflag:s22] =	ssyncset.done @!p0 $0x0  }
0x29: {  	[sflag:s22] =	ssyncadd.s32 @!p0 $0xFFFFFC00  }
0x2a: {  	_ =	swait.ge @!p0 [sflag:s22], $0x400  }
0x2b: {  	[sflag:s22] =	ssyncset.done @!p0 $0x0  }
0x2c: {  	[sflag:s22] =	ssyncadd.s32 @!p0 $0xFFFFFC00  }
0x2d: {  	_ =	swait.ge @!p0 [sflag:s22], $0x400  }
0x2e: {  	[sflag:s22] =	ssyncset.done @!p0 $0x0  }
0x2f: {  	[sflag:s22] =	ssyncadd.s32 @!p0 $0xFFFFFC00  }
0x30: {  	_ =	swait.ge @!p0 [sflag:s22], $0x400  }
0x31: {  	[sflag:s22] =	ssyncset.done @!p0 $0x0  }
0x32: {  	[sflag:s22] =	ssyncadd.s32 @!p0 $0xFFFFFC00  }
0x33: {  	s25 =	simm.s32 $0x0;
	_ =	swait.ge @!p0 [sflag:s22], $0x400  }
0x34: {  	s30 =	simm.s32 $0x3;
	v33 =	vmov s25;
	s25 =	simm.s32 $0x2;
	[sflag:s22] =	ssyncset.done @!p0 $0x0  }
0x35: {  	v36 =	vmov s30;
	s30 =	simm.s32 $0x4;
	v35 =	vmov s25;
	[sflag:s22] =	ssyncadd.s32 @!p0 $0xFFFFFC00  }
0x36: {  	s25 =	simm.s32 $0x7;
	v33 =	vshrl.u32 v33, $0x3;
	v37 =	vmov s30;
	s30 =	simm.s32 $0x5;
	v36 =	vshrl.u32 v36, $0x3;
	_ =	swait.ge @!p0 [sflag:s22], $0x400  }
0x37: {  	v38 =	vmov s25;
	v39 =	vmov s30;
	v33 =	vshll.u32 v33, v1;
	[sflag:s22] =	ssyncset.done @!p0 $0x0  }
0x38: {  	v35 =	vshrl.u32 v35, $0x3;
	v37 =	vshrl.u32 v37, $0x3;
	s23 =	simm.s32 $0x1;
	v38 =	vshrl.u32 v38, $0x3;
	[sflag:s22] =	ssyncadd.s32 @!p0 $0xFFFFFC00  }
0x39: {  	s30 =	simm.s32 $0x6;
	v53 =	vshll.u32 v36, v1;
	v34 =	vmov s23;
	v38 =	vshll.u32 v38, v1;
	_ =	swait.ge @!p0 [sflag:s22], $0x400  }
0x3a: {  	v40 =	vmov s30;
	v34 =	vshrl.u32 v34, $0x3;
	v38 =	vbroadcast v38, $0x0;
	[sflag:s22] =	ssyncset.done @!p0 $0x0  }
0x3b: {  	v33 =	vbroadcast v33, $0x0;
	v52 =	vshll.u32 v35, v1;
	s23 =	simm.s32 $0x6500;
	v34 =	vshll.u32 v34, v1;
	[sflag:s22] =	ssyncadd.s32 @!p0 $0xFFFFFC00  }
0x3c: {  	v35 =	vbroadcast v53, $0x0;
	v45 =	vbroadcast v34, $0x0;
	v42 =	vadd.s32 v29, v38;
	v41 =	vld [tilespmem:s23+$0xC0]  }
0x3d: {  	v55 =	vshrl.u32 v39, $0x3;
	v52 =	vbroadcast v52, $0x0;
	v44 =	vadd.s32 v0, v33;
	v43 =	vld [tilespmem:s23+$0xFFFFFF00]  }
0x3e: {  	v54 =	vshll.u32 v37, v1;
	v36 =	vshll.u32 v55, v1;
	v47 =	vadd.s32 v5, v45;
	v46 =	vld [tilespmem:s23+$0xFFFFFF40]  }
0x3f: {  	v40 =	vshrl.u32 v40, $0x3;
	v49 =	vadd.s32 v9, v52;
	v34 =	vbroadcast v54, $0x0;
	v48 =	vld [tilespmem:s23+$0xFFFFFF80]  }
0x40: {  	v50 =	vadd.s32 v13, v35;
	v37 =	vbroadcast v36, $0x0;
	v56 =	vshll.u32 v40, v1;
	v39 =	vld [tilespmem:s23+$0xFFFFFFC0]  }
0x41: {  	v36 =	vbroadcast v56, $0x0;
	v53 =	vadd.s32 v17, v34;
	v51 =	vld [tilespmem:s23+$0x0];
	[tilespmem:v42+s31+$0x0] =	vst.idx.msk $0xffff, v41  }
0x42: {  	v60 =	vadd.s32 v21, v37;
	v59 =	vld [tilespmem:s23+$0x40];
	[tilespmem:v44+s31+$0x0] =	vst.idx.msk $0xffff, v43  }
0x43: {  	v62 =	vadd.s32 v25, v36;
	v61 =	vld [tilespmem:s23+$0x80];
	[tilespmem:v47+s31+$0x0] =	vst.idx.msk $0xffff, v46  }
0x44: {  	v58 =	vadd.s32 v30, v38;
	[tilespmem:v49+s31+$0x0] =	vst.idx.msk $0xffff, v48;
	v57 =	vld [tilespmem:s23+$0xD0]  }
0x45: {  	v63 =	vadd.s32 v6, v45;
	[tilespmem:v50+s31+$0x0] =	vst.idx.msk $0xffff, v39;
	v47 =	vld [tilespmem:s23+$0xFFFFFF50]  }
0x46: {  	v55 =	vadd.s32 v10, v52;
	[tilespmem:v53+s31+$0x0] =	vst.idx.msk $0xffff, v51;
	v54 =	vld [tilespmem:s23+$0xFFFFFF90]  }
0x47: {  	v56 =	vadd.s32 v14, v35;
	[tilespmem:v60+s31+$0x0] =	vst.idx.msk $0xffff, v59;
	v50 =	vld [tilespmem:s23+$0xFFFFFFD0]  }
0x48: {  	[tilespmem:v62+s31+$0x0] =	vst.idx.msk $0xffff, v61;
	v46 =	vadd.s32 v22, v37;
	v44 =	vld [tilespmem:s23+$0x50]  }
0x49: {  	v59 =	vadd.s32 v18, v34;
	[tilespmem:v58+s31+$0x0] =	vst.idx.msk $0xffff, v57;
	v58 =	vld [tilespmem:s23+$0x10]  }
0x4a: {  	v57 =	vadd.s32 v31, v38;
	[tilespmem:v63+s31+$0x0] =	vst.idx.msk $0xffff, v47;
	v40 =	vld [tilespmem:s23+$0xE0]  }
0x4b: {  	v62 =	vadd.s32 v2, v33;
	v61 =	vld [tilespmem:s23+$0xFFFFFF10];
	[tilespmem:v55+s31+$0x0] =	vst.idx.msk $0xffff, v54  }
0x4c: {  	v60 =	vadd.s32 v26, v36;
	v63 =	vld [tilespmem:s23+$0x90];
	[tilespmem:v56+s31+$0x0] =	vst.idx.msk $0xffff, v50  }
0x4d: {  	v51 =	vadd.s32 v7, v45;
	[tilespmem:v46+s31+$0x0] =	vst.idx.msk $0xffff, v44;
	v50 =	vld [tilespmem:s23+$0xFFFFFF60]  }
0x4e: {  	v56 =	vadd.s32 v11, v52;
	v55 =	vld [tilespmem:s23+$0xFFFFFFA0];
	[tilespmem:v59+s31+$0x0] =	vst.idx.msk $0xffff, v58  }
0x4f: {  	v58 =	vadd.s32 v15, v35;
	[tilespmem:v57+s31+$0x0] =	vst.idx.msk $0xffff, v40;
	v57 =	vld [tilespmem:s23+$0xFFFFFFE0]  }
0x50: {  	v38 =	vadd.s32 v32, v38;
	[tilespmem:v62+s31+$0x0] =	vst.idx.msk $0xffff, v61;
	v54 =	vld [tilespmem:s23+$0xF0]  }
0x51: {  	s30 =	simm.s32 $0x9;
	[tilespmem:v60+s31+$0x0] =	vst.idx.msk $0xffff, v63;
	v60 =	vadd.s32 v19, v34;
	v59 =	vld [tilespmem:s23+$0x20]  }
0x52: {  	s25 =	simm.s32 $0x8;
	v41 =	vadd.s32 v23, v37;
	v53 =	vmov s30;
	[tilespmem:v51+s31+$0x0] =	vst.idx.msk $0xffff, v50;
	v40 =	vld [tilespmem:s23+$0x60]  }
0x53: {  	s30 =	simm.s32 $0xB;
	v43 =	vadd.s32 v27, v36;
	v48 =	vadd.s32 v3, v33;
	v63 =	vmov s25;
	v42 =	vld [tilespmem:s23+$0xA0];
	[tilespmem:v56+s31+$0x0] =	vst.idx.msk $0xffff, v55  }
0x54: {  	v44 =	vmov s30;
	s30 =	simm.s32 $0xD;
	v52 =	vadd.s32 v12, v52;
	v46 =	vld [tilespmem:s23+$0xFFFFFF20];
	s25 =	simm.s32 $0xA;
	v39 =	vshrl.u32 v63, $0x3;
	[tilespmem:v58+s31+$0x0] =	vst.idx.msk $0xffff, v57  }
0x55: {  	v51 =	vadd.s32 v8, v45;
	v49 =	vld [tilespmem:s23+$0xFFFFFF70];
	[tilespmem:v38+s31+$0x0] =	vst.idx.msk $0xffff, v54;
	v54 =	vmov s25;
	s25 =	simm.s32 $0xC;
	v38 =	vmov s30;
	s30 =	simm.s32 $0xE  }
0x56: {  	s22 =	simm.s32 $0x10;
	v45 =	vshll.u32 v39, v1;
	v50 =	vld [tilespmem:s23+$0xFFFFFFB0];
	[tilespmem:v60+s31+$0x0] =	vst.idx.msk $0xffff, v59;
	v47 =	vmov s25;
	v39 =	vmov s30;
	s25 =	simm.s32 $0xF  }
.LBB2_3:
0x57: {  	p1 =	slt.u32 s22, $0x78;
	v53 =	vshrl.u32 v53, $0x3;
	v55 =	vmov s25;
	v56 =	vld [tilespmem:s23+$0xFFFFFFF0];
	v35 =	vadd.s32 v16, v35;
	[tilespmem:v41+s31+$0x0] =	vst.idx.msk $0xffff, v40  }
0x58: {  	v40 =	vshrl.u32 v54, $0x3;
	v34 =	vadd.s32 v20, v34;
	v41 =	vshrl.u32 v55, $0x3;
	v54 =	vld [tilespmem:s23+$0x30];
	[tilespmem:v43+s31+$0x0] =	vst.idx.msk $0xffff, v42  }
0x59: {  	v37 =	vadd.s32 v24, v37;
	v42 =	vshrl.u32 v44, $0x3;
	v41 =	vshll.u32 v41, v1;
	[tilespmem:v48+s31+$0x0] =	vst.idx.msk $0xffff, v46;
	v43 =	vld [tilespmem:s23+$0x70]  }
0x5a: {  	v36 =	vadd.s32 v28, v36;
	v44 =	vshrl.u32 v47, $0x3;
	v41 =	vbroadcast v41, $0x0;
	[tilespmem:v51+s31+$0x0] =	vst.idx.msk $0xffff, v49;
	v46 =	vld [tilespmem:s23+$0xB0]  }
0x5b: {  	v47 =	vshll.u32 v53, v1;
	v49 =	vadd.s32 v4, v33;
	v33 =	vbroadcast v45, $0x0;
	v48 =	vld [tilespmem:s23+$0xFFFFFF30];
	[tilespmem:v52+s31+$0x0] =	vst.idx.msk $0xffff, v50;
	s23 =	sadd.s32 $0x200, s23  }
0x5c: {  	v40 =	vshll.u32 v40, v1;
	v45 =	vbroadcast v47, $0x0;
	v47 =	vld [tilespmem:s23+$0xC0];
	v50 =	vadd.s32 v29, v41;
	[tilespmem:v35+s31+$0x0] =	vst.idx.msk $0xffff, v56  }
0x5d: {  	v55 =	vbroadcast v40, $0x0;
	v52 =	vadd.s32 v0, v33;
	v35 =	vshll.u32 v42, v1;
	v51 =	vld [tilespmem:s23+$0xFFFFFF00];
	[tilespmem:v34+s31+$0x0] =	vst.idx.msk $0xffff, v54  }
0x5e: {  	v42 =	vadd.s32 v5, v45;
	v35 =	vbroadcast v35, $0x0;
	v34 =	vshll.u32 v44, v1;
	v40 =	vld [tilespmem:s23+$0xFFFFFF40];
	[tilespmem:v37+s31+$0x0] =	vst.idx.msk $0xffff, v43  }
0x5f: {  	v44 =	vadd.s32 v9, v55;
	v34 =	vbroadcast v34, $0x0;
	v37 =	vshrl.u32 v38, $0x3;
	v43 =	vld [tilespmem:s23+$0xFFFFFF80];
	[tilespmem:v36+s31+$0x0] =	vst.idx.msk $0xffff, v46  }
0x60: {  	v39 =	vshrl.u32 v39, $0x3;
	v46 =	vadd.s32 v13, v35;
	v36 =	vshll.u32 v37, v1;
	v38 =	vld [tilespmem:s23+$0xFFFFFFC0];
	[tilespmem:v49+s31+$0x0] =	vst.idx.msk $0xffff, v48  }
0x61: {  	v49 =	vadd.s32 v17, v34;
	v37 =	vbroadcast v36, $0x0;
	v36 =	vshll.u32 v39, v1;
	v48 =	vld [tilespmem:s23+$0x0];
	[tilespmem:v50+s31+$0x0] =	vst.idx.msk $0xffff, v47  }
0x62: {  	v36 =	vbroadcast v36, $0x0;
	v47 =	vadd.s32 v30, v41;
	[tilespmem:v52+s31+$0x0] =	vst.idx.msk $0xffff, v51;
	v39 =	vld [tilespmem:s23+$0xD0]  }
0x63: {  	[tilespmem:v42+s31+$0x0] =	vst.idx.msk $0xffff, v40;
	v40 =	vld [tilespmem:s23+$0x40];
	v42 =	vadd.s32 v21, v37  }
0x64: {  	[tilespmem:v44+s31+$0x0] =	vst.idx.msk $0xffff, v43;
	v43 =	vld [tilespmem:s23+$0x80];
	v44 =	vadd.s32 v25, v36  }
0x65: {  	v51 =	vadd.s32 v6, v45;
	v50 =	vld [tilespmem:s23+$0xFFFFFF50];
	[tilespmem:v46+s31+$0x0] =	vst.idx.msk $0xffff, v38  }
0x66: {  	v46 =	vadd.s32 v10, v55;
	v38 =	vld [tilespmem:s23+$0xFFFFFF90];
	[tilespmem:v49+s31+$0x0] =	vst.idx.msk $0xffff, v48  }
0x67: {  	v49 =	vadd.s32 v14, v35;
	v48 =	vld [tilespmem:s23+$0xFFFFFFD0];
	[tilespmem:v47+s31+$0x0] =	vst.idx.msk $0xffff, v39  }
0x68: {  	[tilespmem:v42+s31+$0x0] =	vst.idx.msk $0xffff, v40;
	v39 =	vld [tilespmem:s23+$0xE0];
	v40 =	vadd.s32 v31, v41  }
0x69: {  	v47 =	vadd.s32 v18, v34;
	v42 =	vld [tilespmem:s23+$0x10];
	[tilespmem:v44+s31+$0x0] =	vst.idx.msk $0xffff, v43  }
0x6a: {  	v44 =	vadd.s32 v22, v37;
	[tilespmem:v51+s31+$0x0] =	vst.idx.msk $0xffff, v50;
	v43 =	vld [tilespmem:s23+$0x50]  }
0x6b: {  	[tilespmem:v46+s31+$0x0] =	vst.idx.msk $0xffff, v38;
	v38 =	vld [tilespmem:s23+$0x90];
	v46 =	vadd.s32 v26, v36  }
0x6c: {  	v51 =	vadd.s32 v2, v33;
	v50 =	vld [tilespmem:s23+$0xFFFFFF10];
	[tilespmem:v49+s31+$0x0] =	vst.idx.msk $0xffff, v48  }
0x6d: {  	v49 =	vadd.s32 v7, v45;
	v48 =	vld [tilespmem:s23+$0xFFFFFF60];
	[tilespmem:v40+s31+$0x0] =	vst.idx.msk $0xffff, v39  }
0x6e: {  	[tilespmem:v47+s31+$0x0] =	vst.idx.msk $0xffff, v42;
	v39 =	vld [tilespmem:s23+$0xF0];
	v47 =	vadd.s32 v32, v41  }
0x6f: {  	v56 =	vadd.s32 v11, v55;
	v52 =	vld [tilespmem:s23+$0xFFFFFFA0];
	[tilespmem:v44+s31+$0x0] =	vst.idx.msk $0xffff, v43  }
0x70: {  	v58 =	vadd.s32 v15, v35;
	v57 =	vld [tilespmem:s23+$0xFFFFFFE0];
	[tilespmem:v46+s31+$0x0] =	vst.idx.msk $0xffff, v38  }
0x71: {  	v60 =	vadd.s32 v19, v34;
	[tilespmem:v51+s31+$0x0] =	vst.idx.msk $0xffff, v50;
	v59 =	vld [tilespmem:s23+$0x20]  }
.Ltmp0:
0x72: {  	s25 =	sadd.s32 $0x1, s22;
	v41 =	vadd.s32 v23, v37;
	v38 =	vmov s22;
	[tilespmem:v49+s31+$0x0] =	vst.idx.msk $0xffff, v48;
	v40 =	vld [tilespmem:s23+$0x60];
	(pc) =	sbr.rel @p1 .LBB2_3-.Ltmp0, $4  }
0x73: {  	s30 =	sadd.s32 $0x3, s22;
	v53 =	vmov s25;
	s25 =	sadd.s32 $0x2, s22;
	v43 =	vadd.s32 v27, v36;
	v50 =	vshrl.u32 v38, $0x3;
	v42 =	vld [tilespmem:s23+$0xA0];
	[tilespmem:v47+s31+$0x0] =	vst.idx.msk $0xffff, v39  }
0x74: {  	v54 =	vmov s25;
	s25 =	sadd.s32 $0x4, s22;
	v44 =	vmov s30;
	s30 =	sadd.s32 $0x5, s22;
	v48 =	vadd.s32 v3, v33;
	v46 =	vld [tilespmem:s23+$0xFFFFFF20];
	[tilespmem:v56+s31+$0x0] =	vst.idx.msk $0xffff, v52  }
0x75: {  	v38 =	vmov s30;
	v51 =	vadd.s32 v8, v45;
	v47 =	vmov s25;
	s25 =	sadd.s32 $0x6, s22;
	v49 =	vld [tilespmem:s23+$0xFFFFFF70];
	[tilespmem:v58+s31+$0x0] =	vst.idx.msk $0xffff, v57  }
0x76: {  	v45 =	vshll.u32 v50, v1;
	v39 =	vmov s25;
	s25 =	sadd.s32 $0x7, s22;
	s22 =	sadd.s32 $0x8, s22;
	v52 =	vadd.s32 v12, v55;
	v50 =	vld [tilespmem:s23+$0xFFFFFFB0];
	[tilespmem:v60+s31+$0x0] =	vst.idx.msk $0xffff, v59  }
0x77: {  	_ =	sdelay $0x2  }
0x78: {  	v53 =	vshrl.u32 v53, $0x3  }
0x79: {  	v55 =	vmov s25;
	v56 =	vld [tilespmem:s23+$0xFFFFFFF0];
	v35 =	vadd.s32 v16, v35;
	[tilespmem:v41+s31+$0x0] =	vst.idx.msk $0xffff, v40;
	v34 =	vadd.s32 v20, v34  }
0x7a: {  	v61 =	vshrl.u32 v54, $0x3;
	v63 =	vld [tilespmem:s23+$0x30];
	v37 =	vadd.s32 v24, v37;
	v36 =	vadd.s32 v28, v36;
	[tilespmem:v43+s31+$0x0] =	vst.idx.msk $0xffff, v42  }
0x7b: {  	v45 =	vbroadcast v45, $0x0;
	v33 =	vadd.s32 v4, v33;
	v62 =	vshrl.u32 v55, $0x3;
	v43 =	vld [tilespmem:s23+$0x70];
	[tilespmem:v48+s31+$0x0] =	vst.idx.msk $0xffff, v46  }
0x7c: {  	s22 =	sadd.s32 $0x200, s23;
	v38 =	vshrl.u32 v38, $0x3;
	v55 =	vshrl.u32 v44, $0x3;
	v41 =	vshll.u32 v62, v1;
	v46 =	vld [tilespmem:s23+$0xB0];
	[tilespmem:v51+s31+$0x0] =	vst.idx.msk $0xffff, v49  }
0x7d: {  	v40 =	vshll.u32 v61, v1;
	v60 =	vld [tilespmem:s22+$0xFFFFFF00];
	v61 =	vadd.s32 v0, v45;
	v41 =	vbroadcast v41, $0x0;
	[tilespmem:v52+s31+$0x0] =	vst.idx.msk $0xffff, v50  }
0x7e: {  	v44 =	vshrl.u32 v47, $0x3;
	v57 =	vshll.u32 v53, v1;
	v40 =	vbroadcast v40, $0x0;
	v48 =	vld [tilespmem:s23+$0xFFFFFF30];
	[tilespmem:v35+s31+$0x0] =	vst.idx.msk $0xffff, v56  }
0x7f: {  	v58 =	vld [tilespmem:s22+$0xC0];
	v47 =	vbroadcast v57, $0x0;
	v42 =	vshll.u32 v55, v1;
	v59 =	vadd.s32 v29, v41;
	[tilespmem:v34+s31+$0x0] =	vst.idx.msk $0xffff, v63  }
0x80: {  	v54 =	vld [tilespmem:s22+$0xFFFFFF80];
	v44 =	vshll.u32 v44, v1;
	v42 =	vbroadcast v42, $0x0;
	v55 =	vadd.s32 v9, v40;
	[tilespmem:v37+s31+$0x0] =	vst.idx.msk $0xffff, v43  }
0x81: {  	v38 =	vshll.u32 v38, v1;
	v62 =	vld [tilespmem:s22+$0xFFFFFF40];
	v44 =	vbroadcast v44, $0x0;
	v63 =	vadd.s32 v5, v47;
	[tilespmem:v36+s31+$0x0] =	vst.idx.msk $0xffff, v46  }
0x82: {  	v39 =	vshrl.u32 v39, $0x3;
	v38 =	vbroadcast v38, $0x0;
	v36 =	vld [tilespmem:s22+$0xFFFFFFC0];
	v46 =	vadd.s32 v13, v42;
	[tilespmem:v61+s31+$0x0] =	vst.idx.msk $0xffff, v60  }
0x83: {  	v39 =	vshll.u32 v39, v1;
	[tilespmem:v33+s31+$0x0] =	vst.idx.msk $0xffff, v48;
	v33 =	vld [tilespmem:s22+$0x0];
	v48 =	vadd.s32 v17, v44  }
0x84: {  	v35 =	vbroadcast v39, $0x0;
	[tilespmem:v59+s31+$0x0] =	vst.idx.msk $0xffff, v58;
	v58 =	vld [tilespmem:s22+$0x40];
	v59 =	vadd.s32 v21, v38  }
0x85: {  	v57 =	vadd.s32 v30, v41;
	[tilespmem:v55+s31+$0x0] =	vst.idx.msk $0xffff, v54;
	v56 =	vld [tilespmem:s22+$0xD0]  }
0x86: {  	v60 =	vld [tilespmem:s22+$0x80];
	v61 =	vadd.s32 v25, v35;
	[tilespmem:v63+s31+$0x0] =	vst.idx.msk $0xffff, v62  }
0x87: {  	v55 =	vadd.s32 v10, v40;
	v54 =	vld [tilespmem:s22+$0xFFFFFF90];
	[tilespmem:v46+s31+$0x0] =	vst.idx.msk $0xffff, v36  }
0x88: {  	v63 =	vadd.s32 v6, v47;
	v62 =	vld [tilespmem:s22+$0xFFFFFF50];
	[tilespmem:v48+s31+$0x0] =	vst.idx.msk $0xffff, v33  }
0x89: {  	v33 =	vld [tilespmem:s22+$0xFFFFFFD0];
	v48 =	vadd.s32 v14, v42;
	[tilespmem:v59+s31+$0x0] =	vst.idx.msk $0xffff, v58  }
0x8a: {  	[tilespmem:v57+s31+$0x0] =	vst.idx.msk $0xffff, v56;
	v56 =	vld [tilespmem:s22+$0x10];
	v57 =	vadd.s32 v18, v44  }
0x8b: {  	[tilespmem:v61+s31+$0x0] =	vst.idx.msk $0xffff, v60;
	v59 =	vadd.s32 v22, v38;
	v58 =	vld [tilespmem:s22+$0x50]  }
0x8c: {  	v39 =	vadd.s32 v31, v41;
	[tilespmem:v55+s31+$0x0] =	vst.idx.msk $0xffff, v54;
	v34 =	vld [tilespmem:s22+$0xE0]  }
0x8d: {  	v61 =	vadd.s32 v26, v35;
	v60 =	vld [tilespmem:s22+$0x90];
	[tilespmem:v63+s31+$0x0] =	vst.idx.msk $0xffff, v62  }
0x8e: {  	v62 =	vld [tilespmem:s22+$0xFFFFFF10];
	v63 =	vadd.s32 v2, v45;
	[tilespmem:v48+s31+$0x0] =	vst.idx.msk $0xffff, v33  }
0x8f: {  	v55 =	vadd.s32 v7, v47;
	v54 =	vld [tilespmem:s22+$0xFFFFFF60];
	[tilespmem:v57+s31+$0x0] =	vst.idx.msk $0xffff, v56  }
0x90: {  	v56 =	vadd.s32 v32, v41;
	v41 =	vld [tilespmem:s22+$0xFFFFFFA0];
	v57 =	vadd.s32 v11, v40;
	[tilespmem:v59+s31+$0x0] =	vst.idx.msk $0xffff, v58  }
0x91: {  	v37 =	vld [tilespmem:s22+$0xFFFFFFE0];
	v58 =	vadd.s32 v15, v42;
	[tilespmem:v39+s31+$0x0] =	vst.idx.msk $0xffff, v34  }
0x92: {  	[tilespmem:v61+s31+$0x0] =	vst.idx.msk $0xffff, v60;
	v34 =	vld [tilespmem:s22+$0xF0]  }
0x93: {  	v60 =	vadd.s32 v19, v44;
	[tilespmem:v63+s31+$0x0] =	vst.idx.msk $0xffff, v62;
	v59 =	vld [tilespmem:s22+$0x20]  }
0x94: {  	v62 =	vadd.s32 v23, v38;
	[tilespmem:v55+s31+$0x0] =	vst.idx.msk $0xffff, v54;
	v61 =	vld [tilespmem:s22+$0x60]  }
0x95: {  	v63 =	vld [tilespmem:s22+$0xA0];
	v54 =	vadd.s32 v27, v35;
	[tilespmem:v57+s31+$0x0] =	vst.idx.msk $0xffff, v41  }
0x96: {  	v47 =	vadd.s32 v8, v47;
	v57 =	vld [tilespmem:s22+$0xFFFFFF70];
	[tilespmem:v58+s31+$0x0] =	vst.idx.msk $0xffff, v37  }
0x97: {  	v55 =	vld [tilespmem:s22+$0xFFFFFF20];
	[tilespmem:v56+s31+$0x0] =	vst.idx.msk $0xffff, v34;
	v56 =	vadd.s32 v3, v45  }
0x98: {  	v40 =	vadd.s32 v12, v40;
	v58 =	vld [tilespmem:s22+$0xFFFFFFB0];
	[tilespmem:v60+s31+$0x0] =	vst.idx.msk $0xffff, v59  }
0x99: {  	v42 =	vadd.s32 v16, v42;
	v59 =	vld [tilespmem:s22+$0xFFFFFFF0];
	[tilespmem:v62+s31+$0x0] =	vst.idx.msk $0xffff, v61  }
0x9a: {  	v61 =	vadd.s32 v20, v44;
	[tilespmem:v54+s31+$0x0] =	vst.idx.msk $0xffff, v63;
	v60 =	vld [tilespmem:s22+$0x30]  }
0x9b: {  	v38 =	vadd.s32 v24, v38;
	v62 =	vld [tilespmem:s22+$0x70];
	[tilespmem:v47+s31+$0x0] =	vst.idx.msk $0xffff, v57  }
0x9c: {  	v35 =	vadd.s32 v28, v35;
	v63 =	vld [tilespmem:s22+$0xB0];
	[tilespmem:v56+s31+$0x0] =	vst.idx.msk $0xffff, v55  }
0x9d: {  	v49 =	vadd.s32 v4, v45;
	[tilespmem:v40+s31+$0x0] =	vst.idx.msk $0xffff, v58;
	v48 =	vld [tilespmem:s22+$0xFFFFFF30]  }
0x9e: {  	[tilespmem:v42+s31+$0x0] =	vst.idx.msk $0xffff, v59  }
0x9f: {  	s23 =	sshll.u32 s26, $0x14;
	[tilespmem:v61+s31+$0x0] =	vst.idx.msk $0xffff, v60  }
0xa0: {  	[tilespmem:v38+s31+$0x0] =	vst.idx.msk $0xffff, v62;
	s22 =	sor.u32 s6, s23  }
0xa1: {  	[tilespmem:v35+s31+$0x0] =	vst.idx.msk $0xffff, v63;
	s23 =	sshrl.u32 s22, $0x3  }
0xa2: {  	s22 =	sadd.s32 s2, s23;
	[tilespmem:v49+s31+$0x0] =	vst.idx.msk $0xffff, v48  }
0xa3: {  	[hbm4b:s22+s3] =	stream.linear.scatter [tilespmem:s31], [sflag:$0x5], $0x80, $0x38;
	[tilespmem:$0x12800] =	vst v63  }
0xa4: {  	s30 =	simm.s32 $0xE488;
	s25 =	sadd.s32 $0x10, s22  }
0xa5: {  	[hbm4b:s25+s3] =	stream.linear.scatter [tilespmem:s30], [sflag:$0x5], $0x80, $0x38;
	[tilespmem:$0x12800] =	vst v63  }
0xa6: {  	s25 =	sadd.s32 $0x20, s22;
	s30 =	simm.s32 $0xE510  }
0xa7: {  	[hbm4b:s25+s3] =	stream.linear.scatter [tilespmem:s30], [sflag:$0x5], $0x80, $0x38;
	[tilespmem:$0x12800] =	vst v63  }
0xa8: {  	s25 =	sadd.s32 $0x30, s22;
	s30 =	simm.s32 $0xE598  }
0xa9: {  	[hbm4b:s25+s3] =	stream.linear.scatter [tilespmem:s30], [sflag:$0x5], $0x80, $0x38;
	[tilespmem:$0x12800] =	vst v63  }
0xaa: {  	s25 =	sadd.s32 $0x40, s22;
	s30 =	simm.s32 $0xE620  }
0xab: {  	[hbm4b:s25+s3] =	stream.linear.scatter [tilespmem:s30], [sflag:$0x5], $0x80, $0x38;
	[tilespmem:$0x12800] =	vst v63  }
0xac: {  	s25 =	sadd.s32 $0x50, s22;
	s30 =	simm.s32 $0xE6A8  }
0xad: {  	[hbm4b:s25+s3] =	stream.linear.scatter [tilespmem:s30], [sflag:$0x5], $0x80, $0x38;
	[tilespmem:$0x12800] =	vst v63  }
0xae: {  	s25 =	sadd.s32 $0x60, s22;
	s30 =	simm.s32 $0xE730  }
0xaf: {  	[hbm4b:s25+s3] =	stream.linear.scatter [tilespmem:s30], [sflag:$0x5], $0x80, $0x38;
	[tilespmem:$0x12800] =	vst v63  }
0xb0: {  	s22 =	sadd.s32 $0x70, s22;
	s25 =	simm.s32 $0xE7B8  }
0xb1: {  	[hbm4b:s22+s3] =	stream.linear.scatter [tilespmem:s25], [sflag:$0x5], $0x80, $0x38;
	[tilespmem:$0x12800] =	vst v63  }
0xb2: {  	s22 =	sadd.s32 s23, s7;
	s25 =	simm.s32 $0xE840  }
0xb3: {  	[hbm4b:s22+s3] =	stream.linear.scatter [tilespmem:s25], [sflag:$0x5], $0x80, $0x38;
	[tilespmem:$0x12800] =	vst v63  }
0xb4: {  	s30 =	simm.s32 $0xE8C8;
	s25 =	sadd.s32 $0x10, s22  }
0xb5: {  	[hbm4b:s25+s3] =	stream.linear.scatter [tilespmem:s30], [sflag:$0x5], $0x80, $0x38;
	[tilespmem:$0x12800] =	vst v63  }
0xb6: {  	s25 =	sadd.s32 $0x20, s22;
	s30 =	simm.s32 $0xE950  }
0xb7: {  	[hbm4b:s25+s3] =	stream.linear.scatter [tilespmem:s30], [sflag:$0x5], $0x80, $0x38;
	[tilespmem:$0x12800] =	vst v63  }
0xb8: {  	s25 =	sadd.s32 $0x30, s22;
	s30 =	simm.s32 $0xE9D8  }
0xb9: {  	[hbm4b:s25+s3] =	stream.linear.scatter [tilespmem:s30], [sflag:$0x5], $0x80, $0x38;
	[tilespmem:$0x12800] =	vst v63  }
0xba: {  	s25 =	sadd.s32 $0x40, s22;
	s30 =	simm.s32 $0xEA60  }
0xbb: {  	[hbm4b:s25+s3] =	stream.linear.scatter [tilespmem:s30], [sflag:$0x5], $0x80, $0x38;
	[tilespmem:$0x12800] =	vst v63  }
0xbc: {  	s25 =	sadd.s32 $0x50, s22;
	s30 =	simm.s32 $0xEAE8  }
0xbd: {  	[hbm4b:s25+s3] =	stream.linear.scatter [tilespmem:s30], [sflag:$0x5], $0x80, $0x38;
	[tilespmem:$0x12800] =	vst v63  }
0xbe: {  	s25 =	sadd.s32 $0x60, s22;
	s30 =	simm.s32 $0xEB70  }
0xbf: {  	[hbm4b:s25+s3] =	stream.linear.scatter [tilespmem:s30], [sflag:$0x5], $0x80, $0x38;
	[tilespmem:$0x12800] =	vst v63  }
0xc0: {  	s22 =	sadd.s32 $0x70, s22;
	s25 =	simm.s32 $0xEBF8  }
0xc1: {  	[hbm4b:s22+s3] =	stream.linear.scatter [tilespmem:s25], [sflag:$0x5], $0x80, $0x38;
	[tilespmem:$0x12800] =	vst v63  }
0xc2: {  	s22 =	sadd.s32 s23, s8;
	s25 =	simm.s32 $0xEC80  }
0xc3: {  	[hbm4b:s22+s3] =	stream.linear.scatter [tilespmem:s25], [sflag:$0x5], $0x80, $0x38;
	[tilespmem:$0x12800] =	vst v63  }
0xc4: {  	s30 =	simm.s32 $0xED08;
	s25 =	sadd.s32 $0x10, s22  }
0xc5: {  	[hbm4b:s25+s3] =	stream.linear.scatter [tilespmem:s30], [sflag:$0x5], $0x80, $0x38;
	[tilespmem:$0x12800] =	vst v63  }
0xc6: {  	s25 =	sadd.s32 $0x20, s22;
	s30 =	simm.s32 $0xED90  }
0xc7: {  	[hbm4b:s25+s3] =	stream.linear.scatter [tilespmem:s30], [sflag:$0x5], $0x80, $0x38;
	[tilespmem:$0x12800] =	vst v63  }
0xc8: {  	s25 =	sadd.s32 $0x30, s22;
	s30 =	simm.s32 $0xEE18  }
0xc9: {  	[hbm4b:s25+s3] =	stream.linear.scatter [tilespmem:s30], [sflag:$0x5], $0x80, $0x38;
	[tilespmem:$0x12800] =	vst v63  }
0xca: {  	s25 =	sadd.s32 $0x40, s22;
	s30 =	simm.s32 $0xEEA0  }
0xcb: {  	[hbm4b:s25+s3] =	stream.linear.scatter [tilespmem:s30], [sflag:$0x5], $0x80, $0x38;
	[tilespmem:$0x12800] =	vst v63  }
0xcc: {  	s25 =	sadd.s32 $0x50, s22;
	s30 =	simm.s32 $0xEF28  }
0xcd: {  	[hbm4b:s25+s3] =	stream.linear.scatter [tilespmem:s30], [sflag:$0x5], $0x80, $0x38;
	[tilespmem:$0x12800] =	vst v63  }
0xce: {  	s25 =	sadd.s32 $0x60, s22;
	s30 =	simm.s32 $0xEFB0  }
0xcf: {  	[hbm4b:s25+s3] =	stream.linear.scatter [tilespmem:s30], [sflag:$0x5], $0x80, $0x38;
	[tilespmem:$0x12800] =	vst v63  }
0xd0: {  	s22 =	sadd.s32 $0x70, s22;
	s25 =	simm.s32 $0xF038  }
0xd1: {  	[hbm4b:s22+s3] =	stream.linear.scatter [tilespmem:s25], [sflag:$0x5], $0x80, $0x38;
	[tilespmem:$0x12800] =	vst v63  }
0xd2: {  	s22 =	sadd.s32 s23, s9;
	s25 =	simm.s32 $0xF0C0  }
0xd3: {  	[hbm4b:s22+s3] =	stream.linear.scatter [tilespmem:s25], [sflag:$0x5], $0x80, $0x38;
	[tilespmem:$0x12800] =	vst v63  }
0xd4: {  	s30 =	simm.s32 $0xF148;
	s25 =	sadd.s32 $0x10, s22  }
0xd5: {  	[hbm4b:s25+s3] =	stream.linear.scatter [tilespmem:s30], [sflag:$0x5], $0x80, $0x38;
	[tilespmem:$0x12800] =	vst v63  }
0xd6: {  	s25 =	sadd.s32 $0x20, s22;
	s30 =	simm.s32 $0xF1D0  }
0xd7: {  	[hbm4b:s25+s3] =	stream.linear.scatter [tilespmem:s30], [sflag:$0x5], $0x80, $0x38;
	[tilespmem:$0x12800] =	vst v63  }
0xd8: {  	s25 =	sadd.s32 $0x30, s22;
	s30 =	simm.s32 $0xF258  }
0xd9: {  	[hbm4b:s25+s3] =	stream.linear.scatter [tilespmem:s30], [sflag:$0x5], $0x80, $0x38;
	[tilespmem:$0x12800] =	vst v63  }
0xda: {  	s25 =	sadd.s32 $0x40, s22;
	s30 =	simm.s32 $0xF2E0  }
0xdb: {  	[hbm4b:s25+s3] =	stream.linear.scatter [tilespmem:s30], [sflag:$0x5], $0x80, $0x38;
	[tilespmem:$0x12800] =	vst v63  }
0xdc: {  	s25 =	sadd.s32 $0x50, s22;
	s30 =	simm.s32 $0xF368  }
0xdd: {  	[hbm4b:s25+s3] =	stream.linear.scatter [tilespmem:s30], [sflag:$0x5], $0x80, $0x38;
	[tilespmem:$0x12800] =	vst v63  }
0xde: {  	s25 =	sadd.s32 $0x60, s22;
	s30 =	simm.s32 $0xF3F0  }
0xdf: {  	[hbm4b:s25+s3] =	stream.linear.scatter [tilespmem:s30], [sflag:$0x5], $0x80, $0x38;
	[tilespmem:$0x12800] =	vst v63  }
0xe0: {  	s22 =	sadd.s32 $0x70, s22;
	s25 =	simm.s32 $0xF478  }
0xe1: {  	[hbm4b:s22+s3] =	stream.linear.scatter [tilespmem:s25], [sflag:$0x5], $0x80, $0x38;
	[tilespmem:$0x12800] =	vst v63  }
0xe2: {  	s22 =	sadd.s32 s23, s10;
	s25 =	simm.s32 $0xF500  }
0xe3: {  	[hbm4b:s22+s3] =	stream.linear.scatter [tilespmem:s25], [sflag:$0x5], $0x80, $0x38;
	[tilespmem:$0x12800] =	vst v63  }
0xe4: {  	s30 =	simm.s32 $0xF588;
	s25 =	sadd.s32 $0x10, s22  }
0xe5: {  	[hbm4b:s25+s3] =	stream.linear.scatter [tilespmem:s30], [sflag:$0x5], $0x80, $0x38;
	[tilespmem:$0x12800] =	vst v63  }
0xe6: {  	s25 =	sadd.s32 $0x20, s22;
	s30 =	simm.s32 $0xF610  }
0xe7: {  	[hbm4b:s25+s3] =	stream.linear.scatter [tilespmem:s30], [sflag:$0x5], $0x80, $0x38;
	[tilespmem:$0x12800] =	vst v63  }
0xe8: {  	s25 =	sadd.s32 $0x30, s22;
	s30 =	simm.s32 $0xF698  }
0xe9: {  	[hbm4b:s25+s3] =	stream.linear.scatter [tilespmem:s30], [sflag:$0x5], $0x80, $0x38;
	[tilespmem:$0x12800] =	vst v63  }
0xea: {  	s25 =	sadd.s32 $0x40, s22;
	s30 =	simm.s32 $0xF720  }
0xeb: {  	[hbm4b:s25+s3] =	stream.linear.scatter [tilespmem:s30], [sflag:$0x5], $0x80, $0x38;
	[tilespmem:$0x12800] =	vst v63  }
0xec: {  	s25 =	sadd.s32 $0x50, s22;
	s30 =	simm.s32 $0xF7A8  }
0xed: {  	[hbm4b:s25+s3] =	stream.linear.scatter [tilespmem:s30], [sflag:$0x5], $0x80, $0x38;
	[tilespmem:$0x12800] =	vst v63  }
0xee: {  	s25 =	sadd.s32 $0x60, s22;
	s30 =	simm.s32 $0xF830  }
0xef: {  	[hbm4b:s25+s3] =	stream.linear.scatter [tilespmem:s30], [sflag:$0x5], $0x80, $0x38;
	[tilespmem:$0x12800] =	vst v63  }
0xf0: {  	s22 =	sadd.s32 $0x70, s22;
	s25 =	simm.s32 $0xF8B8  }
0xf1: {  	[hbm4b:s22+s3] =	stream.linear.scatter [tilespmem:s25], [sflag:$0x5], $0x80, $0x38;
	[tilespmem:$0x12800] =	vst v63  }
0xf2: {  	s22 =	sadd.s32 s23, s11;
	s25 =	simm.s32 $0xF940  }
0xf3: {  	[hbm4b:s22+s3] =	stream.linear.scatter [tilespmem:s25], [sflag:$0x5], $0x80, $0x38;
	[tilespmem:$0x12800] =	vst v63  }
0xf4: {  	s30 =	simm.s32 $0xF9C8;
	s25 =	sadd.s32 $0x10, s22  }
0xf5: {  	[hbm4b:s25+s3] =	stream.linear.scatter [tilespmem:s30], [sflag:$0x5], $0x80, $0x38;
	[tilespmem:$0x12800] =	vst v63  }
0xf6: {  	s25 =	sadd.s32 $0x20, s22;
	s30 =	simm.s32 $0xFA50  }
0xf7: {  	[hbm4b:s25+s3] =	stream.linear.scatter [tilespmem:s30], [sflag:$0x5], $0x80, $0x38;
	[tilespmem:$0x12800] =	vst v63  }
0xf8: {  	s25 =	sadd.s32 $0x30, s22;
	s30 =	simm.s32 $0xFAD8  }
0xf9: {  	[hbm4b:s25+s3] =	stream.linear.scatter [tilespmem:s30], [sflag:$0x5], $0x80, $0x38;
	[tilespmem:$0x12800] =	vst v63  }
0xfa: {  	s25 =	sadd.s32 $0x40, s22;
	s30 =	simm.s32 $0xFB60  }
0xfb: {  	[hbm4b:s25+s3] =	stream.linear.scatter [tilespmem:s30], [sflag:$0x5], $0x80, $0x38;
	[tilespmem:$0x12800] =	vst v63  }
0xfc: {  	s25 =	sadd.s32 $0x50, s22;
	s30 =	simm.s32 $0xFBE8  }
0xfd: {  	[hbm4b:s25+s3] =	stream.linear.scatter [tilespmem:s30], [sflag:$0x5], $0x80, $0x38;
	[tilespmem:$0x12800] =	vst v63  }
0xfe: {  	s25 =	sadd.s32 $0x60, s22;
	s30 =	simm.s32 $0xFC70  }
0xff: {  	[hbm4b:s25+s3] =	stream.linear.scatter [tilespmem:s30], [sflag:$0x5], $0x80, $0x38;
	[tilespmem:$0x12800] =	vst v63  }
0x100: {  	s22 =	sadd.s32 $0x70, s22;
	s25 =	simm.s32 $0xFCF8  }
0x101: {  	[hbm4b:s22+s3] =	stream.linear.scatter [tilespmem:s25], [sflag:$0x5], $0x80, $0x38;
	[tilespmem:$0x12800] =	vst v63  }
0x102: {  	s22 =	sadd.s32 s23, s12;
	s25 =	simm.s32 $0xFD80  }
0x103: {  	[hbm4b:s22+s3] =	stream.linear.scatter [tilespmem:s25], [sflag:$0x5], $0x80, $0x38;
	[tilespmem:$0x12800] =	vst v63  }
0x104: {  	s30 =	simm.s32 $0xFE08;
	s25 =	sadd.s32 $0x10, s22  }
0x105: {  	[hbm4b:s25+s3] =	stream.linear.scatter [tilespmem:s30], [sflag:$0x5], $0x80, $0x38;
	[tilespmem:$0x12800] =	vst v63  }
0x106: {  	s25 =	sadd.s32 $0x20, s22;
	s30 =	simm.s32 $0xFE90  }
0x107: {  	[hbm4b:s25+s3] =	stream.linear.scatter [tilespmem:s30], [sflag:$0x5], $0x80, $0x38;
	[tilespmem:$0x12800] =	vst v63  }
0x108: {  	s25 =	sadd.s32 $0x30, s22;
	s30 =	simm.s32 $0xFF18  }
0x109: {  	[hbm4b:s25+s3] =	stream.linear.scatter [tilespmem:s30], [sflag:$0x5], $0x80, $0x38;
	[tilespmem:$0x12800] =	vst v63  }
0x10a: {  	s25 =	sadd.s32 $0x40, s22;
	s30 =	simm.s32 $0xFFA0  }
0x10b: {  	[hbm4b:s25+s3] =	stream.linear.scatter [tilespmem:s30], [sflag:$0x5], $0x80, $0x38;
	[tilespmem:$0x12800] =	vst v63  }
0x10c: {  	s25 =	sadd.s32 $0x50, s22;
	s30 =	simm.s32 $0x10028  }
0x10d: {  	[hbm4b:s25+s3] =	stream.linear.scatter [tilespmem:s30], [sflag:$0x5], $0x80, $0x38;
	[tilespmem:$0x12800] =	vst v63  }
0x10e: {  	s25 =	sadd.s32 $0x60, s22;
	s30 =	simm.s32 $0x100B0  }
0x10f: {  	[hbm4b:s25+s3] =	stream.linear.scatter [tilespmem:s30], [sflag:$0x5], $0x80, $0x38;
	[tilespmem:$0x12800] =	vst v63  }
0x110: {  	s22 =	sadd.s32 $0x70, s22;
	s25 =	simm.s32 $0x10138  }
0x111: {  	[hbm4b:s22+s3] =	stream.linear.scatter [tilespmem:s25], [sflag:$0x5], $0x80, $0x38;
	[tilespmem:$0x12800] =	vst v63  }
0x112: {  	s22 =	sadd.s32 s23, s13;
	s25 =	simm.s32 $0x101C0  }
0x113: {  	[hbm4b:s22+s3] =	stream.linear.scatter [tilespmem:s25], [sflag:$0x5], $0x80, $0x38;
	[tilespmem:$0x12800] =	vst v63  }
0x114: {  	s30 =	simm.s32 $0x10248;
	s25 =	sadd.s32 $0x10, s22  }
0x115: {  	[hbm4b:s25+s3] =	stream.linear.scatter [tilespmem:s30], [sflag:$0x5], $0x80, $0x38;
	[tilespmem:$0x12800] =	vst v63  }
0x116: {  	s25 =	sadd.s32 $0x20, s22;
	s30 =	simm.s32 $0x102D0  }
0x117: {  	[hbm4b:s25+s3] =	stream.linear.scatter [tilespmem:s30], [sflag:$0x5], $0x80, $0x38;
	[tilespmem:$0x12800] =	vst v63  }
0x118: {  	s25 =	sadd.s32 $0x30, s22;
	s30 =	simm.s32 $0x10358  }
0x119: {  	[hbm4b:s25+s3] =	stream.linear.scatter [tilespmem:s30], [sflag:$0x5], $0x80, $0x38;
	[tilespmem:$0x12800] =	vst v63  }
0x11a: {  	s25 =	sadd.s32 $0x40, s22;
	s30 =	simm.s32 $0x103E0  }
0x11b: {  	[hbm4b:s25+s3] =	stream.linear.scatter [tilespmem:s30], [sflag:$0x5], $0x80, $0x38;
	[tilespmem:$0x12800] =	vst v63  }
0x11c: {  	s25 =	sadd.s32 $0x50, s22;
	s30 =	simm.s32 $0x10468  }
0x11d: {  	[hbm4b:s25+s3] =	stream.linear.scatter [tilespmem:s30], [sflag:$0x5], $0x80, $0x38;
	[tilespmem:$0x12800] =	vst v63  }
0x11e: {  	s25 =	sadd.s32 $0x60, s22;
	s30 =	simm.s32 $0x104F0  }
0x11f: {  	[hbm4b:s25+s3] =	stream.linear.scatter [tilespmem:s30], [sflag:$0x5], $0x80, $0x38;
	[tilespmem:$0x12800] =	vst v63  }
0x120: {  	s22 =	sadd.s32 $0x70, s22;
	s25 =	simm.s32 $0x10578  }
0x121: {  	[hbm4b:s22+s3] =	stream.linear.scatter [tilespmem:s25], [sflag:$0x5], $0x80, $0x38;
	[tilespmem:$0x12800] =	vst v63  }
0x122: {  	s5 =	sor.u32 $0x3, s5;
	_ =	swait.ge [sflag:s17], $0x2000  }
0x123: {  	s25 =	sshll.u32 s5, $0x7;
	[sflag:s17] =	ssyncset.done $0x0  }
0x124: {  	s22 =	sand.u32 $0x3FFFFF80, s25;
	s25 =	simm.s32 $0xC400;
	[sflag:s17] =	ssyncadd.s32 $0xFFFFE000  }
0x125: {  	[tilespmem:s25], [sflag:$0x4] =	stream.indirect.gather [hbm4b:s4+s14], $0x40, s22, s14, $0xb8;
	[tilespmem:$0x12800] =	vst v63  }
0x126: {  	s22 =	simm.s32 @!p0 $0x6  }
0x127: {  	_ =	swait.ge @!p0 [sflag:s22], $0x400  }
0x128: {  	[sflag:s22] =	ssyncset.done @!p0 $0x0  }
0x129: {  	[sflag:s22] =	ssyncadd.s32 @!p0 $0xFFFFFC00  }
0x12a: {  	_ =	swait.ge @!p0 [sflag:s22], $0x400  }
0x12b: {  	[sflag:s22] =	ssyncset.done @!p0 $0x0  }
0x12c: {  	[sflag:s22] =	ssyncadd.s32 @!p0 $0xFFFFFC00  }
0x12d: {  	_ =	swait.ge @!p0 [sflag:s22], $0x400  }
0x12e: {  	[sflag:s22] =	ssyncset.done @!p0 $0x0  }
0x12f: {  	[sflag:s22] =	ssyncadd.s32 @!p0 $0xFFFFFC00  }
0x130: {  	_ =	swait.ge @!p0 [sflag:s22], $0x400  }
0x131: {  	[sflag:s22] =	ssyncset.done @!p0 $0x0  }
0x132: {  	[sflag:s22] =	ssyncadd.s32 @!p0 $0xFFFFFC00  }
0x133: {  	_ =	swait.ge @!p0 [sflag:s22], $0x400  }
0x134: {  	s30 =	simm.s32 $0x2;
	[sflag:s22] =	ssyncset.done @!p0 $0x0  }
0x135: {  	v52 =	vmov s30;
	[sflag:s22] =	ssyncadd.s32 @!p0 $0xFFFFFC00  }
0x136: {  	v35 =	vshrl.u32 v52, $0x3;
	_ =	swait.ge @!p0 [sflag:s22], $0x400  }
0x137: {  	v56 =	vshll.u32 v35, v1;
	[sflag:s22] =	ssyncset.done @!p0 $0x0  }
0x138: {  	v52 =	vbroadcast v56, $0x0;
	s14 =	simm.s32 $0x0;
	s25 =	simm.s32 $0x1;
	[sflag:s22] =	ssyncadd.s32 @!p0 $0xFFFFFC00  }
0x139: {  	v50 =	vmov s14;
	s14 =	simm.s32 $0x3;
	v51 =	vmov s25;
	s25 =	simm.s32 $0x7;
	_ =	swait.ge @!p0 [sflag:s22], $0x400  }
0x13a: {  	v63 =	vadd.s32 v9, v52;
	v53 =	vmov s14;
	v55 =	vmov s25;
	[sflag:s22] =	ssyncset.done @!p0 $0x0  }
0x13b: {  	s14 =	simm.s32 $0x4;
	v33 =	vshrl.u32 v50, $0x3;
	v34 =	vshrl.u32 v51, $0x3;
	v38 =	vshrl.u32 v55, $0x3;
	[sflag:s22] =	ssyncadd.s32 @!p0 $0xFFFFFC00  }
0x13c: {  	s25 =	simm.s32 $0x6;
	v54 =	vmov s14;
	v33 =	vshll.u32 v33, v1;
	v38 =	vshll.u32 v38, v1;
	_ =	swait.ge @!p0 [sflag:s22], $0x400  }
0x13d: {  	s14 =	simm.s32 $0x5;
	v40 =	vmov s25;
	v34 =	vshll.u32 v34, v1;
	v38 =	vbroadcast v38, $0x0;
	[sflag:s22] =	ssyncset.done @!p0 $0x0  }
0x13e: {  	v36 =	vshrl.u32 v53, $0x3;
	v39 =	vmov s14;
	v45 =	vbroadcast v34, $0x0;
	[sflag:s22] =	ssyncadd.s32 @!p0 $0xFFFFFC00;
	s22 =	simm.s32 $0x8500  }
0x13f: {  	v37 =	vshrl.u32 v54, $0x3;
	v33 =	vbroadcast v33, $0x0;
	v42 =	vadd.s32 v29, v38;
	v41 =	vld [tilespmem:s22+$0xC0]  }
0x140: {  	v58 =	vshll.u32 v36, v1;
	v40 =	vshrl.u32 v40, $0x3;
	v60 =	vadd.s32 v5, v45;
	v59 =	vld [tilespmem:s22+$0xFFFFFF40]  }
0x141: {  	v35 =	vbroadcast v58, $0x0;
	v61 =	vshll.u32 v37, v1;
	v55 =	vshrl.u32 v39, $0x3;
	v62 =	vld [tilespmem:s22+$0xFFFFFF80]  }
0x142: {  	v57 =	vadd.s32 v0, v33;
	v34 =	vbroadcast v61, $0x0;
	v36 =	vshll.u32 v55, v1;
	v43 =	vld [tilespmem:s22+$0xFFFFFF00]  }
0x143: {  	v56 =	vshll.u32 v40, v1;
	v50 =	vadd.s32 v13, v35;
	v37 =	vbroadcast v36, $0x0;
	v39 =	vld [tilespmem:s22+$0xFFFFFFC0]  }
0x144: {  	v36 =	vbroadcast v56, $0x0;
	v53 =	vadd.s32 v17, v34;
	v51 =	vld [tilespmem:s22+$0x0];
	[tilespmem:v42+s18+$0x0] =	vst.idx.msk $0xffff, v41  }
0x145: {  	[tilespmem:v60+s18+$0x0] =	vst.idx.msk $0xffff, v59;
	v59 =	vld [tilespmem:s22+$0x40];
	v60 =	vadd.s32 v21, v37  }
0x146: {  	v61 =	vld [tilespmem:s22+$0x80];
	[tilespmem:v63+s18+$0x0] =	vst.idx.msk $0xffff, v62;
	v62 =	vadd.s32 v25, v36  }
0x147: {  	v58 =	vadd.s32 v30, v38;
	[tilespmem:v57+s18+$0x0] =	vst.idx.msk $0xffff, v43;
	v57 =	vld [tilespmem:s22+$0xD0]  }
0x148: {  	v63 =	vadd.s32 v6, v45;
	[tilespmem:v50+s18+$0x0] =	vst.idx.msk $0xffff, v39;
	v47 =	vld [tilespmem:s22+$0xFFFFFF50]  }
0x149: {  	v55 =	vadd.s32 v10, v52;
	[tilespmem:v53+s18+$0x0] =	vst.idx.msk $0xffff, v51;
	v54 =	vld [tilespmem:s22+$0xFFFFFF90]  }
0x14a: {  	v56 =	vadd.s32 v14, v35;
	v50 =	vld [tilespmem:s22+$0xFFFFFFD0];
	[tilespmem:v60+s18+$0x0] =	vst.idx.msk $0xffff, v59  }
0x14b: {  	[tilespmem:v62+s18+$0x0] =	vst.idx.msk $0xffff, v61;
	v61 =	vld [tilespmem:s22+$0xFFFFFF10];
	v62 =	vadd.s32 v2, v33  }
0x14c: {  	v59 =	vadd.s32 v18, v34;
	[tilespmem:v58+s18+$0x0] =	vst.idx.msk $0xffff, v57;
	v58 =	vld [tilespmem:s22+$0x10]  }
0x14d: {  	v57 =	vadd.s32 v31, v38;
	[tilespmem:v63+s18+$0x0] =	vst.idx.msk $0xffff, v47;
	v40 =	vld [tilespmem:s22+$0xE0]  }
0x14e: {  	v46 =	vadd.s32 v22, v37;
	v44 =	vld [tilespmem:s22+$0x50];
	[tilespmem:v55+s18+$0x0] =	vst.idx.msk $0xffff, v54  }
0x14f: {  	v60 =	vadd.s32 v26, v36;
	v63 =	vld [tilespmem:s22+$0x90];
	[tilespmem:v56+s18+$0x0] =	vst.idx.msk $0xffff, v50  }
0x150: {  	v51 =	vadd.s32 v7, v45;
	v50 =	vld [tilespmem:s22+$0xFFFFFF60];
	[tilespmem:v62+s18+$0x0] =	vst.idx.msk $0xffff, v61  }
0x151: {  	v56 =	vadd.s32 v11, v52;
	v55 =	vld [tilespmem:s22+$0xFFFFFFA0];
	[tilespmem:v59+s18+$0x0] =	vst.idx.msk $0xffff, v58  }
0x152: {  	v58 =	vadd.s32 v15, v35;
	[tilespmem:v57+s18+$0x0] =	vst.idx.msk $0xffff, v40;
	v57 =	vld [tilespmem:s22+$0xFFFFFFE0]  }
0x153: {  	v38 =	vadd.s32 v32, v38;
	[tilespmem:v46+s18+$0x0] =	vst.idx.msk $0xffff, v44;
	v54 =	vld [tilespmem:s22+$0xF0]  }
0x154: {  	s25 =	simm.s32 $0x8;
	[tilespmem:v60+s18+$0x0] =	vst.idx.msk $0xffff, v63;
	v60 =	vadd.s32 v19, v34;
	v59 =	vld [tilespmem:s22+$0x20]  }
0x155: {  	v41 =	vadd.s32 v23, v37;
	v63 =	vmov s25;
	s25 =	simm.s32 $0x9;
	[tilespmem:v51+s18+$0x0] =	vst.idx.msk $0xffff, v50;
	v40 =	vld [tilespmem:s22+$0x60]  }
0x156: {  	v48 =	vadd.s32 v3, v33;
	v43 =	vadd.s32 v27, v36;
	v53 =	vmov s25;
	s25 =	simm.s32 $0xB;
	v42 =	vld [tilespmem:s22+$0xA0];
	[tilespmem:v56+s18+$0x0] =	vst.idx.msk $0xffff, v55  }
0x157: {  	s14 =	simm.s32 $0xA;
	v52 =	vadd.s32 v12, v52;
	v46 =	vld [tilespmem:s22+$0xFFFFFF20];
	v39 =	vshrl.u32 v63, $0x3;
	v44 =	vmov s25;
	s25 =	simm.s32 $0xD;
	[tilespmem:v58+s18+$0x0] =	vst.idx.msk $0xffff, v57  }
0x158: {  	v51 =	vadd.s32 v8, v45;
	v49 =	vld [tilespmem:s22+$0xFFFFFF70];
	[tilespmem:v38+s18+$0x0] =	vst.idx.msk $0xffff, v54;
	v54 =	vmov s14;
	s14 =	simm.s32 $0xC;
	v38 =	vmov s25;
	s25 =	simm.s32 $0xE  }
0x159: {  	s30 =	simm.s32 $0xF;
	v45 =	vshll.u32 v39, v1;
	v50 =	vld [tilespmem:s22+$0xFFFFFFB0];
	[tilespmem:v60+s18+$0x0] =	vst.idx.msk $0xffff, v59;
	v47 =	vmov s14;
	v39 =	vmov s25;
	s25 =	simm.s32 $0x10  }
.LBB2_5:
0x15a: {  	p0 =	slt.u32 s25, $0x78;
	v53 =	vshrl.u32 v53, $0x3;
	v55 =	vmov s30;
	v56 =	vld [tilespmem:s22+$0xFFFFFFF0];
	v35 =	vadd.s32 v16, v35;
	[tilespmem:v41+s18+$0x0] =	vst.idx.msk $0xffff, v40  }
0x15b: {  	v40 =	vshrl.u32 v54, $0x3;
	v34 =	vadd.s32 v20, v34;
	v41 =	vshrl.u32 v55, $0x3;
	v54 =	vld [tilespmem:s22+$0x30];
	[tilespmem:v43+s18+$0x0] =	vst.idx.msk $0xffff, v42  }
0x15c: {  	v37 =	vadd.s32 v24, v37;
	v42 =	vshrl.u32 v44, $0x3;
	v41 =	vshll.u32 v41, v1;
	[tilespmem:v48+s18+$0x0] =	vst.idx.msk $0xffff, v46;
	v43 =	vld [tilespmem:s22+$0x70]  }
0x15d: {  	v36 =	vadd.s32 v28, v36;
	v44 =	vshrl.u32 v47, $0x3;
	v41 =	vbroadcast v41, $0x0;
	[tilespmem:v51+s18+$0x0] =	vst.idx.msk $0xffff, v49;
	v46 =	vld [tilespmem:s22+$0xB0]  }
0x15e: {  	v47 =	vshll.u32 v53, v1;
	v49 =	vadd.s32 v4, v33;
	v33 =	vbroadcast v45, $0x0;
	v48 =	vld [tilespmem:s22+$0xFFFFFF30];
	[tilespmem:v52+s18+$0x0] =	vst.idx.msk $0xffff, v50;
	s22 =	sadd.s32 $0x200, s22  }
0x15f: {  	v40 =	vshll.u32 v40, v1;
	v45 =	vbroadcast v47, $0x0;
	v47 =	vld [tilespmem:s22+$0xC0];
	v50 =	vadd.s32 v29, v41;
	[tilespmem:v35+s18+$0x0] =	vst.idx.msk $0xffff, v56  }
0x160: {  	v55 =	vbroadcast v40, $0x0;
	v52 =	vadd.s32 v0, v33;
	v35 =	vshll.u32 v42, v1;
	v51 =	vld [tilespmem:s22+$0xFFFFFF00];
	[tilespmem:v34+s18+$0x0] =	vst.idx.msk $0xffff, v54  }
0x161: {  	v42 =	vadd.s32 v5, v45;
	v35 =	vbroadcast v35, $0x0;
	v34 =	vshll.u32 v44, v1;
	v40 =	vld [tilespmem:s22+$0xFFFFFF40];
	[tilespmem:v37+s18+$0x0] =	vst.idx.msk $0xffff, v43  }
0x162: {  	v44 =	vadd.s32 v9, v55;
	v34 =	vbroadcast v34, $0x0;
	v37 =	vshrl.u32 v38, $0x3;
	v43 =	vld [tilespmem:s22+$0xFFFFFF80];
	[tilespmem:v36+s18+$0x0] =	vst.idx.msk $0xffff, v46  }
0x163: {  	v39 =	vshrl.u32 v39, $0x3;
	v46 =	vadd.s32 v13, v35;
	v36 =	vshll.u32 v37, v1;
	v38 =	vld [tilespmem:s22+$0xFFFFFFC0];
	[tilespmem:v49+s18+$0x0] =	vst.idx.msk $0xffff, v48  }
0x164: {  	v49 =	vadd.s32 v17, v34;
	v37 =	vbroadcast v36, $0x0;
	v36 =	vshll.u32 v39, v1;
	v48 =	vld [tilespmem:s22+$0x0];
	[tilespmem:v50+s18+$0x0] =	vst.idx.msk $0xffff, v47  }
0x165: {  	v36 =	vbroadcast v36, $0x0;
	v47 =	vadd.s32 v30, v41;
	[tilespmem:v52+s18+$0x0] =	vst.idx.msk $0xffff, v51;
	v39 =	vld [tilespmem:s22+$0xD0]  }
0x166: {  	[tilespmem:v42+s18+$0x0] =	vst.idx.msk $0xffff, v40;
	v40 =	vld [tilespmem:s22+$0x40];
	v42 =	vadd.s32 v21, v37  }
0x167: {  	[tilespmem:v44+s18+$0x0] =	vst.idx.msk $0xffff, v43;
	v43 =	vld [tilespmem:s22+$0x80];
	v44 =	vadd.s32 v25, v36  }
0x168: {  	v51 =	vadd.s32 v6, v45;
	v50 =	vld [tilespmem:s22+$0xFFFFFF50];
	[tilespmem:v46+s18+$0x0] =	vst.idx.msk $0xffff, v38  }
0x169: {  	v46 =	vadd.s32 v10, v55;
	v38 =	vld [tilespmem:s22+$0xFFFFFF90];
	[tilespmem:v49+s18+$0x0] =	vst.idx.msk $0xffff, v48  }
0x16a: {  	v49 =	vadd.s32 v14, v35;
	v48 =	vld [tilespmem:s22+$0xFFFFFFD0];
	[tilespmem:v47+s18+$0x0] =	vst.idx.msk $0xffff, v39  }
0x16b: {  	[tilespmem:v42+s18+$0x0] =	vst.idx.msk $0xffff, v40;
	v39 =	vld [tilespmem:s22+$0xE0];
	v40 =	vadd.s32 v31, v41  }
0x16c: {  	v47 =	vadd.s32 v18, v34;
	v42 =	vld [tilespmem:s22+$0x10];
	[tilespmem:v44+s18+$0x0] =	vst.idx.msk $0xffff, v43  }
0x16d: {  	v44 =	vadd.s32 v22, v37;
	[tilespmem:v51+s18+$0x0] =	vst.idx.msk $0xffff, v50;
	v43 =	vld [tilespmem:s22+$0x50]  }
0x16e: {  	[tilespmem:v46+s18+$0x0] =	vst.idx.msk $0xffff, v38;
	v38 =	vld [tilespmem:s22+$0x90];
	v46 =	vadd.s32 v26, v36  }
0x16f: {  	v51 =	vadd.s32 v2, v33;
	v50 =	vld [tilespmem:s22+$0xFFFFFF10];
	[tilespmem:v49+s18+$0x0] =	vst.idx.msk $0xffff, v48  }
0x170: {  	v49 =	vadd.s32 v7, v45;
	v48 =	vld [tilespmem:s22+$0xFFFFFF60];
	[tilespmem:v40+s18+$0x0] =	vst.idx.msk $0xffff, v39  }
0x171: {  	[tilespmem:v47+s18+$0x0] =	vst.idx.msk $0xffff, v42;
	v39 =	vld [tilespmem:s22+$0xF0];
	v47 =	vadd.s32 v32, v41  }
0x172: {  	v56 =	vadd.s32 v11, v55;
	v52 =	vld [tilespmem:s22+$0xFFFFFFA0];
	[tilespmem:v44+s18+$0x0] =	vst.idx.msk $0xffff, v43  }
0x173: {  	v58 =	vadd.s32 v15, v35;
	v57 =	vld [tilespmem:s22+$0xFFFFFFE0];
	[tilespmem:v46+s18+$0x0] =	vst.idx.msk $0xffff, v38  }
0x174: {  	v60 =	vadd.s32 v19, v34;
	[tilespmem:v51+s18+$0x0] =	vst.idx.msk $0xffff, v50;
	v59 =	vld [tilespmem:s22+$0x20]  }
.Ltmp1:
0x175: {  	s14 =	sadd.s32 $0x1, s25;
	v41 =	vadd.s32 v23, v37;
	v38 =	vmov s25;
	[tilespmem:v49+s18+$0x0] =	vst.idx.msk $0xffff, v48;
	v40 =	vld [tilespmem:s22+$0x60];
	(pc) =	sbr.rel @p0 .LBB2_5-.Ltmp1, $4  }
0x176: {  	s30 =	sadd.s32 $0x3, s25;
	v53 =	vmov s14;
	s14 =	sadd.s32 $0x2, s25;
	v43 =	vadd.s32 v27, v36;
	v50 =	vshrl.u32 v38, $0x3;
	v42 =	vld [tilespmem:s22+$0xA0];
	[tilespmem:v47+s18+$0x0] =	vst.idx.msk $0xffff, v39  }
0x177: {  	v54 =	vmov s14;
	s14 =	sadd.s32 $0x4, s25;
	v44 =	vmov s30;
	s30 =	sadd.s32 $0x5, s25;
	v48 =	vadd.s32 v3, v33;
	v46 =	vld [tilespmem:s22+$0xFFFFFF20];
	[tilespmem:v56+s18+$0x0] =	vst.idx.msk $0xffff, v52  }
0x178: {  	v38 =	vmov s30;
	v51 =	vadd.s32 v8, v45;
	v47 =	vmov s14;
	s14 =	sadd.s32 $0x6, s25;
	v49 =	vld [tilespmem:s22+$0xFFFFFF70];
	[tilespmem:v58+s18+$0x0] =	vst.idx.msk $0xffff, v57  }
0x179: {  	s30 =	sadd.s32 $0x7, s25;
	v45 =	vshll.u32 v50, v1;
	s25 =	sadd.s32 $0x8, s25;
	v39 =	vmov s14;
	v52 =	vadd.s32 v12, v55;
	v50 =	vld [tilespmem:s22+$0xFFFFFFB0];
	[tilespmem:v60+s18+$0x0] =	vst.idx.msk $0xffff, v59  }
0x17a: {  	_ =	sdelay $0x2  }
0x17b: {  	v53 =	vshrl.u32 v53, $0x3  }
0x17c: {  	v55 =	vmov s30;
	v56 =	vld [tilespmem:s22+$0xFFFFFFF0];
	v35 =	vadd.s32 v16, v35;
	[tilespmem:v41+s18+$0x0] =	vst.idx.msk $0xffff, v40;
	v34 =	vadd.s32 v20, v34  }
0x17d: {  	v61 =	vshrl.u32 v54, $0x3;
	v63 =	vld [tilespmem:s22+$0x30];
	v37 =	vadd.s32 v24, v37;
	v36 =	vadd.s32 v28, v36;
	[tilespmem:v43+s18+$0x0] =	vst.idx.msk $0xffff, v42  }
0x17e: {  	v45 =	vbroadcast v45, $0x0;
	v33 =	vadd.s32 v4, v33;
	v62 =	vshrl.u32 v55, $0x3;
	v43 =	vld [tilespmem:s22+$0x70];
	[tilespmem:v48+s18+$0x0] =	vst.idx.msk $0xffff, v46  }
0x17f: {  	s14 =	sadd.s32 $0x200, s22;
	v38 =	vshrl.u32 v38, $0x3;
	v55 =	vshrl.u32 v44, $0x3;
	v41 =	vshll.u32 v62, v1;
	v46 =	vld [tilespmem:s22+$0xB0];
	[tilespmem:v51+s18+$0x0] =	vst.idx.msk $0xffff, v49  }
0x180: {  	v40 =	vshll.u32 v61, v1;
	v60 =	vld [tilespmem:s14+$0xFFFFFF00];
	v61 =	vadd.s32 v0, v45;
	v41 =	vbroadcast v41, $0x0;
	[tilespmem:v52+s18+$0x0] =	vst.idx.msk $0xffff, v50  }
0x181: {  	v44 =	vshrl.u32 v47, $0x3;
	v57 =	vshll.u32 v53, v1;
	v40 =	vbroadcast v40, $0x0;
	v48 =	vld [tilespmem:s22+$0xFFFFFF30];
	[tilespmem:v35+s18+$0x0] =	vst.idx.msk $0xffff, v56  }
0x182: {  	v58 =	vld [tilespmem:s14+$0xC0];
	v47 =	vbroadcast v57, $0x0;
	v42 =	vshll.u32 v55, v1;
	v59 =	vadd.s32 v29, v41;
	[tilespmem:v34+s18+$0x0] =	vst.idx.msk $0xffff, v63  }
0x183: {  	v54 =	vld [tilespmem:s14+$0xFFFFFF80];
	v44 =	vshll.u32 v44, v1;
	v42 =	vbroadcast v42, $0x0;
	v55 =	vadd.s32 v9, v40;
	[tilespmem:v37+s18+$0x0] =	vst.idx.msk $0xffff, v43  }
0x184: {  	v38 =	vshll.u32 v38, v1;
	v62 =	vld [tilespmem:s14+$0xFFFFFF40];
	v44 =	vbroadcast v44, $0x0;
	v63 =	vadd.s32 v5, v47;
	[tilespmem:v36+s18+$0x0] =	vst.idx.msk $0xffff, v46  }
0x185: {  	v39 =	vshrl.u32 v39, $0x3;
	v38 =	vbroadcast v38, $0x0;
	v36 =	vld [tilespmem:s14+$0xFFFFFFC0];
	v46 =	vadd.s32 v13, v42;
	[tilespmem:v61+s18+$0x0] =	vst.idx.msk $0xffff, v60  }
0x186: {  	v39 =	vshll.u32 v39, v1;
	[tilespmem:v33+s18+$0x0] =	vst.idx.msk $0xffff, v48;
	v33 =	vld [tilespmem:s14+$0x0];
	v48 =	vadd.s32 v17, v44  }
0x187: {  	v35 =	vbroadcast v39, $0x0;
	[tilespmem:v59+s18+$0x0] =	vst.idx.msk $0xffff, v58;
	v58 =	vld [tilespmem:s14+$0x40];
	v59 =	vadd.s32 v21, v38  }
0x188: {  	v57 =	vadd.s32 v30, v41;
	[tilespmem:v55+s18+$0x0] =	vst.idx.msk $0xffff, v54;
	v56 =	vld [tilespmem:s14+$0xD0]  }
0x189: {  	v60 =	vld [tilespmem:s14+$0x80];
	v61 =	vadd.s32 v25, v35;
	[tilespmem:v63+s18+$0x0] =	vst.idx.msk $0xffff, v62  }
0x18a: {  	v55 =	vadd.s32 v10, v40;
	v54 =	vld [tilespmem:s14+$0xFFFFFF90];
	[tilespmem:v46+s18+$0x0] =	vst.idx.msk $0xffff, v36  }
0x18b: {  	v63 =	vadd.s32 v6, v47;
	v62 =	vld [tilespmem:s14+$0xFFFFFF50];
	[tilespmem:v48+s18+$0x0] =	vst.idx.msk $0xffff, v33  }
0x18c: {  	v33 =	vld [tilespmem:s14+$0xFFFFFFD0];
	v48 =	vadd.s32 v14, v42;
	[tilespmem:v59+s18+$0x0] =	vst.idx.msk $0xffff, v58  }
0x18d: {  	[tilespmem:v57+s18+$0x0] =	vst.idx.msk $0xffff, v56;
	v56 =	vld [tilespmem:s14+$0x10];
	v57 =	vadd.s32 v18, v44  }
0x18e: {  	[tilespmem:v61+s18+$0x0] =	vst.idx.msk $0xffff, v60;
	v59 =	vadd.s32 v22, v38;
	v58 =	vld [tilespmem:s14+$0x50]  }
0x18f: {  	v39 =	vadd.s32 v31, v41;
	[tilespmem:v55+s18+$0x0] =	vst.idx.msk $0xffff, v54;
	v34 =	vld [tilespmem:s14+$0xE0]  }
0x190: {  	v61 =	vadd.s32 v26, v35;
	v60 =	vld [tilespmem:s14+$0x90];
	[tilespmem:v63+s18+$0x0] =	vst.idx.msk $0xffff, v62  }
0x191: {  	v62 =	vld [tilespmem:s14+$0xFFFFFF10];
	v63 =	vadd.s32 v2, v45;
	[tilespmem:v48+s18+$0x0] =	vst.idx.msk $0xffff, v33  }
0x192: {  	v55 =	vadd.s32 v7, v47;
	v54 =	vld [tilespmem:s14+$0xFFFFFF60];
	[tilespmem:v57+s18+$0x0] =	vst.idx.msk $0xffff, v56  }
0x193: {  	v56 =	vadd.s32 v32, v41;
	v41 =	vld [tilespmem:s14+$0xFFFFFFA0];
	v57 =	vadd.s32 v11, v40;
	[tilespmem:v59+s18+$0x0] =	vst.idx.msk $0xffff, v58  }
0x194: {  	v37 =	vld [tilespmem:s14+$0xFFFFFFE0];
	v58 =	vadd.s32 v15, v42;
	[tilespmem:v39+s18+$0x0] =	vst.idx.msk $0xffff, v34  }
0x195: {  	[tilespmem:v61+s18+$0x0] =	vst.idx.msk $0xffff, v60;
	v34 =	vld [tilespmem:s14+$0xF0]  }
0x196: {  	v60 =	vadd.s32 v19, v44;
	[tilespmem:v63+s18+$0x0] =	vst.idx.msk $0xffff, v62;
	v59 =	vld [tilespmem:s14+$0x20]  }
0x197: {  	v62 =	vadd.s32 v23, v38;
	[tilespmem:v55+s18+$0x0] =	vst.idx.msk $0xffff, v54;
	v61 =	vld [tilespmem:s14+$0x60]  }
0x198: {  	v63 =	vld [tilespmem:s14+$0xA0];
	v54 =	vadd.s32 v27, v35;
	[tilespmem:v57+s18+$0x0] =	vst.idx.msk $0xffff, v41  }
0x199: {  	v47 =	vadd.s32 v8, v47;
	v57 =	vld [tilespmem:s14+$0xFFFFFF70];
	[tilespmem:v58+s18+$0x0] =	vst.idx.msk $0xffff, v37  }
0x19a: {  	v55 =	vld [tilespmem:s14+$0xFFFFFF20];
	[tilespmem:v56+s18+$0x0] =	vst.idx.msk $0xffff, v34;
	v56 =	vadd.s32 v3, v45  }
0x19b: {  	v40 =	vadd.s32 v12, v40;
	v58 =	vld [tilespmem:s14+$0xFFFFFFB0];
	[tilespmem:v60+s18+$0x0] =	vst.idx.msk $0xffff, v59  }
0x19c: {  	v42 =	vadd.s32 v16, v42;
	v59 =	vld [tilespmem:s14+$0xFFFFFFF0];
	[tilespmem:v62+s18+$0x0] =	vst.idx.msk $0xffff, v61  }
0x19d: {  	v61 =	vadd.s32 v20, v44;
	[tilespmem:v54+s18+$0x0] =	vst.idx.msk $0xffff, v63;
	v60 =	vld [tilespmem:s14+$0x30]  }
0x19e: {  	v38 =	vadd.s32 v24, v38;
	v62 =	vld [tilespmem:s14+$0x70];
	[tilespmem:v47+s18+$0x0] =	vst.idx.msk $0xffff, v57  }
0x19f: {  	v35 =	vadd.s32 v28, v35;
	v63 =	vld [tilespmem:s14+$0xB0];
	[tilespmem:v56+s18+$0x0] =	vst.idx.msk $0xffff, v55  }
0x1a0: {  	v49 =	vadd.s32 v4, v45;
	[tilespmem:v40+s18+$0x0] =	vst.idx.msk $0xffff, v58;
	v48 =	vld [tilespmem:s14+$0xFFFFFF30]  }
0x1a1: {  	[tilespmem:v42+s18+$0x0] =	vst.idx.msk $0xffff, v59  }
0x1a2: {  	[tilespmem:v61+s18+$0x0] =	vst.idx.msk $0xffff, v60  }
0x1a3: {  	[tilespmem:v38+s18+$0x0] =	vst.idx.msk $0xffff, v62  }
0x1a4: {  	[tilespmem:v35+s18+$0x0] =	vst.idx.msk $0xffff, v63  }
0x1a5: {  	[tilespmem:v49+s18+$0x0] =	vst.idx.msk $0xffff, v48  }
0x1a6: {  	s14 =	rddreg [dreg:$0x4]  }
0x1a7: {  	s14 =	sadd.s32 s23, s14  }
0x1a8: {  	[hbm4b:s14+s3] =	stream.linear.scatter [tilespmem:s18], [sflag:$0x6], $0x80, $0x38;
	[tilespmem:$0x12800] =	vst v63  }
0x1a9: {  	s25 =	simm.s32 $0x10688;
	s22 =	sadd.s32 $0x10, s14  }
0x1aa: {  	[hbm4b:s22+s3] =	stream.linear.scatter [tilespmem:s25], [sflag:$0x6], $0x80, $0x38;
	[tilespmem:$0x12800] =	vst v63  }
0x1ab: {  	s22 =	sadd.s32 $0x20, s14;
	s25 =	simm.s32 $0x10710  }
0x1ac: {  	[hbm4b:s22+s3] =	stream.linear.scatter [tilespmem:s25], [sflag:$0x6], $0x80, $0x38;
	[tilespmem:$0x12800] =	vst v63  }
0x1ad: {  	s22 =	sadd.s32 $0x30, s14;
	s25 =	simm.s32 $0x10798  }
0x1ae: {  	[hbm4b:s22+s3] =	stream.linear.scatter [tilespmem:s25], [sflag:$0x6], $0x80, $0x38;
	[tilespmem:$0x12800] =	vst v63  }
0x1af: {  	s22 =	sadd.s32 $0x40, s14;
	s25 =	simm.s32 $0x10820  }
0x1b0: {  	[hbm4b:s22+s3] =	stream.linear.scatter [tilespmem:s25], [sflag:$0x6], $0x80, $0x38;
	[tilespmem:$0x12800] =	vst v63  }
0x1b1: {  	s22 =	sadd.s32 $0x50, s14;
	s25 =	simm.s32 $0x108A8  }
0x1b2: {  	[hbm4b:s22+s3] =	stream.linear.scatter [tilespmem:s25], [sflag:$0x6], $0x80, $0x38;
	[tilespmem:$0x12800] =	vst v63  }
0x1b3: {  	s22 =	sadd.s32 $0x60, s14;
	s25 =	simm.s32 $0x10930  }
0x1b4: {  	[hbm4b:s22+s3] =	stream.linear.scatter [tilespmem:s25], [sflag:$0x6], $0x80, $0x38;
	[tilespmem:$0x12800] =	vst v63  }
0x1b5: {  	s14 =	sadd.s32 $0x70, s14;
	s25 =	simm.s32 $0x109B8;
	s22 =	rddreg [dreg:$0x5]  }
0x1b6: {  	[hbm4b:s14+s3] =	stream.linear.scatter [tilespmem:s25], [sflag:$0x6], $0x80, $0x38;
	[tilespmem:$0x12800] =	vst v63  }
0x1b7: {  	s14 =	sadd.s32 s23, s22;
	s25 =	simm.s32 $0x10A40  }
0x1b8: {  	[hbm4b:s14+s3] =	stream.linear.scatter [tilespmem:s25], [sflag:$0x6], $0x80, $0x38;
	[tilespmem:$0x12800] =	vst v63  }
0x1b9: {  	s22 =	sadd.s32 $0x10, s14;
	s25 =	simm.s32 $0x10AC8  }
0x1ba: {  	[hbm4b:s22+s3] =	stream.linear.scatter [tilespmem:s25], [sflag:$0x6], $0x80, $0x38;
	[tilespmem:$0x12800] =	vst v63  }
0x1bb: {  	s22 =	sadd.s32 $0x20, s14;
	s25 =	simm.s32 $0x10B50  }
0x1bc: {  	[hbm4b:s22+s3] =	stream.linear.scatter [tilespmem:s25], [sflag:$0x6], $0x80, $0x38;
	[tilespmem:$0x12800] =	vst v63  }
0x1bd: {  	s22 =	sadd.s32 $0x30, s14;
	s25 =	simm.s32 $0x10BD8  }
0x1be: {  	[hbm4b:s22+s3] =	stream.linear.scatter [tilespmem:s25], [sflag:$0x6], $0x80, $0x38;
	[tilespmem:$0x12800] =	vst v63  }
0x1bf: {  	s22 =	sadd.s32 $0x40, s14;
	s25 =	simm.s32 $0x10C60  }
0x1c0: {  	[hbm4b:s22+s3] =	stream.linear.scatter [tilespmem:s25], [sflag:$0x6], $0x80, $0x38;
	[tilespmem:$0x12800] =	vst v63  }
0x1c1: {  	s22 =	sadd.s32 $0x50, s14;
	s25 =	simm.s32 $0x10CE8  }
0x1c2: {  	[hbm4b:s22+s3] =	stream.linear.scatter [tilespmem:s25], [sflag:$0x6], $0x80, $0x38;
	[tilespmem:$0x12800] =	vst v63  }
0x1c3: {  	s22 =	sadd.s32 $0x60, s14;
	s25 =	simm.s32 $0x10D70  }
0x1c4: {  	[hbm4b:s22+s3] =	stream.linear.scatter [tilespmem:s25], [sflag:$0x6], $0x80, $0x38;
	[tilespmem:$0x12800] =	vst v63  }
0x1c5: {  	s14 =	sadd.s32 $0x70, s14;
	s25 =	simm.s32 $0x10DF8;
	s22 =	rddreg [dreg:$0x6]  }
0x1c6: {  	[hbm4b:s14+s3] =	stream.linear.scatter [tilespmem:s25], [sflag:$0x6], $0x80, $0x38;
	[tilespmem:$0x12800] =	vst v63  }
0x1c7: {  	s14 =	sadd.s32 s23, s22;
	s25 =	simm.s32 $0x10E80  }
0x1c8: {  	[hbm4b:s14+s3] =	stream.linear.scatter [tilespmem:s25], [sflag:$0x6], $0x80, $0x38;
	[tilespmem:$0x12800] =	vst v63  }
0x1c9: {  	s22 =	sadd.s32 $0x10, s14;
	s25 =	simm.s32 $0x10F08  }
0x1ca: {  	[hbm4b:s22+s3] =	stream.linear.scatter [tilespmem:s25], [sflag:$0x6], $0x80, $0x38;
	[tilespmem:$0x12800] =	vst v63  }
0x1cb: {  	s22 =	sadd.s32 $0x20, s14;
	s25 =	simm.s32 $0x10F90  }
0x1cc: {  	[hbm4b:s22+s3] =	stream.linear.scatter [tilespmem:s25], [sflag:$0x6], $0x80, $0x38;
	[tilespmem:$0x12800] =	vst v63  }
0x1cd: {  	s22 =	sadd.s32 $0x30, s14;
	s25 =	simm.s32 $0x11018  }
0x1ce: {  	[hbm4b:s22+s3] =	stream.linear.scatter [tilespmem:s25], [sflag:$0x6], $0x80, $0x38;
	[tilespmem:$0x12800] =	vst v63  }
0x1cf: {  	s22 =	sadd.s32 $0x40, s14;
	s25 =	simm.s32 $0x110A0  }
0x1d0: {  	[hbm4b:s22+s3] =	stream.linear.scatter [tilespmem:s25], [sflag:$0x6], $0x80, $0x38;
	[tilespmem:$0x12800] =	vst v63  }
0x1d1: {  	s22 =	sadd.s32 $0x50, s14;
	s25 =	simm.s32 $0x11128  }
0x1d2: {  	[hbm4b:s22+s3] =	stream.linear.scatter [tilespmem:s25], [sflag:$0x6], $0x80, $0x38;
	[tilespmem:$0x12800] =	vst v63  }
0x1d3: {  	s22 =	sadd.s32 $0x60, s14;
	s25 =	simm.s32 $0x111B0  }
0x1d4: {  	[hbm4b:s22+s3] =	stream.linear.scatter [tilespmem:s25], [sflag:$0x6], $0x80, $0x38;
	[tilespmem:$0x12800] =	vst v63  }
0x1d5: {  	s14 =	sadd.s32 $0x70, s14;
	s25 =	simm.s32 $0x11238;
	s22 =	rddreg [dreg:$0x7]  }
0x1d6: {  	[hbm4b:s14+s3] =	stream.linear.scatter [tilespmem:s25], [sflag:$0x6], $0x80, $0x38;
	[tilespmem:$0x12800] =	vst v63  }
0x1d7: {  	s14 =	sadd.s32 s23, s22;
	s25 =	simm.s32 $0x112C0  }
0x1d8: {  	[hbm4b:s14+s3] =	stream.linear.scatter [tilespmem:s25], [sflag:$0x6], $0x80, $0x38;
	[tilespmem:$0x12800] =	vst v63  }
0x1d9: {  	s22 =	sadd.s32 $0x10, s14;
	s25 =	simm.s32 $0x11348  }
0x1da: {  	[hbm4b:s22+s3] =	stream.linear.scatter [tilespmem:s25], [sflag:$0x6], $0x80, $0x38;
	[tilespmem:$0x12800] =	vst v63  }
0x1db: {  	s22 =	sadd.s32 $0x20, s14;
	s25 =	simm.s32 $0x113D0  }
0x1dc: {  	[hbm4b:s22+s3] =	stream.linear.scatter [tilespmem:s25], [sflag:$0x6], $0x80, $0x38;
	[tilespmem:$0x12800] =	vst v63  }
0x1dd: {  	s22 =	sadd.s32 $0x30, s14;
	s25 =	simm.s32 $0x11458  }
0x1de: {  	[hbm4b:s22+s3] =	stream.linear.scatter [tilespmem:s25], [sflag:$0x6], $0x80, $0x38;
	[tilespmem:$0x12800] =	vst v63  }
0x1df: {  	s22 =	sadd.s32 $0x40, s14;
	s25 =	simm.s32 $0x114E0  }
0x1e0: {  	[hbm4b:s22+s3] =	stream.linear.scatter [tilespmem:s25], [sflag:$0x6], $0x80, $0x38;
	[tilespmem:$0x12800] =	vst v63  }
0x1e1: {  	s22 =	sadd.s32 $0x50, s14;
	s25 =	simm.s32 $0x11568  }
0x1e2: {  	[hbm4b:s22+s3] =	stream.linear.scatter [tilespmem:s25], [sflag:$0x6], $0x80, $0x38;
	[tilespmem:$0x12800] =	vst v63  }
0x1e3: {  	s22 =	sadd.s32 $0x60, s14;
	s25 =	simm.s32 $0x115F0  }
0x1e4: {  	[hbm4b:s22+s3] =	stream.linear.scatter [tilespmem:s25], [sflag:$0x6], $0x80, $0x38;
	[tilespmem:$0x12800] =	vst v63  }
0x1e5: {  	s14 =	sadd.s32 $0x70, s14;
	s25 =	simm.s32 $0x11678;
	s22 =	rddreg [dreg:$0x8]  }
0x1e6: {  	[hbm4b:s14+s3] =	stream.linear.scatter [tilespmem:s25], [sflag:$0x6], $0x80, $0x38;
	[tilespmem:$0x12800] =	vst v63  }
0x1e7: {  	s14 =	sadd.s32 s23, s22;
	s25 =	simm.s32 $0x11700  }
0x1e8: {  	[hbm4b:s14+s3] =	stream.linear.scatter [tilespmem:s25], [sflag:$0x6], $0x80, $0x38;
	[tilespmem:$0x12800] =	vst v63  }
0x1e9: {  	s22 =	sadd.s32 $0x10, s14;
	s25 =	simm.s32 $0x11788  }
0x1ea: {  	[hbm4b:s22+s3] =	stream.linear.scatter [tilespmem:s25], [sflag:$0x6], $0x80, $0x38;
	[tilespmem:$0x12800] =	vst v63  }
0x1eb: {  	s22 =	sadd.s32 $0x20, s14;
	s25 =	simm.s32 $0x11810  }
0x1ec: {  	[hbm4b:s22+s3] =	stream.linear.scatter [tilespmem:s25], [sflag:$0x6], $0x80, $0x38;
	[tilespmem:$0x12800] =	vst v63  }
0x1ed: {  	s22 =	sadd.s32 $0x30, s14;
	s25 =	simm.s32 $0x11898  }
0x1ee: {  	[hbm4b:s22+s3] =	stream.linear.scatter [tilespmem:s25], [sflag:$0x6], $0x80, $0x38;
	[tilespmem:$0x12800] =	vst v63  }
0x1ef: {  	s22 =	sadd.s32 $0x40, s14;
	s25 =	simm.s32 $0x11920  }
0x1f0: {  	[hbm4b:s22+s3] =	stream.linear.scatter [tilespmem:s25], [sflag:$0x6], $0x80, $0x38;
	[tilespmem:$0x12800] =	vst v63  }
0x1f1: {  	s22 =	sadd.s32 $0x50, s14;
	s25 =	simm.s32 $0x119A8  }
0x1f2: {  	[hbm4b:s22+s3] =	stream.linear.scatter [tilespmem:s25], [sflag:$0x6], $0x80, $0x38;
	[tilespmem:$0x12800] =	vst v63  }
0x1f3: {  	s22 =	sadd.s32 $0x60, s14;
	s25 =	simm.s32 $0x11A30  }
0x1f4: {  	[hbm4b:s22+s3] =	stream.linear.scatter [tilespmem:s25], [sflag:$0x6], $0x80, $0x38;
	[tilespmem:$0x12800] =	vst v63  }
0x1f5: {  	s14 =	sadd.s32 $0x70, s14;
	s25 =	simm.s32 $0x11AB8;
	s22 =	rddreg [dreg:$0x9]  }
0x1f6: {  	[hbm4b:s14+s3] =	stream.linear.scatter [tilespmem:s25], [sflag:$0x6], $0x80, $0x38;
	[tilespmem:$0x12800] =	vst v63  }
0x1f7: {  	s14 =	sadd.s32 s23, s22;
	s25 =	simm.s32 $0x11B40  }
0x1f8: {  	[hbm4b:s14+s3] =	stream.linear.scatter [tilespmem:s25], [sflag:$0x6], $0x80, $0x38;
	[tilespmem:$0x12800] =	vst v63  }
0x1f9: {  	s22 =	sadd.s32 $0x10, s14;
	s25 =	simm.s32 $0x11BC8  }
0x1fa: {  	[hbm4b:s22+s3] =	stream.linear.scatter [tilespmem:s25], [sflag:$0x6], $0x80, $0x38;
	[tilespmem:$0x12800] =	vst v63  }
0x1fb: {  	s22 =	sadd.s32 $0x20, s14;
	s25 =	simm.s32 $0x11C50  }
0x1fc: {  	[hbm4b:s22+s3] =	stream.linear.scatter [tilespmem:s25], [sflag:$0x6], $0x80, $0x38;
	[tilespmem:$0x12800] =	vst v63  }
0x1fd: {  	s22 =	sadd.s32 $0x30, s14;
	s25 =	simm.s32 $0x11CD8  }
0x1fe: {  	[hbm4b:s22+s3] =	stream.linear.scatter [tilespmem:s25], [sflag:$0x6], $0x80, $0x38;
	[tilespmem:$0x12800] =	vst v63  }
0x1ff: {  	s22 =	sadd.s32 $0x40, s14;
	s25 =	simm.s32 $0x11D60  }
0x200: {  	[hbm4b:s22+s3] =	stream.linear.scatter [tilespmem:s25], [sflag:$0x6], $0x80, $0x38;
	[tilespmem:$0x12800] =	vst v63  }
0x201: {  	s22 =	sadd.s32 $0x50, s14;
	s25 =	simm.s32 $0x11DE8  }
0x202: {  	[hbm4b:s22+s3] =	stream.linear.scatter [tilespmem:s25], [sflag:$0x6], $0x80, $0x38;
	[tilespmem:$0x12800] =	vst v63  }
0x203: {  	s22 =	sadd.s32 $0x60, s14;
	s25 =	simm.s32 $0x11E70  }
0x204: {  	[hbm4b:s22+s3] =	stream.linear.scatter [tilespmem:s25], [sflag:$0x6], $0x80, $0x38;
	[tilespmem:$0x12800] =	vst v63  }
0x205: {  	s14 =	sadd.s32 $0x70, s14;
	s25 =	simm.s32 $0x11EF8;
	s22 =	rddreg [dreg:$0xa]  }
0x206: {  	[hbm4b:s14+s3] =	stream.linear.scatter [tilespmem:s25], [sflag:$0x6], $0x80, $0x38;
	[tilespmem:$0x12800] =	vst v63  }
0x207: {  	s14 =	sadd.s32 s23, s22;
	s25 =	simm.s32 $0x11F80  }
0x208: {  	[hbm4b:s14+s3] =	stream.linear.scatter [tilespmem:s25], [sflag:$0x6], $0x80, $0x38;
	[tilespmem:$0x12800] =	vst v63  }
0x209: {  	s22 =	sadd.s32 $0x10, s14;
	s25 =	simm.s32 $0x12008  }
0x20a: {  	[hbm4b:s22+s3] =	stream.linear.scatter [tilespmem:s25], [sflag:$0x6], $0x80, $0x38;
	[tilespmem:$0x12800] =	vst v63  }
0x20b: {  	s22 =	sadd.s32 $0x20, s14;
	s25 =	simm.s32 $0x12090  }
0x20c: {  	[hbm4b:s22+s3] =	stream.linear.scatter [tilespmem:s25], [sflag:$0x6], $0x80, $0x38;
	[tilespmem:$0x12800] =	vst v63  }
0x20d: {  	s22 =	sadd.s32 $0x30, s14;
	s25 =	simm.s32 $0x12118  }
0x20e: {  	[hbm4b:s22+s3] =	stream.linear.scatter [tilespmem:s25], [sflag:$0x6], $0x80, $0x38;
	[tilespmem:$0x12800] =	vst v63  }
0x20f: {  	s22 =	sadd.s32 $0x40, s14;
	s25 =	simm.s32 $0x121A0  }
0x210: {  	[hbm4b:s22+s3] =	stream.linear.scatter [tilespmem:s25], [sflag:$0x6], $0x80, $0x38;
	[tilespmem:$0x12800] =	vst v63  }
0x211: {  	s22 =	sadd.s32 $0x50, s14;
	s25 =	simm.s32 $0x12228  }
0x212: {  	[hbm4b:s22+s3] =	stream.linear.scatter [tilespmem:s25], [sflag:$0x6], $0x80, $0x38;
	[tilespmem:$0x12800] =	vst v63  }
0x213: {  	s22 =	sadd.s32 $0x60, s14;
	s25 =	simm.s32 $0x122B0  }
0x214: {  	[hbm4b:s22+s3] =	stream.linear.scatter [tilespmem:s25], [sflag:$0x6], $0x80, $0x38;
	[tilespmem:$0x12800] =	vst v63  }
0x215: {  	s14 =	sadd.s32 $0x70, s14;
	s25 =	simm.s32 $0x12338;
	s22 =	rddreg [dreg:$0xb]  }
0x216: {  	[hbm4b:s14+s3] =	stream.linear.scatter [tilespmem:s25], [sflag:$0x6], $0x80, $0x38;
	[tilespmem:$0x12800] =	vst v63  }
0x217: {  	s14 =	sadd.s32 s23, s22;
	s25 =	simm.s32 $0x123C0  }
0x218: {  	[hbm4b:s14+s3] =	stream.linear.scatter [tilespmem:s25], [sflag:$0x6], $0x80, $0x38;
	[tilespmem:$0x12800] =	vst v63  }
0x219: {  	s23 =	sadd.s32 $0x10, s14;
	s25 =	simm.s32 $0x12448  }
0x21a: {  	[hbm4b:s23+s3] =	stream.linear.scatter [tilespmem:s25], [sflag:$0x6], $0x80, $0x38;
	[tilespmem:$0x12800] =	vst v63  }
0x21b: {  	s23 =	sadd.s32 $0x20, s14;
	s25 =	simm.s32 $0x124D0  }
0x21c: {  	[hbm4b:s23+s3] =	stream.linear.scatter [tilespmem:s25], [sflag:$0x6], $0x80, $0x38;
	[tilespmem:$0x12800] =	vst v63  }
0x21d: {  	s23 =	sadd.s32 $0x30, s14;
	s25 =	simm.s32 $0x12558  }
0x21e: {  	[hbm4b:s23+s3] =	stream.linear.scatter [tilespmem:s25], [sflag:$0x6], $0x80, $0x38;
	[tilespmem:$0x12800] =	vst v63  }
0x21f: {  	s23 =	sadd.s32 $0x40, s14  }
0x220: {  	[hbm4b:s23+s3] =	stream.linear.scatter [tilespmem:s15], [sflag:$0x6], $0x80, $0x38;
	[tilespmem:$0x12800] =	vst v63  }
0x221: {  	s25 =	sadd.s32 $0x50, s14  }
0x222: {  	[hbm4b:s25+s3] =	stream.linear.scatter [tilespmem:s16], [sflag:$0x6], $0x80, $0x38;
	[tilespmem:$0x12800] =	vst v63  }
0x223: {  	s23 =	sadd.s32 $0x60, s14  }
0x224: {  	[hbm4b:s23+s3] =	stream.linear.scatter [tilespmem:s19], [sflag:$0x6], $0x80, $0x38;
	[tilespmem:$0x12800] =	vst v63  }
0x225: {  	p0 =	seq.s32 s26, $0x31;
	s14 =	sadd.s32 $0x70, s14  }
0x226: {  	[hbm4b:s14+s3] =	stream.linear.scatter [tilespmem:s20], [sflag:$0x6], $0x80, $0x38;
	[tilespmem:$0x12800] =	vst v63  }
0x227: {  	s14 =	sshll.u32 @!p0 s26, $0x9;
	_ =	swait.ge [sflag:s21], $0x2000  }
0x228: {  	s22 =	simm.s32 @!p0 $0x80;
	s23 =	sand.u32 @!p0 $0x3FFFFE00, s14;
	[sflag:s21] =	ssyncset.done $0x0  }
0x229: {  	s25 =	simm.s32 @!p0 $0x6400;
	s14 =	sadd.s32 @!p0 $0x200, s23;
	[sflag:s21] =	ssyncadd.s32 $0xFFFFE000  }
0x22a: {  	[tilespmem:s25], [sflag:$0x1] =	stream.indirect.gather @!p0 [hbm4b:s4+s22], $0x40, s14, s22, $0xb8;
	[tilespmem:$0x12800] =	vst v63  }
0x22b: {  	_ =	swait.ge [sflag:s1], $0x400  }
0x22c: {  	[sflag:s1] =	ssyncset.done $0x0  }
0x22d: {  	[sflag:s1] =	ssyncadd.s32 $0xFFFFFC00  }
0x22e: {  	_ =	swait.ge [sflag:s1], $0x400  }
0x22f: {  	[sflag:s1] =	ssyncset.done $0x0  }
0x230: {  	[sflag:s1] =	ssyncadd.s32 $0xFFFFFC00  }
0x231: {  	_ =	swait.ge [sflag:s1], $0x400  }
0x232: {  	[sflag:s1] =	ssyncset.done $0x0  }
0x233: {  	[sflag:s1] =	ssyncadd.s32 $0xFFFFFC00  }
0x234: {  	_ =	swait.ge [sflag:s1], $0x400  }
0x235: {  	[sflag:s1] =	ssyncset.done $0x0  }
0x236: {  	[sflag:s1] =	ssyncadd.s32 $0xFFFFFC00  }
0x237: {  	_ =	swait.ge [sflag:s1], $0x400  }
0x238: {  	[sflag:s1] =	ssyncset.done $0x0  }
0x239: {  	[sflag:s1] =	ssyncadd.s32 $0xFFFFFC00  }
0x23a: {  	s25 =	simm.s32 $0x0;
	_ =	swait.ge [sflag:s1], $0x400  }
0x23b: {  	s22 =	simm.s32 $0x1;
	s14 =	simm.s32 $0x3;
	[sflag:s1] =	ssyncset.done $0x0  }
0x23c: {  	v50 =	vmov s25;
	s25 =	simm.s32 $0x2;
	v51 =	vmov s22;
	s22 =	simm.s32 $0x4;
	v53 =	vmov s14;
	[sflag:s1] =	ssyncadd.s32 $0xFFFFFC00  }
0x23d: {  	s14 =	simm.s32 $0x5;
	v33 =	vshrl.u32 v50, $0x3;
	v52 =	vmov s25;
	s25 =	simm.s32 $0x7;
	v54 =	vmov s22;
	_ =	swait.ge [sflag:s1], $0x400  }
0x23e: {  	v39 =	vmov s14;
	v34 =	vshrl.u32 v51, $0x3;
	v55 =	vmov s25;
	[sflag:s1] =	ssyncset.done $0x0  }
0x23f: {  	s22 =	simm.s32 $0x6;
	v36 =	vshrl.u32 v53, $0x3;
	v33 =	vshll.u32 v33, v1;
	v38 =	vshrl.u32 v55, $0x3;
	[sflag:s1] =	ssyncadd.s32 $0xFFFFFC00  }
0x240: {  	v40 =	vmov s22;
	v35 =	vshrl.u32 v52, $0x3;
	v38 =	vshll.u32 v38, v1;
	_ =	swait.ge [sflag:s1], $0x400  }
0x241: {  	v37 =	vshrl.u32 v54, $0x3;
	v34 =	vshll.u32 v34, v1;
	v38 =	vbroadcast v38, $0x0;
	[sflag:s1] =	ssyncset.done $0x0  }
0x242: {  	s22 =	simm.s32 $0xA500;
	v58 =	vshll.u32 v36, v1;
	v45 =	vbroadcast v34, $0x0;
	v56 =	vshll.u32 v35, v1;
	[sflag:s1] =	ssyncadd.s32 $0xFFFFFC00  }
0x243: {  	v33 =	vbroadcast v33, $0x0;
	v52 =	vbroadcast v56, $0x0;
	v42 =	vadd.s32 v29, v38;
	v41 =	vld [tilespmem:s22+$0xC0]  }
0x244: {  	v35 =	vbroadcast v58, $0x0;
	v61 =	vshll.u32 v37, v1;
	v60 =	vadd.s32 v5, v45;
	v59 =	vld [tilespmem:s22+$0xFFFFFF40]  }
0x245: {  	v55 =	vshrl.u32 v39, $0x3;
	v40 =	vshrl.u32 v40, $0x3;
	v63 =	vadd.s32 v9, v52;
	v62 =	vld [tilespmem:s22+$0xFFFFFF80]  }
0x246: {  	v34 =	vbroadcast v61, $0x0;
	v36 =	vshll.u32 v55, v1;
	v57 =	vadd.s32 v0, v33;
	v43 =	vld [tilespmem:s22+$0xFFFFFF00]  }
0x247: {  	v56 =	vshll.u32 v40, v1;
	v50 =	vadd.s32 v13, v35;
	v37 =	vbroadcast v36, $0x0;
	v39 =	vld [tilespmem:s22+$0xFFFFFFC0]  }
0x248: {  	v36 =	vbroadcast v56, $0x0;
	v53 =	vadd.s32 v17, v34;
	v51 =	vld [tilespmem:s22+$0x0];
	[tilespmem:v42+s31+$0x0] =	vst.idx.msk $0xffff, v41  }
0x249: {  	[tilespmem:v60+s31+$0x0] =	vst.idx.msk $0xffff, v59;
	v59 =	vld [tilespmem:s22+$0x40];
	v60 =	vadd.s32 v21, v37  }
0x24a: {  	v61 =	vld [tilespmem:s22+$0x80];
	[tilespmem:v63+s31+$0x0] =	vst.idx.msk $0xffff, v62;
	v62 =	vadd.s32 v25, v36  }
0x24b: {  	v58 =	vadd.s32 v30, v38;
	[tilespmem:v57+s31+$0x0] =	vst.idx.msk $0xffff, v43;
	v57 =	vld [tilespmem:s22+$0xD0]  }
0x24c: {  	v63 =	vadd.s32 v6, v45;
	[tilespmem:v50+s31+$0x0] =	vst.idx.msk $0xffff, v39;
	v47 =	vld [tilespmem:s22+$0xFFFFFF50]  }
0x24d: {  	v55 =	vadd.s32 v10, v52;
	[tilespmem:v53+s31+$0x0] =	vst.idx.msk $0xffff, v51;
	v54 =	vld [tilespmem:s22+$0xFFFFFF90]  }
0x24e: {  	v56 =	vadd.s32 v14, v35;
	v50 =	vld [tilespmem:s22+$0xFFFFFFD0];
	[tilespmem:v60+s31+$0x0] =	vst.idx.msk $0xffff, v59  }
0x24f: {  	[tilespmem:v62+s31+$0x0] =	vst.idx.msk $0xffff, v61;
	v61 =	vld [tilespmem:s22+$0xFFFFFF10];
	v62 =	vadd.s32 v2, v33  }
0x250: {  	v59 =	vadd.s32 v18, v34;
	[tilespmem:v58+s31+$0x0] =	vst.idx.msk $0xffff, v57;
	v58 =	vld [tilespmem:s22+$0x10]  }
0x251: {  	v57 =	vadd.s32 v31, v38;
	[tilespmem:v63+s31+$0x0] =	vst.idx.msk $0xffff, v47;
	v40 =	vld [tilespmem:s22+$0xE0]  }
0x252: {  	v46 =	vadd.s32 v22, v37;
	v44 =	vld [tilespmem:s22+$0x50];
	[tilespmem:v55+s31+$0x0] =	vst.idx.msk $0xffff, v54  }
0x253: {  	v60 =	vadd.s32 v26, v36;
	v63 =	vld [tilespmem:s22+$0x90];
	[tilespmem:v56+s31+$0x0] =	vst.idx.msk $0xffff, v50  }
0x254: {  	v51 =	vadd.s32 v7, v45;
	v50 =	vld [tilespmem:s22+$0xFFFFFF60];
	[tilespmem:v62+s31+$0x0] =	vst.idx.msk $0xffff, v61  }
0x255: {  	v56 =	vadd.s32 v11, v52;
	v55 =	vld [tilespmem:s22+$0xFFFFFFA0];
	[tilespmem:v59+s31+$0x0] =	vst.idx.msk $0xffff, v58  }
0x256: {  	v58 =	vadd.s32 v15, v35;
	[tilespmem:v57+s31+$0x0] =	vst.idx.msk $0xffff, v40;
	v57 =	vld [tilespmem:s22+$0xFFFFFFE0]  }
0x257: {  	v38 =	vadd.s32 v32, v38;
	[tilespmem:v46+s31+$0x0] =	vst.idx.msk $0xffff, v44;
	v54 =	vld [tilespmem:s22+$0xF0]  }
0x258: {  	s25 =	simm.s32 $0x8;
	[tilespmem:v60+s31+$0x0] =	vst.idx.msk $0xffff, v63;
	v60 =	vadd.s32 v19, v34;
	v59 =	vld [tilespmem:s22+$0x20]  }
0x259: {  	v41 =	vadd.s32 v23, v37;
	v63 =	vmov s25;
	s25 =	simm.s32 $0x9;
	[tilespmem:v51+s31+$0x0] =	vst.idx.msk $0xffff, v50;
	v40 =	vld [tilespmem:s22+$0x60]  }
0x25a: {  	v48 =	vadd.s32 v3, v33;
	v43 =	vadd.s32 v27, v36;
	v53 =	vmov s25;
	s25 =	simm.s32 $0xB;
	v42 =	vld [tilespmem:s22+$0xA0];
	[tilespmem:v56+s31+$0x0] =	vst.idx.msk $0xffff, v55  }
0x25b: {  	s14 =	simm.s32 $0xA;
	v52 =	vadd.s32 v12, v52;
	v46 =	vld [tilespmem:s22+$0xFFFFFF20];
	v39 =	vshrl.u32 v63, $0x3;
	v44 =	vmov s25;
	s25 =	simm.s32 $0xD;
	[tilespmem:v58+s31+$0x0] =	vst.idx.msk $0xffff, v57  }
0x25c: {  	v51 =	vadd.s32 v8, v45;
	v49 =	vld [tilespmem:s22+$0xFFFFFF70];
	[tilespmem:v38+s31+$0x0] =	vst.idx.msk $0xffff, v54;
	v54 =	vmov s14;
	s14 =	simm.s32 $0xC;
	v38 =	vmov s25;
	s25 =	simm.s32 $0xE  }
0x25d: {  	s30 =	simm.s32 $0xF;
	v45 =	vshll.u32 v39, v1;
	v50 =	vld [tilespmem:s22+$0xFFFFFFB0];
	[tilespmem:v60+s31+$0x0] =	vst.idx.msk $0xffff, v59;
	v47 =	vmov s14;
	v39 =	vmov s25;
	s25 =	simm.s32 $0x10  }
.LBB2_7:
0x25e: {  	p1 =	slt.u32 s25, $0x78;
	v53 =	vshrl.u32 v53, $0x3;
	v55 =	vmov s30;
	v56 =	vld [tilespmem:s22+$0xFFFFFFF0];
	v35 =	vadd.s32 v16, v35;
	[tilespmem:v41+s31+$0x0] =	vst.idx.msk $0xffff, v40  }
0x25f: {  	v40 =	vshrl.u32 v54, $0x3;
	v34 =	vadd.s32 v20, v34;
	v41 =	vshrl.u32 v55, $0x3;
	v54 =	vld [tilespmem:s22+$0x30];
	[tilespmem:v43+s31+$0x0] =	vst.idx.msk $0xffff, v42  }
0x260: {  	v37 =	vadd.s32 v24, v37;
	v42 =	vshrl.u32 v44, $0x3;
	v41 =	vshll.u32 v41, v1;
	[tilespmem:v48+s31+$0x0] =	vst.idx.msk $0xffff, v46;
	v43 =	vld [tilespmem:s22+$0x70]  }
0x261: {  	v36 =	vadd.s32 v28, v36;
	v44 =	vshrl.u32 v47, $0x3;
	v41 =	vbroadcast v41, $0x0;
	[tilespmem:v51+s31+$0x0] =	vst.idx.msk $0xffff, v49;
	v46 =	vld [tilespmem:s22+$0xB0]  }
0x262: {  	v47 =	vshll.u32 v53, v1;
	v49 =	vadd.s32 v4, v33;
	v33 =	vbroadcast v45, $0x0;
	v48 =	vld [tilespmem:s22+$0xFFFFFF30];
	[tilespmem:v52+s31+$0x0] =	vst.idx.msk $0xffff, v50;
	s22 =	sadd.s32 $0x200, s22  }
0x263: {  	v40 =	vshll.u32 v40, v1;
	v45 =	vbroadcast v47, $0x0;
	v47 =	vld [tilespmem:s22+$0xC0];
	v50 =	vadd.s32 v29, v41;
	[tilespmem:v35+s31+$0x0] =	vst.idx.msk $0xffff, v56  }
0x264: {  	v55 =	vbroadcast v40, $0x0;
	v52 =	vadd.s32 v0, v33;
	v35 =	vshll.u32 v42, v1;
	v51 =	vld [tilespmem:s22+$0xFFFFFF00];
	[tilespmem:v34+s31+$0x0] =	vst.idx.msk $0xffff, v54  }
0x265: {  	v42 =	vadd.s32 v5, v45;
	v35 =	vbroadcast v35, $0x0;
	v34 =	vshll.u32 v44, v1;
	v40 =	vld [tilespmem:s22+$0xFFFFFF40];
	[tilespmem:v37+s31+$0x0] =	vst.idx.msk $0xffff, v43  }
0x266: {  	v44 =	vadd.s32 v9, v55;
	v34 =	vbroadcast v34, $0x0;
	v37 =	vshrl.u32 v38, $0x3;
	v43 =	vld [tilespmem:s22+$0xFFFFFF80];
	[tilespmem:v36+s31+$0x0] =	vst.idx.msk $0xffff, v46  }
0x267: {  	v39 =	vshrl.u32 v39, $0x3;
	v46 =	vadd.s32 v13, v35;
	v36 =	vshll.u32 v37, v1;
	v38 =	vld [tilespmem:s22+$0xFFFFFFC0];
	[tilespmem:v49+s31+$0x0] =	vst.idx.msk $0xffff, v48  }
0x268: {  	v49 =	vadd.s32 v17, v34;
	v37 =	vbroadcast v36, $0x0;
	v36 =	vshll.u32 v39, v1;
	v48 =	vld [tilespmem:s22+$0x0];
	[tilespmem:v50+s31+$0x0] =	vst.idx.msk $0xffff, v47  }
0x269: {  	v36 =	vbroadcast v36, $0x0;
	v47 =	vadd.s32 v30, v41;
	[tilespmem:v52+s31+$0x0] =	vst.idx.msk $0xffff, v51;
	v39 =	vld [tilespmem:s22+$0xD0]  }
0x26a: {  	[tilespmem:v42+s31+$0x0] =	vst.idx.msk $0xffff, v40;
	v40 =	vld [tilespmem:s22+$0x40];
	v42 =	vadd.s32 v21, v37  }
0x26b: {  	[tilespmem:v44+s31+$0x0] =	vst.idx.msk $0xffff, v43;
	v43 =	vld [tilespmem:s22+$0x80];
	v44 =	vadd.s32 v25, v36  }
0x26c: {  	v51 =	vadd.s32 v6, v45;
	v50 =	vld [tilespmem:s22+$0xFFFFFF50];
	[tilespmem:v46+s31+$0x0] =	vst.idx.msk $0xffff, v38  }
0x26d: {  	v46 =	vadd.s32 v10, v55;
	v38 =	vld [tilespmem:s22+$0xFFFFFF90];
	[tilespmem:v49+s31+$0x0] =	vst.idx.msk $0xffff, v48  }
0x26e: {  	v49 =	vadd.s32 v14, v35;
	v48 =	vld [tilespmem:s22+$0xFFFFFFD0];
	[tilespmem:v47+s31+$0x0] =	vst.idx.msk $0xffff, v39  }
0x26f: {  	[tilespmem:v42+s31+$0x0] =	vst.idx.msk $0xffff, v40;
	v39 =	vld [tilespmem:s22+$0xE0];
	v40 =	vadd.s32 v31, v41  }
0x270: {  	v47 =	vadd.s32 v18, v34;
	v42 =	vld [tilespmem:s22+$0x10];
	[tilespmem:v44+s31+$0x0] =	vst.idx.msk $0xffff, v43  }
0x271: {  	v44 =	vadd.s32 v22, v37;
	[tilespmem:v51+s31+$0x0] =	vst.idx.msk $0xffff, v50;
	v43 =	vld [tilespmem:s22+$0x50]  }
0x272: {  	[tilespmem:v46+s31+$0x0] =	vst.idx.msk $0xffff, v38;
	v38 =	vld [tilespmem:s22+$0x90];
	v46 =	vadd.s32 v26, v36  }
0x273: {  	v51 =	vadd.s32 v2, v33;
	v50 =	vld [tilespmem:s22+$0xFFFFFF10];
	[tilespmem:v49+s31+$0x0] =	vst.idx.msk $0xffff, v48  }
0x274: {  	v49 =	vadd.s32 v7, v45;
	v48 =	vld [tilespmem:s22+$0xFFFFFF60];
	[tilespmem:v40+s31+$0x0] =	vst.idx.msk $0xffff, v39  }
0x275: {  	[tilespmem:v47+s31+$0x0] =	vst.idx.msk $0xffff, v42;
	v39 =	vld [tilespmem:s22+$0xF0];
	v47 =	vadd.s32 v32, v41  }
0x276: {  	v56 =	vadd.s32 v11, v55;
	v52 =	vld [tilespmem:s22+$0xFFFFFFA0];
	[tilespmem:v44+s31+$0x0] =	vst.idx.msk $0xffff, v43  }
0x277: {  	v58 =	vadd.s32 v15, v35;
	v57 =	vld [tilespmem:s22+$0xFFFFFFE0];
	[tilespmem:v46+s31+$0x0] =	vst.idx.msk $0xffff, v38  }
0x278: {  	v60 =	vadd.s32 v19, v34;
	[tilespmem:v51+s31+$0x0] =	vst.idx.msk $0xffff, v50;
	v59 =	vld [tilespmem:s22+$0x20]  }
.Ltmp2:
0x279: {  	s14 =	sadd.s32 $0x1, s25;
	v41 =	vadd.s32 v23, v37;
	v38 =	vmov s25;
	[tilespmem:v49+s31+$0x0] =	vst.idx.msk $0xffff, v48;
	v40 =	vld [tilespmem:s22+$0x60];
	(pc) =	sbr.rel @p1 .LBB2_7-.Ltmp2, $4  }
0x27a: {  	s30 =	sadd.s32 $0x3, s25;
	v53 =	vmov s14;
	s14 =	sadd.s32 $0x2, s25;
	v43 =	vadd.s32 v27, v36;
	v50 =	vshrl.u32 v38, $0x3;
	v42 =	vld [tilespmem:s22+$0xA0];
	[tilespmem:v47+s31+$0x0] =	vst.idx.msk $0xffff, v39  }
0x27b: {  	v54 =	vmov s14;
	s14 =	sadd.s32 $0x4, s25;
	v44 =	vmov s30;
	s30 =	sadd.s32 $0x5, s25;
	v48 =	vadd.s32 v3, v33;
	v46 =	vld [tilespmem:s22+$0xFFFFFF20];
	[tilespmem:v56+s31+$0x0] =	vst.idx.msk $0xffff, v52  }
0x27c: {  	v38 =	vmov s30;
	v51 =	vadd.s32 v8, v45;
	v47 =	vmov s14;
	s14 =	sadd.s32 $0x6, s25;
	v49 =	vld [tilespmem:s22+$0xFFFFFF70];
	[tilespmem:v58+s31+$0x0] =	vst.idx.msk $0xffff, v57  }
0x27d: {  	s30 =	sadd.s32 $0x7, s25;
	v45 =	vshll.u32 v50, v1;
	s25 =	sadd.s32 $0x8, s25;
	v39 =	vmov s14;
	v52 =	vadd.s32 v12, v55;
	v50 =	vld [tilespmem:s22+$0xFFFFFFB0];
	[tilespmem:v60+s31+$0x0] =	vst.idx.msk $0xffff, v59  }
0x27e: {  	_ =	sdelay $0x2  }
0x27f: {  	v53 =	vshrl.u32 v53, $0x3  }
0x280: {  	v55 =	vmov s30;
	v56 =	vld [tilespmem:s22+$0xFFFFFFF0];
	v35 =	vadd.s32 v16, v35;
	[tilespmem:v41+s31+$0x0] =	vst.idx.msk $0xffff, v40;
	v34 =	vadd.s32 v20, v34  }
0x281: {  	v61 =	vshrl.u32 v54, $0x3;
	v63 =	vld [tilespmem:s22+$0x30];
	v37 =	vadd.s32 v24, v37;
	v36 =	vadd.s32 v28, v36;
	[tilespmem:v43+s31+$0x0] =	vst.idx.msk $0xffff, v42  }
0x282: {  	v45 =	vbroadcast v45, $0x0;
	v33 =	vadd.s32 v4, v33;
	v62 =	vshrl.u32 v55, $0x3;
	v43 =	vld [tilespmem:s22+$0x70];
	[tilespmem:v48+s31+$0x0] =	vst.idx.msk $0xffff, v46  }
0x283: {  	s25 =	sadd.s32 $0x200, s22;
	v38 =	vshrl.u32 v38, $0x3;
	v55 =	vshrl.u32 v44, $0x3;
	v41 =	vshll.u32 v62, v1;
	v46 =	vld [tilespmem:s22+$0xB0];
	[tilespmem:v51+s31+$0x0] =	vst.idx.msk $0xffff, v49  }
0x284: {  	v40 =	vshll.u32 v61, v1;
	v60 =	vld [tilespmem:s25+$0xFFFFFF00];
	v61 =	vadd.s32 v0, v45;
	v41 =	vbroadcast v41, $0x0;
	[tilespmem:v52+s31+$0x0] =	vst.idx.msk $0xffff, v50  }
0x285: {  	v44 =	vshrl.u32 v47, $0x3;
	v57 =	vshll.u32 v53, v1;
	v40 =	vbroadcast v40, $0x0;
	v48 =	vld [tilespmem:s22+$0xFFFFFF30];
	[tilespmem:v35+s31+$0x0] =	vst.idx.msk $0xffff, v56  }
0x286: {  	v58 =	vld [tilespmem:s25+$0xC0];
	v47 =	vbroadcast v57, $0x0;
	v42 =	vshll.u32 v55, v1;
	v59 =	vadd.s32 v29, v41;
	[tilespmem:v34+s31+$0x0] =	vst.idx.msk $0xffff, v63  }
0x287: {  	v54 =	vld [tilespmem:s25+$0xFFFFFF80];
	v44 =	vshll.u32 v44, v1;
	v42 =	vbroadcast v42, $0x0;
	v55 =	vadd.s32 v9, v40;
	[tilespmem:v37+s31+$0x0] =	vst.idx.msk $0xffff, v43  }
0x288: {  	v38 =	vshll.u32 v38, v1;
	v62 =	vld [tilespmem:s25+$0xFFFFFF40];
	v44 =	vbroadcast v44, $0x0;
	v63 =	vadd.s32 v5, v47;
	[tilespmem:v36+s31+$0x0] =	vst.idx.msk $0xffff, v46  }
0x289: {  	v39 =	vshrl.u32 v39, $0x3;
	v38 =	vbroadcast v38, $0x0;
	v36 =	vld [tilespmem:s25+$0xFFFFFFC0];
	v46 =	vadd.s32 v13, v42;
	[tilespmem:v61+s31+$0x0] =	vst.idx.msk $0xffff, v60  }
0x28a: {  	v39 =	vshll.u32 v39, v1;
	[tilespmem:v33+s31+$0x0] =	vst.idx.msk $0xffff, v48;
	v33 =	vld [tilespmem:s25+$0x0];
	v48 =	vadd.s32 v17, v44  }
0x28b: {  	v35 =	vbroadcast v39, $0x0;
	[tilespmem:v59+s31+$0x0] =	vst.idx.msk $0xffff, v58;
	v58 =	vld [tilespmem:s25+$0x40];
	v59 =	vadd.s32 v21, v38  }
0x28c: {  	v57 =	vadd.s32 v30, v41;
	[tilespmem:v55+s31+$0x0] =	vst.idx.msk $0xffff, v54;
	v56 =	vld [tilespmem:s25+$0xD0]  }
0x28d: {  	v60 =	vld [tilespmem:s25+$0x80];
	v61 =	vadd.s32 v25, v35;
	[tilespmem:v63+s31+$0x0] =	vst.idx.msk $0xffff, v62  }
0x28e: {  	v55 =	vadd.s32 v10, v40;
	v54 =	vld [tilespmem:s25+$0xFFFFFF90];
	[tilespmem:v46+s31+$0x0] =	vst.idx.msk $0xffff, v36  }
0x28f: {  	v63 =	vadd.s32 v6, v47;
	v62 =	vld [tilespmem:s25+$0xFFFFFF50];
	[tilespmem:v48+s31+$0x0] =	vst.idx.msk $0xffff, v33  }
0x290: {  	v33 =	vld [tilespmem:s25+$0xFFFFFFD0];
	v48 =	vadd.s32 v14, v42;
	[tilespmem:v59+s31+$0x0] =	vst.idx.msk $0xffff, v58  }
0x291: {  	[tilespmem:v57+s31+$0x0] =	vst.idx.msk $0xffff, v56;
	v56 =	vld [tilespmem:s25+$0x10];
	v57 =	vadd.s32 v18, v44  }
0x292: {  	[tilespmem:v61+s31+$0x0] =	vst.idx.msk $0xffff, v60;
	v59 =	vadd.s32 v22, v38;
	v58 =	vld [tilespmem:s25+$0x50]  }
0x293: {  	v39 =	vadd.s32 v31, v41;
	[tilespmem:v55+s31+$0x0] =	vst.idx.msk $0xffff, v54;
	v34 =	vld [tilespmem:s25+$0xE0]  }
0x294: {  	v61 =	vadd.s32 v26, v35;
	v60 =	vld [tilespmem:s25+$0x90];
	[tilespmem:v63+s31+$0x0] =	vst.idx.msk $0xffff, v62  }
0x295: {  	v62 =	vld [tilespmem:s25+$0xFFFFFF10];
	v63 =	vadd.s32 v2, v45;
	[tilespmem:v48+s31+$0x0] =	vst.idx.msk $0xffff, v33  }
0x296: {  	v55 =	vadd.s32 v7, v47;
	v54 =	vld [tilespmem:s25+$0xFFFFFF60];
	[tilespmem:v57+s31+$0x0] =	vst.idx.msk $0xffff, v56  }
0x297: {  	v56 =	vadd.s32 v32, v41;
	v41 =	vld [tilespmem:s25+$0xFFFFFFA0];
	v57 =	vadd.s32 v11, v40;
	[tilespmem:v59+s31+$0x0] =	vst.idx.msk $0xffff, v58  }
0x298: {  	v37 =	vld [tilespmem:s25+$0xFFFFFFE0];
	v58 =	vadd.s32 v15, v42;
	[tilespmem:v39+s31+$0x0] =	vst.idx.msk $0xffff, v34  }
0x299: {  	[tilespmem:v61+s31+$0x0] =	vst.idx.msk $0xffff, v60;
	v34 =	vld [tilespmem:s25+$0xF0]  }
0x29a: {  	v60 =	vadd.s32 v19, v44;
	[tilespmem:v63+s31+$0x0] =	vst.idx.msk $0xffff, v62;
	v59 =	vld [tilespmem:s25+$0x20]  }
0x29b: {  	v62 =	vadd.s32 v23, v38;
	[tilespmem:v55+s31+$0x0] =	vst.idx.msk $0xffff, v54;
	v61 =	vld [tilespmem:s25+$0x60]  }
0x29c: {  	v63 =	vld [tilespmem:s25+$0xA0];
	v54 =	vadd.s32 v27, v35;
	[tilespmem:v57+s31+$0x0] =	vst.idx.msk $0xffff, v41  }
0x29d: {  	v47 =	vadd.s32 v8, v47;
	v57 =	vld [tilespmem:s25+$0xFFFFFF70];
	[tilespmem:v58+s31+$0x0] =	vst.idx.msk $0xffff, v37  }
0x29e: {  	v55 =	vld [tilespmem:s25+$0xFFFFFF20];
	[tilespmem:v56+s31+$0x0] =	vst.idx.msk $0xffff, v34;
	v56 =	vadd.s32 v3, v45  }
0x29f: {  	v40 =	vadd.s32 v12, v40;
	v58 =	vld [tilespmem:s25+$0xFFFFFFB0];
	[tilespmem:v60+s31+$0x0] =	vst.idx.msk $0xffff, v59  }
0x2a0: {  	v42 =	vadd.s32 v16, v42;
	v59 =	vld [tilespmem:s25+$0xFFFFFFF0];
	[tilespmem:v62+s31+$0x0] =	vst.idx.msk $0xffff, v61  }
0x2a1: {  	v61 =	vadd.s32 v20, v44;
	[tilespmem:v54+s31+$0x0] =	vst.idx.msk $0xffff, v63;
	v60 =	vld [tilespmem:s25+$0x30]  }
0x2a2: {  	v38 =	vadd.s32 v24, v38;
	v62 =	vld [tilespmem:s25+$0x70];
	[tilespmem:v47+s31+$0x0] =	vst.idx.msk $0xffff, v57  }
0x2a3: {  	v35 =	vadd.s32 v28, v35;
	v63 =	vld [tilespmem:s25+$0xB0];
	[tilespmem:v56+s31+$0x0] =	vst.idx.msk $0xffff, v55  }
0x2a4: {  	v49 =	vadd.s32 v4, v45;
	[tilespmem:v40+s31+$0x0] =	vst.idx.msk $0xffff, v58;
	v48 =	vld [tilespmem:s25+$0xFFFFFF30]  }
0x2a5: {  	[tilespmem:v42+s31+$0x0] =	vst.idx.msk $0xffff, v59  }
0x2a6: {  	s14 =	sshll.u32 s28, $0x12;
	[tilespmem:v61+s31+$0x0] =	vst.idx.msk $0xffff, v60  }
0x2a7: {  	s14 =	sor.u32 s6, s14;
	[tilespmem:v38+s31+$0x0] =	vst.idx.msk $0xffff, v62  }
0x2a8: {  	s22 =	sshrl.u32 s14, $0x3;
	[tilespmem:v35+s31+$0x0] =	vst.idx.msk $0xffff, v63  }
0x2a9: {  	s14 =	sadd.s32 s2, s22;
	[tilespmem:v49+s31+$0x0] =	vst.idx.msk $0xffff, v48  }
0x2aa: {  	[hbm4b:s14+s3] =	stream.linear.scatter [tilespmem:s31], [sflag:$0x5], $0x80, $0x38;
	[tilespmem:$0x12800] =	vst v63  }
0x2ab: {  	s30 =	simm.s32 $0xE488;
	s25 =	sadd.s32 $0x10, s14  }
0x2ac: {  	[hbm4b:s25+s3] =	stream.linear.scatter [tilespmem:s30], [sflag:$0x5], $0x80, $0x38;
	[tilespmem:$0x12800] =	vst v63  }
0x2ad: {  	s25 =	sadd.s32 $0x20, s14;
	s30 =	simm.s32 $0xE510  }
0x2ae: {  	[hbm4b:s25+s3] =	stream.linear.scatter [tilespmem:s30], [sflag:$0x5], $0x80, $0x38;
	[tilespmem:$0x12800] =	vst v63  }
0x2af: {  	s25 =	sadd.s32 $0x30, s14;
	s30 =	simm.s32 $0xE598  }
0x2b0: {  	[hbm4b:s25+s3] =	stream.linear.scatter [tilespmem:s30], [sflag:$0x5], $0x80, $0x38;
	[tilespmem:$0x12800] =	vst v63  }
0x2b1: {  	s25 =	sadd.s32 $0x40, s14;
	s30 =	simm.s32 $0xE620  }
0x2b2: {  	[hbm4b:s25+s3] =	stream.linear.scatter [tilespmem:s30], [sflag:$0x5], $0x80, $0x38;
	[tilespmem:$0x12800] =	vst v63  }
0x2b3: {  	s25 =	sadd.s32 $0x50, s14;
	s30 =	simm.s32 $0xE6A8  }
0x2b4: {  	[hbm4b:s25+s3] =	stream.linear.scatter [tilespmem:s30], [sflag:$0x5], $0x80, $0x38;
	[tilespmem:$0x12800] =	vst v63  }
0x2b5: {  	s25 =	sadd.s32 $0x60, s14;
	s30 =	simm.s32 $0xE730  }
0x2b6: {  	[hbm4b:s25+s3] =	stream.linear.scatter [tilespmem:s30], [sflag:$0x5], $0x80, $0x38;
	[tilespmem:$0x12800] =	vst v63  }
0x2b7: {  	s14 =	sadd.s32 $0x70, s14;
	s30 =	simm.s32 $0xE7B8  }
0x2b8: {  	[hbm4b:s14+s3] =	stream.linear.scatter [tilespmem:s30], [sflag:$0x5], $0x80, $0x38;
	[tilespmem:$0x12800] =	vst v63  }
0x2b9: {  	s28 =	simm.s32 $0xE840;
	s14 =	sadd.s32 s22, s7  }
0x2ba: {  	[hbm4b:s14+s3] =	stream.linear.scatter [tilespmem:s28], [sflag:$0x5], $0x80, $0x38;
	[tilespmem:$0x12800] =	vst v63  }
0x2bb: {  	s30 =	simm.s32 $0xE8C8;
	s25 =	sadd.s32 $0x10, s14  }
0x2bc: {  	[hbm4b:s25+s3] =	stream.linear.scatter [tilespmem:s30], [sflag:$0x5], $0x80, $0x38;
	[tilespmem:$0x12800] =	vst v63  }
0x2bd: {  	s25 =	sadd.s32 $0x20, s14;
	s30 =	simm.s32 $0xE950  }
0x2be: {  	[hbm4b:s25+s3] =	stream.linear.scatter [tilespmem:s30], [sflag:$0x5], $0x80, $0x38;
	[tilespmem:$0x12800] =	vst v63  }
0x2bf: {  	s25 =	sadd.s32 $0x30, s14;
	s30 =	simm.s32 $0xE9D8  }
0x2c0: {  	[hbm4b:s25+s3] =	stream.linear.scatter [tilespmem:s30], [sflag:$0x5], $0x80, $0x38;
	[tilespmem:$0x12800] =	vst v63  }
0x2c1: {  	s25 =	sadd.s32 $0x40, s14;
	s30 =	simm.s32 $0xEA60  }
0x2c2: {  	[hbm4b:s25+s3] =	stream.linear.scatter [tilespmem:s30], [sflag:$0x5], $0x80, $0x38;
	[tilespmem:$0x12800] =	vst v63  }
0x2c3: {  	s25 =	sadd.s32 $0x50, s14;
	s30 =	simm.s32 $0xEAE8  }
0x2c4: {  	[hbm4b:s25+s3] =	stream.linear.scatter [tilespmem:s30], [sflag:$0x5], $0x80, $0x38;
	[tilespmem:$0x12800] =	vst v63  }
0x2c5: {  	s25 =	sadd.s32 $0x60, s14;
	s30 =	simm.s32 $0xEB70  }
0x2c6: {  	[hbm4b:s25+s3] =	stream.linear.scatter [tilespmem:s30], [sflag:$0x5], $0x80, $0x38;
	[tilespmem:$0x12800] =	vst v63  }
0x2c7: {  	s14 =	sadd.s32 $0x70, s14;
	s30 =	simm.s32 $0xEBF8  }
0x2c8: {  	[hbm4b:s14+s3] =	stream.linear.scatter [tilespmem:s30], [sflag:$0x5], $0x80, $0x38;
	[tilespmem:$0x12800] =	vst v63  }
0x2c9: {  	s28 =	simm.s32 $0xEC80;
	s14 =	sadd.s32 s22, s8  }
0x2ca: {  	[hbm4b:s14+s3] =	stream.linear.scatter [tilespmem:s28], [sflag:$0x5], $0x80, $0x38;
	[tilespmem:$0x12800] =	vst v63  }
0x2cb: {  	s30 =	simm.s32 $0xED08;
	s25 =	sadd.s32 $0x10, s14  }
0x2cc: {  	[hbm4b:s25+s3] =	stream.linear.scatter [tilespmem:s30], [sflag:$0x5], $0x80, $0x38;
	[tilespmem:$0x12800] =	vst v63  }
0x2cd: {  	s25 =	sadd.s32 $0x20, s14;
	s30 =	simm.s32 $0xED90  }
0x2ce: {  	[hbm4b:s25+s3] =	stream.linear.scatter [tilespmem:s30], [sflag:$0x5], $0x80, $0x38;
	[tilespmem:$0x12800] =	vst v63  }
0x2cf: {  	s25 =	sadd.s32 $0x30, s14;
	s30 =	simm.s32 $0xEE18  }
0x2d0: {  	[hbm4b:s25+s3] =	stream.linear.scatter [tilespmem:s30], [sflag:$0x5], $0x80, $0x38;
	[tilespmem:$0x12800] =	vst v63  }
0x2d1: {  	s25 =	sadd.s32 $0x40, s14;
	s30 =	simm.s32 $0xEEA0  }
0x2d2: {  	[hbm4b:s25+s3] =	stream.linear.scatter [tilespmem:s30], [sflag:$0x5], $0x80, $0x38;
	[tilespmem:$0x12800] =	vst v63  }
0x2d3: {  	s25 =	sadd.s32 $0x50, s14;
	s30 =	simm.s32 $0xEF28  }
0x2d4: {  	[hbm4b:s25+s3] =	stream.linear.scatter [tilespmem:s30], [sflag:$0x5], $0x80, $0x38;
	[tilespmem:$0x12800] =	vst v63  }
0x2d5: {  	s25 =	sadd.s32 $0x60, s14;
	s30 =	simm.s32 $0xEFB0  }
0x2d6: {  	[hbm4b:s25+s3] =	stream.linear.scatter [tilespmem:s30], [sflag:$0x5], $0x80, $0x38;
	[tilespmem:$0x12800] =	vst v63  }
0x2d7: {  	s14 =	sadd.s32 $0x70, s14;
	s30 =	simm.s32 $0xF038  }
0x2d8: {  	[hbm4b:s14+s3] =	stream.linear.scatter [tilespmem:s30], [sflag:$0x5], $0x80, $0x38;
	[tilespmem:$0x12800] =	vst v63  }
0x2d9: {  	s28 =	simm.s32 $0xF0C0;
	s14 =	sadd.s32 s22, s9  }
0x2da: {  	[hbm4b:s14+s3] =	stream.linear.scatter [tilespmem:s28], [sflag:$0x5], $0x80, $0x38;
	[tilespmem:$0x12800] =	vst v63  }
0x2db: {  	s30 =	simm.s32 $0xF148;
	s25 =	sadd.s32 $0x10, s14  }
0x2dc: {  	[hbm4b:s25+s3] =	stream.linear.scatter [tilespmem:s30], [sflag:$0x5], $0x80, $0x38;
	[tilespmem:$0x12800] =	vst v63  }
0x2dd: {  	s25 =	sadd.s32 $0x20, s14;
	s30 =	simm.s32 $0xF1D0  }
0x2de: {  	[hbm4b:s25+s3] =	stream.linear.scatter [tilespmem:s30], [sflag:$0x5], $0x80, $0x38;
	[tilespmem:$0x12800] =	vst v63  }
0x2df: {  	s25 =	sadd.s32 $0x30, s14;
	s30 =	simm.s32 $0xF258  }
0x2e0: {  	[hbm4b:s25+s3] =	stream.linear.scatter [tilespmem:s30], [sflag:$0x5], $0x80, $0x38;
	[tilespmem:$0x12800] =	vst v63  }
0x2e1: {  	s25 =	sadd.s32 $0x40, s14;
	s30 =	simm.s32 $0xF2E0  }
0x2e2: {  	[hbm4b:s25+s3] =	stream.linear.scatter [tilespmem:s30], [sflag:$0x5], $0x80, $0x38;
	[tilespmem:$0x12800] =	vst v63  }
0x2e3: {  	s25 =	sadd.s32 $0x50, s14;
	s30 =	simm.s32 $0xF368  }
0x2e4: {  	[hbm4b:s25+s3] =	stream.linear.scatter [tilespmem:s30], [sflag:$0x5], $0x80, $0x38;
	[tilespmem:$0x12800] =	vst v63  }
0x2e5: {  	s25 =	sadd.s32 $0x60, s14;
	s30 =	simm.s32 $0xF3F0  }
0x2e6: {  	[hbm4b:s25+s3] =	stream.linear.scatter [tilespmem:s30], [sflag:$0x5], $0x80, $0x38;
	[tilespmem:$0x12800] =	vst v63  }
0x2e7: {  	s14 =	sadd.s32 $0x70, s14;
	s30 =	simm.s32 $0xF478  }
0x2e8: {  	[hbm4b:s14+s3] =	stream.linear.scatter [tilespmem:s30], [sflag:$0x5], $0x80, $0x38;
	[tilespmem:$0x12800] =	vst v63  }
0x2e9: {  	s28 =	simm.s32 $0xF500;
	s14 =	sadd.s32 s22, s10  }
0x2ea: {  	[hbm4b:s14+s3] =	stream.linear.scatter [tilespmem:s28], [sflag:$0x5], $0x80, $0x38;
	[tilespmem:$0x12800] =	vst v63  }
0x2eb: {  	s30 =	simm.s32 $0xF588;
	s25 =	sadd.s32 $0x10, s14  }
0x2ec: {  	[hbm4b:s25+s3] =	stream.linear.scatter [tilespmem:s30], [sflag:$0x5], $0x80, $0x38;
	[tilespmem:$0x12800] =	vst v63  }
0x2ed: {  	s25 =	sadd.s32 $0x20, s14;
	s30 =	simm.s32 $0xF610  }
0x2ee: {  	[hbm4b:s25+s3] =	stream.linear.scatter [tilespmem:s30], [sflag:$0x5], $0x80, $0x38;
	[tilespmem:$0x12800] =	vst v63  }
0x2ef: {  	s25 =	sadd.s32 $0x30, s14;
	s30 =	simm.s32 $0xF698  }
0x2f0: {  	[hbm4b:s25+s3] =	stream.linear.scatter [tilespmem:s30], [sflag:$0x5], $0x80, $0x38;
	[tilespmem:$0x12800] =	vst v63  }
0x2f1: {  	s25 =	sadd.s32 $0x40, s14;
	s30 =	simm.s32 $0xF720  }
0x2f2: {  	[hbm4b:s25+s3] =	stream.linear.scatter [tilespmem:s30], [sflag:$0x5], $0x80, $0x38;
	[tilespmem:$0x12800] =	vst v63  }
0x2f3: {  	s25 =	sadd.s32 $0x50, s14;
	s30 =	simm.s32 $0xF7A8  }
0x2f4: {  	[hbm4b:s25+s3] =	stream.linear.scatter [tilespmem:s30], [sflag:$0x5], $0x80, $0x38;
	[tilespmem:$0x12800] =	vst v63  }
0x2f5: {  	s25 =	sadd.s32 $0x60, s14;
	s30 =	simm.s32 $0xF830  }
0x2f6: {  	[hbm4b:s25+s3] =	stream.linear.scatter [tilespmem:s30], [sflag:$0x5], $0x80, $0x38;
	[tilespmem:$0x12800] =	vst v63  }
0x2f7: {  	s14 =	sadd.s32 $0x70, s14;
	s30 =	simm.s32 $0xF8B8  }
0x2f8: {  	[hbm4b:s14+s3] =	stream.linear.scatter [tilespmem:s30], [sflag:$0x5], $0x80, $0x38;
	[tilespmem:$0x12800] =	vst v63  }
0x2f9: {  	s28 =	simm.s32 $0xF940;
	s14 =	sadd.s32 s22, s11  }
0x2fa: {  	[hbm4b:s14+s3] =	stream.linear.scatter [tilespmem:s28], [sflag:$0x5], $0x80, $0x38;
	[tilespmem:$0x12800] =	vst v63  }
0x2fb: {  	s30 =	simm.s32 $0xF9C8;
	s25 =	sadd.s32 $0x10, s14  }
0x2fc: {  	[hbm4b:s25+s3] =	stream.linear.scatter [tilespmem:s30], [sflag:$0x5], $0x80, $0x38;
	[tilespmem:$0x12800] =	vst v63  }
0x2fd: {  	s25 =	sadd.s32 $0x20, s14;
	s30 =	simm.s32 $0xFA50  }
0x2fe: {  	[hbm4b:s25+s3] =	stream.linear.scatter [tilespmem:s30], [sflag:$0x5], $0x80, $0x38;
	[tilespmem:$0x12800] =	vst v63  }
0x2ff: {  	s25 =	sadd.s32 $0x30, s14;
	s30 =	simm.s32 $0xFAD8  }
0x300: {  	[hbm4b:s25+s3] =	stream.linear.scatter [tilespmem:s30], [sflag:$0x5], $0x80, $0x38;
	[tilespmem:$0x12800] =	vst v63  }
0x301: {  	s25 =	sadd.s32 $0x40, s14;
	s30 =	simm.s32 $0xFB60  }
0x302: {  	[hbm4b:s25+s3] =	stream.linear.scatter [tilespmem:s30], [sflag:$0x5], $0x80, $0x38;
	[tilespmem:$0x12800] =	vst v63  }
0x303: {  	s25 =	sadd.s32 $0x50, s14;
	s30 =	simm.s32 $0xFBE8  }
0x304: {  	[hbm4b:s25+s3] =	stream.linear.scatter [tilespmem:s30], [sflag:$0x5], $0x80, $0x38;
	[tilespmem:$0x12800] =	vst v63  }
0x305: {  	s25 =	sadd.s32 $0x60, s14;
	s30 =	simm.s32 $0xFC70  }
0x306: {  	[hbm4b:s25+s3] =	stream.linear.scatter [tilespmem:s30], [sflag:$0x5], $0x80, $0x38;
	[tilespmem:$0x12800] =	vst v63  }
0x307: {  	s14 =	sadd.s32 $0x70, s14;
	s30 =	simm.s32 $0xFCF8  }
0x308: {  	[hbm4b:s14+s3] =	stream.linear.scatter [tilespmem:s30], [sflag:$0x5], $0x80, $0x38;
	[tilespmem:$0x12800] =	vst v63  }
0x309: {  	s28 =	simm.s32 $0xFD80;
	s14 =	sadd.s32 s22, s12  }
0x30a: {  	[hbm4b:s14+s3] =	stream.linear.scatter [tilespmem:s28], [sflag:$0x5], $0x80, $0x38;
	[tilespmem:$0x12800] =	vst v63  }
0x30b: {  	s30 =	simm.s32 $0xFE08;
	s25 =	sadd.s32 $0x10, s14  }
0x30c: {  	[hbm4b:s25+s3] =	stream.linear.scatter [tilespmem:s30], [sflag:$0x5], $0x80, $0x38;
	[tilespmem:$0x12800] =	vst v63  }
0x30d: {  	s25 =	sadd.s32 $0x20, s14;
	s30 =	simm.s32 $0xFE90  }
0x30e: {  	[hbm4b:s25+s3] =	stream.linear.scatter [tilespmem:s30], [sflag:$0x5], $0x80, $0x38;
	[tilespmem:$0x12800] =	vst v63  }
0x30f: {  	s25 =	sadd.s32 $0x30, s14;
	s30 =	simm.s32 $0xFF18  }
0x310: {  	[hbm4b:s25+s3] =	stream.linear.scatter [tilespmem:s30], [sflag:$0x5], $0x80, $0x38;
	[tilespmem:$0x12800] =	vst v63  }
0x311: {  	s25 =	sadd.s32 $0x40, s14;
	s30 =	simm.s32 $0xFFA0  }
0x312: {  	[hbm4b:s25+s3] =	stream.linear.scatter [tilespmem:s30], [sflag:$0x5], $0x80, $0x38;
	[tilespmem:$0x12800] =	vst v63  }
0x313: {  	s25 =	sadd.s32 $0x50, s14;
	s30 =	simm.s32 $0x10028  }
0x314: {  	[hbm4b:s25+s3] =	stream.linear.scatter [tilespmem:s30], [sflag:$0x5], $0x80, $0x38;
	[tilespmem:$0x12800] =	vst v63  }
0x315: {  	s25 =	sadd.s32 $0x60, s14;
	s30 =	simm.s32 $0x100B0  }
0x316: {  	[hbm4b:s25+s3] =	stream.linear.scatter [tilespmem:s30], [sflag:$0x5], $0x80, $0x38;
	[tilespmem:$0x12800] =	vst v63  }
0x317: {  	s14 =	sadd.s32 $0x70, s14;
	s30 =	simm.s32 $0x10138  }
0x318: {  	[hbm4b:s14+s3] =	stream.linear.scatter [tilespmem:s30], [sflag:$0x5], $0x80, $0x38;
	[tilespmem:$0x12800] =	vst v63  }
0x319: {  	s25 =	simm.s32 $0x101C0;
	s14 =	sadd.s32 s22, s13  }
0x31a: {  	[hbm4b:s14+s3] =	stream.linear.scatter [tilespmem:s25], [sflag:$0x5], $0x80, $0x38;
	[tilespmem:$0x12800] =	vst v63  }
0x31b: {  	s30 =	simm.s32 $0x10248;
	s28 =	sadd.s32 $0x10, s14  }
0x31c: {  	[hbm4b:s28+s3] =	stream.linear.scatter [tilespmem:s30], [sflag:$0x5], $0x80, $0x38;
	[tilespmem:$0x12800] =	vst v63  }
0x31d: {  	s28 =	sadd.s32 $0x20, s14;
	s30 =	simm.s32 $0x102D0  }
0x31e: {  	[hbm4b:s28+s3] =	stream.linear.scatter [tilespmem:s30], [sflag:$0x5], $0x80, $0x38;
	[tilespmem:$0x12800] =	vst v63  }
0x31f: {  	s28 =	sadd.s32 $0x30, s14;
	s30 =	simm.s32 $0x10358  }
0x320: {  	[hbm4b:s28+s3] =	stream.linear.scatter [tilespmem:s30], [sflag:$0x5], $0x80, $0x38;
	[tilespmem:$0x12800] =	vst v63  }
0x321: {  	s28 =	sadd.s32 $0x40, s14;
	s30 =	simm.s32 $0x103E0  }
0x322: {  	[hbm4b:s28+s3] =	stream.linear.scatter [tilespmem:s30], [sflag:$0x5], $0x80, $0x38;
	[tilespmem:$0x12800] =	vst v63  }
0x323: {  	s28 =	sadd.s32 $0x50, s14;
	s30 =	simm.s32 $0x10468  }
0x324: {  	[hbm4b:s28+s3] =	stream.linear.scatter [tilespmem:s30], [sflag:$0x5], $0x80, $0x38;
	[tilespmem:$0x12800] =	vst v63  }
0x325: {  	s25 =	sadd.s32 $0x60, s14;
	s28 =	simm.s32 $0x104F0  }
0x326: {  	[hbm4b:s25+s3] =	stream.linear.scatter [tilespmem:s28], [sflag:$0x5], $0x80, $0x38;
	[tilespmem:$0x12800] =	vst v63  }
0x327: {  	s14 =	sadd.s32 $0x70, s14;
	s30 =	simm.s32 $0x10578  }
0x328: {  	[hbm4b:s14+s3] =	stream.linear.scatter [tilespmem:s30], [sflag:$0x5], $0x80, $0x38;
	[tilespmem:$0x12800] =	vst v63  }
0x329: {  	_ =	swait.ge [sflag:s0], $0x2000  }
0x32a: {  	s22 =	simm.s32 @!p0 $0x80;
	[sflag:s0] =	ssyncset.done $0x0  }
0x32b: {  	s14 =	sadd.s32 @!p0 $0x280, s23;
	s23 =	simm.s32 @!p0 $0x8400;
	[sflag:s0] =	ssyncadd.s32 $0xFFFFE000  }
0x32c: {  	[tilespmem:s23], [sflag:$0x2] =	stream.indirect.gather @!p0 [hbm4b:s4+s22], $0x40, s14, s22, $0xb8;
	[tilespmem:$0x12800] =	vst v63  }
0x32d: {  	_ =	swait.ge [sflag:s24], $0x400  }
0x32e: {  	[sflag:s24] =	ssyncset.done $0x0  }
0x32f: {  	[sflag:s24] =	ssyncadd.s32 $0xFFFFFC00  }
0x330: {  	_ =	swait.ge [sflag:s24], $0x400  }
0x331: {  	[sflag:s24] =	ssyncset.done $0x0  }
0x332: {  	[sflag:s24] =	ssyncadd.s32 $0xFFFFFC00  }
0x333: {  	_ =	swait.ge [sflag:s24], $0x400  }
0x334: {  	[sflag:s24] =	ssyncset.done $0x0  }
0x335: {  	[sflag:s24] =	ssyncadd.s32 $0xFFFFFC00  }
0x336: {  	_ =	swait.ge [sflag:s24], $0x400  }
0x337: {  	[sflag:s24] =	ssyncset.done $0x0  }
0x338: {  	[sflag:s24] =	ssyncadd.s32 $0xFFFFFC00  }
0x339: {  	_ =	swait.ge [sflag:s24], $0x400  }
0x33a: {  	[sflag:s24] =	ssyncset.done $0x0  }
0x33b: {  	[sflag:s24] =	ssyncadd.s32 $0xFFFFFC00  }
0x33c: {  	s25 =	simm.s32 $0x0;
	_ =	swait.ge [sflag:s24], $0x400  }
0x33d: {  	s28 =	simm.s32 $0x1;
	v50 =	vmov s25;
	[sflag:s24] =	ssyncset.done $0x0  }
0x33e: {  	v51 =	vmov s28;
	s25 =	simm.s32 $0x4;
	s28 =	simm.s32 $0x7;
	v33 =	vshrl.u32 v50, $0x3;
	[sflag:s24] =	ssyncadd.s32 $0xFFFFFC00  }
0x33f: {  	s30 =	simm.s32 $0x2;
	v54 =	vmov s25;
	v55 =	vmov s28;
	v34 =	vshrl.u32 v51, $0x3;
	_ =	swait.ge [sflag:s24], $0x400  }
0x340: {  	v52 =	vmov s30;
	s30 =	simm.s32 $0x5;
	v33 =	vshll.u32 v33, v1;
	v38 =	vshrl.u32 v55, $0x3;
	[sflag:s24] =	ssyncset.done $0x0  }
0x341: {  	v37 =	vshrl.u32 v54, $0x3;
	v34 =	vshll.u32 v34, v1;
	v39 =	vmov s30;
	[sflag:s24] =	ssyncadd.s32 $0xFFFFFC00  }
0x342: {  	v38 =	vshll.u32 v38, v1;
	v35 =	vshrl.u32 v52, $0x3;
	v33 =	vbroadcast v33, $0x0;
	_ =	swait.ge [sflag:s24], $0x400  }
0x343: {  	v45 =	vbroadcast v34, $0x0;
	v61 =	vshll.u32 v37, v1;
	v38 =	vbroadcast v38, $0x0;
	s23 =	simm.s32 $0x3;
	s22 =	simm.s32 $0x6;
	[sflag:s24] =	ssyncset.done $0x0  }
0x344: {  	v56 =	vshll.u32 v35, v1;
	v53 =	vmov s23;
	v40 =	vmov s22;
	s22 =	simm.s32 $0xC500;
	[sflag:s24] =	ssyncadd.s32 $0xFFFFFC00  }
0x345: {  	v52 =	vbroadcast v56, $0x0;
	v42 =	vadd.s32 v29, v38;
	v36 =	vshrl.u32 v53, $0x3;
	v41 =	vld [tilespmem:s22+$0xC0]  }
0x346: {  	v34 =	vbroadcast v61, $0x0;
	v60 =	vadd.s32 v5, v45;
	v58 =	vshll.u32 v36, v1;
	v59 =	vld [tilespmem:s22+$0xFFFFFF40]  }
0x347: {  	v55 =	vshrl.u32 v39, $0x3;
	v63 =	vadd.s32 v9, v52;
	v35 =	vbroadcast v58, $0x0;
	v62 =	vld [tilespmem:s22+$0xFFFFFF80]  }
0x348: {  	v57 =	vadd.s32 v0, v33;
	v40 =	vshrl.u32 v40, $0x3;
	v36 =	vshll.u32 v55, v1;
	v43 =	vld [tilespmem:s22+$0xFFFFFF00]  }
0x349: {  	v56 =	vshll.u32 v40, v1;
	v37 =	vbroadcast v36, $0x0;
	v50 =	vadd.s32 v13, v35;
	v39 =	vld [tilespmem:s22+$0xFFFFFFC0]  }
0x34a: {  	v53 =	vadd.s32 v17, v34;
	v36 =	vbroadcast v56, $0x0;
	v51 =	vld [tilespmem:s22+$0x0];
	[tilespmem:v42+s18+$0x0] =	vst.idx.msk $0xffff, v41  }
0x34b: {  	[tilespmem:v60+s18+$0x0] =	vst.idx.msk $0xffff, v59;
	v59 =	vld [tilespmem:s22+$0x40];
	v60 =	vadd.s32 v21, v37  }
0x34c: {  	v61 =	vld [tilespmem:s22+$0x80];
	[tilespmem:v63+s18+$0x0] =	vst.idx.msk $0xffff, v62;
	v62 =	vadd.s32 v25, v36  }
0x34d: {  	v58 =	vadd.s32 v30, v38;
	[tilespmem:v57+s18+$0x0] =	vst.idx.msk $0xffff, v43;
	v57 =	vld [tilespmem:s22+$0xD0]  }
0x34e: {  	v63 =	vadd.s32 v6, v45;
	[tilespmem:v50+s18+$0x0] =	vst.idx.msk $0xffff, v39;
	v47 =	vld [tilespmem:s22+$0xFFFFFF50]  }
0x34f: {  	v55 =	vadd.s32 v10, v52;
	[tilespmem:v53+s18+$0x0] =	vst.idx.msk $0xffff, v51;
	v54 =	vld [tilespmem:s22+$0xFFFFFF90]  }
0x350: {  	v56 =	vadd.s32 v14, v35;
	v50 =	vld [tilespmem:s22+$0xFFFFFFD0];
	[tilespmem:v60+s18+$0x0] =	vst.idx.msk $0xffff, v59  }
0x351: {  	[tilespmem:v62+s18+$0x0] =	vst.idx.msk $0xffff, v61;
	v61 =	vld [tilespmem:s22+$0xFFFFFF10];
	v62 =	vadd.s32 v2, v33  }
0x352: {  	v59 =	vadd.s32 v18, v34;
	[tilespmem:v58+s18+$0x0] =	vst.idx.msk $0xffff, v57;
	v58 =	vld [tilespmem:s22+$0x10]  }
0x353: {  	v57 =	vadd.s32 v31, v38;
	[tilespmem:v63+s18+$0x0] =	vst.idx.msk $0xffff, v47;
	v40 =	vld [tilespmem:s22+$0xE0]  }
0x354: {  	v46 =	vadd.s32 v22, v37;
	v44 =	vld [tilespmem:s22+$0x50];
	[tilespmem:v55+s18+$0x0] =	vst.idx.msk $0xffff, v54  }
0x355: {  	v60 =	vadd.s32 v26, v36;
	v63 =	vld [tilespmem:s22+$0x90];
	[tilespmem:v56+s18+$0x0] =	vst.idx.msk $0xffff, v50  }
0x356: {  	v51 =	vadd.s32 v7, v45;
	v50 =	vld [tilespmem:s22+$0xFFFFFF60];
	[tilespmem:v62+s18+$0x0] =	vst.idx.msk $0xffff, v61  }
0x357: {  	v56 =	vadd.s32 v11, v52;
	v55 =	vld [tilespmem:s22+$0xFFFFFFA0];
	[tilespmem:v59+s18+$0x0] =	vst.idx.msk $0xffff, v58  }
0x358: {  	v58 =	vadd.s32 v15, v35;
	[tilespmem:v57+s18+$0x0] =	vst.idx.msk $0xffff, v40;
	v57 =	vld [tilespmem:s22+$0xFFFFFFE0]  }
0x359: {  	v38 =	vadd.s32 v32, v38;
	[tilespmem:v46+s18+$0x0] =	vst.idx.msk $0xffff, v44;
	v54 =	vld [tilespmem:s22+$0xF0]  }
0x35a: {  	s25 =	simm.s32 $0x9;
	[tilespmem:v60+s18+$0x0] =	vst.idx.msk $0xffff, v63;
	v60 =	vadd.s32 v19, v34;
	v59 =	vld [tilespmem:s22+$0x20]  }
0x35b: {  	v41 =	vadd.s32 v23, v37;
	v53 =	vmov s25;
	s25 =	simm.s32 $0xC;
	[tilespmem:v51+s18+$0x0] =	vst.idx.msk $0xffff, v50;
	v40 =	vld [tilespmem:s22+$0x60]  }
0x35c: {  	s30 =	simm.s32 $0xB;
	v48 =	vadd.s32 v3, v33;
	s23 =	simm.s32 $0x8;
	v43 =	vadd.s32 v27, v36;
	v47 =	vmov s25;
	v42 =	vld [tilespmem:s22+$0xA0];
	[tilespmem:v56+s18+$0x0] =	vst.idx.msk $0xffff, v55  }
0x35d: {  	s28 =	simm.s32 $0xA;
	v52 =	vadd.s32 v12, v52;
	v63 =	vmov s23;
	v44 =	vmov s30;
	v46 =	vld [tilespmem:s22+$0xFFFFFF20];
	[tilespmem:v58+s18+$0x0] =	vst.idx.msk $0xffff, v57  }
0x35e: {  	s30 =	simm.s32 $0xE;
	v39 =	vshrl.u32 v63, $0x3;
	v51 =	vadd.s32 v8, v45;
	v49 =	vld [tilespmem:s22+$0xFFFFFF70];
	[tilespmem:v38+s18+$0x0] =	vst.idx.msk $0xffff, v54;
	v54 =	vmov s28;
	s28 =	simm.s32 $0xD  }
0x35f: {  	s25 =	simm.s32 $0xF;
	s23 =	simm.s32 $0x10;
	v45 =	vshll.u32 v39, v1;
	v39 =	vmov s30;
	v50 =	vld [tilespmem:s22+$0xFFFFFFB0];
	[tilespmem:v60+s18+$0x0] =	vst.idx.msk $0xffff, v59;
	v38 =	vmov s28  }
.LBB2_9:
0x360: {  	p0 =	slt.u32 s23, $0x78;
	v53 =	vshrl.u32 v53, $0x3;
	v55 =	vmov s25;
	v56 =	vld [tilespmem:s22+$0xFFFFFFF0];
	v35 =	vadd.s32 v16, v35;
	[tilespmem:v41+s18+$0x0] =	vst.idx.msk $0xffff, v40  }
0x361: {  	v40 =	vshrl.u32 v54, $0x3;
	v34 =	vadd.s32 v20, v34;
	v41 =	vshrl.u32 v55, $0x3;
	v54 =	vld [tilespmem:s22+$0x30];
	[tilespmem:v43+s18+$0x0] =	vst.idx.msk $0xffff, v42  }
0x362: {  	v37 =	vadd.s32 v24, v37;
	v42 =	vshrl.u32 v44, $0x3;
	v41 =	vshll.u32 v41, v1;
	[tilespmem:v48+s18+$0x0] =	vst.idx.msk $0xffff, v46;
	v43 =	vld [tilespmem:s22+$0x70]  }
0x363: {  	v36 =	vadd.s32 v28, v36;
	v44 =	vshrl.u32 v47, $0x3;
	v41 =	vbroadcast v41, $0x0;
	[tilespmem:v51+s18+$0x0] =	vst.idx.msk $0xffff, v49;
	v46 =	vld [tilespmem:s22+$0xB0]  }
0x364: {  	v47 =	vshll.u32 v53, v1;
	v49 =	vadd.s32 v4, v33;
	v33 =	vbroadcast v45, $0x0;
	v48 =	vld [tilespmem:s22+$0xFFFFFF30];
	[tilespmem:v52+s18+$0x0] =	vst.idx.msk $0xffff, v50;
	s22 =	sadd.s32 $0x200, s22  }
0x365: {  	v40 =	vshll.u32 v40, v1;
	v45 =	vbroadcast v47, $0x0;
	v47 =	vld [tilespmem:s22+$0xC0];
	v50 =	vadd.s32 v29, v41;
	[tilespmem:v35+s18+$0x0] =	vst.idx.msk $0xffff, v56  }
0x366: {  	v55 =	vbroadcast v40, $0x0;
	v52 =	vadd.s32 v0, v33;
	v35 =	vshll.u32 v42, v1;
	v51 =	vld [tilespmem:s22+$0xFFFFFF00];
	[tilespmem:v34+s18+$0x0] =	vst.idx.msk $0xffff, v54  }
0x367: {  	v42 =	vadd.s32 v5, v45;
	v35 =	vbroadcast v35, $0x0;
	v34 =	vshll.u32 v44, v1;
	v40 =	vld [tilespmem:s22+$0xFFFFFF40];
	[tilespmem:v37+s18+$0x0] =	vst.idx.msk $0xffff, v43  }
0x368: {  	v44 =	vadd.s32 v9, v55;
	v34 =	vbroadcast v34, $0x0;
	v37 =	vshrl.u32 v38, $0x3;
	v43 =	vld [tilespmem:s22+$0xFFFFFF80];
	[tilespmem:v36+s18+$0x0] =	vst.idx.msk $0xffff, v46  }
0x369: {  	v39 =	vshrl.u32 v39, $0x3;
	v46 =	vadd.s32 v13, v35;
	v36 =	vshll.u32 v37, v1;
	v38 =	vld [tilespmem:s22+$0xFFFFFFC0];
	[tilespmem:v49+s18+$0x0] =	vst.idx.msk $0xffff, v48  }
0x36a: {  	v49 =	vadd.s32 v17, v34;
	v37 =	vbroadcast v36, $0x0;
	v36 =	vshll.u32 v39, v1;
	v48 =	vld [tilespmem:s22+$0x0];
	[tilespmem:v50+s18+$0x0] =	vst.idx.msk $0xffff, v47  }
0x36b: {  	v36 =	vbroadcast v36, $0x0;
	v47 =	vadd.s32 v30, v41;
	[tilespmem:v52+s18+$0x0] =	vst.idx.msk $0xffff, v51;
	v39 =	vld [tilespmem:s22+$0xD0]  }
0x36c: {  	[tilespmem:v42+s18+$0x0] =	vst.idx.msk $0xffff, v40;
	v40 =	vld [tilespmem:s22+$0x40];
	v42 =	vadd.s32 v21, v37  }
0x36d: {  	[tilespmem:v44+s18+$0x0] =	vst.idx.msk $0xffff, v43;
	v43 =	vld [tilespmem:s22+$0x80];
	v44 =	vadd.s32 v25, v36  }
0x36e: {  	v51 =	vadd.s32 v6, v45;
	v50 =	vld [tilespmem:s22+$0xFFFFFF50];
	[tilespmem:v46+s18+$0x0] =	vst.idx.msk $0xffff, v38  }
0x36f: {  	v46 =	vadd.s32 v10, v55;
	v38 =	vld [tilespmem:s22+$0xFFFFFF90];
	[tilespmem:v49+s18+$0x0] =	vst.idx.msk $0xffff, v48  }
0x370: {  	v49 =	vadd.s32 v14, v35;
	v48 =	vld [tilespmem:s22+$0xFFFFFFD0];
	[tilespmem:v47+s18+$0x0] =	vst.idx.msk $0xffff, v39  }
0x371: {  	[tilespmem:v42+s18+$0x0] =	vst.idx.msk $0xffff, v40;
	v39 =	vld [tilespmem:s22+$0xE0];
	v40 =	vadd.s32 v31, v41  }
0x372: {  	v47 =	vadd.s32 v18, v34;
	v42 =	vld [tilespmem:s22+$0x10];
	[tilespmem:v44+s18+$0x0] =	vst.idx.msk $0xffff, v43  }
0x373: {  	v44 =	vadd.s32 v22, v37;
	[tilespmem:v51+s18+$0x0] =	vst.idx.msk $0xffff, v50;
	v43 =	vld [tilespmem:s22+$0x50]  }
0x374: {  	[tilespmem:v46+s18+$0x0] =	vst.idx.msk $0xffff, v38;
	v38 =	vld [tilespmem:s22+$0x90];
	v46 =	vadd.s32 v26, v36  }
0x375: {  	v51 =	vadd.s32 v2, v33;
	v50 =	vld [tilespmem:s22+$0xFFFFFF10];
	[tilespmem:v49+s18+$0x0] =	vst.idx.msk $0xffff, v48  }
0x376: {  	v49 =	vadd.s32 v7, v45;
	v48 =	vld [tilespmem:s22+$0xFFFFFF60];
	[tilespmem:v40+s18+$0x0] =	vst.idx.msk $0xffff, v39  }
0x377: {  	[tilespmem:v47+s18+$0x0] =	vst.idx.msk $0xffff, v42;
	v39 =	vld [tilespmem:s22+$0xF0];
	v47 =	vadd.s32 v32, v41  }
0x378: {  	v56 =	vadd.s32 v11, v55;
	v52 =	vld [tilespmem:s22+$0xFFFFFFA0];
	[tilespmem:v44+s18+$0x0] =	vst.idx.msk $0xffff, v43  }
0x379: {  	v58 =	vadd.s32 v15, v35;
	v57 =	vld [tilespmem:s22+$0xFFFFFFE0];
	[tilespmem:v46+s18+$0x0] =	vst.idx.msk $0xffff, v38  }
0x37a: {  	v60 =	vadd.s32 v19, v34;
	[tilespmem:v51+s18+$0x0] =	vst.idx.msk $0xffff, v50;
	v59 =	vld [tilespmem:s22+$0x20]  }
.Ltmp3:
0x37b: {  	s14 =	sadd.s32 $0x1, s23;
	v41 =	vadd.s32 v23, v37;
	v38 =	vmov s23;
	[tilespmem:v49+s18+$0x0] =	vst.idx.msk $0xffff, v48;
	v40 =	vld [tilespmem:s22+$0x60];
	(pc) =	sbr.rel @p0 .LBB2_9-.Ltmp3, $4  }
0x37c: {  	s25 =	sadd.s32 $0x3, s23;
	v53 =	vmov s14;
	s14 =	sadd.s32 $0x2, s23;
	v43 =	vadd.s32 v27, v36;
	v50 =	vshrl.u32 v38, $0x3;
	v42 =	vld [tilespmem:s22+$0xA0];
	[tilespmem:v47+s18+$0x0] =	vst.idx.msk $0xffff, v39  }
0x37d: {  	v54 =	vmov s14;
	s14 =	sadd.s32 $0x4, s23;
	v44 =	vmov s25;
	s25 =	sadd.s32 $0x5, s23;
	v48 =	vadd.s32 v3, v33;
	v46 =	vld [tilespmem:s22+$0xFFFFFF20];
	[tilespmem:v56+s18+$0x0] =	vst.idx.msk $0xffff, v52  }
0x37e: {  	v38 =	vmov s25;
	v51 =	vadd.s32 v8, v45;
	v47 =	vmov s14;
	s14 =	sadd.s32 $0x6, s23;
	v49 =	vld [tilespmem:s22+$0xFFFFFF70];
	[tilespmem:v58+s18+$0x0] =	vst.idx.msk $0xffff, v57  }
0x37f: {  	s25 =	sadd.s32 $0x7, s23;
	v45 =	vshll.u32 v50, v1;
	s23 =	sadd.s32 $0x8, s23;
	v39 =	vmov s14;
	v52 =	vadd.s32 v12, v55;
	v50 =	vld [tilespmem:s22+$0xFFFFFFB0];
	[tilespmem:v60+s18+$0x0] =	vst.idx.msk $0xffff, v59  }
0x380: {  	_ =	sdelay $0x2  }
0x381: {  	v53 =	vshrl.u32 v53, $0x3  }
0x382: {  	v55 =	vmov s25;
	v56 =	vld [tilespmem:s22+$0xFFFFFFF0];
	v35 =	vadd.s32 v16, v35;
	[tilespmem:v41+s18+$0x0] =	vst.idx.msk $0xffff, v40;
	v57 =	vshrl.u32 v54, $0x3  }
0x383: {  	v59 =	vld [tilespmem:s22+$0x30];
	v34 =	vadd.s32 v20, v34;
	v60 =	vshrl.u32 v44, $0x3;
	v58 =	vshrl.u32 v55, $0x3;
	[tilespmem:v43+s18+$0x0] =	vst.idx.msk $0xffff, v42  }
0x384: {  	v37 =	vadd.s32 v24, v37;
	v62 =	vshrl.u32 v47, $0x3;
	v61 =	vld [tilespmem:s22+$0x70];
	v41 =	vshll.u32 v58, v1;
	[tilespmem:v48+s18+$0x0] =	vst.idx.msk $0xffff, v46  }
0x385: {  	v36 =	vadd.s32 v28, v36;
	v45 =	vbroadcast v45, $0x0;
	v63 =	vld [tilespmem:s22+$0xB0];
	v41 =	vbroadcast v41, $0x0;
	[tilespmem:v51+s18+$0x0] =	vst.idx.msk $0xffff, v49  }
0x386: {  	v33 =	vadd.s32 v4, v33;
	s28 =	sadd.s32 $0x200, s22;
	v38 =	vshrl.u32 v38, $0x3;
	v55 =	vshll.u32 v53, v1;
	v48 =	vld [tilespmem:s22+$0xFFFFFF30];
	[tilespmem:v52+s18+$0x0] =	vst.idx.msk $0xffff, v50  }
0x387: {  	v40 =	vshll.u32 v57, v1;
	v47 =	vbroadcast v55, $0x0;
	v49 =	vld [tilespmem:s28+$0xC0];
	v50 =	vadd.s32 v29, v41;
	[tilespmem:v35+s18+$0x0] =	vst.idx.msk $0xffff, v56  }
0x388: {  	v42 =	vshll.u32 v60, v1;
	v40 =	vbroadcast v40, $0x0;
	v35 =	vld [tilespmem:s28+$0xFFFFFF00];
	v56 =	vadd.s32 v0, v45;
	[tilespmem:v34+s18+$0x0] =	vst.idx.msk $0xffff, v59  }
0x389: {  	v57 =	vld [tilespmem:s28+$0xFFFFFF40];
	v44 =	vshll.u32 v62, v1;
	v42 =	vbroadcast v42, $0x0;
	v58 =	vadd.s32 v5, v47;
	[tilespmem:v37+s18+$0x0] =	vst.idx.msk $0xffff, v61  }
0x38a: {  	v38 =	vshll.u32 v38, v1;
	v44 =	vbroadcast v44, $0x0;
	v60 =	vadd.s32 v9, v40;
	v59 =	vld [tilespmem:s28+$0xFFFFFF80];
	[tilespmem:v36+s18+$0x0] =	vst.idx.msk $0xffff, v63  }
0x38b: {  	v38 =	vbroadcast v38, $0x0;
	v62 =	vadd.s32 v13, v42;
	v61 =	vld [tilespmem:s28+$0xFFFFFFC0];
	[tilespmem:v33+s18+$0x0] =	vst.idx.msk $0xffff, v48  }
0x38c: {  	v39 =	vshrl.u32 v39, $0x3;
	v63 =	vadd.s32 v17, v44;
	v33 =	vld [tilespmem:s28+$0x0];
	[tilespmem:v50+s18+$0x0] =	vst.idx.msk $0xffff, v49  }
0x38d: {  	v39 =	vshll.u32 v39, v1;
	v34 =	vld [tilespmem:s28+$0x40];
	[tilespmem:v56+s18+$0x0] =	vst.idx.msk $0xffff, v35;
	v56 =	vadd.s32 v21, v38  }
0x38e: {  	[tilespmem:v58+s18+$0x0] =	vst.idx.msk $0xffff, v57;
	v35 =	vbroadcast v39, $0x0;
	v49 =	vadd.s32 v30, v41;
	v39 =	vld [tilespmem:s28+$0xD0]  }
0x38f: {  	[tilespmem:v60+s18+$0x0] =	vst.idx.msk $0xffff, v59;
	v59 =	vld [tilespmem:s28+$0xFFFFFF50];
	v60 =	vadd.s32 v6, v47  }
0x390: {  	v57 =	vld [tilespmem:s28+$0x80];
	[tilespmem:v62+s18+$0x0] =	vst.idx.msk $0xffff, v61;
	v58 =	vadd.s32 v25, v35  }
0x391: {  	v61 =	vld [tilespmem:s28+$0xFFFFFF90];
	v62 =	vadd.s32 v10, v40;
	[tilespmem:v63+s18+$0x0] =	vst.idx.msk $0xffff, v33  }
0x392: {  	v33 =	vld [tilespmem:s28+$0xFFFFFFD0];
	v63 =	vadd.s32 v14, v42;
	[tilespmem:v56+s18+$0x0] =	vst.idx.msk $0xffff, v34  }
0x393: {  	v56 =	vadd.s32 v18, v44;
	[tilespmem:v49+s18+$0x0] =	vst.idx.msk $0xffff, v39;
	v49 =	vld [tilespmem:s28+$0x10]  }
0x394: {  	[tilespmem:v60+s18+$0x0] =	vst.idx.msk $0xffff, v59;
	v39 =	vadd.s32 v31, v41;
	v34 =	vld [tilespmem:s28+$0xE0]  }
0x395: {  	[tilespmem:v58+s18+$0x0] =	vst.idx.msk $0xffff, v57;
	v57 =	vld [tilespmem:s28+$0x50];
	v58 =	vadd.s32 v22, v38  }
0x396: {  	[tilespmem:v62+s18+$0x0] =	vst.idx.msk $0xffff, v61;
	v61 =	vld [tilespmem:s28+$0xFFFFFF10];
	v62 =	vadd.s32 v2, v45  }
0x397: {  	v60 =	vadd.s32 v26, v35;
	v59 =	vld [tilespmem:s28+$0x90];
	[tilespmem:v63+s18+$0x0] =	vst.idx.msk $0xffff, v33  }
0x398: {  	v55 =	vadd.s32 v11, v40;
	v54 =	vadd.s32 v32, v41;
	v41 =	vld [tilespmem:s28+$0xFFFFFFA0];
	[tilespmem:v56+s18+$0x0] =	vst.idx.msk $0xffff, v49  }
0x399: {  	v53 =	vadd.s32 v7, v47;
	v63 =	vld [tilespmem:s28+$0xFFFFFF60];
	[tilespmem:v39+s18+$0x0] =	vst.idx.msk $0xffff, v34  }
0x39a: {  	v56 =	vld [tilespmem:s28+$0xFFFFFFE0];
	[tilespmem:v58+s18+$0x0] =	vst.idx.msk $0xffff, v57;
	v57 =	vadd.s32 v15, v42  }
0x39b: {  	[tilespmem:v62+s18+$0x0] =	vst.idx.msk $0xffff, v61;
	v34 =	vld [tilespmem:s28+$0xF0]  }
0x39c: {  	v58 =	vld [tilespmem:s28+$0x20];
	[tilespmem:v60+s18+$0x0] =	vst.idx.msk $0xffff, v59;
	v59 =	vadd.s32 v19, v44  }
0x39d: {  	v61 =	vadd.s32 v23, v38;
	[tilespmem:v55+s18+$0x0] =	vst.idx.msk $0xffff, v41;
	v60 =	vld [tilespmem:s28+$0x60]  }
0x39e: {  	[tilespmem:v53+s18+$0x0] =	vst.idx.msk $0xffff, v63;
	v63 =	vadd.s32 v27, v35;
	v62 =	vld [tilespmem:s28+$0xA0]  }
0x39f: {  	v47 =	vadd.s32 v8, v47;
	v55 =	vld [tilespmem:s28+$0xFFFFFF70];
	[tilespmem:v57+s18+$0x0] =	vst.idx.msk $0xffff, v56  }
0x3a0: {  	v53 =	vld [tilespmem:s28+$0xFFFFFF20];
	[tilespmem:v54+s18+$0x0] =	vst.idx.msk $0xffff, v34;
	v54 =	vadd.s32 v3, v45  }
0x3a1: {  	v40 =	vadd.s32 v12, v40;
	v56 =	vld [tilespmem:s28+$0xFFFFFFB0];
	[tilespmem:v59+s18+$0x0] =	vst.idx.msk $0xffff, v58  }
0x3a2: {  	v42 =	vadd.s32 v16, v42;
	v57 =	vld [tilespmem:s28+$0xFFFFFFF0];
	[tilespmem:v61+s18+$0x0] =	vst.idx.msk $0xffff, v60  }
0x3a3: {  	v59 =	vadd.s32 v20, v44;
	v58 =	vld [tilespmem:s28+$0x30];
	[tilespmem:v63+s18+$0x0] =	vst.idx.msk $0xffff, v62  }
0x3a4: {  	v38 =	vadd.s32 v24, v38;
	v60 =	vld [tilespmem:s28+$0x70];
	[tilespmem:v47+s18+$0x0] =	vst.idx.msk $0xffff, v55  }
0x3a5: {  	v35 =	vadd.s32 v28, v35;
	v61 =	vld [tilespmem:s28+$0xB0];
	[tilespmem:v54+s18+$0x0] =	vst.idx.msk $0xffff, v53  }
0x3a6: {  	v63 =	vadd.s32 v4, v45;
	[tilespmem:v40+s18+$0x0] =	vst.idx.msk $0xffff, v56;
	v62 =	vld [tilespmem:s28+$0xFFFFFF30]  }
0x3a7: {  	[tilespmem:v42+s18+$0x0] =	vst.idx.msk $0xffff, v57  }
0x3a8: {  	s5 =	sshll.u32 s5, $0x12;
	[tilespmem:v59+s18+$0x0] =	vst.idx.msk $0xffff, v58  }
0x3a9: {  	s5 =	sor.u32 s6, s5;
	[tilespmem:v38+s18+$0x0] =	vst.idx.msk $0xffff, v60  }
0x3aa: {  	s5 =	sshrl.u32 s5, $0x3;
	[tilespmem:v35+s18+$0x0] =	vst.idx.msk $0xffff, v61  }
0x3ab: {  	s14 =	sadd.s32 s2, s5;
	[tilespmem:v63+s18+$0x0] =	vst.idx.msk $0xffff, v62  }
0x3ac: {  	[hbm4b:s14+s3] =	stream.linear.scatter [tilespmem:s18], [sflag:$0x6], $0x80, $0x38;
	[tilespmem:$0x12800] =	vst v63  }
0x3ad: {  	s23 =	simm.s32 $0x10688;
	s30 =	sadd.s32 $0x10, s14  }
0x3ae: {  	[hbm4b:s30+s3] =	stream.linear.scatter [tilespmem:s23], [sflag:$0x6], $0x80, $0x38;
	[tilespmem:$0x12800] =	vst v63  }
0x3af: {  	s25 =	simm.s32 $0x10710;
	s23 =	sadd.s32 $0x20, s14  }
0x3b0: {  	[hbm4b:s23+s3] =	stream.linear.scatter [tilespmem:s25], [sflag:$0x6], $0x80, $0x38;
	[tilespmem:$0x12800] =	vst v63  }
0x3b1: {  	s28 =	sadd.s32 $0x30, s14;
	s30 =	simm.s32 $0x10798  }
0x3b2: {  	[hbm4b:s28+s3] =	stream.linear.scatter [tilespmem:s30], [sflag:$0x6], $0x80, $0x38;
	[tilespmem:$0x12800] =	vst v63  }
0x3b3: {  	s23 =	sadd.s32 $0x40, s14;
	s25 =	simm.s32 $0x10820  }
0x3b4: {  	[hbm4b:s23+s3] =	stream.linear.scatter [tilespmem:s25], [sflag:$0x6], $0x80, $0x38;
	[tilespmem:$0x12800] =	vst v63  }
0x3b5: {  	s28 =	sadd.s32 $0x50, s14;
	s30 =	simm.s32 $0x108A8  }
0x3b6: {  	[hbm4b:s28+s3] =	stream.linear.scatter [tilespmem:s30], [sflag:$0x6], $0x80, $0x38;
	[tilespmem:$0x12800] =	vst v63  }
0x3b7: {  	s23 =	sadd.s32 $0x60, s14;
	s25 =	simm.s32 $0x10930  }
0x3b8: {  	[hbm4b:s23+s3] =	stream.linear.scatter [tilespmem:s25], [sflag:$0x6], $0x80, $0x38;
	[tilespmem:$0x12800] =	vst v63  }
0x3b9: {  	s14 =	sadd.s32 $0x70, s14;
	s28 =	simm.s32 $0x109B8  }
0x3ba: {  	[hbm4b:s14+s3] =	stream.linear.scatter [tilespmem:s28], [sflag:$0x6], $0x80, $0x38;
	[tilespmem:$0x12800] =	vst v63  }
0x3bb: {  	s30 =	simm.s32 $0x10A40;
	s14 =	sadd.s32 s5, s7  }
0x3bc: {  	[hbm4b:s14+s3] =	stream.linear.scatter [tilespmem:s30], [sflag:$0x6], $0x80, $0x38;
	[tilespmem:$0x12800] =	vst v63  }
0x3bd: {  	s25 =	simm.s32 $0x10AC8;
	s23 =	sadd.s32 $0x10, s14  }
0x3be: {  	[hbm4b:s23+s3] =	stream.linear.scatter [tilespmem:s25], [sflag:$0x6], $0x80, $0x38;
	[tilespmem:$0x12800] =	vst v63  }
0x3bf: {  	s28 =	sadd.s32 $0x20, s14;
	s30 =	simm.s32 $0x10B50  }
0x3c0: {  	[hbm4b:s28+s3] =	stream.linear.scatter [tilespmem:s30], [sflag:$0x6], $0x80, $0x38;
	[tilespmem:$0x12800] =	vst v63  }
0x3c1: {  	s23 =	sadd.s32 $0x30, s14;
	s25 =	simm.s32 $0x10BD8  }
0x3c2: {  	[hbm4b:s23+s3] =	stream.linear.scatter [tilespmem:s25], [sflag:$0x6], $0x80, $0x38;
	[tilespmem:$0x12800] =	vst v63  }
0x3c3: {  	s28 =	sadd.s32 $0x40, s14;
	s30 =	simm.s32 $0x10C60  }
0x3c4: {  	[hbm4b:s28+s3] =	stream.linear.scatter [tilespmem:s30], [sflag:$0x6], $0x80, $0x38;
	[tilespmem:$0x12800] =	vst v63  }
0x3c5: {  	s23 =	sadd.s32 $0x50, s14;
	s25 =	simm.s32 $0x10CE8  }
0x3c6: {  	[hbm4b:s23+s3] =	stream.linear.scatter [tilespmem:s25], [sflag:$0x6], $0x80, $0x38;
	[tilespmem:$0x12800] =	vst v63  }
0x3c7: {  	s28 =	sadd.s32 $0x60, s14;
	s30 =	simm.s32 $0x10D70  }
0x3c8: {  	[hbm4b:s28+s3] =	stream.linear.scatter [tilespmem:s30], [sflag:$0x6], $0x80, $0x38;
	[tilespmem:$0x12800] =	vst v63  }
0x3c9: {  	s14 =	sadd.s32 $0x70, s14;
	s23 =	simm.s32 $0x10DF8  }
0x3ca: {  	[hbm4b:s14+s3] =	stream.linear.scatter [tilespmem:s23], [sflag:$0x6], $0x80, $0x38;
	[tilespmem:$0x12800] =	vst v63  }
0x3cb: {  	s25 =	simm.s32 $0x10E80;
	s14 =	sadd.s32 s5, s8  }
0x3cc: {  	[hbm4b:s14+s3] =	stream.linear.scatter [tilespmem:s25], [sflag:$0x6], $0x80, $0x38;
	[tilespmem:$0x12800] =	vst v63  }
0x3cd: {  	s30 =	simm.s32 $0x10F08;
	s28 =	sadd.s32 $0x10, s14  }
0x3ce: {  	[hbm4b:s28+s3] =	stream.linear.scatter [tilespmem:s30], [sflag:$0x6], $0x80, $0x38;
	[tilespmem:$0x12800] =	vst v63  }
0x3cf: {  	s23 =	sadd.s32 $0x20, s14;
	s25 =	simm.s32 $0x10F90  }
0x3d0: {  	[hbm4b:s23+s3] =	stream.linear.scatter [tilespmem:s25], [sflag:$0x6], $0x80, $0x38;
	[tilespmem:$0x12800] =	vst v63  }
0x3d1: {  	s28 =	sadd.s32 $0x30, s14;
	s30 =	simm.s32 $0x11018  }
0x3d2: {  	[hbm4b:s28+s3] =	stream.linear.scatter [tilespmem:s30], [sflag:$0x6], $0x80, $0x38;
	[tilespmem:$0x12800] =	vst v63  }
0x3d3: {  	s23 =	sadd.s32 $0x40, s14;
	s25 =	simm.s32 $0x110A0  }
0x3d4: {  	[hbm4b:s23+s3] =	stream.linear.scatter [tilespmem:s25], [sflag:$0x6], $0x80, $0x38;
	[tilespmem:$0x12800] =	vst v63  }
0x3d5: {  	s28 =	sadd.s32 $0x50, s14;
	s30 =	simm.s32 $0x11128  }
0x3d6: {  	[hbm4b:s28+s3] =	stream.linear.scatter [tilespmem:s30], [sflag:$0x6], $0x80, $0x38;
	[tilespmem:$0x12800] =	vst v63  }
0x3d7: {  	s23 =	sadd.s32 $0x60, s14;
	s25 =	simm.s32 $0x111B0  }
0x3d8: {  	[hbm4b:s23+s3] =	stream.linear.scatter [tilespmem:s25], [sflag:$0x6], $0x80, $0x38;
	[tilespmem:$0x12800] =	vst v63  }
0x3d9: {  	s14 =	sadd.s32 $0x70, s14;
	s28 =	simm.s32 $0x11238  }
0x3da: {  	[hbm4b:s14+s3] =	stream.linear.scatter [tilespmem:s28], [sflag:$0x6], $0x80, $0x38;
	[tilespmem:$0x12800] =	vst v63  }
0x3db: {  	s30 =	simm.s32 $0x112C0;
	s14 =	sadd.s32 s5, s9  }
0x3dc: {  	[hbm4b:s14+s3] =	stream.linear.scatter [tilespmem:s30], [sflag:$0x6], $0x80, $0x38;
	[tilespmem:$0x12800] =	vst v63  }
0x3dd: {  	s25 =	simm.s32 $0x11348;
	s23 =	sadd.s32 $0x10, s14  }
0x3de: {  	[hbm4b:s23+s3] =	stream.linear.scatter [tilespmem:s25], [sflag:$0x6], $0x80, $0x38;
	[tilespmem:$0x12800] =	vst v63  }
0x3df: {  	s28 =	sadd.s32 $0x20, s14;
	s30 =	simm.s32 $0x113D0  }
0x3e0: {  	[hbm4b:s28+s3] =	stream.linear.scatter [tilespmem:s30], [sflag:$0x6], $0x80, $0x38;
	[tilespmem:$0x12800] =	vst v63  }
0x3e1: {  	s23 =	sadd.s32 $0x30, s14;
	s25 =	simm.s32 $0x11458  }
0x3e2: {  	[hbm4b:s23+s3] =	stream.linear.scatter [tilespmem:s25], [sflag:$0x6], $0x80, $0x38;
	[tilespmem:$0x12800] =	vst v63  }
0x3e3: {  	s28 =	sadd.s32 $0x40, s14;
	s30 =	simm.s32 $0x114E0  }
0x3e4: {  	[hbm4b:s28+s3] =	stream.linear.scatter [tilespmem:s30], [sflag:$0x6], $0x80, $0x38;
	[tilespmem:$0x12800] =	vst v63  }
0x3e5: {  	s23 =	sadd.s32 $0x50, s14;
	s25 =	simm.s32 $0x11568  }
0x3e6: {  	[hbm4b:s23+s3] =	stream.linear.scatter [tilespmem:s25], [sflag:$0x6], $0x80, $0x38;
	[tilespmem:$0x12800] =	vst v63  }
0x3e7: {  	s28 =	sadd.s32 $0x60, s14;
	s30 =	simm.s32 $0x115F0  }
0x3e8: {  	[hbm4b:s28+s3] =	stream.linear.scatter [tilespmem:s30], [sflag:$0x6], $0x80, $0x38;
	[tilespmem:$0x12800] =	vst v63  }
0x3e9: {  	s14 =	sadd.s32 $0x70, s14;
	s23 =	simm.s32 $0x11678  }
0x3ea: {  	[hbm4b:s14+s3] =	stream.linear.scatter [tilespmem:s23], [sflag:$0x6], $0x80, $0x38;
	[tilespmem:$0x12800] =	vst v63  }
0x3eb: {  	s25 =	simm.s32 $0x11700;
	s14 =	sadd.s32 s5, s10  }
0x3ec: {  	[hbm4b:s14+s3] =	stream.linear.scatter [tilespmem:s25], [sflag:$0x6], $0x80, $0x38;
	[tilespmem:$0x12800] =	vst v63  }
0x3ed: {  	s30 =	simm.s32 $0x11788;
	s28 =	sadd.s32 $0x10, s14  }
0x3ee: {  	[hbm4b:s28+s3] =	stream.linear.scatter [tilespmem:s30], [sflag:$0x6], $0x80, $0x38;
	[tilespmem:$0x12800] =	vst v63  }
0x3ef: {  	s23 =	sadd.s32 $0x20, s14;
	s25 =	simm.s32 $0x11810  }
0x3f0: {  	[hbm4b:s23+s3] =	stream.linear.scatter [tilespmem:s25], [sflag:$0x6], $0x80, $0x38;
	[tilespmem:$0x12800] =	vst v63  }
0x3f1: {  	s28 =	sadd.s32 $0x30, s14;
	s30 =	simm.s32 $0x11898  }
0x3f2: {  	[hbm4b:s28+s3] =	stream.linear.scatter [tilespmem:s30], [sflag:$0x6], $0x80, $0x38;
	[tilespmem:$0x12800] =	vst v63  }
0x3f3: {  	s23 =	sadd.s32 $0x40, s14;
	s25 =	simm.s32 $0x11920  }
0x3f4: {  	[hbm4b:s23+s3] =	stream.linear.scatter [tilespmem:s25], [sflag:$0x6], $0x80, $0x38;
	[tilespmem:$0x12800] =	vst v63  }
0x3f5: {  	s28 =	sadd.s32 $0x50, s14;
	s30 =	simm.s32 $0x119A8  }
0x3f6: {  	[hbm4b:s28+s3] =	stream.linear.scatter [tilespmem:s30], [sflag:$0x6], $0x80, $0x38;
	[tilespmem:$0x12800] =	vst v63  }
0x3f7: {  	s23 =	sadd.s32 $0x60, s14;
	s25 =	simm.s32 $0x11A30  }
0x3f8: {  	[hbm4b:s23+s3] =	stream.linear.scatter [tilespmem:s25], [sflag:$0x6], $0x80, $0x38;
	[tilespmem:$0x12800] =	vst v63  }
0x3f9: {  	s14 =	sadd.s32 $0x70, s14;
	s28 =	simm.s32 $0x11AB8  }
0x3fa: {  	[hbm4b:s14+s3] =	stream.linear.scatter [tilespmem:s28], [sflag:$0x6], $0x80, $0x38;
	[tilespmem:$0x12800] =	vst v63  }
0x3fb: {  	s30 =	simm.s32 $0x11B40;
	s14 =	sadd.s32 s5, s11  }
0x3fc: {  	[hbm4b:s14+s3] =	stream.linear.scatter [tilespmem:s30], [sflag:$0x6], $0x80, $0x38;
	[tilespmem:$0x12800] =	vst v63  }
0x3fd: {  	s25 =	simm.s32 $0x11BC8;
	s23 =	sadd.s32 $0x10, s14  }
0x3fe: {  	[hbm4b:s23+s3] =	stream.linear.scatter [tilespmem:s25], [sflag:$0x6], $0x80, $0x38;
	[tilespmem:$0x12800] =	vst v63  }
0x3ff: {  	s28 =	sadd.s32 $0x20, s14;
	s30 =	simm.s32 $0x11C50  }
0x400: {  	[hbm4b:s28+s3] =	stream.linear.scatter [tilespmem:s30], [sflag:$0x6], $0x80, $0x38;
	[tilespmem:$0x12800] =	vst v63  }
0x401: {  	s23 =	sadd.s32 $0x30, s14;
	s25 =	simm.s32 $0x11CD8  }
0x402: {  	[hbm4b:s23+s3] =	stream.linear.scatter [tilespmem:s25], [sflag:$0x6], $0x80, $0x38;
	[tilespmem:$0x12800] =	vst v63  }
0x403: {  	s28 =	sadd.s32 $0x40, s14;
	s30 =	simm.s32 $0x11D60  }
0x404: {  	[hbm4b:s28+s3] =	stream.linear.scatter [tilespmem:s30], [sflag:$0x6], $0x80, $0x38;
	[tilespmem:$0x12800] =	vst v63  }
0x405: {  	s23 =	sadd.s32 $0x50, s14;
	s25 =	simm.s32 $0x11DE8  }
0x406: {  	[hbm4b:s23+s3] =	stream.linear.scatter [tilespmem:s25], [sflag:$0x6], $0x80, $0x38;
	[tilespmem:$0x12800] =	vst v63  }
0x407: {  	s28 =	sadd.s32 $0x60, s14;
	s30 =	simm.s32 $0x11E70  }
0x408: {  	[hbm4b:s28+s3] =	stream.linear.scatter [tilespmem:s30], [sflag:$0x6], $0x80, $0x38;
	[tilespmem:$0x12800] =	vst v63  }
0x409: {  	s14 =	sadd.s32 $0x70, s14;
	s23 =	simm.s32 $0x11EF8  }
0x40a: {  	[hbm4b:s14+s3] =	stream.linear.scatter [tilespmem:s23], [sflag:$0x6], $0x80, $0x38;
	[tilespmem:$0x12800] =	vst v63  }
0x40b: {  	s25 =	simm.s32 $0x11F80;
	s14 =	sadd.s32 s5, s12  }
0x40c: {  	[hbm4b:s14+s3] =	stream.linear.scatter [tilespmem:s25], [sflag:$0x6], $0x80, $0x38;
	[tilespmem:$0x12800] =	vst v63  }
0x40d: {  	s30 =	simm.s32 $0x12008;
	s28 =	sadd.s32 $0x10, s14  }
0x40e: {  	[hbm4b:s28+s3] =	stream.linear.scatter [tilespmem:s30], [sflag:$0x6], $0x80, $0x38;
	[tilespmem:$0x12800] =	vst v63  }
0x40f: {  	s23 =	sadd.s32 $0x20, s14;
	s25 =	simm.s32 $0x12090  }
0x410: {  	[hbm4b:s23+s3] =	stream.linear.scatter [tilespmem:s25], [sflag:$0x6], $0x80, $0x38;
	[tilespmem:$0x12800] =	vst v63  }
0x411: {  	s28 =	sadd.s32 $0x30, s14;
	s30 =	simm.s32 $0x12118  }
0x412: {  	[hbm4b:s28+s3] =	stream.linear.scatter [tilespmem:s30], [sflag:$0x6], $0x80, $0x38;
	[tilespmem:$0x12800] =	vst v63  }
0x413: {  	s23 =	sadd.s32 $0x40, s14;
	s25 =	simm.s32 $0x121A0  }
0x414: {  	[hbm4b:s23+s3] =	stream.linear.scatter [tilespmem:s25], [sflag:$0x6], $0x80, $0x38;
	[tilespmem:$0x12800] =	vst v63  }
0x415: {  	s28 =	sadd.s32 $0x50, s14;
	s30 =	simm.s32 $0x12228  }
0x416: {  	[hbm4b:s28+s3] =	stream.linear.scatter [tilespmem:s30], [sflag:$0x6], $0x80, $0x38;
	[tilespmem:$0x12800] =	vst v63  }
0x417: {  	s25 =	sadd.s32 $0x60, s14;
	s28 =	simm.s32 $0x122B0  }
0x418: {  	[hbm4b:s25+s3] =	stream.linear.scatter [tilespmem:s28], [sflag:$0x6], $0x80, $0x38;
	[tilespmem:$0x12800] =	vst v63  }
0x419: {  	s14 =	sadd.s32 $0x70, s14;
	s30 =	simm.s32 $0x12338  }
0x41a: {  	[hbm4b:s14+s3] =	stream.linear.scatter [tilespmem:s30], [sflag:$0x6], $0x80, $0x38;
	[tilespmem:$0x12800] =	vst v63  }
0x41b: {  	s22 =	simm.s32 $0x123C0;
	s5 =	sadd.s32 s5, s13  }
0x41c: {  	[hbm4b:s5+s3] =	stream.linear.scatter [tilespmem:s22], [sflag:$0x6], $0x80, $0x38;
	[tilespmem:$0x12800] =	vst v63  }
0x41d: {  	s23 =	sadd.s32 $0x10, s5;
	s25 =	simm.s32 $0x12448  }
0x41e: {  	[hbm4b:s23+s3] =	stream.linear.scatter [tilespmem:s25], [sflag:$0x6], $0x80, $0x38;
	[tilespmem:$0x12800] =	vst v63  }
0x41f: {  	s28 =	sadd.s32 $0x20, s5;
	s30 =	simm.s32 $0x124D0  }
0x420: {  	[hbm4b:s28+s3] =	stream.linear.scatter [tilespmem:s30], [sflag:$0x6], $0x80, $0x38;
	[tilespmem:$0x12800] =	vst v63  }
0x421: {  	s22 =	sadd.s32 $0x30, s5;
	s23 =	simm.s32 $0x12558  }
0x422: {  	[hbm4b:s22+s3] =	stream.linear.scatter [tilespmem:s23], [sflag:$0x6], $0x80, $0x38;
	[tilespmem:$0x12800] =	vst v63  }
0x423: {  	s26 =	sadd.s32 $0x1, s26;
	s25 =	sadd.s32 $0x40, s5  }
0x424: {  	[hbm4b:s25+s3] =	stream.linear.scatter [tilespmem:s15], [sflag:$0x6], $0x80, $0x38;
	[tilespmem:$0x12800] =	vst v63  }
0x425: {  	p0 =	sne.s32 s26, $0x32;
	s28 =	sadd.s32 $0x50, s5  }
0x426: {  	[hbm4b:s28+s3] =	stream.linear.scatter [tilespmem:s16], [sflag:$0x6], $0x80, $0x38;
	[tilespmem:$0x12800] =	vst v63  }
.Ltmp4:
0x427: {  	_ = 	snop;
	(pc) =	sbr.rel @p0 .LBB2_2-.Ltmp4, $4  }
0x428: {  	s30 =	sadd.s32 $0x60, s5  }
0x429: {  	[hbm4b:s30+s3] =	stream.linear.scatter [tilespmem:s19], [sflag:$0x6], $0x80, $0x38;
	[tilespmem:$0x12800] =	vst v63  }
0x42a: {  	s14 =	simm.s32 $0x80;
	s5 =	sadd.s32 $0x70, s5  }
0x42b: {  	[hbm4b:s5+s3] =	stream.linear.scatter [tilespmem:s20], [sflag:$0x6], $0x80, $0x38;
	[tilespmem:$0x12800] =	vst v63  }
0x42c: {  	_ =	swait.ge [sflag:s1], $0x400  }
0x42d: {  	[sflag:s1] =	ssyncset.done $0x0  }
0x42e: {  	[sflag:s1] =	ssyncadd.s32 $0xFFFFFC00  }
0x42f: {  	_ =	swait.ge [sflag:s1], $0x400  }
0x430: {  	[sflag:s1] =	ssyncset.done $0x0  }
0x431: {  	[sflag:s1] =	ssyncadd.s32 $0xFFFFFC00  }
0x432: {  	_ =	swait.ge [sflag:s1], $0x400  }
0x433: {  	[sflag:s1] =	ssyncset.done $0x0  }
0x434: {  	[sflag:s1] =	ssyncadd.s32 $0xFFFFFC00  }
0x435: {  	_ =	swait.ge [sflag:s1], $0x400  }
0x436: {  	[sflag:s1] =	ssyncset.done $0x0  }
0x437: {  	[sflag:s1] =	ssyncadd.s32 $0xFFFFFC00  }
0x438: {  	_ =	swait.ge [sflag:s1], $0x400  }
0x439: {  	[sflag:s1] =	ssyncset.done $0x0  }
0x43a: {  	[sflag:s1] =	ssyncadd.s32 $0xFFFFFC00  }
0x43b: {  	_ =	swait.ge [sflag:s1], $0x400  }
0x43c: {  	[sflag:s1] =	ssyncset.done $0x0  }
0x43d: {  	[sflag:s1] =	ssyncadd.s32 $0xFFFFFC00  }
0x43e: {  	_ =	swait.ge [sflag:s1], $0x400  }
0x43f: {  	[sflag:s1] =	ssyncset.done $0x0  }
0x440: {  	[sflag:s1] =	ssyncadd.s32 $0xFFFFFC00  }
0x441: {  	_ =	swait.ge [sflag:s1], $0x400  }
0x442: {  	[sflag:s1] =	ssyncset.done $0x0  }
0x443: {  	[sflag:s1] =	ssyncadd.s32 $0xFFFFFC00  }
0x444: {  	_ =	swait.ge [sflag:s24], $0x400  }
0x445: {  	[sflag:s24] =	ssyncset.done $0x0  }
0x446: {  	[sflag:s24] =	ssyncadd.s32 $0xFFFFFC00  }
0x447: {  	_ =	swait.ge [sflag:s24], $0x400  }
0x448: {  	[sflag:s24] =	ssyncset.done $0x0  }
0x449: {  	[sflag:s24] =	ssyncadd.s32 $0xFFFFFC00  }
0x44a: {  	_ =	swait.ge [sflag:s24], $0x400  }
0x44b: {  	[sflag:s24] =	ssyncset.done $0x0  }
0x44c: {  	[sflag:s24] =	ssyncadd.s32 $0xFFFFFC00  }
0x44d: {  	_ =	swait.ge [sflag:s24], $0x400  }
0x44e: {  	[sflag:s24] =	ssyncset.done $0x0  }
0x44f: {  	[sflag:s24] =	ssyncadd.s32 $0xFFFFFC00  }
0x450: {  	_ =	swait.ge [sflag:s24], $0x400  }
0x451: {  	[sflag:s24] =	ssyncset.done $0x0  }
0x452: {  	[sflag:s24] =	ssyncadd.s32 $0xFFFFFC00  }
0x453: {  	_ =	swait.ge [sflag:s24], $0x400  }
0x454: {  	[sflag:s24] =	ssyncset.done $0x0  }
0x455: {  	[sflag:s24] =	ssyncadd.s32 $0xFFFFFC00  }
0x456: {  	_ =	swait.ge [sflag:s24], $0x400  }
0x457: {  	[sflag:s24] =	ssyncset.done $0x0  }
0x458: {  	[sflag:s24] =	ssyncadd.s32 $0xFFFFFC00  }
0x459: {  	_ =	swait.ge [sflag:s24], $0x400  }
0x45a: {  	s22 =	rddreg [dreg:$0xd]  }
0x45b: {  	s5 =	rddreg [dreg:$0xc];
	s22 =	sadd.s32 $0x1, s22  }
0x45c: {  	p0 =	sne.s32 s22, s5  }
.Ltmp5:
0x45d: {  	_ = 	snop;
	(pc) =	sbr.rel @p0 .LBB2_1-.Ltmp5, $3  }
0x45e: {  	_ =	sdelay $0x1  }
0x45f: {  	[sflag:s24] =	ssyncset.done $0x0  }
0x460: {  	[sflag:s24] =	ssyncadd.s32 $0xFFFFFC00  }
0x461: {  	_ =	sfence.sel $0x180000  }
0x462: {  	[bflag:$0x0] =	sbarrier.arrive $0xFFFF  }
0x463: {  	_ =	strace $0x90000047  }
0x464: {  	s0 =	stileid.u32;
	[bflag:$0x2] =	sbarrier.arrive $0xFFFF  }
0x465: {  	p0 =	sne.s32 s0, $0x0;
	s0 =	rddreg [dreg:$0x2]  }
0x466: {  	s0 =	sadd.s32 @!p0 $0x100000, s0  }
0x467: {  	[sflag:s0] =	ssyncadd.tile.s32 @!p0 $0x1;
	_ =	shalt  }
.Lfunc_end2:
_tile_overlayer_lowered:
.L_overlay_start_2:
0x468: {  	(tag) =	ssettag $0x2  }
0x469: {  	s0 =	rddreg [dreg:$0x0];
	s2 =	stileid.u32  }
0x46a: {  	s1 =	rddreg [dreg:$0x1];
	p0 =	sne.s32 s2, $0x0  }
0x46b: {  	s3 =	rddreg [dreg:$0x2];
	[bflag:$0x3] =	sbarrier.arrive $0xFFFF;
	s2 =	simm.s32 @!p0 $0x1C07  }
0x46c: {  	[timem:s3], [sflag:s2] =	dma.local @!p0 [hbm:s0], s1  }
0x46d: {  	s0 =	simm.s32 @!p0 $0x7  }
0x46e: {  	_ =	swait.ge @!p0 [sflag:s0], s1  }
0x46f: {  	s1 =	ssub.s32 @!p0 $0x0, s1;
	[sflag:s0] =	ssyncset.done @!p0 $0x0  }
0x470: {  	[sflag:s0] =	ssyncadd.s32 @!p0 s1  }
0x471: {  	[bflag:$0x3] =	sbarrier.arrive $0xFFFF  }
0x472: {  	_ =	shalt  }

</sc_bundles>
